<compile_context>
chip_gen: v7x
topology: tpu7x:2x2x1
jax: 0.10.2.dev20260603
libtpu: 0.0.44.dev20260713+nightly
codegen_flags: <defaults>
</compile_context>

<pallas_src>
import jax
import jax.numpy as jnp
import numpy as np
from jax import lax
from jax.experimental import pallas as pl
from jax.experimental.pallas import tpu as pltpu
from jax.experimental.pallas import tpu_sc as plsc

H = W = 32
HW = H * W
NH = 16
SUB = (2 * H - 1) * (2 * W - 1)
NC, NS = 2, 16
NW = NC * NS
ROWS = NH * HW
RPW = ROWS // NW
LANES = 16
CHUNKS = HW // LANES
BATCH = 8
NBUF = 4
NBATCH = RPW // BATCH


def _body(sub_hbm, d16_hbm, bsp_hbm, out_hbm,
          sub_v, d16_v, bsp_v, buf_v, *sems):
    cid = lax.axis_index("c")
    sid = lax.axis_index("s")
    wid = sid * NC + cid
    r0 = wid * RPW

    pltpu.sync_copy(sub_hbm, sub_v)
    pltpu.sync_copy(d16_hbm, d16_v)
    pltpu.sync_copy(bsp_hbm.at[pl.ds(r0 * LANES, RPW * LANES)], bsp_v)

    def fill_batch(bi, b):
        base = bi * (BATCH * LANES)
        bs = [bsp_v[pl.ds(base + rb * LANES, LANES)] for rb in range(BATCH)]

        @plsc.parallel_loop(0, CHUNKS, unroll=8)
        def chunk_body(c):
            d = d16_v[pl.ds(c * LANES, LANES)]
            for rb in range(BATCH):
                buf_v[b, rb, pl.ds(c * LANES, LANES)] = plsc.load_gather(
                    sub_v, [bs[rb] - d])

    def start_out(bi, b):
        pltpu.async_copy(buf_v.at[b],
                         out_hbm.at[pl.ds(r0 + bi * BATCH, BATCH)],
                         sems[b])

    def drain(b):
        pltpu.make_async_copy(buf_v.at[b],
                              out_hbm.at[pl.ds(r0, BATCH)],
                              sems[b]).wait()

    for b in range(NBUF):
        fill_batch(b, b)
        start_out(b, b)

    def outer(g, _):
        for b in range(NBUF):
            bi = g * NBUF + NBUF + b
            drain(b)
            fill_batch(bi, b)
            start_out(bi, b)
        return 0

    steady = (NBATCH - NBUF) // NBUF
    lax.fori_loop(0, steady, outer, 0)
    for t in range((NBATCH - NBUF) % NBUF):
        bi = NBUF + steady * NBUF + t
        b = bi % NBUF
        drain(b)
        fill_batch(bi, b)
        start_out(bi, b)

    for b in range(NBUF):
        drain(b)


def _sc_expand(sub, d16, bsp):
    mesh = plsc.VectorSubcoreMesh(core_axis_name="c", subcore_axis_name="s",
                                  num_cores=NC, num_subcores=NS)
    fn = pl.kernel(
        _body,
        out_type=jax.ShapeDtypeStruct((ROWS, HW), jnp.float32),
        mesh=mesh,
        compiler_params=pltpu.CompilerParams(needs_layout_passes=False,
                                             disable_bounds_checks=True),
        scratch_types=[
            pltpu.VMEM((SUB * NH,), jnp.float32),
            pltpu.VMEM((HW,), jnp.int32),
            pltpu.VMEM((RPW * LANES,), jnp.int32),
            pltpu.VMEM((NBUF, BATCH, HW), jnp.float32),
        ] + [pltpu.SemaphoreType.DMA] * NBUF,
    )
    return fn(sub, d16, bsp)


def _index_constants():
    k, off = 2 * W - 1, (H - 1) * (2 * W - 1) + (W - 1)
    j = np.arange(HW, dtype=np.int32)
    d16 = (j >> 5) * k + (j & 31)
    r = np.arange(ROWS, dtype=np.int32)
    head = r >> 10
    i = r & (HW - 1)
    ball = (i >> 5) * k + (i & 31) + off + head * SUB
    bsp = np.broadcast_to(ball[:, None], (ROWS, LANES)).reshape(-1)
    return d16, np.ascontiguousarray(bsp)


_D16, _BSP = _index_constants()


def kernel(height, width, table):
    sub = jnp.transpose(table[:SUB]).reshape(-1)
    out = _sc_expand(sub, jnp.asarray(_D16), jnp.asarray(_BSP))
    return out.reshape(NH, HW, HW)

# --- scband reference (transcript-rebuilt; emitter-appended) ---
"""Pipeline reference for scband-relative-positional-bias-9680856285262 (READ-ONLY COPY).

The authoritative reference and input builder live on the scoring server;
editing this copy changes nothing except your own understanding.
"""

import jax, jax.numpy as jnp
import numpy as np

NUM_HEADS = 16
MAX_DISTANCE = 127

def setup_inputs(seed: int = 0) -> dict:
    key = jax.random.key(seed)
    table_rows = (2 * MAX_DISTANCE + 1) * (2 * MAX_DISTANCE + 1)
    table = jax.random.normal(key, (table_rows, NUM_HEADS), dtype=jnp.float32) * 0.02
    return {"height": 32, "width": 32, "table": table}

def reference(height, width, table):
    H, W = 32, 32
    coords_h = jnp.arange(H)
    coords_w = jnp.arange(W)
    coords = jnp.stack(jnp.meshgrid(coords_h, coords_w, indexing='ij'))  # [2, H, W]
    coords_flatten = coords.reshape(2, -1)  # [2, H*W]
    relative_coords = coords_flatten[:, :, None] - coords_flatten[:, None, :]  # [2, HW, HW]
    relative_coords = jnp.transpose(relative_coords, (1, 2, 0))  # [HW, HW, 2]
    rc0 = relative_coords[:, :, 0] + (height - 1)
    rc1 = relative_coords[:, :, 1] + (width - 1)
    rc0 = rc0 * (2 * width - 1)
    relative_position_index = rc0 + rc1  # [HW, HW]
    flat_idx = relative_position_index.reshape(-1)
    relative_position_bias = jnp.take(table, flat_idx, axis=0)  # [HW*HW, num_heads]
    relative_position_bias = relative_position_bias.reshape(H * W, H * W, -1)
    relative_position_bias = jnp.transpose(relative_position_bias, (2, 0, 1))  # [num_heads, HW, HW]
    return relative_position_bias

if __name__ == "__main__":
    import jax
    _d = setup_inputs()
    print(jax.jit(kernel)(*tuple(_d.values())))

</pallas_src>

<mosaic_0001>
#map = affine_map<(d0, d1) -> (0)>
#map1 = affine_map<(d0, d1) -> (0, 0)>
module attributes {stable_mosaic.version = 14 : i64} {
  func.func @_body(%arg0: i32, %arg1: i32, %arg2: memref<63504xf32, #tpu.memory_space<hbm>>, %arg3: memref<1024xi32, #tpu.memory_space<hbm>>, %arg4: memref<262144xi32, #tpu.memory_space<hbm>>, %arg5: memref<16384x1024xf32, #tpu.memory_space<hbm>>, %arg6: memref<63504xf32, #tpu.memory_space<vmem>>, %arg7: memref<1024xi32, #tpu.memory_space<vmem>>, %arg8: memref<8192xi32, #tpu.memory_space<vmem>>, %arg9: memref<4x8x1024xf32, #tpu.memory_space<vmem>>, %arg10: memref<!tpu.dma_semaphore, #tpu.memory_space<semaphore_mem>>, %arg11: memref<!tpu.dma_semaphore, #tpu.memory_space<semaphore_mem>>, %arg12: memref<!tpu.dma_semaphore, #tpu.memory_space<semaphore_mem>>, %arg13: memref<!tpu.dma_semaphore, #tpu.memory_space<semaphore_mem>>) attributes {dimension_semantics = [#tpu.dimension_semantics<core_parallel>, #tpu.dimension_semantics<subcore_parallel>], iteration_bounds = array<i64: 2, 16>, scalar_prefetch = 0 : i64, scratch_operands = 8 : i64, tpu.core_type = #tpu.core_type<sc_vector_subcore>, window_params = [{transform_indices = #map}, {transform_indices = #map}, {transform_indices = #map}, {transform_indices = #map1}]} {
    %mul3A = arith.constant 2 : i32
    %mul3A_0 = arith.muli %arg1, %mul3A : i32
    %add3A = arith.addi %mul3A_0, %arg0 : i32
    %mul3A_1 = arith.constant 512 : i32
    %mul3A_2 = arith.muli %add3A, %mul3A_1 : i32
    "tpu.region"() ({
      %run_scoped3A = tpu.sem_alloc : memref<!tpu.dma_semaphore, #tpu.memory_space<semaphore_mem>>
      tpu.enqueue_dma source(%arg2 : memref<63504xf32, #tpu.memory_space<hbm>>) target(%arg6 : memref<63504xf32, #tpu.memory_space<vmem>>) target_semaphore(%run_scoped3A : memref<!tpu.dma_semaphore, #tpu.memory_space<semaphore_mem>>)
      tpu.wait_dma2 semaphore(%run_scoped3A : memref<!tpu.dma_semaphore, #tpu.memory_space<semaphore_mem>>) src(%arg2 : memref<63504xf32, #tpu.memory_space<hbm>>) dst(%arg6 : memref<63504xf32, #tpu.memory_space<vmem>>)
      tpu.yield
    }) : () -> ()
    "tpu.region"() ({
      %run_scoped3A = tpu.sem_alloc : memref<!tpu.dma_semaphore, #tpu.memory_space<semaphore_mem>>
      tpu.enqueue_dma source(%arg3 : memref<1024xi32, #tpu.memory_space<hbm>>) target(%arg7 : memref<1024xi32, #tpu.memory_space<vmem>>) target_semaphore(%run_scoped3A : memref<!tpu.dma_semaphore, #tpu.memory_space<semaphore_mem>>)
      tpu.wait_dma2 semaphore(%run_scoped3A : memref<!tpu.dma_semaphore, #tpu.memory_space<semaphore_mem>>) src(%arg3 : memref<1024xi32, #tpu.memory_space<hbm>>) dst(%arg7 : memref<1024xi32, #tpu.memory_space<vmem>>)
      tpu.yield
    }) : () -> ()
    %mul3A_3 = arith.constant 16 : i32
    %mul3A_4 = arith.muli %mul3A_2, %mul3A_3 : i32
    "tpu.region"() ({
      %run_scoped3A = tpu.sem_alloc : memref<!tpu.dma_semaphore, #tpu.memory_space<semaphore_mem>>
      %dma_start3A_195 = tpu.memref_slice %arg4[%mul3A_4] : memref<262144xi32, #tpu.memory_space<hbm>> -> memref<8192xi32, #tpu.memory_space<hbm>>
      %dma_start3A_196 = tpu.memref_slice %arg4[%mul3A_4] : memref<262144xi32, #tpu.memory_space<hbm>> -> memref<8192xi32, #tpu.memory_space<hbm>>
      tpu.enqueue_dma source(%dma_start3A_196 : memref<8192xi32, #tpu.memory_space<hbm>>) target(%arg8 : memref<8192xi32, #tpu.memory_space<vmem>>) target_semaphore(%run_scoped3A : memref<!tpu.dma_semaphore, #tpu.memory_space<semaphore_mem>>)
      %dma_wait3A_197 = tpu.memref_slice %arg4[%mul3A_4] : memref<262144xi32, #tpu.memory_space<hbm>> -> memref<8192xi32, #tpu.memory_space<hbm>>
      %dma_wait3A_198 = tpu.memref_slice %arg4[%mul3A_4] : memref<262144xi32, #tpu.memory_space<hbm>> -> memref<8192xi32, #tpu.memory_space<hbm>>
      tpu.wait_dma2 semaphore(%run_scoped3A : memref<!tpu.dma_semaphore, #tpu.memory_space<semaphore_mem>>) src(%dma_wait3A_198 : memref<8192xi32, #tpu.memory_space<hbm>>) dst(%arg8 : memref<8192xi32, #tpu.memory_space<vmem>>)
      tpu.yield
    }) : () -> ()
    %get3A = arith.constant 0 : index
    %get3A_5 = tpu.vector_load %arg8[%get3A] {strides = array<i32>} : memref<8192xi32, #tpu.memory_space<vmem>>, vector<16xi32>,
    %get3A_6 = arith.constant 16 : index
    %get3A_7 = tpu.vector_load %arg8[%get3A_6] {strides = array<i32>} : memref<8192xi32, #tpu.memory_space<vmem>>, vector<16xi32>,
    %get3A_8 = arith.constant 32 : index
    %get3A_9 = tpu.vector_load %arg8[%get3A_8] {strides = array<i32>} : memref<8192xi32, #tpu.memory_space<vmem>>, vector<16xi32>,
    %get3A_10 = arith.constant 48 : index
    %get3A_11 = tpu.vector_load %arg8[%get3A_10] {strides = array<i32>} : memref<8192xi32, #tpu.memory_space<vmem>>, vector<16xi32>,
    %get3A_12 = arith.constant 64 : index
    %get3A_13 = tpu.vector_load %arg8[%get3A_12] {strides = array<i32>} : memref<8192xi32, #tpu.memory_space<vmem>>, vector<16xi32>,
    %get3A_14 = arith.constant 80 : index
    %get3A_15 = tpu.vector_load %arg8[%get3A_14] {strides = array<i32>} : memref<8192xi32, #tpu.memory_space<vmem>>, vector<16xi32>,
    %get3A_16 = arith.constant 96 : index
    %get3A_17 = tpu.vector_load %arg8[%get3A_16] {strides = array<i32>} : memref<8192xi32, #tpu.memory_space<vmem>>, vector<16xi32>,
    %get3A_18 = arith.constant 112 : index
    %get3A_19 = tpu.vector_load %arg8[%get3A_18] {strides = array<i32>} : memref<8192xi32, #tpu.memory_space<vmem>>, vector<16xi32>,
    %parallel_loop3A = arith.constant 0 : i32
    %parallel_loop3A_20 = arith.constant 64 : i32
    %parallel_loop3A_21 = arith.constant 1 : i32
    scf.for %parallel_loop3A_195 = %parallel_loop3A to %parallel_loop3A_20 step %parallel_loop3A_21  : i32 {
      %parallel_loop3A_196 = arith.constant 16 : i32
      %parallel_loop3A_197 = arith.muli %parallel_loop3A_195, %parallel_loop3A_196 : i32
      %parallel_loop3A_198 = arith.index_cast %parallel_loop3A_197 : i32 to index
      %parallel_loop3A_199 = tpu.vector_load %arg7[%parallel_loop3A_198] {strides = array<i32>} : memref<1024xi32, #tpu.memory_space<vmem>>, vector<16xi32>,
      %parallel_loop3A_200 = arith.subi %get3A_5, %parallel_loop3A_199 : vector<16xi32>
      %parallel_loop3A_201 = tpu.vector_load_idx %arg6[%parallel_loop3A_200] : memref<63504xf32, #tpu.memory_space<vmem>>[vector<16xi32>], vector<16xf32>,
      %parallel_loop3A_202 = arith.constant 16 : i32
      %parallel_loop3A_203 = arith.muli %parallel_loop3A_195, %parallel_loop3A_202 : i32
      %parallel_loop3A_204 = arith.constant 0 : i32
      %parallel_loop3A_205 = arith.constant 0 : i32
      %parallel_loop3A_206 = arith.index_cast %parallel_loop3A_204 : i32 to index
      %parallel_loop3A_207 = arith.index_cast %parallel_loop3A_205 : i32 to index
      %parallel_loop3A_208 = arith.index_cast %parallel_loop3A_203 : i32 to index
      %parallel_loop3A_209 = tpu.vector_load %arg9[%parallel_loop3A_206, %parallel_loop3A_207, %parallel_loop3A_208] {strides = array<i32>} : memref<4x8x1024xf32, #tpu.memory_space<vmem>>, vector<16xf32>,
      tpu.vector_store %arg9[%parallel_loop3A_206, %parallel_loop3A_207, %parallel_loop3A_208], %parallel_loop3A_201 {strides = array<i32>} : memref<4x8x1024xf32, #tpu.memory_space<vmem>>, vector<16xf32>,
      %parallel_loop3A_210 = arith.subi %get3A_7, %parallel_loop3A_199 : vector<16xi32>
      %parallel_loop3A_211 = tpu.vector_load_idx %arg6[%parallel_loop3A_210] : memref<63504xf32, #tpu.memory_space<vmem>>[vector<16xi32>], vector<16xf32>,
      %parallel_loop3A_212 = arith.constant 16 : i32
      %parallel_loop3A_213 = arith.muli %parallel_loop3A_195, %parallel_loop3A_212 : i32
      %parallel_loop3A_214 = arith.constant 0 : i32
      %parallel_loop3A_215 = arith.constant 1 : i32
      %parallel_loop3A_216 = arith.index_cast %parallel_loop3A_214 : i32 to index
      %parallel_loop3A_217 = arith.index_cast %parallel_loop3A_215 : i32 to index
      %parallel_loop3A_218 = arith.index_cast %parallel_loop3A_213 : i32 to index
      %parallel_loop3A_219 = tpu.vector_load %arg9[%parallel_loop3A_216, %parallel_loop3A_217, %parallel_loop3A_218] {strides = array<i32>} : memref<4x8x1024xf32, #tpu.memory_space<vmem>>, vector<16xf32>,
      tpu.vector_store %arg9[%parallel_loop3A_216, %parallel_loop3A_217, %parallel_loop3A_218], %parallel_loop3A_211 {strides = array<i32>} : memref<4x8x1024xf32, #tpu.memory_space<vmem>>, vector<16xf32>,
      %parallel_loop3A_220 = arith.subi %get3A_9, %parallel_loop3A_199 : vector<16xi32>
      %parallel_loop3A_221 = tpu.vector_load_idx %arg6[%parallel_loop3A_220] : memref<63504xf32, #tpu.memory_space<vmem>>[vector<16xi32>], vector<16xf32>,
      %parallel_loop3A_222 = arith.constant 16 : i32
      %parallel_loop3A_223 = arith.muli %parallel_loop3A_195, %parallel_loop3A_222 : i32
      %parallel_loop3A_224 = arith.constant 0 : i32
      %parallel_loop3A_225 = arith.constant 2 : i32
      %parallel_loop3A_226 = arith.index_cast %parallel_loop3A_224 : i32 to index
      %parallel_loop3A_227 = arith.index_cast %parallel_loop3A_225 : i32 to index
      %parallel_loop3A_228 = arith.index_cast %parallel_loop3A_223 : i32 to index
      %parallel_loop3A_229 = tpu.vector_load %arg9[%parallel_loop3A_226, %parallel_loop3A_227, %parallel_loop3A_228] {strides = array<i32>} : memref<4x8x1024xf32, #tpu.memory_space<vmem>>, vector<16xf32>,
      tpu.vector_store %arg9[%parallel_loop3A_226, %parallel_loop3A_227, %parallel_loop3A_228], %parallel_loop3A_221 {strides = array<i32>} : memref<4x8x1024xf32, #tpu.memory_space<vmem>>, vector<16xf32>,
      %parallel_loop3A_230 = arith.subi %get3A_11, %parallel_loop3A_199 : vector<16xi32>
      %parallel_loop3A_231 = tpu.vector_load_idx %arg6[%parallel_loop3A_230] : memref<63504xf32, #tpu.memory_space<vmem>>[vector<16xi32>], vector<16xf32>,
      %parallel_loop3A_232 = arith.constant 16 : i32
      %parallel_loop3A_233 = arith.muli %parallel_loop3A_195, %parallel_loop3A_232 : i32
      %parallel_loop3A_234 = arith.constant 0 : i32
      %parallel_loop3A_235 = arith.constant 3 : i32
      %parallel_loop3A_236 = arith.index_cast %parallel_loop3A_234 : i32 to index
      %parallel_loop3A_237 = arith.index_cast %parallel_loop3A_235 : i32 to index
      %parallel_loop3A_238 = arith.index_cast %parallel_loop3A_233 : i32 to index
      %parallel_loop3A_239 = tpu.vector_load %arg9[%parallel_loop3A_236, %parallel_loop3A_237, %parallel_loop3A_238] {strides = array<i32>} : memref<4x8x1024xf32, #tpu.memory_space<vmem>>, vector<16xf32>,
      tpu.vector_store %arg9[%parallel_loop3A_236, %parallel_loop3A_237, %parallel_loop3A_238], %parallel_loop3A_231 {strides = array<i32>} : memref<4x8x1024xf32, #tpu.memory_space<vmem>>, vector<16xf32>,
      %parallel_loop3A_240 = arith.subi %get3A_13, %parallel_loop3A_199 : vector<16xi32>
      %parallel_loop3A_241 = tpu.vector_load_idx %arg6[%parallel_loop3A_240] : memref<63504xf32, #tpu.memory_space<vmem>>[vector<16xi32>], vector<16xf32>,
      %parallel_loop3A_242 = arith.constant 16 : i32
      %parallel_loop3A_243 = arith.muli %parallel_loop3A_195, %parallel_loop3A_242 : i32
      %parallel_loop3A_244 = arith.constant 0 : i32
      %parallel_loop3A_245 = arith.constant 4 : i32
      %parallel_loop3A_246 = arith.index_cast %parallel_loop3A_244 : i32 to index
      %parallel_loop3A_247 = arith.index_cast %parallel_loop3A_245 : i32 to index
      %parallel_loop3A_248 = arith.index_cast %parallel_loop3A_243 : i32 to index
      %parallel_loop3A_249 = tpu.vector_load %arg9[%parallel_loop3A_246, %parallel_loop3A_247, %parallel_loop3A_248] {strides = array<i32>} : memref<4x8x1024xf32, #tpu.memory_space<vmem>>, vector<16xf32>,
      tpu.vector_store %arg9[%parallel_loop3A_246, %parallel_loop3A_247, %parallel_loop3A_248], %parallel_loop3A_241 {strides = array<i32>} : memref<4x8x1024xf32, #tpu.memory_space<vmem>>, vector<16xf32>,
      %parallel_loop3A_250 = arith.subi %get3A_15, %parallel_loop3A_199 : vector<16xi32>
      %parallel_loop3A_251 = tpu.vector_load_idx %arg6[%parallel_loop3A_250] : memref<63504xf32, #tpu.memory_space<vmem>>[vector<16xi32>], vector<16xf32>,
      %parallel_loop3A_252 = arith.constant 16 : i32
      %parallel_loop3A_253 = arith.muli %parallel_loop3A_195, %parallel_loop3A_252 : i32
      %parallel_loop3A_254 = arith.constant 0 : i32
      %parallel_loop3A_255 = arith.constant 5 : i32
      %parallel_loop3A_256 = arith.index_cast %parallel_loop3A_254 : i32 to index
      %parallel_loop3A_257 = arith.index_cast %parallel_loop3A_255 : i32 to index
      %parallel_loop3A_258 = arith.index_cast %parallel_loop3A_253 : i32 to index
      %parallel_loop3A_259 = tpu.vector_load %arg9[%parallel_loop3A_256, %parallel_loop3A_257, %parallel_loop3A_258] {strides = array<i32>} : memref<4x8x1024xf32, #tpu.memory_space<vmem>>, vector<16xf32>,
      tpu.vector_store %arg9[%parallel_loop3A_256, %parallel_loop3A_257, %parallel_loop3A_258], %parallel_loop3A_251 {strides = array<i32>} : memref<4x8x1024xf32, #tpu.memory_space<vmem>>, vector<16xf32>,
      %parallel_loop3A_260 = arith.subi %get3A_17, %parallel_loop3A_199 : vector<16xi32>
      %parallel_loop3A_261 = tpu.vector_load_idx %arg6[%parallel_loop3A_260] : memref<63504xf32, #tpu.memory_space<vmem>>[vector<16xi32>], vector<16xf32>,
      %parallel_loop3A_262 = arith.constant 16 : i32
      %parallel_loop3A_263 = arith.muli %parallel_loop3A_195, %parallel_loop3A_262 : i32
      %parallel_loop3A_264 = arith.constant 0 : i32
      %parallel_loop3A_265 = arith.constant 6 : i32
      %parallel_loop3A_266 = arith.index_cast %parallel_loop3A_264 : i32 to index
      %parallel_loop3A_267 = arith.index_cast %parallel_loop3A_265 : i32 to index
      %parallel_loop3A_268 = arith.index_cast %parallel_loop3A_263 : i32 to index
      %parallel_loop3A_269 = tpu.vector_load %arg9[%parallel_loop3A_266, %parallel_loop3A_267, %parallel_loop3A_268] {strides = array<i32>} : memref<4x8x1024xf32, #tpu.memory_space<vmem>>, vector<16xf32>,
      tpu.vector_store %arg9[%parallel_loop3A_266, %parallel_loop3A_267, %parallel_loop3A_268], %parallel_loop3A_261 {strides = array<i32>} : memref<4x8x1024xf32, #tpu.memory_space<vmem>>, vector<16xf32>,
      %parallel_loop3A_270 = arith.subi %get3A_19, %parallel_loop3A_199 : vector<16xi32>
      %parallel_loop3A_271 = tpu.vector_load_idx %arg6[%parallel_loop3A_270] : memref<63504xf32, #tpu.memory_space<vmem>>[vector<16xi32>], vector<16xf32>,
      %parallel_loop3A_272 = arith.constant 16 : i32
      %parallel_loop3A_273 = arith.muli %parallel_loop3A_195, %parallel_loop3A_272 : i32
      %parallel_loop3A_274 = arith.constant 0 : i32
      %parallel_loop3A_275 = arith.constant 7 : i32
      %parallel_loop3A_276 = arith.index_cast %parallel_loop3A_274 : i32 to index
      %parallel_loop3A_277 = arith.index_cast %parallel_loop3A_275 : i32 to index
      %parallel_loop3A_278 = arith.index_cast %parallel_loop3A_273 : i32 to index
      %parallel_loop3A_279 = tpu.vector_load %arg9[%parallel_loop3A_276, %parallel_loop3A_277, %parallel_loop3A_278] {strides = array<i32>} : memref<4x8x1024xf32, #tpu.memory_space<vmem>>, vector<16xf32>,
      tpu.vector_store %arg9[%parallel_loop3A_276, %parallel_loop3A_277, %parallel_loop3A_278], %parallel_loop3A_271 {strides = array<i32>} : memref<4x8x1024xf32, #tpu.memory_space<vmem>>, vector<16xf32>,
    } {sc.loop_unroll_factor = 8 : i64, sc.parallel_access}
    %add3A_22 = arith.constant 0 : i32
    %add3A_23 = arith.addi %mul3A_2, %add3A_22 : i32
    %dma_start3A = arith.constant 0 : i32
    %dma_start3A_24 = arith.constant 0 : i32
    %dma_start3A_25 = arith.constant 0 : i32
    %dma_start3A_26 = tpu.memref_slice %arg9[%dma_start3A, %dma_start3A_24, %dma_start3A_25] : memref<4x8x1024xf32, #tpu.memory_space<vmem>> -> memref<1x8x1024xf32, #tpu.memory_space<vmem>>
    %dma_start3A_27 = tpu.memref_squeeze %dma_start3A_26 : memref<1x8x1024xf32, #tpu.memory_space<vmem>> -> memref<8x1024xf32, #tpu.memory_space<vmem>>
    %dma_start3A_28 = arith.constant 0 : i32
    %dma_start3A_29 = tpu.memref_slice %arg5[%add3A_23, %dma_start3A_28] : memref<16384x1024xf32, #tpu.memory_space<hbm>> -> memref<8x1024xf32, #tpu.memory_space<hbm>>
    %dma_start3A_30 = arith.constant 0 : i32
    %dma_start3A_31 = tpu.memref_slice %arg5[%add3A_23, %dma_start3A_30] : memref<16384x1024xf32, #tpu.memory_space<hbm>> -> memref<8x1024xf32, #tpu.memory_space<hbm>>
    %dma_start3A_32 = arith.constant 0 : i32
    %dma_start3A_33 = arith.constant 0 : i32
    %dma_start3A_34 = tpu.memref_slice %arg9[%dma_start3A, %dma_start3A_32, %dma_start3A_33] : memref<4x8x1024xf32, #tpu.memory_space<vmem>> -> memref<1x8x1024xf32, #tpu.memory_space<vmem>>
    %dma_start3A_35 = tpu.memref_squeeze %dma_start3A_34 : memref<1x8x1024xf32, #tpu.memory_space<vmem>> -> memref<8x1024xf32, #tpu.memory_space<vmem>>
    tpu.enqueue_dma source(%dma_start3A_35 : memref<8x1024xf32, #tpu.memory_space<vmem>>) target(%dma_start3A_31 : memref<8x1024xf32, #tpu.memory_space<hbm>>) target_semaphore(%arg10 : memref<!tpu.dma_semaphore, #tpu.memory_space<semaphore_mem>>)
    %get3A_36 = arith.constant 128 : index
    %get3A_37 = tpu.vector_load %arg8[%get3A_36] {strides = array<i32>} : memref<8192xi32, #tpu.memory_space<vmem>>, vector<16xi32>,
    %get3A_38 = arith.constant 144 : index
    %get3A_39 = tpu.vector_load %arg8[%get3A_38] {strides = array<i32>} : memref<8192xi32, #tpu.memory_space<vmem>>, vector<16xi32>,
    %get3A_40 = arith.constant 160 : index
    %get3A_41 = tpu.vector_load %arg8[%get3A_40] {strides = array<i32>} : memref<8192xi32, #tpu.memory_space<vmem>>, vector<16xi32>,
    %get3A_42 = arith.constant 176 : index
    %get3A_43 = tpu.vector_load %arg8[%get3A_42] {strides = array<i32>} : memref<8192xi32, #tpu.memory_space<vmem>>, vector<16xi32>,
    %get3A_44 = arith.constant 192 : index
    %get3A_45 = tpu.vector_load %arg8[%get3A_44] {strides = array<i32>} : memref<8192xi32, #tpu.memory_space<vmem>>, vector<16xi32>,
    %get3A_46 = arith.constant 208 : index
    %get3A_47 = tpu.vector_load %arg8[%get3A_46] {strides = array<i32>} : memref<8192xi32, #tpu.memory_space<vmem>>, vector<16xi32>,
    %get3A_48 = arith.constant 224 : index
    %get3A_49 = tpu.vector_load %arg8[%get3A_48] {strides = array<i32>} : memref<8192xi32, #tpu.memory_space<vmem>>, vector<16xi32>,
    %get3A_50 = arith.constant 240 : index
    %get3A_51 = tpu.vector_load %arg8[%get3A_50] {strides = array<i32>} : memref<8192xi32, #tpu.memory_space<vmem>>, vector<16xi32>,
    %parallel_loop3A_52 = arith.constant 0 : i32
    %parallel_loop3A_53 = arith.constant 64 : i32
    %parallel_loop3A_54 = arith.constant 1 : i32
    scf.for %parallel_loop3A_195 = %parallel_loop3A_52 to %parallel_loop3A_53 step %parallel_loop3A_54  : i32 {
      %parallel_loop3A_196 = arith.constant 16 : i32
      %parallel_loop3A_197 = arith.muli %parallel_loop3A_195, %parallel_loop3A_196 : i32
      %parallel_loop3A_198 = arith.index_cast %parallel_loop3A_197 : i32 to index
      %parallel_loop3A_199 = tpu.vector_load %arg7[%parallel_loop3A_198] {strides = array<i32>} : memref<1024xi32, #tpu.memory_space<vmem>>, vector<16xi32>,
      %parallel_loop3A_200 = arith.subi %get3A_37, %parallel_loop3A_199 : vector<16xi32>
      %parallel_loop3A_201 = tpu.vector_load_idx %arg6[%parallel_loop3A_200] : memref<63504xf32, #tpu.memory_space<vmem>>[vector<16xi32>], vector<16xf32>,
      %parallel_loop3A_202 = arith.constant 16 : i32
      %parallel_loop3A_203 = arith.muli %parallel_loop3A_195, %parallel_loop3A_202 : i32
      %parallel_loop3A_204 = arith.constant 1 : i32
      %parallel_loop3A_205 = arith.constant 0 : i32
      %parallel_loop3A_206 = arith.index_cast %parallel_loop3A_204 : i32 to index
      %parallel_loop3A_207 = arith.index_cast %parallel_loop3A_205 : i32 to index
      %parallel_loop3A_208 = arith.index_cast %parallel_loop3A_203 : i32 to index
      %parallel_loop3A_209 = tpu.vector_load %arg9[%parallel_loop3A_206, %parallel_loop3A_207, %parallel_loop3A_208] {strides = array<i32>} : memref<4x8x1024xf32, #tpu.memory_space<vmem>>, vector<16xf32>,
      tpu.vector_store %arg9[%parallel_loop3A_206, %parallel_loop3A_207, %parallel_loop3A_208], %parallel_loop3A_201 {strides = array<i32>} : memref<4x8x1024xf32, #tpu.memory_space<vmem>>, vector<16xf32>,
      %parallel_loop3A_210 = arith.subi %get3A_39, %parallel_loop3A_199 : vector<16xi32>
      %parallel_loop3A_211 = tpu.vector_load_idx %arg6[%parallel_loop3A_210] : memref<63504xf32, #tpu.memory_space<vmem>>[vector<16xi32>], vector<16xf32>,
      %parallel_loop3A_212 = arith.constant 16 : i32
      %parallel_loop3A_213 = arith.muli %parallel_loop3A_195, %parallel_loop3A_212 : i32
      %parallel_loop3A_214 = arith.constant 1 : i32
      %parallel_loop3A_215 = arith.constant 1 : i32
      %parallel_loop3A_216 = arith.index_cast %parallel_loop3A_214 : i32 to index
      %parallel_loop3A_217 = arith.index_cast %parallel_loop3A_215 : i32 to index
      %parallel_loop3A_218 = arith.index_cast %parallel_loop3A_213 : i32 to index
      %parallel_loop3A_219 = tpu.vector_load %arg9[%parallel_loop3A_216, %parallel_loop3A_217, %parallel_loop3A_218] {strides = array<i32>} : memref<4x8x1024xf32, #tpu.memory_space<vmem>>, vector<16xf32>,
      tpu.vector_store %arg9[%parallel_loop3A_216, %parallel_loop3A_217, %parallel_loop3A_218], %parallel_loop3A_211 {strides = array<i32>} : memref<4x8x1024xf32, #tpu.memory_space<vmem>>, vector<16xf32>,
      %parallel_loop3A_220 = arith.subi %get3A_41, %parallel_loop3A_199 : vector<16xi32>
      %parallel_loop3A_221 = tpu.vector_load_idx %arg6[%parallel_loop3A_220] : memref<63504xf32, #tpu.memory_space<vmem>>[vector<16xi32>], vector<16xf32>,
      %parallel_loop3A_222 = arith.constant 16 : i32
      %parallel_loop3A_223 = arith.muli %parallel_loop3A_195, %parallel_loop3A_222 : i32
      %parallel_loop3A_224 = arith.constant 1 : i32
      %parallel_loop3A_225 = arith.constant 2 : i32
      %parallel_loop3A_226 = arith.index_cast %parallel_loop3A_224 : i32 to index
      %parallel_loop3A_227 = arith.index_cast %parallel_loop3A_225 : i32 to index
      %parallel_loop3A_228 = arith.index_cast %parallel_loop3A_223 : i32 to index
      %parallel_loop3A_229 = tpu.vector_load %arg9[%parallel_loop3A_226, %parallel_loop3A_227, %parallel_loop3A_228] {strides = array<i32>} : memref<4x8x1024xf32, #tpu.memory_space<vmem>>, vector<16xf32>,
      tpu.vector_store %arg9[%parallel_loop3A_226, %parallel_loop3A_227, %parallel_loop3A_228], %parallel_loop3A_221 {strides = array<i32>} : memref<4x8x1024xf32, #tpu.memory_space<vmem>>, vector<16xf32>,
      %parallel_loop3A_230 = arith.subi %get3A_43, %parallel_loop3A_199 : vector<16xi32>
      %parallel_loop3A_231 = tpu.vector_load_idx %arg6[%parallel_loop3A_230] : memref<63504xf32, #tpu.memory_space<vmem>>[vector<16xi32>], vector<16xf32>,
      %parallel_loop3A_232 = arith.constant 16 : i32
      %parallel_loop3A_233 = arith.muli %parallel_loop3A_195, %parallel_loop3A_232 : i32
      %parallel_loop3A_234 = arith.constant 1 : i32
      %parallel_loop3A_235 = arith.constant 3 : i32
      %parallel_loop3A_236 = arith.index_cast %parallel_loop3A_234 : i32 to index
      %parallel_loop3A_237 = arith.index_cast %parallel_loop3A_235 : i32 to index
      %parallel_loop3A_238 = arith.index_cast %parallel_loop3A_233 : i32 to index
      %parallel_loop3A_239 = tpu.vector_load %arg9[%parallel_loop3A_236, %parallel_loop3A_237, %parallel_loop3A_238] {strides = array<i32>} : memref<4x8x1024xf32, #tpu.memory_space<vmem>>, vector<16xf32>,
      tpu.vector_store %arg9[%parallel_loop3A_236, %parallel_loop3A_237, %parallel_loop3A_238], %parallel_loop3A_231 {strides = array<i32>} : memref<4x8x1024xf32, #tpu.memory_space<vmem>>, vector<16xf32>,
      %parallel_loop3A_240 = arith.subi %get3A_45, %parallel_loop3A_199 : vector<16xi32>
      %parallel_loop3A_241 = tpu.vector_load_idx %arg6[%parallel_loop3A_240] : memref<63504xf32, #tpu.memory_space<vmem>>[vector<16xi32>], vector<16xf32>,
      %parallel_loop3A_242 = arith.constant 16 : i32
      %parallel_loop3A_243 = arith.muli %parallel_loop3A_195, %parallel_loop3A_242 : i32
      %parallel_loop3A_244 = arith.constant 1 : i32
      %parallel_loop3A_245 = arith.constant 4 : i32
      %parallel_loop3A_246 = arith.index_cast %parallel_loop3A_244 : i32 to index
      %parallel_loop3A_247 = arith.index_cast %parallel_loop3A_245 : i32 to index
      %parallel_loop3A_248 = arith.index_cast %parallel_loop3A_243 : i32 to index
      %parallel_loop3A_249 = tpu.vector_load %arg9[%parallel_loop3A_246, %parallel_loop3A_247, %parallel_loop3A_248] {strides = array<i32>} : memref<4x8x1024xf32, #tpu.memory_space<vmem>>, vector<16xf32>,
      tpu.vector_store %arg9[%parallel_loop3A_246, %parallel_loop3A_247, %parallel_loop3A_248], %parallel_loop3A_241 {strides = array<i32>} : memref<4x8x1024xf32, #tpu.memory_space<vmem>>, vector<16xf32>,
      %parallel_loop3A_250 = arith.subi %get3A_47, %parallel_loop3A_199 : vector<16xi32>
      %parallel_loop3A_251 = tpu.vector_load_idx %arg6[%parallel_loop3A_250] : memref<63504xf32, #tpu.memory_space<vmem>>[vector<16xi32>], vector<16xf32>,
      %parallel_loop3A_252 = arith.constant 16 : i32
      %parallel_loop3A_253 = arith.muli %parallel_loop3A_195, %parallel_loop3A_252 : i32
      %parallel_loop3A_254 = arith.constant 1 : i32
      %parallel_loop3A_255 = arith.constant 5 : i32
      %parallel_loop3A_256 = arith.index_cast %parallel_loop3A_254 : i32 to index
      %parallel_loop3A_257 = arith.index_cast %parallel_loop3A_255 : i32 to index
      %parallel_loop3A_258 = arith.index_cast %parallel_loop3A_253 : i32 to index
      %parallel_loop3A_259 = tpu.vector_load %arg9[%parallel_loop3A_256, %parallel_loop3A_257, %parallel_loop3A_258] {strides = array<i32>} : memref<4x8x1024xf32, #tpu.memory_space<vmem>>, vector<16xf32>,
      tpu.vector_store %arg9[%parallel_loop3A_256, %parallel_loop3A_257, %parallel_loop3A_258], %parallel_loop3A_251 {strides = array<i32>} : memref<4x8x1024xf32, #tpu.memory_space<vmem>>, vector<16xf32>,
      %parallel_loop3A_260 = arith.subi %get3A_49, %parallel_loop3A_199 : vector<16xi32>
      %parallel_loop3A_261 = tpu.vector_load_idx %arg6[%parallel_loop3A_260] : memref<63504xf32, #tpu.memory_space<vmem>>[vector<16xi32>], vector<16xf32>,
      %parallel_loop3A_262 = arith.constant 16 : i32
      %parallel_loop3A_263 = arith.muli %parallel_loop3A_195, %parallel_loop3A_262 : i32
      %parallel_loop3A_264 = arith.constant 1 : i32
      %parallel_loop3A_265 = arith.constant 6 : i32
      %parallel_loop3A_266 = arith.index_cast %parallel_loop3A_264 : i32 to index
      %parallel_loop3A_267 = arith.index_cast %parallel_loop3A_265 : i32 to index
      %parallel_loop3A_268 = arith.index_cast %parallel_loop3A_263 : i32 to index
      %parallel_loop3A_269 = tpu.vector_load %arg9[%parallel_loop3A_266, %parallel_loop3A_267, %parallel_loop3A_268] {strides = array<i32>} : memref<4x8x1024xf32, #tpu.memory_space<vmem>>, vector<16xf32>,
      tpu.vector_store %arg9[%parallel_loop3A_266, %parallel_loop3A_267, %parallel_loop3A_268], %parallel_loop3A_261 {strides = array<i32>} : memref<4x8x1024xf32, #tpu.memory_space<vmem>>, vector<16xf32>,
      %parallel_loop3A_270 = arith.subi %get3A_51, %parallel_loop3A_199 : vector<16xi32>
      %parallel_loop3A_271 = tpu.vector_load_idx %arg6[%parallel_loop3A_270] : memref<63504xf32, #tpu.memory_space<vmem>>[vector<16xi32>], vector<16xf32>,
      %parallel_loop3A_272 = arith.constant 16 : i32
      %parallel_loop3A_273 = arith.muli %parallel_loop3A_195, %parallel_loop3A_272 : i32
      %parallel_loop3A_274 = arith.constant 1 : i32
      %parallel_loop3A_275 = arith.constant 7 : i32
      %parallel_loop3A_276 = arith.index_cast %parallel_loop3A_274 : i32 to index
      %parallel_loop3A_277 = arith.index_cast %parallel_loop3A_275 : i32 to index
      %parallel_loop3A_278 = arith.index_cast %parallel_loop3A_273 : i32 to index
      %parallel_loop3A_279 = tpu.vector_load %arg9[%parallel_loop3A_276, %parallel_loop3A_277, %parallel_loop3A_278] {strides = array<i32>} : memref<4x8x1024xf32, #tpu.memory_space<vmem>>, vector<16xf32>,
      tpu.vector_store %arg9[%parallel_loop3A_276, %parallel_loop3A_277, %parallel_loop3A_278], %parallel_loop3A_271 {strides = array<i32>} : memref<4x8x1024xf32, #tpu.memory_space<vmem>>, vector<16xf32>,
    } {sc.loop_unroll_factor = 8 : i64, sc.parallel_access}
    %add3A_55 = arith.constant 8 : i32
    %add3A_56 = arith.addi %mul3A_2, %add3A_55 : i32
    %dma_start3A_57 = arith.constant 1 : i32
    %dma_start3A_58 = arith.constant 0 : i32
    %dma_start3A_59 = arith.constant 0 : i32
    %dma_start3A_60 = tpu.memref_slice %arg9[%dma_start3A_57, %dma_start3A_58, %dma_start3A_59] : memref<4x8x1024xf32, #tpu.memory_space<vmem>> -> memref<1x8x1024xf32, #tpu.memory_space<vmem>>
    %dma_start3A_61 = tpu.memref_squeeze %dma_start3A_60 : memref<1x8x1024xf32, #tpu.memory_space<vmem>> -> memref<8x1024xf32, #tpu.memory_space<vmem>>
    %dma_start3A_62 = arith.constant 0 : i32
    %dma_start3A_63 = tpu.memref_slice %arg5[%add3A_56, %dma_start3A_62] : memref<16384x1024xf32, #tpu.memory_space<hbm>> -> memref<8x1024xf32, #tpu.memory_space<hbm>>
    %dma_start3A_64 = arith.constant 0 : i32
    %dma_start3A_65 = tpu.memref_slice %arg5[%add3A_56, %dma_start3A_64] : memref<16384x1024xf32, #tpu.memory_space<hbm>> -> memref<8x1024xf32, #tpu.memory_space<hbm>>
    %dma_start3A_66 = arith.constant 0 : i32
    %dma_start3A_67 = arith.constant 0 : i32
    %dma_start3A_68 = tpu.memref_slice %arg9[%dma_start3A_57, %dma_start3A_66, %dma_start3A_67] : memref<4x8x1024xf32, #tpu.memory_space<vmem>> -> memref<1x8x1024xf32, #tpu.memory_space<vmem>>
    %dma_start3A_69 = tpu.memref_squeeze %dma_start3A_68 : memref<1x8x1024xf32, #tpu.memory_space<vmem>> -> memref<8x1024xf32, #tpu.memory_space<vmem>>
    tpu.enqueue_dma source(%dma_start3A_69 : memref<8x1024xf32, #tpu.memory_space<vmem>>) target(%dma_start3A_65 : memref<8x1024xf32, #tpu.memory_space<hbm>>) target_semaphore(%arg11 : memref<!tpu.dma_semaphore, #tpu.memory_space<semaphore_mem>>)
    %get3A_70 = arith.constant 256 : index
    %get3A_71 = tpu.vector_load %arg8[%get3A_70] {strides = array<i32>} : memref<8192xi32, #tpu.memory_space<vmem>>, vector<16xi32>,
    %get3A_72 = arith.constant 272 : index
    %get3A_73 = tpu.vector_load %arg8[%get3A_72] {strides = array<i32>} : memref<8192xi32, #tpu.memory_space<vmem>>, vector<16xi32>,
    %get3A_74 = arith.constant 288 : index
    %get3A_75 = tpu.vector_load %arg8[%get3A_74] {strides = array<i32>} : memref<8192xi32, #tpu.memory_space<vmem>>, vector<16xi32>,
    %get3A_76 = arith.constant 304 : index
    %get3A_77 = tpu.vector_load %arg8[%get3A_76] {strides = array<i32>} : memref<8192xi32, #tpu.memory_space<vmem>>, vector<16xi32>,
    %get3A_78 = arith.constant 320 : index
    %get3A_79 = tpu.vector_load %arg8[%get3A_78] {strides = array<i32>} : memref<8192xi32, #tpu.memory_space<vmem>>, vector<16xi32>,
    %get3A_80 = arith.constant 336 : index
    %get3A_81 = tpu.vector_load %arg8[%get3A_80] {strides = array<i32>} : memref<8192xi32, #tpu.memory_space<vmem>>, vector<16xi32>,
    %get3A_82 = arith.constant 352 : index
    %get3A_83 = tpu.vector_load %arg8[%get3A_82] {strides = array<i32>} : memref<8192xi32, #tpu.memory_space<vmem>>, vector<16xi32>,
    %get3A_84 = arith.constant 368 : index
    %get3A_85 = tpu.vector_load %arg8[%get3A_84] {strides = array<i32>} : memref<8192xi32, #tpu.memory_space<vmem>>, vector<16xi32>,
    %parallel_loop3A_86 = arith.constant 0 : i32
    %parallel_loop3A_87 = arith.constant 64 : i32
    %parallel_loop3A_88 = arith.constant 1 : i32
    scf.for %parallel_loop3A_195 = %parallel_loop3A_86 to %parallel_loop3A_87 step %parallel_loop3A_88  : i32 {
      %parallel_loop3A_196 = arith.constant 16 : i32
      %parallel_loop3A_197 = arith.muli %parallel_loop3A_195, %parallel_loop3A_196 : i32
      %parallel_loop3A_198 = arith.index_cast %parallel_loop3A_197 : i32 to index
      %parallel_loop3A_199 = tpu.vector_load %arg7[%parallel_loop3A_198] {strides = array<i32>} : memref<1024xi32, #tpu.memory_space<vmem>>, vector<16xi32>,
      %parallel_loop3A_200 = arith.subi %get3A_71, %parallel_loop3A_199 : vector<16xi32>
      %parallel_loop3A_201 = tpu.vector_load_idx %arg6[%parallel_loop3A_200] : memref<63504xf32, #tpu.memory_space<vmem>>[vector<16xi32>], vector<16xf32>,
      %parallel_loop3A_202 = arith.constant 16 : i32
      %parallel_loop3A_203 = arith.muli %parallel_loop3A_195, %parallel_loop3A_202 : i32
      %parallel_loop3A_204 = arith.constant 2 : i32
      %parallel_loop3A_205 = arith.constant 0 : i32
      %parallel_loop3A_206 = arith.index_cast %parallel_loop3A_204 : i32 to index
      %parallel_loop3A_207 = arith.index_cast %parallel_loop3A_205 : i32 to index
      %parallel_loop3A_208 = arith.index_cast %parallel_loop3A_203 : i32 to index
      %parallel_loop3A_209 = tpu.vector_load %arg9[%parallel_loop3A_206, %parallel_loop3A_207, %parallel_loop3A_208] {strides = array<i32>} : memref<4x8x1024xf32, #tpu.memory_space<vmem>>, vector<16xf32>,
      tpu.vector_store %arg9[%parallel_loop3A_206, %parallel_loop3A_207, %parallel_loop3A_208], %parallel_loop3A_201 {strides = array<i32>} : memref<4x8x1024xf32, #tpu.memory_space<vmem>>, vector<16xf32>,
      %parallel_loop3A_210 = arith.subi %get3A_73, %parallel_loop3A_199 : vector<16xi32>
      %parallel_loop3A_211 = tpu.vector_load_idx %arg6[%parallel_loop3A_210] : memref<63504xf32, #tpu.memory_space<vmem>>[vector<16xi32>], vector<16xf32>,
      %parallel_loop3A_212 = arith.constant 16 : i32
      %parallel_loop3A_213 = arith.muli %parallel_loop3A_195, %parallel_loop3A_212 : i32
      %parallel_loop3A_214 = arith.constant 2 : i32
      %parallel_loop3A_215 = arith.constant 1 : i32
      %parallel_loop3A_216 = arith.index_cast %parallel_loop3A_214 : i32 to index
      %parallel_loop3A_217 = arith.index_cast %parallel_loop3A_215 : i32 to index
      %parallel_loop3A_218 = arith.index_cast %parallel_loop3A_213 : i32 to index
      %parallel_loop3A_219 = tpu.vector_load %arg9[%parallel_loop3A_216, %parallel_loop3A_217, %parallel_loop3A_218] {strides = array<i32>} : memref<4x8x1024xf32, #tpu.memory_space<vmem>>, vector<16xf32>,
      tpu.vector_store %arg9[%parallel_loop3A_216, %parallel_loop3A_217, %parallel_loop3A_218], %parallel_loop3A_211 {strides = array<i32>} : memref<4x8x1024xf32, #tpu.memory_space<vmem>>, vector<16xf32>,
      %parallel_loop3A_220 = arith.subi %get3A_75, %parallel_loop3A_199 : vector<16xi32>
      %parallel_loop3A_221 = tpu.vector_load_idx %arg6[%parallel_loop3A_220] : memref<63504xf32, #tpu.memory_space<vmem>>[vector<16xi32>], vector<16xf32>,
      %parallel_loop3A_222 = arith.constant 16 : i32
      %parallel_loop3A_223 = arith.muli %parallel_loop3A_195, %parallel_loop3A_222 : i32
      %parallel_loop3A_224 = arith.constant 2 : i32
      %parallel_loop3A_225 = arith.constant 2 : i32
      %parallel_loop3A_226 = arith.index_cast %parallel_loop3A_224 : i32 to index
      %parallel_loop3A_227 = arith.index_cast %parallel_loop3A_225 : i32 to index
      %parallel_loop3A_228 = arith.index_cast %parallel_loop3A_223 : i32 to index
      %parallel_loop3A_229 = tpu.vector_load %arg9[%parallel_loop3A_226, %parallel_loop3A_227, %parallel_loop3A_228] {strides = array<i32>} : memref<4x8x1024xf32, #tpu.memory_space<vmem>>, vector<16xf32>,
      tpu.vector_store %arg9[%parallel_loop3A_226, %parallel_loop3A_227, %parallel_loop3A_228], %parallel_loop3A_221 {strides = array<i32>} : memref<4x8x1024xf32, #tpu.memory_space<vmem>>, vector<16xf32>,
      %parallel_loop3A_230 = arith.subi %get3A_77, %parallel_loop3A_199 : vector<16xi32>
      %parallel_loop3A_231 = tpu.vector_load_idx %arg6[%parallel_loop3A_230] : memref<63504xf32, #tpu.memory_space<vmem>>[vector<16xi32>], vector<16xf32>,
      %parallel_loop3A_232 = arith.constant 16 : i32
      %parallel_loop3A_233 = arith.muli %parallel_loop3A_195, %parallel_loop3A_232 : i32
      %parallel_loop3A_234 = arith.constant 2 : i32
      %parallel_loop3A_235 = arith.constant 3 : i32
      %parallel_loop3A_236 = arith.index_cast %parallel_loop3A_234 : i32 to index
      %parallel_loop3A_237 = arith.index_cast %parallel_loop3A_235 : i32 to index
      %parallel_loop3A_238 = arith.index_cast %parallel_loop3A_233 : i32 to index
      %parallel_loop3A_239 = tpu.vector_load %arg9[%parallel_loop3A_236, %parallel_loop3A_237, %parallel_loop3A_238] {strides = array<i32>} : memref<4x8x1024xf32, #tpu.memory_space<vmem>>, vector<16xf32>,
      tpu.vector_store %arg9[%parallel_loop3A_236, %parallel_loop3A_237, %parallel_loop3A_238], %parallel_loop3A_231 {strides = array<i32>} : memref<4x8x1024xf32, #tpu.memory_space<vmem>>, vector<16xf32>,
      %parallel_loop3A_240 = arith.subi %get3A_79, %parallel_loop3A_199 : vector<16xi32>
      %parallel_loop3A_241 = tpu.vector_load_idx %arg6[%parallel_loop3A_240] : memref<63504xf32, #tpu.memory_space<vmem>>[vector<16xi32>], vector<16xf32>,
      %parallel_loop3A_242 = arith.constant 16 : i32
      %parallel_loop3A_243 = arith.muli %parallel_loop3A_195, %parallel_loop3A_242 : i32
      %parallel_loop3A_244 = arith.constant 2 : i32
      %parallel_loop3A_245 = arith.constant 4 : i32
      %parallel_loop3A_246 = arith.index_cast %parallel_loop3A_244 : i32 to index
      %parallel_loop3A_247 = arith.index_cast %parallel_loop3A_245 : i32 to index
      %parallel_loop3A_248 = arith.index_cast %parallel_loop3A_243 : i32 to index
      %parallel_loop3A_249 = tpu.vector_load %arg9[%parallel_loop3A_246, %parallel_loop3A_247, %parallel_loop3A_248] {strides = array<i32>} : memref<4x8x1024xf32, #tpu.memory_space<vmem>>, vector<16xf32>,
      tpu.vector_store %arg9[%parallel_loop3A_246, %parallel_loop3A_247, %parallel_loop3A_248], %parallel_loop3A_241 {strides = array<i32>} : memref<4x8x1024xf32, #tpu.memory_space<vmem>>, vector<16xf32>,
      %parallel_loop3A_250 = arith.subi %get3A_81, %parallel_loop3A_199 : vector<16xi32>
      %parallel_loop3A_251 = tpu.vector_load_idx %arg6[%parallel_loop3A_250] : memref<63504xf32, #tpu.memory_space<vmem>>[vector<16xi32>], vector<16xf32>,
      %parallel_loop3A_252 = arith.constant 16 : i32
      %parallel_loop3A_253 = arith.muli %parallel_loop3A_195, %parallel_loop3A_252 : i32
      %parallel_loop3A_254 = arith.constant 2 : i32
      %parallel_loop3A_255 = arith.constant 5 : i32
      %parallel_loop3A_256 = arith.index_cast %parallel_loop3A_254 : i32 to index
      %parallel_loop3A_257 = arith.index_cast %parallel_loop3A_255 : i32 to index
      %parallel_loop3A_258 = arith.index_cast %parallel_loop3A_253 : i32 to index
      %parallel_loop3A_259 = tpu.vector_load %arg9[%parallel_loop3A_256, %parallel_loop3A_257, %parallel_loop3A_258] {strides = array<i32>} : memref<4x8x1024xf32, #tpu.memory_space<vmem>>, vector<16xf32>,
      tpu.vector_store %arg9[%parallel_loop3A_256, %parallel_loop3A_257, %parallel_loop3A_258], %parallel_loop3A_251 {strides = array<i32>} : memref<4x8x1024xf32, #tpu.memory_space<vmem>>, vector<16xf32>,
      %parallel_loop3A_260 = arith.subi %get3A_83, %parallel_loop3A_199 : vector<16xi32>
      %parallel_loop3A_261 = tpu.vector_load_idx %arg6[%parallel_loop3A_260] : memref<63504xf32, #tpu.memory_space<vmem>>[vector<16xi32>], vector<16xf32>,
      %parallel_loop3A_262 = arith.constant 16 : i32
      %parallel_loop3A_263 = arith.muli %parallel_loop3A_195, %parallel_loop3A_262 : i32
      %parallel_loop3A_264 = arith.constant 2 : i32
      %parallel_loop3A_265 = arith.constant 6 : i32
      %parallel_loop3A_266 = arith.index_cast %parallel_loop3A_264 : i32 to index
      %parallel_loop3A_267 = arith.index_cast %parallel_loop3A_265 : i32 to index
      %parallel_loop3A_268 = arith.index_cast %parallel_loop3A_263 : i32 to index
      %parallel_loop3A_269 = tpu.vector_load %arg9[%parallel_loop3A_266, %parallel_loop3A_267, %parallel_loop3A_268] {strides = array<i32>} : memref<4x8x1024xf32, #tpu.memory_space<vmem>>, vector<16xf32>,
      tpu.vector_store %arg9[%parallel_loop3A_266, %parallel_loop3A_267, %parallel_loop3A_268], %parallel_loop3A_261 {strides = array<i32>} : memref<4x8x1024xf32, #tpu.memory_space<vmem>>, vector<16xf32>,
      %parallel_loop3A_270 = arith.subi %get3A_85, %parallel_loop3A_199 : vector<16xi32>
      %parallel_loop3A_271 = tpu.vector_load_idx %arg6[%parallel_loop3A_270] : memref<63504xf32, #tpu.memory_space<vmem>>[vector<16xi32>], vector<16xf32>,
      %parallel_loop3A_272 = arith.constant 16 : i32
      %parallel_loop3A_273 = arith.muli %parallel_loop3A_195, %parallel_loop3A_272 : i32
      %parallel_loop3A_274 = arith.constant 2 : i32
      %parallel_loop3A_275 = arith.constant 7 : i32
      %parallel_loop3A_276 = arith.index_cast %parallel_loop3A_274 : i32 to index
      %parallel_loop3A_277 = arith.index_cast %parallel_loop3A_275 : i32 to index
      %parallel_loop3A_278 = arith.index_cast %parallel_loop3A_273 : i32 to index
      %parallel_loop3A_279 = tpu.vector_load %arg9[%parallel_loop3A_276, %parallel_loop3A_277, %parallel_loop3A_278] {strides = array<i32>} : memref<4x8x1024xf32, #tpu.memory_space<vmem>>, vector<16xf32>,
      tpu.vector_store %arg9[%parallel_loop3A_276, %parallel_loop3A_277, %parallel_loop3A_278], %parallel_loop3A_271 {strides = array<i32>} : memref<4x8x1024xf32, #tpu.memory_space<vmem>>, vector<16xf32>,
    } {sc.loop_unroll_factor = 8 : i64, sc.parallel_access}
    %add3A_89 = arith.constant 16 : i32
    %add3A_90 = arith.addi %mul3A_2, %add3A_89 : i32
    %dma_start3A_91 = arith.constant 2 : i32
    %dma_start3A_92 = arith.constant 0 : i32
    %dma_start3A_93 = arith.constant 0 : i32
    %dma_start3A_94 = tpu.memref_slice %arg9[%dma_start3A_91, %dma_start3A_92, %dma_start3A_93] : memref<4x8x1024xf32, #tpu.memory_space<vmem>> -> memref<1x8x1024xf32, #tpu.memory_space<vmem>>
    %dma_start3A_95 = tpu.memref_squeeze %dma_start3A_94 : memref<1x8x1024xf32, #tpu.memory_space<vmem>> -> memref<8x1024xf32, #tpu.memory_space<vmem>>
    %dma_start3A_96 = arith.constant 0 : i32
    %dma_start3A_97 = tpu.memref_slice %arg5[%add3A_90, %dma_start3A_96] : memref<16384x1024xf32, #tpu.memory_space<hbm>> -> memref<8x1024xf32, #tpu.memory_space<hbm>>
    %dma_start3A_98 = arith.constant 0 : i32
    %dma_start3A_99 = tpu.memref_slice %arg5[%add3A_90, %dma_start3A_98] : memref<16384x1024xf32, #tpu.memory_space<hbm>> -> memref<8x1024xf32, #tpu.memory_space<hbm>>
    %dma_start3A_100 = arith.constant 0 : i32
    %dma_start3A_101 = arith.constant 0 : i32
    %dma_start3A_102 = tpu.memref_slice %arg9[%dma_start3A_91, %dma_start3A_100, %dma_start3A_101] : memref<4x8x1024xf32, #tpu.memory_space<vmem>> -> memref<1x8x1024xf32, #tpu.memory_space<vmem>>
    %dma_start3A_103 = tpu.memref_squeeze %dma_start3A_102 : memref<1x8x1024xf32, #tpu.memory_space<vmem>> -> memref<8x1024xf32, #tpu.memory_space<vmem>>
    tpu.enqueue_dma source(%dma_start3A_103 : memref<8x1024xf32, #tpu.memory_space<vmem>>) target(%dma_start3A_99 : memref<8x1024xf32, #tpu.memory_space<hbm>>) target_semaphore(%arg12 : memref<!tpu.dma_semaphore, #tpu.memory_space<semaphore_mem>>)
    %get3A_104 = arith.constant 384 : index
    %get3A_105 = tpu.vector_load %arg8[%get3A_104] {strides = array<i32>} : memref<8192xi32, #tpu.memory_space<vmem>>, vector<16xi32>,
    %get3A_106 = arith.constant 400 : index
    %get3A_107 = tpu.vector_load %arg8[%get3A_106] {strides = array<i32>} : memref<8192xi32, #tpu.memory_space<vmem>>, vector<16xi32>,
    %get3A_108 = arith.constant 416 : index
    %get3A_109 = tpu.vector_load %arg8[%get3A_108] {strides = array<i32>} : memref<8192xi32, #tpu.memory_space<vmem>>, vector<16xi32>,
    %get3A_110 = arith.constant 432 : index
    %get3A_111 = tpu.vector_load %arg8[%get3A_110] {strides = array<i32>} : memref<8192xi32, #tpu.memory_space<vmem>>, vector<16xi32>,
    %get3A_112 = arith.constant 448 : index
    %get3A_113 = tpu.vector_load %arg8[%get3A_112] {strides = array<i32>} : memref<8192xi32, #tpu.memory_space<vmem>>, vector<16xi32>,
    %get3A_114 = arith.constant 464 : index
    %get3A_115 = tpu.vector_load %arg8[%get3A_114] {strides = array<i32>} : memref<8192xi32, #tpu.memory_space<vmem>>, vector<16xi32>,
    %get3A_116 = arith.constant 480 : index
    %get3A_117 = tpu.vector_load %arg8[%get3A_116] {strides = array<i32>} : memref<8192xi32, #tpu.memory_space<vmem>>, vector<16xi32>,
    %get3A_118 = arith.constant 496 : index
    %get3A_119 = tpu.vector_load %arg8[%get3A_118] {strides = array<i32>} : memref<8192xi32, #tpu.memory_space<vmem>>, vector<16xi32>,
    %parallel_loop3A_120 = arith.constant 0 : i32
    %parallel_loop3A_121 = arith.constant 64 : i32
    %parallel_loop3A_122 = arith.constant 1 : i32
    scf.for %parallel_loop3A_195 = %parallel_loop3A_120 to %parallel_loop3A_121 step %parallel_loop3A_122  : i32 {
      %parallel_loop3A_196 = arith.constant 16 : i32
      %parallel_loop3A_197 = arith.muli %parallel_loop3A_195, %parallel_loop3A_196 : i32
      %parallel_loop3A_198 = arith.index_cast %parallel_loop3A_197 : i32 to index
      %parallel_loop3A_199 = tpu.vector_load %arg7[%parallel_loop3A_198] {strides = array<i32>} : memref<1024xi32, #tpu.memory_space<vmem>>, vector<16xi32>,
      %parallel_loop3A_200 = arith.subi %get3A_105, %parallel_loop3A_199 : vector<16xi32>
      %parallel_loop3A_201 = tpu.vector_load_idx %arg6[%parallel_loop3A_200] : memref<63504xf32, #tpu.memory_space<vmem>>[vector<16xi32>], vector<16xf32>,
      %parallel_loop3A_202 = arith.constant 16 : i32
      %parallel_loop3A_203 = arith.muli %parallel_loop3A_195, %parallel_loop3A_202 : i32
      %parallel_loop3A_204 = arith.constant 3 : i32
      %parallel_loop3A_205 = arith.constant 0 : i32
      %parallel_loop3A_206 = arith.index_cast %parallel_loop3A_204 : i32 to index
      %parallel_loop3A_207 = arith.index_cast %parallel_loop3A_205 : i32 to index
      %parallel_loop3A_208 = arith.index_cast %parallel_loop3A_203 : i32 to index
      %parallel_loop3A_209 = tpu.vector_load %arg9[%parallel_loop3A_206, %parallel_loop3A_207, %parallel_loop3A_208] {strides = array<i32>} : memref<4x8x1024xf32, #tpu.memory_space<vmem>>, vector<16xf32>,
      tpu.vector_store %arg9[%parallel_loop3A_206, %parallel_loop3A_207, %parallel_loop3A_208], %parallel_loop3A_201 {strides = array<i32>} : memref<4x8x1024xf32, #tpu.memory_space<vmem>>, vector<16xf32>,
      %parallel_loop3A_210 = arith.subi %get3A_107, %parallel_loop3A_199 : vector<16xi32>
      %parallel_loop3A_211 = tpu.vector_load_idx %arg6[%parallel_loop3A_210] : memref<63504xf32, #tpu.memory_space<vmem>>[vector<16xi32>], vector<16xf32>,
      %parallel_loop3A_212 = arith.constant 16 : i32
      %parallel_loop3A_213 = arith.muli %parallel_loop3A_195, %parallel_loop3A_212 : i32
      %parallel_loop3A_214 = arith.constant 3 : i32
      %parallel_loop3A_215 = arith.constant 1 : i32
      %parallel_loop3A_216 = arith.index_cast %parallel_loop3A_214 : i32 to index
      %parallel_loop3A_217 = arith.index_cast %parallel_loop3A_215 : i32 to index
      %parallel_loop3A_218 = arith.index_cast %parallel_loop3A_213 : i32 to index
      %parallel_loop3A_219 = tpu.vector_load %arg9[%parallel_loop3A_216, %parallel_loop3A_217, %parallel_loop3A_218] {strides = array<i32>} : memref<4x8x1024xf32, #tpu.memory_space<vmem>>, vector<16xf32>,
      tpu.vector_store %arg9[%parallel_loop3A_216, %parallel_loop3A_217, %parallel_loop3A_218], %parallel_loop3A_211 {strides = array<i32>} : memref<4x8x1024xf32, #tpu.memory_space<vmem>>, vector<16xf32>,
      %parallel_loop3A_220 = arith.subi %get3A_109, %parallel_loop3A_199 : vector<16xi32>
      %parallel_loop3A_221 = tpu.vector_load_idx %arg6[%parallel_loop3A_220] : memref<63504xf32, #tpu.memory_space<vmem>>[vector<16xi32>], vector<16xf32>,
      %parallel_loop3A_222 = arith.constant 16 : i32
      %parallel_loop3A_223 = arith.muli %parallel_loop3A_195, %parallel_loop3A_222 : i32
      %parallel_loop3A_224 = arith.constant 3 : i32
      %parallel_loop3A_225 = arith.constant 2 : i32
      %parallel_loop3A_226 = arith.index_cast %parallel_loop3A_224 : i32 to index
      %parallel_loop3A_227 = arith.index_cast %parallel_loop3A_225 : i32 to index
      %parallel_loop3A_228 = arith.index_cast %parallel_loop3A_223 : i32 to index
      %parallel_loop3A_229 = tpu.vector_load %arg9[%parallel_loop3A_226, %parallel_loop3A_227, %parallel_loop3A_228] {strides = array<i32>} : memref<4x8x1024xf32, #tpu.memory_space<vmem>>, vector<16xf32>,
      tpu.vector_store %arg9[%parallel_loop3A_226, %parallel_loop3A_227, %parallel_loop3A_228], %parallel_loop3A_221 {strides = array<i32>} : memref<4x8x1024xf32, #tpu.memory_space<vmem>>, vector<16xf32>,
      %parallel_loop3A_230 = arith.subi %get3A_111, %parallel_loop3A_199 : vector<16xi32>
      %parallel_loop3A_231 = tpu.vector_load_idx %arg6[%parallel_loop3A_230] : memref<63504xf32, #tpu.memory_space<vmem>>[vector<16xi32>], vector<16xf32>,
      %parallel_loop3A_232 = arith.constant 16 : i32
      %parallel_loop3A_233 = arith.muli %parallel_loop3A_195, %parallel_loop3A_232 : i32
      %parallel_loop3A_234 = arith.constant 3 : i32
      %parallel_loop3A_235 = arith.constant 3 : i32
      %parallel_loop3A_236 = arith.index_cast %parallel_loop3A_234 : i32 to index
      %parallel_loop3A_237 = arith.index_cast %parallel_loop3A_235 : i32 to index
      %parallel_loop3A_238 = arith.index_cast %parallel_loop3A_233 : i32 to index
      %parallel_loop3A_239 = tpu.vector_load %arg9[%parallel_loop3A_236, %parallel_loop3A_237, %parallel_loop3A_238] {strides = array<i32>} : memref<4x8x1024xf32, #tpu.memory_space<vmem>>, vector<16xf32>,
      tpu.vector_store %arg9[%parallel_loop3A_236, %parallel_loop3A_237, %parallel_loop3A_238], %parallel_loop3A_231 {strides = array<i32>} : memref<4x8x1024xf32, #tpu.memory_space<vmem>>, vector<16xf32>,
      %parallel_loop3A_240 = arith.subi %get3A_113, %parallel_loop3A_199 : vector<16xi32>
      %parallel_loop3A_241 = tpu.vector_load_idx %arg6[%parallel_loop3A_240] : memref<63504xf32, #tpu.memory_space<vmem>>[vector<16xi32>], vector<16xf32>,
      %parallel_loop3A_242 = arith.constant 16 : i32
      %parallel_loop3A_243 = arith.muli %parallel_loop3A_195, %parallel_loop3A_242 : i32
      %parallel_loop3A_244 = arith.constant 3 : i32
      %parallel_loop3A_245 = arith.constant 4 : i32
      %parallel_loop3A_246 = arith.index_cast %parallel_loop3A_244 : i32 to index
      %parallel_loop3A_247 = arith.index_cast %parallel_loop3A_245 : i32 to index
      %parallel_loop3A_248 = arith.index_cast %parallel_loop3A_243 : i32 to index
      %parallel_loop3A_249 = tpu.vector_load %arg9[%parallel_loop3A_246, %parallel_loop3A_247, %parallel_loop3A_248] {strides = array<i32>} : memref<4x8x1024xf32, #tpu.memory_space<vmem>>, vector<16xf32>,
      tpu.vector_store %arg9[%parallel_loop3A_246, %parallel_loop3A_247, %parallel_loop3A_248], %parallel_loop3A_241 {strides = array<i32>} : memref<4x8x1024xf32, #tpu.memory_space<vmem>>, vector<16xf32>,
      %parallel_loop3A_250 = arith.subi %get3A_115, %parallel_loop3A_199 : vector<16xi32>
      %parallel_loop3A_251 = tpu.vector_load_idx %arg6[%parallel_loop3A_250] : memref<63504xf32, #tpu.memory_space<vmem>>[vector<16xi32>], vector<16xf32>,
      %parallel_loop3A_252 = arith.constant 16 : i32
      %parallel_loop3A_253 = arith.muli %parallel_loop3A_195, %parallel_loop3A_252 : i32
      %parallel_loop3A_254 = arith.constant 3 : i32
      %parallel_loop3A_255 = arith.constant 5 : i32
      %parallel_loop3A_256 = arith.index_cast %parallel_loop3A_254 : i32 to index
      %parallel_loop3A_257 = arith.index_cast %parallel_loop3A_255 : i32 to index
      %parallel_loop3A_258 = arith.index_cast %parallel_loop3A_253 : i32 to index
      %parallel_loop3A_259 = tpu.vector_load %arg9[%parallel_loop3A_256, %parallel_loop3A_257, %parallel_loop3A_258] {strides = array<i32>} : memref<4x8x1024xf32, #tpu.memory_space<vmem>>, vector<16xf32>,
      tpu.vector_store %arg9[%parallel_loop3A_256, %parallel_loop3A_257, %parallel_loop3A_258], %parallel_loop3A_251 {strides = array<i32>} : memref<4x8x1024xf32, #tpu.memory_space<vmem>>, vector<16xf32>,
      %parallel_loop3A_260 = arith.subi %get3A_117, %parallel_loop3A_199 : vector<16xi32>
      %parallel_loop3A_261 = tpu.vector_load_idx %arg6[%parallel_loop3A_260] : memref<63504xf32, #tpu.memory_space<vmem>>[vector<16xi32>], vector<16xf32>,
      %parallel_loop3A_262 = arith.constant 16 : i32
      %parallel_loop3A_263 = arith.muli %parallel_loop3A_195, %parallel_loop3A_262 : i32
      %parallel_loop3A_264 = arith.constant 3 : i32
      %parallel_loop3A_265 = arith.constant 6 : i32
      %parallel_loop3A_266 = arith.index_cast %parallel_loop3A_264 : i32 to index
      %parallel_loop3A_267 = arith.index_cast %parallel_loop3A_265 : i32 to index
      %parallel_loop3A_268 = arith.index_cast %parallel_loop3A_263 : i32 to index
      %parallel_loop3A_269 = tpu.vector_load %arg9[%parallel_loop3A_266, %parallel_loop3A_267, %parallel_loop3A_268] {strides = array<i32>} : memref<4x8x1024xf32, #tpu.memory_space<vmem>>, vector<16xf32>,
      tpu.vector_store %arg9[%parallel_loop3A_266, %parallel_loop3A_267, %parallel_loop3A_268], %parallel_loop3A_261 {strides = array<i32>} : memref<4x8x1024xf32, #tpu.memory_space<vmem>>, vector<16xf32>,
      %parallel_loop3A_270 = arith.subi %get3A_119, %parallel_loop3A_199 : vector<16xi32>
      %parallel_loop3A_271 = tpu.vector_load_idx %arg6[%parallel_loop3A_270] : memref<63504xf32, #tpu.memory_space<vmem>>[vector<16xi32>], vector<16xf32>,
      %parallel_loop3A_272 = arith.constant 16 : i32
      %parallel_loop3A_273 = arith.muli %parallel_loop3A_195, %parallel_loop3A_272 : i32
      %parallel_loop3A_274 = arith.constant 3 : i32
      %parallel_loop3A_275 = arith.constant 7 : i32
      %parallel_loop3A_276 = arith.index_cast %parallel_loop3A_274 : i32 to index
      %parallel_loop3A_277 = arith.index_cast %parallel_loop3A_275 : i32 to index
      %parallel_loop3A_278 = arith.index_cast %parallel_loop3A_273 : i32 to index
      %parallel_loop3A_279 = tpu.vector_load %arg9[%parallel_loop3A_276, %parallel_loop3A_277, %parallel_loop3A_278] {strides = array<i32>} : memref<4x8x1024xf32, #tpu.memory_space<vmem>>, vector<16xf32>,
      tpu.vector_store %arg9[%parallel_loop3A_276, %parallel_loop3A_277, %parallel_loop3A_278], %parallel_loop3A_271 {strides = array<i32>} : memref<4x8x1024xf32, #tpu.memory_space<vmem>>, vector<16xf32>,
    } {sc.loop_unroll_factor = 8 : i64, sc.parallel_access}
    %add3A_123 = arith.constant 24 : i32
    %add3A_124 = arith.addi %mul3A_2, %add3A_123 : i32
    %dma_start3A_125 = arith.constant 3 : i32
    %dma_start3A_126 = arith.constant 0 : i32
    %dma_start3A_127 = arith.constant 0 : i32
    %dma_start3A_128 = tpu.memref_slice %arg9[%dma_start3A_125, %dma_start3A_126, %dma_start3A_127] : memref<4x8x1024xf32, #tpu.memory_space<vmem>> -> memref<1x8x1024xf32, #tpu.memory_space<vmem>>
    %dma_start3A_129 = tpu.memref_squeeze %dma_start3A_128 : memref<1x8x1024xf32, #tpu.memory_space<vmem>> -> memref<8x1024xf32, #tpu.memory_space<vmem>>
    %dma_start3A_130 = arith.constant 0 : i32
    %dma_start3A_131 = tpu.memref_slice %arg5[%add3A_124, %dma_start3A_130] : memref<16384x1024xf32, #tpu.memory_space<hbm>> -> memref<8x1024xf32, #tpu.memory_space<hbm>>
    %dma_start3A_132 = arith.constant 0 : i32
    %dma_start3A_133 = tpu.memref_slice %arg5[%add3A_124, %dma_start3A_132] : memref<16384x1024xf32, #tpu.memory_space<hbm>> -> memref<8x1024xf32, #tpu.memory_space<hbm>>
    %dma_start3A_134 = arith.constant 0 : i32
    %dma_start3A_135 = arith.constant 0 : i32
    %dma_start3A_136 = tpu.memref_slice %arg9[%dma_start3A_125, %dma_start3A_134, %dma_start3A_135] : memref<4x8x1024xf32, #tpu.memory_space<vmem>> -> memref<1x8x1024xf32, #tpu.memory_space<vmem>>
    %dma_start3A_137 = tpu.memref_squeeze %dma_start3A_136 : memref<1x8x1024xf32, #tpu.memory_space<vmem>> -> memref<8x1024xf32, #tpu.memory_space<vmem>>
    tpu.enqueue_dma source(%dma_start3A_137 : memref<8x1024xf32, #tpu.memory_space<vmem>>) target(%dma_start3A_133 : memref<8x1024xf32, #tpu.memory_space<hbm>>) target_semaphore(%arg13 : memref<!tpu.dma_semaphore, #tpu.memory_space<semaphore_mem>>)
    %scan3A = arith.constant 0 : i32
    %scan3A_138 = arith.constant 0 : i32
    %scan3A_139 = arith.constant 15 : i32
    %scan3A_140 = arith.addi %scan3A_138, %scan3A_139 : i32
    %scan3A_141 = arith.constant 1 : i32
    %scan3A_142 = scf.for %scan3A_195 = %scan3A_138 to %scan3A_140 step %scan3A_141 iter_args(%scan3A_196 = %scan3A) -> (i32)  : i32 {
      %mul3A_197 = arith.constant 4 : i32
      %mul3A_198 = arith.muli %scan3A_195, %mul3A_197 : i32
      %add3A_199 = arith.constant 4 : i32
      %add3A_200 = arith.addi %mul3A_198, %add3A_199 : i32
      %add3A_201 = arith.constant 0 : i32
      %add3A_202 = arith.addi %add3A_200, %add3A_201 : i32
      %dma_wait3A_203 = arith.constant 0 : i32
      %dma_wait3A_204 = arith.constant 0 : i32
      %dma_wait3A_205 = arith.constant 0 : i32
      %dma_wait3A_206 = tpu.memref_slice %arg9[%dma_wait3A_203, %dma_wait3A_204, %dma_wait3A_205] : memref<4x8x1024xf32, #tpu.memory_space<vmem>> -> memref<1x8x1024xf32, #tpu.memory_space<vmem>>
      %dma_wait3A_207 = tpu.memref_squeeze %dma_wait3A_206 : memref<1x8x1024xf32, #tpu.memory_space<vmem>> -> memref<8x1024xf32, #tpu.memory_space<vmem>>
      %dma_wait3A_208 = arith.constant 0 : i32
      %dma_wait3A_209 = tpu.memref_slice %arg5[%mul3A_2, %dma_wait3A_208] : memref<16384x1024xf32, #tpu.memory_space<hbm>> -> memref<8x1024xf32, #tpu.memory_space<hbm>>
      %dma_wait3A_210 = arith.constant 0 : i32
      %dma_wait3A_211 = tpu.memref_slice %arg5[%mul3A_2, %dma_wait3A_210] : memref<16384x1024xf32, #tpu.memory_space<hbm>> -> memref<8x1024xf32, #tpu.memory_space<hbm>>
      %dma_wait3A_212 = arith.constant 0 : i32
      %dma_wait3A_213 = arith.constant 0 : i32
      %dma_wait3A_214 = tpu.memref_slice %arg9[%dma_wait3A_203, %dma_wait3A_212, %dma_wait3A_213] : memref<4x8x1024xf32, #tpu.memory_space<vmem>> -> memref<1x8x1024xf32, #tpu.memory_space<vmem>>
      %dma_wait3A_215 = tpu.memref_squeeze %dma_wait3A_214 : memref<1x8x1024xf32, #tpu.memory_space<vmem>> -> memref<8x1024xf32, #tpu.memory_space<vmem>>
      tpu.wait_dma2 semaphore(%arg10 : memref<!tpu.dma_semaphore, #tpu.memory_space<semaphore_mem>>) src(%dma_wait3A_215 : memref<8x1024xf32, #tpu.memory_space<vmem>>) dst(%dma_wait3A_211 : memref<8x1024xf32, #tpu.memory_space<hbm>>)
      %mul3A_216 = arith.constant 128 : i32
      %mul3A_217 = arith.muli %add3A_202, %mul3A_216 : i32
      %add3A_218 = arith.constant 0 : i32
      %add3A_219 = arith.addi %mul3A_217, %add3A_218 : i32
      %get3A_220 = arith.index_cast %add3A_219 : i32 to index
      %get3A_221 = tpu.vector_load %arg8[%get3A_220] {strides = array<i32>} : memref<8192xi32, #tpu.memory_space<vmem>>, vector<16xi32>,
      %add3A_222 = arith.constant 16 : i32
      %add3A_223 = arith.addi %mul3A_217, %add3A_222 : i32
      %get3A_224 = arith.index_cast %add3A_223 : i32 to index
      %get3A_225 = tpu.vector_load %arg8[%get3A_224] {strides = array<i32>} : memref<8192xi32, #tpu.memory_space<vmem>>, vector<16xi32>,
      %add3A_226 = arith.constant 32 : i32
      %add3A_227 = arith.addi %mul3A_217, %add3A_226 : i32
      %get3A_228 = arith.index_cast %add3A_227 : i32 to index
      %get3A_229 = tpu.vector_load %arg8[%get3A_228] {strides = array<i32>} : memref<8192xi32, #tpu.memory_space<vmem>>, vector<16xi32>,
      %add3A_230 = arith.constant 48 : i32
      %add3A_231 = arith.addi %mul3A_217, %add3A_230 : i32
      %get3A_232 = arith.index_cast %add3A_231 : i32 to index
      %get3A_233 = tpu.vector_load %arg8[%get3A_232] {strides = array<i32>} : memref<8192xi32, #tpu.memory_space<vmem>>, vector<16xi32>,
      %add3A_234 = arith.constant 64 : i32
      %add3A_235 = arith.addi %mul3A_217, %add3A_234 : i32
      %get3A_236 = arith.index_cast %add3A_235 : i32 to index
      %get3A_237 = tpu.vector_load %arg8[%get3A_236] {strides = array<i32>} : memref<8192xi32, #tpu.memory_space<vmem>>, vector<16xi32>,
      %add3A_238 = arith.constant 80 : i32
      %add3A_239 = arith.addi %mul3A_217, %add3A_238 : i32
      %get3A_240 = arith.index_cast %add3A_239 : i32 to index
      %get3A_241 = tpu.vector_load %arg8[%get3A_240] {strides = array<i32>} : memref<8192xi32, #tpu.memory_space<vmem>>, vector<16xi32>,
      %add3A_242 = arith.constant 96 : i32
      %add3A_243 = arith.addi %mul3A_217, %add3A_242 : i32
      %get3A_244 = arith.index_cast %add3A_243 : i32 to index
      %get3A_245 = tpu.vector_load %arg8[%get3A_244] {strides = array<i32>} : memref<8192xi32, #tpu.memory_space<vmem>>, vector<16xi32>,
      %add3A_246 = arith.constant 112 : i32
      %add3A_247 = arith.addi %mul3A_217, %add3A_246 : i32
      %get3A_248 = arith.index_cast %add3A_247 : i32 to index
      %get3A_249 = tpu.vector_load %arg8[%get3A_248] {strides = array<i32>} : memref<8192xi32, #tpu.memory_space<vmem>>, vector<16xi32>,
      %parallel_loop3A_250 = arith.constant 0 : i32
      %parallel_loop3A_251 = arith.constant 64 : i32
      %parallel_loop3A_252 = arith.constant 1 : i32
      scf.for %parallel_loop3A_486 = %parallel_loop3A_250 to %parallel_loop3A_251 step %parallel_loop3A_252  : i32 {
        %parallel_loop3A_487 = arith.constant 16 : i32
        %parallel_loop3A_488 = arith.muli %parallel_loop3A_486, %parallel_loop3A_487 : i32
        %parallel_loop3A_489 = arith.index_cast %parallel_loop3A_488 : i32 to index
        %parallel_loop3A_490 = tpu.vector_load %arg7[%parallel_loop3A_489] {strides = array<i32>} : memref<1024xi32, #tpu.memory_space<vmem>>, vector<16xi32>,
        %parallel_loop3A_491 = arith.subi %get3A_221, %parallel_loop3A_490 : vector<16xi32>
        %parallel_loop3A_492 = tpu.vector_load_idx %arg6[%parallel_loop3A_491] : memref<63504xf32, #tpu.memory_space<vmem>>[vector<16xi32>], vector<16xf32>,
        %parallel_loop3A_493 = arith.constant 16 : i32
        %parallel_loop3A_494 = arith.muli %parallel_loop3A_486, %parallel_loop3A_493 : i32
        %parallel_loop3A_495 = arith.constant 0 : i32
        %parallel_loop3A_496 = arith.constant 0 : i32
        %parallel_loop3A_497 = arith.index_cast %parallel_loop3A_495 : i32 to index
        %parallel_loop3A_498 = arith.index_cast %parallel_loop3A_496 : i32 to index
        %parallel_loop3A_499 = arith.index_cast %parallel_loop3A_494 : i32 to index
        %parallel_loop3A_500 = tpu.vector_load %arg9[%parallel_loop3A_497, %parallel_loop3A_498, %parallel_loop3A_499] {strides = array<i32>} : memref<4x8x1024xf32, #tpu.memory_space<vmem>>, vector<16xf32>,
        tpu.vector_store %arg9[%parallel_loop3A_497, %parallel_loop3A_498, %parallel_loop3A_499], %parallel_loop3A_492 {strides = array<i32>} : memref<4x8x1024xf32, #tpu.memory_space<vmem>>, vector<16xf32>,
        %parallel_loop3A_501 = arith.subi %get3A_225, %parallel_loop3A_490 : vector<16xi32>
        %parallel_loop3A_502 = tpu.vector_load_idx %arg6[%parallel_loop3A_501] : memref<63504xf32, #tpu.memory_space<vmem>>[vector<16xi32>], vector<16xf32>,
        %parallel_loop3A_503 = arith.constant 16 : i32
        %parallel_loop3A_504 = arith.muli %parallel_loop3A_486, %parallel_loop3A_503 : i32
        %parallel_loop3A_505 = arith.constant 0 : i32
        %parallel_loop3A_506 = arith.constant 1 : i32
        %parallel_loop3A_507 = arith.index_cast %parallel_loop3A_505 : i32 to index
        %parallel_loop3A_508 = arith.index_cast %parallel_loop3A_506 : i32 to index
        %parallel_loop3A_509 = arith.index_cast %parallel_loop3A_504 : i32 to index
        %parallel_loop3A_510 = tpu.vector_load %arg9[%parallel_loop3A_507, %parallel_loop3A_508, %parallel_loop3A_509] {strides = array<i32>} : memref<4x8x1024xf32, #tpu.memory_space<vmem>>, vector<16xf32>,
        tpu.vector_store %arg9[%parallel_loop3A_507, %parallel_loop3A_508, %parallel_loop3A_509], %parallel_loop3A_502 {strides = array<i32>} : memref<4x8x1024xf32, #tpu.memory_space<vmem>>, vector<16xf32>,
        %parallel_loop3A_511 = arith.subi %get3A_229, %parallel_loop3A_490 : vector<16xi32>
        %parallel_loop3A_512 = tpu.vector_load_idx %arg6[%parallel_loop3A_511] : memref<63504xf32, #tpu.memory_space<vmem>>[vector<16xi32>], vector<16xf32>,
        %parallel_loop3A_513 = arith.constant 16 : i32
        %parallel_loop3A_514 = arith.muli %parallel_loop3A_486, %parallel_loop3A_513 : i32
        %parallel_loop3A_515 = arith.constant 0 : i32
        %parallel_loop3A_516 = arith.constant 2 : i32
        %parallel_loop3A_517 = arith.index_cast %parallel_loop3A_515 : i32 to index
        %parallel_loop3A_518 = arith.index_cast %parallel_loop3A_516 : i32 to index
        %parallel_loop3A_519 = arith.index_cast %parallel_loop3A_514 : i32 to index
        %parallel_loop3A_520 = tpu.vector_load %arg9[%parallel_loop3A_517, %parallel_loop3A_518, %parallel_loop3A_519] {strides = array<i32>} : memref<4x8x1024xf32, #tpu.memory_space<vmem>>, vector<16xf32>,
        tpu.vector_store %arg9[%parallel_loop3A_517, %parallel_loop3A_518, %parallel_loop3A_519], %parallel_loop3A_512 {strides = array<i32>} : memref<4x8x1024xf32, #tpu.memory_space<vmem>>, vector<16xf32>,
        %parallel_loop3A_521 = arith.subi %get3A_233, %parallel_loop3A_490 : vector<16xi32>
        %parallel_loop3A_522 = tpu.vector_load_idx %arg6[%parallel_loop3A_521] : memref<63504xf32, #tpu.memory_space<vmem>>[vector<16xi32>], vector<16xf32>,
        %parallel_loop3A_523 = arith.constant 16 : i32
        %parallel_loop3A_524 = arith.muli %parallel_loop3A_486, %parallel_loop3A_523 : i32
        %parallel_loop3A_525 = arith.constant 0 : i32
        %parallel_loop3A_526 = arith.constant 3 : i32
        %parallel_loop3A_527 = arith.index_cast %parallel_loop3A_525 : i32 to index
        %parallel_loop3A_528 = arith.index_cast %parallel_loop3A_526 : i32 to index
        %parallel_loop3A_529 = arith.index_cast %parallel_loop3A_524 : i32 to index
        %parallel_loop3A_530 = tpu.vector_load %arg9[%parallel_loop3A_527, %parallel_loop3A_528, %parallel_loop3A_529] {strides = array<i32>} : memref<4x8x1024xf32, #tpu.memory_space<vmem>>, vector<16xf32>,
        tpu.vector_store %arg9[%parallel_loop3A_527, %parallel_loop3A_528, %parallel_loop3A_529], %parallel_loop3A_522 {strides = array<i32>} : memref<4x8x1024xf32, #tpu.memory_space<vmem>>, vector<16xf32>,
        %parallel_loop3A_531 = arith.subi %get3A_237, %parallel_loop3A_490 : vector<16xi32>
        %parallel_loop3A_532 = tpu.vector_load_idx %arg6[%parallel_loop3A_531] : memref<63504xf32, #tpu.memory_space<vmem>>[vector<16xi32>], vector<16xf32>,
        %parallel_loop3A_533 = arith.constant 16 : i32
        %parallel_loop3A_534 = arith.muli %parallel_loop3A_486, %parallel_loop3A_533 : i32
        %parallel_loop3A_535 = arith.constant 0 : i32
        %parallel_loop3A_536 = arith.constant 4 : i32
        %parallel_loop3A_537 = arith.index_cast %parallel_loop3A_535 : i32 to index
        %parallel_loop3A_538 = arith.index_cast %parallel_loop3A_536 : i32 to index
        %parallel_loop3A_539 = arith.index_cast %parallel_loop3A_534 : i32 to index
        %parallel_loop3A_540 = tpu.vector_load %arg9[%parallel_loop3A_537, %parallel_loop3A_538, %parallel_loop3A_539] {strides = array<i32>} : memref<4x8x1024xf32, #tpu.memory_space<vmem>>, vector<16xf32>,
        tpu.vector_store %arg9[%parallel_loop3A_537, %parallel_loop3A_538, %parallel_loop3A_539], %parallel_loop3A_532 {strides = array<i32>} : memref<4x8x1024xf32, #tpu.memory_space<vmem>>, vector<16xf32>,
        %parallel_loop3A_541 = arith.subi %get3A_241, %parallel_loop3A_490 : vector<16xi32>
        %parallel_loop3A_542 = tpu.vector_load_idx %arg6[%parallel_loop3A_541] : memref<63504xf32, #tpu.memory_space<vmem>>[vector<16xi32>], vector<16xf32>,
        %parallel_loop3A_543 = arith.constant 16 : i32
        %parallel_loop3A_544 = arith.muli %parallel_loop3A_486, %parallel_loop3A_543 : i32
        %parallel_loop3A_545 = arith.constant 0 : i32
        %parallel_loop3A_546 = arith.constant 5 : i32
        %parallel_loop3A_547 = arith.index_cast %parallel_loop3A_545 : i32 to index
        %parallel_loop3A_548 = arith.index_cast %parallel_loop3A_546 : i32 to index
        %parallel_loop3A_549 = arith.index_cast %parallel_loop3A_544 : i32 to index
        %parallel_loop3A_550 = tpu.vector_load %arg9[%parallel_loop3A_547, %parallel_loop3A_548, %parallel_loop3A_549] {strides = array<i32>} : memref<4x8x1024xf32, #tpu.memory_space<vmem>>, vector<16xf32>,
        tpu.vector_store %arg9[%parallel_loop3A_547, %parallel_loop3A_548, %parallel_loop3A_549], %parallel_loop3A_542 {strides = array<i32>} : memref<4x8x1024xf32, #tpu.memory_space<vmem>>, vector<16xf32>,
        %parallel_loop3A_551 = arith.subi %get3A_245, %parallel_loop3A_490 : vector<16xi32>
        %parallel_loop3A_552 = tpu.vector_load_idx %arg6[%parallel_loop3A_551] : memref<63504xf32, #tpu.memory_space<vmem>>[vector<16xi32>], vector<16xf32>,
        %parallel_loop3A_553 = arith.constant 16 : i32
        %parallel_loop3A_554 = arith.muli %parallel_loop3A_486, %parallel_loop3A_553 : i32
        %parallel_loop3A_555 = arith.constant 0 : i32
        %parallel_loop3A_556 = arith.constant 6 : i32
        %parallel_loop3A_557 = arith.index_cast %parallel_loop3A_555 : i32 to index
        %parallel_loop3A_558 = arith.index_cast %parallel_loop3A_556 : i32 to index
        %parallel_loop3A_559 = arith.index_cast %parallel_loop3A_554 : i32 to index
        %parallel_loop3A_560 = tpu.vector_load %arg9[%parallel_loop3A_557, %parallel_loop3A_558, %parallel_loop3A_559] {strides = array<i32>} : memref<4x8x1024xf32, #tpu.memory_space<vmem>>, vector<16xf32>,
        tpu.vector_store %arg9[%parallel_loop3A_557, %parallel_loop3A_558, %parallel_loop3A_559], %parallel_loop3A_552 {strides = array<i32>} : memref<4x8x1024xf32, #tpu.memory_space<vmem>>, vector<16xf32>,
        %parallel_loop3A_561 = arith.subi %get3A_249, %parallel_loop3A_490 : vector<16xi32>
        %parallel_loop3A_562 = tpu.vector_load_idx %arg6[%parallel_loop3A_561] : memref<63504xf32, #tpu.memory_space<vmem>>[vector<16xi32>], vector<16xf32>,
        %parallel_loop3A_563 = arith.constant 16 : i32
        %parallel_loop3A_564 = arith.muli %parallel_loop3A_486, %parallel_loop3A_563 : i32
        %parallel_loop3A_565 = arith.constant 0 : i32
        %parallel_loop3A_566 = arith.constant 7 : i32
        %parallel_loop3A_567 = arith.index_cast %parallel_loop3A_565 : i32 to index
        %parallel_loop3A_568 = arith.index_cast %parallel_loop3A_566 : i32 to index
        %parallel_loop3A_569 = arith.index_cast %parallel_loop3A_564 : i32 to index
        %parallel_loop3A_570 = tpu.vector_load %arg9[%parallel_loop3A_567, %parallel_loop3A_568, %parallel_loop3A_569] {strides = array<i32>} : memref<4x8x1024xf32, #tpu.memory_space<vmem>>, vector<16xf32>,
        tpu.vector_store %arg9[%parallel_loop3A_567, %parallel_loop3A_568, %parallel_loop3A_569], %parallel_loop3A_562 {strides = array<i32>} : memref<4x8x1024xf32, #tpu.memory_space<vmem>>, vector<16xf32>,
      } {sc.loop_unroll_factor = 8 : i64, sc.parallel_access}
      %mul3A_253 = arith.constant 8 : i32
      %mul3A_254 = arith.muli %add3A_202, %mul3A_253 : i32
      %add3A_255 = arith.addi %mul3A_2, %mul3A_254 : i32
      %dma_start3A_256 = arith.constant 0 : i32
      %dma_start3A_257 = arith.constant 0 : i32
      %dma_start3A_258 = arith.constant 0 : i32
      %dma_start3A_259 = tpu.memref_slice %arg9[%dma_start3A_256, %dma_start3A_257, %dma_start3A_258] : memref<4x8x1024xf32, #tpu.memory_space<vmem>> -> memref<1x8x1024xf32, #tpu.memory_space<vmem>>
      %dma_start3A_260 = tpu.memref_squeeze %dma_start3A_259 : memref<1x8x1024xf32, #tpu.memory_space<vmem>> -> memref<8x1024xf32, #tpu.memory_space<vmem>>
      %dma_start3A_261 = arith.constant 0 : i32
      %dma_start3A_262 = tpu.memref_slice %arg5[%add3A_255, %dma_start3A_261] : memref<16384x1024xf32, #tpu.memory_space<hbm>> -> memref<8x1024xf32, #tpu.memory_space<hbm>>
      %dma_start3A_263 = arith.constant 0 : i32
      %dma_start3A_264 = tpu.memref_slice %arg5[%add3A_255, %dma_start3A_263] : memref<16384x1024xf32, #tpu.memory_space<hbm>> -> memref<8x1024xf32, #tpu.memory_space<hbm>>
      %dma_start3A_265 = arith.constant 0 : i32
      %dma_start3A_266 = arith.constant 0 : i32
      %dma_start3A_267 = tpu.memref_slice %arg9[%dma_start3A_256, %dma_start3A_265, %dma_start3A_266] : memref<4x8x1024xf32, #tpu.memory_space<vmem>> -> memref<1x8x1024xf32, #tpu.memory_space<vmem>>
      %dma_start3A_268 = tpu.memref_squeeze %dma_start3A_267 : memref<1x8x1024xf32, #tpu.memory_space<vmem>> -> memref<8x1024xf32, #tpu.memory_space<vmem>>
      tpu.enqueue_dma source(%dma_start3A_268 : memref<8x1024xf32, #tpu.memory_space<vmem>>) target(%dma_start3A_264 : memref<8x1024xf32, #tpu.memory_space<hbm>>) target_semaphore(%arg10 : memref<!tpu.dma_semaphore, #tpu.memory_space<semaphore_mem>>)
      %mul3A_269 = arith.constant 4 : i32
      %mul3A_270 = arith.muli %scan3A_195, %mul3A_269 : i32
      %add3A_271 = arith.constant 4 : i32
      %add3A_272 = arith.addi %mul3A_270, %add3A_271 : i32
      %add3A_273 = arith.constant 1 : i32
      %add3A_274 = arith.addi %add3A_272, %add3A_273 : i32
      %dma_wait3A_275 = arith.constant 1 : i32
      %dma_wait3A_276 = arith.constant 0 : i32
      %dma_wait3A_277 = arith.constant 0 : i32
      %dma_wait3A_278 = tpu.memref_slice %arg9[%dma_wait3A_275, %dma_wait3A_276, %dma_wait3A_277] : memref<4x8x1024xf32, #tpu.memory_space<vmem>> -> memref<1x8x1024xf32, #tpu.memory_space<vmem>>
      %dma_wait3A_279 = tpu.memref_squeeze %dma_wait3A_278 : memref<1x8x1024xf32, #tpu.memory_space<vmem>> -> memref<8x1024xf32, #tpu.memory_space<vmem>>
      %dma_wait3A_280 = arith.constant 0 : i32
      %dma_wait3A_281 = tpu.memref_slice %arg5[%mul3A_2, %dma_wait3A_280] : memref<16384x1024xf32, #tpu.memory_space<hbm>> -> memref<8x1024xf32, #tpu.memory_space<hbm>>
      %dma_wait3A_282 = arith.constant 0 : i32
      %dma_wait3A_283 = tpu.memref_slice %arg5[%mul3A_2, %dma_wait3A_282] : memref<16384x1024xf32, #tpu.memory_space<hbm>> -> memref<8x1024xf32, #tpu.memory_space<hbm>>
      %dma_wait3A_284 = arith.constant 0 : i32
      %dma_wait3A_285 = arith.constant 0 : i32
      %dma_wait3A_286 = tpu.memref_slice %arg9[%dma_wait3A_275, %dma_wait3A_284, %dma_wait3A_285] : memref<4x8x1024xf32, #tpu.memory_space<vmem>> -> memref<1x8x1024xf32, #tpu.memory_space<vmem>>
      %dma_wait3A_287 = tpu.memref_squeeze %dma_wait3A_286 : memref<1x8x1024xf32, #tpu.memory_space<vmem>> -> memref<8x1024xf32, #tpu.memory_space<vmem>>
      tpu.wait_dma2 semaphore(%arg11 : memref<!tpu.dma_semaphore, #tpu.memory_space<semaphore_mem>>) src(%dma_wait3A_287 : memref<8x1024xf32, #tpu.memory_space<vmem>>) dst(%dma_wait3A_283 : memref<8x1024xf32, #tpu.memory_space<hbm>>)
      %mul3A_288 = arith.constant 128 : i32
      %mul3A_289 = arith.muli %add3A_274, %mul3A_288 : i32
      %add3A_290 = arith.constant 0 : i32
      %add3A_291 = arith.addi %mul3A_289, %add3A_290 : i32
      %get3A_292 = arith.index_cast %add3A_291 : i32 to index
      %get3A_293 = tpu.vector_load %arg8[%get3A_292] {strides = array<i32>} : memref<8192xi32, #tpu.memory_space<vmem>>, vector<16xi32>,
      %add3A_294 = arith.constant 16 : i32
      %add3A_295 = arith.addi %mul3A_289, %add3A_294 : i32
      %get3A_296 = arith.index_cast %add3A_295 : i32 to index
      %get3A_297 = tpu.vector_load %arg8[%get3A_296] {strides = array<i32>} : memref<8192xi32, #tpu.memory_space<vmem>>, vector<16xi32>,
      %add3A_298 = arith.constant 32 : i32
      %add3A_299 = arith.addi %mul3A_289, %add3A_298 : i32
      %get3A_300 = arith.index_cast %add3A_299 : i32 to index
      %get3A_301 = tpu.vector_load %arg8[%get3A_300] {strides = array<i32>} : memref<8192xi32, #tpu.memory_space<vmem>>, vector<16xi32>,
      %add3A_302 = arith.constant 48 : i32
      %add3A_303 = arith.addi %mul3A_289, %add3A_302 : i32
      %get3A_304 = arith.index_cast %add3A_303 : i32 to index
      %get3A_305 = tpu.vector_load %arg8[%get3A_304] {strides = array<i32>} : memref<8192xi32, #tpu.memory_space<vmem>>, vector<16xi32>,
      %add3A_306 = arith.constant 64 : i32
      %add3A_307 = arith.addi %mul3A_289, %add3A_306 : i32
      %get3A_308 = arith.index_cast %add3A_307 : i32 to index
      %get3A_309 = tpu.vector_load %arg8[%get3A_308] {strides = array<i32>} : memref<8192xi32, #tpu.memory_space<vmem>>, vector<16xi32>,
      %add3A_310 = arith.constant 80 : i32
      %add3A_311 = arith.addi %mul3A_289, %add3A_310 : i32
      %get3A_312 = arith.index_cast %add3A_311 : i32 to index
      %get3A_313 = tpu.vector_load %arg8[%get3A_312] {strides = array<i32>} : memref<8192xi32, #tpu.memory_space<vmem>>, vector<16xi32>,
      %add3A_314 = arith.constant 96 : i32
      %add3A_315 = arith.addi %mul3A_289, %add3A_314 : i32
      %get3A_316 = arith.index_cast %add3A_315 : i32 to index
      %get3A_317 = tpu.vector_load %arg8[%get3A_316] {strides = array<i32>} : memref<8192xi32, #tpu.memory_space<vmem>>, vector<16xi32>,
      %add3A_318 = arith.constant 112 : i32
      %add3A_319 = arith.addi %mul3A_289, %add3A_318 : i32
      %get3A_320 = arith.index_cast %add3A_319 : i32 to index
      %get3A_321 = tpu.vector_load %arg8[%get3A_320] {strides = array<i32>} : memref<8192xi32, #tpu.memory_space<vmem>>, vector<16xi32>,
      %parallel_loop3A_322 = arith.constant 0 : i32
      %parallel_loop3A_323 = arith.constant 64 : i32
      %parallel_loop3A_324 = arith.constant 1 : i32
      scf.for %parallel_loop3A_486 = %parallel_loop3A_322 to %parallel_loop3A_323 step %parallel_loop3A_324  : i32 {
        %parallel_loop3A_487 = arith.constant 16 : i32
        %parallel_loop3A_488 = arith.muli %parallel_loop3A_486, %parallel_loop3A_487 : i32
        %parallel_loop3A_489 = arith.index_cast %parallel_loop3A_488 : i32 to index
        %parallel_loop3A_490 = tpu.vector_load %arg7[%parallel_loop3A_489] {strides = array<i32>} : memref<1024xi32, #tpu.memory_space<vmem>>, vector<16xi32>,
        %parallel_loop3A_491 = arith.subi %get3A_293, %parallel_loop3A_490 : vector<16xi32>
        %parallel_loop3A_492 = tpu.vector_load_idx %arg6[%parallel_loop3A_491] : memref<63504xf32, #tpu.memory_space<vmem>>[vector<16xi32>], vector<16xf32>,
        %parallel_loop3A_493 = arith.constant 16 : i32
        %parallel_loop3A_494 = arith.muli %parallel_loop3A_486, %parallel_loop3A_493 : i32
        %parallel_loop3A_495 = arith.constant 1 : i32
        %parallel_loop3A_496 = arith.constant 0 : i32
        %parallel_loop3A_497 = arith.index_cast %parallel_loop3A_495 : i32 to index
        %parallel_loop3A_498 = arith.index_cast %parallel_loop3A_496 : i32 to index
        %parallel_loop3A_499 = arith.index_cast %parallel_loop3A_494 : i32 to index
        %parallel_loop3A_500 = tpu.vector_load %arg9[%parallel_loop3A_497, %parallel_loop3A_498, %parallel_loop3A_499] {strides = array<i32>} : memref<4x8x1024xf32, #tpu.memory_space<vmem>>, vector<16xf32>,
        tpu.vector_store %arg9[%parallel_loop3A_497, %parallel_loop3A_498, %parallel_loop3A_499], %parallel_loop3A_492 {strides = array<i32>} : memref<4x8x1024xf32, #tpu.memory_space<vmem>>, vector<16xf32>,
        %parallel_loop3A_501 = arith.subi %get3A_297, %parallel_loop3A_490 : vector<16xi32>
        %parallel_loop3A_502 = tpu.vector_load_idx %arg6[%parallel_loop3A_501] : memref<63504xf32, #tpu.memory_space<vmem>>[vector<16xi32>], vector<16xf32>,
        %parallel_loop3A_503 = arith.constant 16 : i32
        %parallel_loop3A_504 = arith.muli %parallel_loop3A_486, %parallel_loop3A_503 : i32
        %parallel_loop3A_505 = arith.constant 1 : i32
        %parallel_loop3A_506 = arith.constant 1 : i32
        %parallel_loop3A_507 = arith.index_cast %parallel_loop3A_505 : i32 to index
        %parallel_loop3A_508 = arith.index_cast %parallel_loop3A_506 : i32 to index
        %parallel_loop3A_509 = arith.index_cast %parallel_loop3A_504 : i32 to index
        %parallel_loop3A_510 = tpu.vector_load %arg9[%parallel_loop3A_507, %parallel_loop3A_508, %parallel_loop3A_509] {strides = array<i32>} : memref<4x8x1024xf32, #tpu.memory_space<vmem>>, vector<16xf32>,
        tpu.vector_store %arg9[%parallel_loop3A_507, %parallel_loop3A_508, %parallel_loop3A_509], %parallel_loop3A_502 {strides = array<i32>} : memref<4x8x1024xf32, #tpu.memory_space<vmem>>, vector<16xf32>,
        %parallel_loop3A_511 = arith.subi %get3A_301, %parallel_loop3A_490 : vector<16xi32>
        %parallel_loop3A_512 = tpu.vector_load_idx %arg6[%parallel_loop3A_511] : memref<63504xf32, #tpu.memory_space<vmem>>[vector<16xi32>], vector<16xf32>,
        %parallel_loop3A_513 = arith.constant 16 : i32
        %parallel_loop3A_514 = arith.muli %parallel_loop3A_486, %parallel_loop3A_513 : i32
        %parallel_loop3A_515 = arith.constant 1 : i32
        %parallel_loop3A_516 = arith.constant 2 : i32
        %parallel_loop3A_517 = arith.index_cast %parallel_loop3A_515 : i32 to index
        %parallel_loop3A_518 = arith.index_cast %parallel_loop3A_516 : i32 to index
        %parallel_loop3A_519 = arith.index_cast %parallel_loop3A_514 : i32 to index
        %parallel_loop3A_520 = tpu.vector_load %arg9[%parallel_loop3A_517, %parallel_loop3A_518, %parallel_loop3A_519] {strides = array<i32>} : memref<4x8x1024xf32, #tpu.memory_space<vmem>>, vector<16xf32>,
        tpu.vector_store %arg9[%parallel_loop3A_517, %parallel_loop3A_518, %parallel_loop3A_519], %parallel_loop3A_512 {strides = array<i32>} : memref<4x8x1024xf32, #tpu.memory_space<vmem>>, vector<16xf32>,
        %parallel_loop3A_521 = arith.subi %get3A_305, %parallel_loop3A_490 : vector<16xi32>
        %parallel_loop3A_522 = tpu.vector_load_idx %arg6[%parallel_loop3A_521] : memref<63504xf32, #tpu.memory_space<vmem>>[vector<16xi32>], vector<16xf32>,
        %parallel_loop3A_523 = arith.constant 16 : i32
        %parallel_loop3A_524 = arith.muli %parallel_loop3A_486, %parallel_loop3A_523 : i32
        %parallel_loop3A_525 = arith.constant 1 : i32
        %parallel_loop3A_526 = arith.constant 3 : i32
        %parallel_loop3A_527 = arith.index_cast %parallel_loop3A_525 : i32 to index
        %parallel_loop3A_528 = arith.index_cast %parallel_loop3A_526 : i32 to index
        %parallel_loop3A_529 = arith.index_cast %parallel_loop3A_524 : i32 to index
        %parallel_loop3A_530 = tpu.vector_load %arg9[%parallel_loop3A_527, %parallel_loop3A_528, %parallel_loop3A_529] {strides = array<i32>} : memref<4x8x1024xf32, #tpu.memory_space<vmem>>, vector<16xf32>,
        tpu.vector_store %arg9[%parallel_loop3A_527, %parallel_loop3A_528, %parallel_loop3A_529], %parallel_loop3A_522 {strides = array<i32>} : memref<4x8x1024xf32, #tpu.memory_space<vmem>>, vector<16xf32>,
        %parallel_loop3A_531 = arith.subi %get3A_309, %parallel_loop3A_490 : vector<16xi32>
        %parallel_loop3A_532 = tpu.vector_load_idx %arg6[%parallel_loop3A_531] : memref<63504xf32, #tpu.memory_space<vmem>>[vector<16xi32>], vector<16xf32>,
        %parallel_loop3A_533 = arith.constant 16 : i32
        %parallel_loop3A_534 = arith.muli %parallel_loop3A_486, %parallel_loop3A_533 : i32
        %parallel_loop3A_535 = arith.constant 1 : i32
        %parallel_loop3A_536 = arith.constant 4 : i32
        %parallel_loop3A_537 = arith.index_cast %parallel_loop3A_535 : i32 to index
        %parallel_loop3A_538 = arith.index_cast %parallel_loop3A_536 : i32 to index
        %parallel_loop3A_539 = arith.index_cast %parallel_loop3A_534 : i32 to index
        %parallel_loop3A_540 = tpu.vector_load %arg9[%parallel_loop3A_537, %parallel_loop3A_538, %parallel_loop3A_539] {strides = array<i32>} : memref<4x8x1024xf32, #tpu.memory_space<vmem>>, vector<16xf32>,
        tpu.vector_store %arg9[%parallel_loop3A_537, %parallel_loop3A_538, %parallel_loop3A_539], %parallel_loop3A_532 {strides = array<i32>} : memref<4x8x1024xf32, #tpu.memory_space<vmem>>, vector<16xf32>,
        %parallel_loop3A_541 = arith.subi %get3A_313, %parallel_loop3A_490 : vector<16xi32>
        %parallel_loop3A_542 = tpu.vector_load_idx %arg6[%parallel_loop3A_541] : memref<63504xf32, #tpu.memory_space<vmem>>[vector<16xi32>], vector<16xf32>,
        %parallel_loop3A_543 = arith.constant 16 : i32
        %parallel_loop3A_544 = arith.muli %parallel_loop3A_486, %parallel_loop3A_543 : i32
        %parallel_loop3A_545 = arith.constant 1 : i32
        %parallel_loop3A_546 = arith.constant 5 : i32
        %parallel_loop3A_547 = arith.index_cast %parallel_loop3A_545 : i32 to index
        %parallel_loop3A_548 = arith.index_cast %parallel_loop3A_546 : i32 to index
        %parallel_loop3A_549 = arith.index_cast %parallel_loop3A_544 : i32 to index
        %parallel_loop3A_550 = tpu.vector_load %arg9[%parallel_loop3A_547, %parallel_loop3A_548, %parallel_loop3A_549] {strides = array<i32>} : memref<4x8x1024xf32, #tpu.memory_space<vmem>>, vector<16xf32>,
        tpu.vector_store %arg9[%parallel_loop3A_547, %parallel_loop3A_548, %parallel_loop3A_549], %parallel_loop3A_542 {strides = array<i32>} : memref<4x8x1024xf32, #tpu.memory_space<vmem>>, vector<16xf32>,
        %parallel_loop3A_551 = arith.subi %get3A_317, %parallel_loop3A_490 : vector<16xi32>
        %parallel_loop3A_552 = tpu.vector_load_idx %arg6[%parallel_loop3A_551] : memref<63504xf32, #tpu.memory_space<vmem>>[vector<16xi32>], vector<16xf32>,
        %parallel_loop3A_553 = arith.constant 16 : i32
        %parallel_loop3A_554 = arith.muli %parallel_loop3A_486, %parallel_loop3A_553 : i32
        %parallel_loop3A_555 = arith.constant 1 : i32
        %parallel_loop3A_556 = arith.constant 6 : i32
        %parallel_loop3A_557 = arith.index_cast %parallel_loop3A_555 : i32 to index
        %parallel_loop3A_558 = arith.index_cast %parallel_loop3A_556 : i32 to index
        %parallel_loop3A_559 = arith.index_cast %parallel_loop3A_554 : i32 to index
        %parallel_loop3A_560 = tpu.vector_load %arg9[%parallel_loop3A_557, %parallel_loop3A_558, %parallel_loop3A_559] {strides = array<i32>} : memref<4x8x1024xf32, #tpu.memory_space<vmem>>, vector<16xf32>,
        tpu.vector_store %arg9[%parallel_loop3A_557, %parallel_loop3A_558, %parallel_loop3A_559], %parallel_loop3A_552 {strides = array<i32>} : memref<4x8x1024xf32, #tpu.memory_space<vmem>>, vector<16xf32>,
        %parallel_loop3A_561 = arith.subi %get3A_321, %parallel_loop3A_490 : vector<16xi32>
        %parallel_loop3A_562 = tpu.vector_load_idx %arg6[%parallel_loop3A_561] : memref<63504xf32, #tpu.memory_space<vmem>>[vector<16xi32>], vector<16xf32>,
        %parallel_loop3A_563 = arith.constant 16 : i32
        %parallel_loop3A_564 = arith.muli %parallel_loop3A_486, %parallel_loop3A_563 : i32
        %parallel_loop3A_565 = arith.constant 1 : i32
        %parallel_loop3A_566 = arith.constant 7 : i32
        %parallel_loop3A_567 = arith.index_cast %parallel_loop3A_565 : i32 to index
        %parallel_loop3A_568 = arith.index_cast %parallel_loop3A_566 : i32 to index
        %parallel_loop3A_569 = arith.index_cast %parallel_loop3A_564 : i32 to index
        %parallel_loop3A_570 = tpu.vector_load %arg9[%parallel_loop3A_567, %parallel_loop3A_568, %parallel_loop3A_569] {strides = array<i32>} : memref<4x8x1024xf32, #tpu.memory_space<vmem>>, vector<16xf32>,
        tpu.vector_store %arg9[%parallel_loop3A_567, %parallel_loop3A_568, %parallel_loop3A_569], %parallel_loop3A_562 {strides = array<i32>} : memref<4x8x1024xf32, #tpu.memory_space<vmem>>, vector<16xf32>,
      } {sc.loop_unroll_factor = 8 : i64, sc.parallel_access}
      %mul3A_325 = arith.constant 8 : i32
      %mul3A_326 = arith.muli %add3A_274, %mul3A_325 : i32
      %add3A_327 = arith.addi %mul3A_2, %mul3A_326 : i32
      %dma_start3A_328 = arith.constant 1 : i32
      %dma_start3A_329 = arith.constant 0 : i32
      %dma_start3A_330 = arith.constant 0 : i32
      %dma_start3A_331 = tpu.memref_slice %arg9[%dma_start3A_328, %dma_start3A_329, %dma_start3A_330] : memref<4x8x1024xf32, #tpu.memory_space<vmem>> -> memref<1x8x1024xf32, #tpu.memory_space<vmem>>
      %dma_start3A_332 = tpu.memref_squeeze %dma_start3A_331 : memref<1x8x1024xf32, #tpu.memory_space<vmem>> -> memref<8x1024xf32, #tpu.memory_space<vmem>>
      %dma_start3A_333 = arith.constant 0 : i32
      %dma_start3A_334 = tpu.memref_slice %arg5[%add3A_327, %dma_start3A_333] : memref<16384x1024xf32, #tpu.memory_space<hbm>> -> memref<8x1024xf32, #tpu.memory_space<hbm>>
      %dma_start3A_335 = arith.constant 0 : i32
      %dma_start3A_336 = tpu.memref_slice %arg5[%add3A_327, %dma_start3A_335] : memref<16384x1024xf32, #tpu.memory_space<hbm>> -> memref<8x1024xf32, #tpu.memory_space<hbm>>
      %dma_start3A_337 = arith.constant 0 : i32
      %dma_start3A_338 = arith.constant 0 : i32
      %dma_start3A_339 = tpu.memref_slice %arg9[%dma_start3A_328, %dma_start3A_337, %dma_start3A_338] : memref<4x8x1024xf32, #tpu.memory_space<vmem>> -> memref<1x8x1024xf32, #tpu.memory_space<vmem>>
      %dma_start3A_340 = tpu.memref_squeeze %dma_start3A_339 : memref<1x8x1024xf32, #tpu.memory_space<vmem>> -> memref<8x1024xf32, #tpu.memory_space<vmem>>
      tpu.enqueue_dma source(%dma_start3A_340 : memref<8x1024xf32, #tpu.memory_space<vmem>>) target(%dma_start3A_336 : memref<8x1024xf32, #tpu.memory_space<hbm>>) target_semaphore(%arg11 : memref<!tpu.dma_semaphore, #tpu.memory_space<semaphore_mem>>)
      %mul3A_341 = arith.constant 4 : i32
      %mul3A_342 = arith.muli %scan3A_195, %mul3A_341 : i32
      %add3A_343 = arith.constant 4 : i32
      %add3A_344 = arith.addi %mul3A_342, %add3A_343 : i32
      %add3A_345 = arith.constant 2 : i32
      %add3A_346 = arith.addi %add3A_344, %add3A_345 : i32
      %dma_wait3A_347 = arith.constant 2 : i32
      %dma_wait3A_348 = arith.constant 0 : i32
      %dma_wait3A_349 = arith.constant 0 : i32
      %dma_wait3A_350 = tpu.memref_slice %arg9[%dma_wait3A_347, %dma_wait3A_348, %dma_wait3A_349] : memref<4x8x1024xf32, #tpu.memory_space<vmem>> -> memref<1x8x1024xf32, #tpu.memory_space<vmem>>
      %dma_wait3A_351 = tpu.memref_squeeze %dma_wait3A_350 : memref<1x8x1024xf32, #tpu.memory_space<vmem>> -> memref<8x1024xf32, #tpu.memory_space<vmem>>
      %dma_wait3A_352 = arith.constant 0 : i32
      %dma_wait3A_353 = tpu.memref_slice %arg5[%mul3A_2, %dma_wait3A_352] : memref<16384x1024xf32, #tpu.memory_space<hbm>> -> memref<8x1024xf32, #tpu.memory_space<hbm>>
      %dma_wait3A_354 = arith.constant 0 : i32
      %dma_wait3A_355 = tpu.memref_slice %arg5[%mul3A_2, %dma_wait3A_354] : memref<16384x1024xf32, #tpu.memory_space<hbm>> -> memref<8x1024xf32, #tpu.memory_space<hbm>>
      %dma_wait3A_356 = arith.constant 0 : i32
      %dma_wait3A_357 = arith.constant 0 : i32
      %dma_wait3A_358 = tpu.memref_slice %arg9[%dma_wait3A_347, %dma_wait3A_356, %dma_wait3A_357] : memref<4x8x1024xf32, #tpu.memory_space<vmem>> -> memref<1x8x1024xf32, #tpu.memory_space<vmem>>
      %dma_wait3A_359 = tpu.memref_squeeze %dma_wait3A_358 : memref<1x8x1024xf32, #tpu.memory_space<vmem>> -> memref<8x1024xf32, #tpu.memory_space<vmem>>
      tpu.wait_dma2 semaphore(%arg12 : memref<!tpu.dma_semaphore, #tpu.memory_space<semaphore_mem>>) src(%dma_wait3A_359 : memref<8x1024xf32, #tpu.memory_space<vmem>>) dst(%dma_wait3A_355 : memref<8x1024xf32, #tpu.memory_space<hbm>>)
      %mul3A_360 = arith.constant 128 : i32
      %mul3A_361 = arith.muli %add3A_346, %mul3A_360 : i32
      %add3A_362 = arith.constant 0 : i32
      %add3A_363 = arith.addi %mul3A_361, %add3A_362 : i32
      %get3A_364 = arith.index_cast %add3A_363 : i32 to index
      %get3A_365 = tpu.vector_load %arg8[%get3A_364] {strides = array<i32>} : memref<8192xi32, #tpu.memory_space<vmem>>, vector<16xi32>,
      %add3A_366 = arith.constant 16 : i32
      %add3A_367 = arith.addi %mul3A_361, %add3A_366 : i32
      %get3A_368 = arith.index_cast %add3A_367 : i32 to index
      %get3A_369 = tpu.vector_load %arg8[%get3A_368] {strides = array<i32>} : memref<8192xi32, #tpu.memory_space<vmem>>, vector<16xi32>,
      %add3A_370 = arith.constant 32 : i32
      %add3A_371 = arith.addi %mul3A_361, %add3A_370 : i32
      %get3A_372 = arith.index_cast %add3A_371 : i32 to index
      %get3A_373 = tpu.vector_load %arg8[%get3A_372] {strides = array<i32>} : memref<8192xi32, #tpu.memory_space<vmem>>, vector<16xi32>,
      %add3A_374 = arith.constant 48 : i32
      %add3A_375 = arith.addi %mul3A_361, %add3A_374 : i32
      %get3A_376 = arith.index_cast %add3A_375 : i32 to index
      %get3A_377 = tpu.vector_load %arg8[%get3A_376] {strides = array<i32>} : memref<8192xi32, #tpu.memory_space<vmem>>, vector<16xi32>,
      %add3A_378 = arith.constant 64 : i32
      %add3A_379 = arith.addi %mul3A_361, %add3A_378 : i32
      %get3A_380 = arith.index_cast %add3A_379 : i32 to index
      %get3A_381 = tpu.vector_load %arg8[%get3A_380] {strides = array<i32>} : memref<8192xi32, #tpu.memory_space<vmem>>, vector<16xi32>,
      %add3A_382 = arith.constant 80 : i32
      %add3A_383 = arith.addi %mul3A_361, %add3A_382 : i32
      %get3A_384 = arith.index_cast %add3A_383 : i32 to index
      %get3A_385 = tpu.vector_load %arg8[%get3A_384] {strides = array<i32>} : memref<8192xi32, #tpu.memory_space<vmem>>, vector<16xi32>,
      %add3A_386 = arith.constant 96 : i32
      %add3A_387 = arith.addi %mul3A_361, %add3A_386 : i32
      %get3A_388 = arith.index_cast %add3A_387 : i32 to index
      %get3A_389 = tpu.vector_load %arg8[%get3A_388] {strides = array<i32>} : memref<8192xi32, #tpu.memory_space<vmem>>, vector<16xi32>,
      %add3A_390 = arith.constant 112 : i32
      %add3A_391 = arith.addi %mul3A_361, %add3A_390 : i32
      %get3A_392 = arith.index_cast %add3A_391 : i32 to index
      %get3A_393 = tpu.vector_load %arg8[%get3A_392] {strides = array<i32>} : memref<8192xi32, #tpu.memory_space<vmem>>, vector<16xi32>,
      %parallel_loop3A_394 = arith.constant 0 : i32
      %parallel_loop3A_395 = arith.constant 64 : i32
      %parallel_loop3A_396 = arith.constant 1 : i32
      scf.for %parallel_loop3A_486 = %parallel_loop3A_394 to %parallel_loop3A_395 step %parallel_loop3A_396  : i32 {
        %parallel_loop3A_487 = arith.constant 16 : i32
        %parallel_loop3A_488 = arith.muli %parallel_loop3A_486, %parallel_loop3A_487 : i32
        %parallel_loop3A_489 = arith.index_cast %parallel_loop3A_488 : i32 to index
        %parallel_loop3A_490 = tpu.vector_load %arg7[%parallel_loop3A_489] {strides = array<i32>} : memref<1024xi32, #tpu.memory_space<vmem>>, vector<16xi32>,
        %parallel_loop3A_491 = arith.subi %get3A_365, %parallel_loop3A_490 : vector<16xi32>
        %parallel_loop3A_492 = tpu.vector_load_idx %arg6[%parallel_loop3A_491] : memref<63504xf32, #tpu.memory_space<vmem>>[vector<16xi32>], vector<16xf32>,
        %parallel_loop3A_493 = arith.constant 16 : i32
        %parallel_loop3A_494 = arith.muli %parallel_loop3A_486, %parallel_loop3A_493 : i32
        %parallel_loop3A_495 = arith.constant 2 : i32
        %parallel_loop3A_496 = arith.constant 0 : i32
        %parallel_loop3A_497 = arith.index_cast %parallel_loop3A_495 : i32 to index
        %parallel_loop3A_498 = arith.index_cast %parallel_loop3A_496 : i32 to index
        %parallel_loop3A_499 = arith.index_cast %parallel_loop3A_494 : i32 to index
        %parallel_loop3A_500 = tpu.vector_load %arg9[%parallel_loop3A_497, %parallel_loop3A_498, %parallel_loop3A_499] {strides = array<i32>} : memref<4x8x1024xf32, #tpu.memory_space<vmem>>, vector<16xf32>,
        tpu.vector_store %arg9[%parallel_loop3A_497, %parallel_loop3A_498, %parallel_loop3A_499], %parallel_loop3A_492 {strides = array<i32>} : memref<4x8x1024xf32, #tpu.memory_space<vmem>>, vector<16xf32>,
        %parallel_loop3A_501 = arith.subi %get3A_369, %parallel_loop3A_490 : vector<16xi32>
        %parallel_loop3A_502 = tpu.vector_load_idx %arg6[%parallel_loop3A_501] : memref<63504xf32, #tpu.memory_space<vmem>>[vector<16xi32>], vector<16xf32>,
        %parallel_loop3A_503 = arith.constant 16 : i32
        %parallel_loop3A_504 = arith.muli %parallel_loop3A_486, %parallel_loop3A_503 : i32
        %parallel_loop3A_505 = arith.constant 2 : i32
        %parallel_loop3A_506 = arith.constant 1 : i32
        %parallel_loop3A_507 = arith.index_cast %parallel_loop3A_505 : i32 to index
        %parallel_loop3A_508 = arith.index_cast %parallel_loop3A_506 : i32 to index
        %parallel_loop3A_509 = arith.index_cast %parallel_loop3A_504 : i32 to index
        %parallel_loop3A_510 = tpu.vector_load %arg9[%parallel_loop3A_507, %parallel_loop3A_508, %parallel_loop3A_509] {strides = array<i32>} : memref<4x8x1024xf32, #tpu.memory_space<vmem>>, vector<16xf32>,
        tpu.vector_store %arg9[%parallel_loop3A_507, %parallel_loop3A_508, %parallel_loop3A_509], %parallel_loop3A_502 {strides = array<i32>} : memref<4x8x1024xf32, #tpu.memory_space<vmem>>, vector<16xf32>,
        %parallel_loop3A_511 = arith.subi %get3A_373, %parallel_loop3A_490 : vector<16xi32>
        %parallel_loop3A_512 = tpu.vector_load_idx %arg6[%parallel_loop3A_511] : memref<63504xf32, #tpu.memory_space<vmem>>[vector<16xi32>], vector<16xf32>,
        %parallel_loop3A_513 = arith.constant 16 : i32
        %parallel_loop3A_514 = arith.muli %parallel_loop3A_486, %parallel_loop3A_513 : i32
        %parallel_loop3A_515 = arith.constant 2 : i32
        %parallel_loop3A_516 = arith.constant 2 : i32
        %parallel_loop3A_517 = arith.index_cast %parallel_loop3A_515 : i32 to index
        %parallel_loop3A_518 = arith.index_cast %parallel_loop3A_516 : i32 to index
        %parallel_loop3A_519 = arith.index_cast %parallel_loop3A_514 : i32 to index
        %parallel_loop3A_520 = tpu.vector_load %arg9[%parallel_loop3A_517, %parallel_loop3A_518, %parallel_loop3A_519] {strides = array<i32>} : memref<4x8x1024xf32, #tpu.memory_space<vmem>>, vector<16xf32>,
        tpu.vector_store %arg9[%parallel_loop3A_517, %parallel_loop3A_518, %parallel_loop3A_519], %parallel_loop3A_512 {strides = array<i32>} : memref<4x8x1024xf32, #tpu.memory_space<vmem>>, vector<16xf32>,
        %parallel_loop3A_521 = arith.subi %get3A_377, %parallel_loop3A_490 : vector<16xi32>
        %parallel_loop3A_522 = tpu.vector_load_idx %arg6[%parallel_loop3A_521] : memref<63504xf32, #tpu.memory_space<vmem>>[vector<16xi32>], vector<16xf32>,
        %parallel_loop3A_523 = arith.constant 16 : i32
        %parallel_loop3A_524 = arith.muli %parallel_loop3A_486, %parallel_loop3A_523 : i32
        %parallel_loop3A_525 = arith.constant 2 : i32
        %parallel_loop3A_526 = arith.constant 3 : i32
        %parallel_loop3A_527 = arith.index_cast %parallel_loop3A_525 : i32 to index
        %parallel_loop3A_528 = arith.index_cast %parallel_loop3A_526 : i32 to index
        %parallel_loop3A_529 = arith.index_cast %parallel_loop3A_524 : i32 to index
        %parallel_loop3A_530 = tpu.vector_load %arg9[%parallel_loop3A_527, %parallel_loop3A_528, %parallel_loop3A_529] {strides = array<i32>} : memref<4x8x1024xf32, #tpu.memory_space<vmem>>, vector<16xf32>,
        tpu.vector_store %arg9[%parallel_loop3A_527, %parallel_loop3A_528, %parallel_loop3A_529], %parallel_loop3A_522 {strides = array<i32>} : memref<4x8x1024xf32, #tpu.memory_space<vmem>>, vector<16xf32>,
        %parallel_loop3A_531 = arith.subi %get3A_381, %parallel_loop3A_490 : vector<16xi32>
        %parallel_loop3A_532 = tpu.vector_load_idx %arg6[%parallel_loop3A_531] : memref<63504xf32, #tpu.memory_space<vmem>>[vector<16xi32>], vector<16xf32>,
        %parallel_loop3A_533 = arith.constant 16 : i32
        %parallel_loop3A_534 = arith.muli %parallel_loop3A_486, %parallel_loop3A_533 : i32
        %parallel_loop3A_535 = arith.constant 2 : i32
        %parallel_loop3A_536 = arith.constant 4 : i32
        %parallel_loop3A_537 = arith.index_cast %parallel_loop3A_535 : i32 to index
        %parallel_loop3A_538 = arith.index_cast %parallel_loop3A_536 : i32 to index
        %parallel_loop3A_539 = arith.index_cast %parallel_loop3A_534 : i32 to index
        %parallel_loop3A_540 = tpu.vector_load %arg9[%parallel_loop3A_537, %parallel_loop3A_538, %parallel_loop3A_539] {strides = array<i32>} : memref<4x8x1024xf32, #tpu.memory_space<vmem>>, vector<16xf32>,
        tpu.vector_store %arg9[%parallel_loop3A_537, %parallel_loop3A_538, %parallel_loop3A_539], %parallel_loop3A_532 {strides = array<i32>} : memref<4x8x1024xf32, #tpu.memory_space<vmem>>, vector<16xf32>,
        %parallel_loop3A_541 = arith.subi %get3A_385, %parallel_loop3A_490 : vector<16xi32>
        %parallel_loop3A_542 = tpu.vector_load_idx %arg6[%parallel_loop3A_541] : memref<63504xf32, #tpu.memory_space<vmem>>[vector<16xi32>], vector<16xf32>,
        %parallel_loop3A_543 = arith.constant 16 : i32
        %parallel_loop3A_544 = arith.muli %parallel_loop3A_486, %parallel_loop3A_543 : i32
        %parallel_loop3A_545 = arith.constant 2 : i32
        %parallel_loop3A_546 = arith.constant 5 : i32
        %parallel_loop3A_547 = arith.index_cast %parallel_loop3A_545 : i32 to index
        %parallel_loop3A_548 = arith.index_cast %parallel_loop3A_546 : i32 to index
        %parallel_loop3A_549 = arith.index_cast %parallel_loop3A_544 : i32 to index
        %parallel_loop3A_550 = tpu.vector_load %arg9[%parallel_loop3A_547, %parallel_loop3A_548, %parallel_loop3A_549] {strides = array<i32>} : memref<4x8x1024xf32, #tpu.memory_space<vmem>>, vector<16xf32>,
        tpu.vector_store %arg9[%parallel_loop3A_547, %parallel_loop3A_548, %parallel_loop3A_549], %parallel_loop3A_542 {strides = array<i32>} : memref<4x8x1024xf32, #tpu.memory_space<vmem>>, vector<16xf32>,
        %parallel_loop3A_551 = arith.subi %get3A_389, %parallel_loop3A_490 : vector<16xi32>
        %parallel_loop3A_552 = tpu.vector_load_idx %arg6[%parallel_loop3A_551] : memref<63504xf32, #tpu.memory_space<vmem>>[vector<16xi32>], vector<16xf32>,
        %parallel_loop3A_553 = arith.constant 16 : i32
        %parallel_loop3A_554 = arith.muli %parallel_loop3A_486, %parallel_loop3A_553 : i32
        %parallel_loop3A_555 = arith.constant 2 : i32
        %parallel_loop3A_556 = arith.constant 6 : i32
        %parallel_loop3A_557 = arith.index_cast %parallel_loop3A_555 : i32 to index
        %parallel_loop3A_558 = arith.index_cast %parallel_loop3A_556 : i32 to index
        %parallel_loop3A_559 = arith.index_cast %parallel_loop3A_554 : i32 to index
        %parallel_loop3A_560 = tpu.vector_load %arg9[%parallel_loop3A_557, %parallel_loop3A_558, %parallel_loop3A_559] {strides = array<i32>} : memref<4x8x1024xf32, #tpu.memory_space<vmem>>, vector<16xf32>,
        tpu.vector_store %arg9[%parallel_loop3A_557, %parallel_loop3A_558, %parallel_loop3A_559], %parallel_loop3A_552 {strides = array<i32>} : memref<4x8x1024xf32, #tpu.memory_space<vmem>>, vector<16xf32>,
        %parallel_loop3A_561 = arith.subi %get3A_393, %parallel_loop3A_490 : vector<16xi32>
        %parallel_loop3A_562 = tpu.vector_load_idx %arg6[%parallel_loop3A_561] : memref<63504xf32, #tpu.memory_space<vmem>>[vector<16xi32>], vector<16xf32>,
        %parallel_loop3A_563 = arith.constant 16 : i32
        %parallel_loop3A_564 = arith.muli %parallel_loop3A_486, %parallel_loop3A_563 : i32
        %parallel_loop3A_565 = arith.constant 2 : i32
        %parallel_loop3A_566 = arith.constant 7 : i32
        %parallel_loop3A_567 = arith.index_cast %parallel_loop3A_565 : i32 to index
        %parallel_loop3A_568 = arith.index_cast %parallel_loop3A_566 : i32 to index
        %parallel_loop3A_569 = arith.index_cast %parallel_loop3A_564 : i32 to index
        %parallel_loop3A_570 = tpu.vector_load %arg9[%parallel_loop3A_567, %parallel_loop3A_568, %parallel_loop3A_569] {strides = array<i32>} : memref<4x8x1024xf32, #tpu.memory_space<vmem>>, vector<16xf32>,
        tpu.vector_store %arg9[%parallel_loop3A_567, %parallel_loop3A_568, %parallel_loop3A_569], %parallel_loop3A_562 {strides = array<i32>} : memref<4x8x1024xf32, #tpu.memory_space<vmem>>, vector<16xf32>,
      } {sc.loop_unroll_factor = 8 : i64, sc.parallel_access}
      %mul3A_397 = arith.constant 8 : i32
      %mul3A_398 = arith.muli %add3A_346, %mul3A_397 : i32
      %add3A_399 = arith.addi %mul3A_2, %mul3A_398 : i32
      %dma_start3A_400 = arith.constant 2 : i32
      %dma_start3A_401 = arith.constant 0 : i32
      %dma_start3A_402 = arith.constant 0 : i32
      %dma_start3A_403 = tpu.memref_slice %arg9[%dma_start3A_400, %dma_start3A_401, %dma_start3A_402] : memref<4x8x1024xf32, #tpu.memory_space<vmem>> -> memref<1x8x1024xf32, #tpu.memory_space<vmem>>
      %dma_start3A_404 = tpu.memref_squeeze %dma_start3A_403 : memref<1x8x1024xf32, #tpu.memory_space<vmem>> -> memref<8x1024xf32, #tpu.memory_space<vmem>>
      %dma_start3A_405 = arith.constant 0 : i32
      %dma_start3A_406 = tpu.memref_slice %arg5[%add3A_399, %dma_start3A_405] : memref<16384x1024xf32, #tpu.memory_space<hbm>> -> memref<8x1024xf32, #tpu.memory_space<hbm>>
      %dma_start3A_407 = arith.constant 0 : i32
      %dma_start3A_408 = tpu.memref_slice %arg5[%add3A_399, %dma_start3A_407] : memref<16384x1024xf32, #tpu.memory_space<hbm>> -> memref<8x1024xf32, #tpu.memory_space<hbm>>
      %dma_start3A_409 = arith.constant 0 : i32
      %dma_start3A_410 = arith.constant 0 : i32
      %dma_start3A_411 = tpu.memref_slice %arg9[%dma_start3A_400, %dma_start3A_409, %dma_start3A_410] : memref<4x8x1024xf32, #tpu.memory_space<vmem>> -> memref<1x8x1024xf32, #tpu.memory_space<vmem>>
      %dma_start3A_412 = tpu.memref_squeeze %dma_start3A_411 : memref<1x8x1024xf32, #tpu.memory_space<vmem>> -> memref<8x1024xf32, #tpu.memory_space<vmem>>
      tpu.enqueue_dma source(%dma_start3A_412 : memref<8x1024xf32, #tpu.memory_space<vmem>>) target(%dma_start3A_408 : memref<8x1024xf32, #tpu.memory_space<hbm>>) target_semaphore(%arg12 : memref<!tpu.dma_semaphore, #tpu.memory_space<semaphore_mem>>)
      %mul3A_413 = arith.constant 4 : i32
      %mul3A_414 = arith.muli %scan3A_195, %mul3A_413 : i32
      %add3A_415 = arith.constant 4 : i32
      %add3A_416 = arith.addi %mul3A_414, %add3A_415 : i32
      %add3A_417 = arith.constant 3 : i32
      %add3A_418 = arith.addi %add3A_416, %add3A_417 : i32
      %dma_wait3A_419 = arith.constant 3 : i32
      %dma_wait3A_420 = arith.constant 0 : i32
      %dma_wait3A_421 = arith.constant 0 : i32
      %dma_wait3A_422 = tpu.memref_slice %arg9[%dma_wait3A_419, %dma_wait3A_420, %dma_wait3A_421] : memref<4x8x1024xf32, #tpu.memory_space<vmem>> -> memref<1x8x1024xf32, #tpu.memory_space<vmem>>
      %dma_wait3A_423 = tpu.memref_squeeze %dma_wait3A_422 : memref<1x8x1024xf32, #tpu.memory_space<vmem>> -> memref<8x1024xf32, #tpu.memory_space<vmem>>
      %dma_wait3A_424 = arith.constant 0 : i32
      %dma_wait3A_425 = tpu.memref_slice %arg5[%mul3A_2, %dma_wait3A_424] : memref<16384x1024xf32, #tpu.memory_space<hbm>> -> memref<8x1024xf32, #tpu.memory_space<hbm>>
      %dma_wait3A_426 = arith.constant 0 : i32
      %dma_wait3A_427 = tpu.memref_slice %arg5[%mul3A_2, %dma_wait3A_426] : memref<16384x1024xf32, #tpu.memory_space<hbm>> -> memref<8x1024xf32, #tpu.memory_space<hbm>>
      %dma_wait3A_428 = arith.constant 0 : i32
      %dma_wait3A_429 = arith.constant 0 : i32
      %dma_wait3A_430 = tpu.memref_slice %arg9[%dma_wait3A_419, %dma_wait3A_428, %dma_wait3A_429] : memref<4x8x1024xf32, #tpu.memory_space<vmem>> -> memref<1x8x1024xf32, #tpu.memory_space<vmem>>
      %dma_wait3A_431 = tpu.memref_squeeze %dma_wait3A_430 : memref<1x8x1024xf32, #tpu.memory_space<vmem>> -> memref<8x1024xf32, #tpu.memory_space<vmem>>
      tpu.wait_dma2 semaphore(%arg13 : memref<!tpu.dma_semaphore, #tpu.memory_space<semaphore_mem>>) src(%dma_wait3A_431 : memref<8x1024xf32, #tpu.memory_space<vmem>>) dst(%dma_wait3A_427 : memref<8x1024xf32, #tpu.memory_space<hbm>>)
      %mul3A_432 = arith.constant 128 : i32
      %mul3A_433 = arith.muli %add3A_418, %mul3A_432 : i32
      %add3A_434 = arith.constant 0 : i32
      %add3A_435 = arith.addi %mul3A_433, %add3A_434 : i32
      %get3A_436 = arith.index_cast %add3A_435 : i32 to index
      %get3A_437 = tpu.vector_load %arg8[%get3A_436] {strides = array<i32>} : memref<8192xi32, #tpu.memory_space<vmem>>, vector<16xi32>,
      %add3A_438 = arith.constant 16 : i32
      %add3A_439 = arith.addi %mul3A_433, %add3A_438 : i32
      %get3A_440 = arith.index_cast %add3A_439 : i32 to index
      %get3A_441 = tpu.vector_load %arg8[%get3A_440] {strides = array<i32>} : memref<8192xi32, #tpu.memory_space<vmem>>, vector<16xi32>,
      %add3A_442 = arith.constant 32 : i32
      %add3A_443 = arith.addi %mul3A_433, %add3A_442 : i32
      %get3A_444 = arith.index_cast %add3A_443 : i32 to index
      %get3A_445 = tpu.vector_load %arg8[%get3A_444] {strides = array<i32>} : memref<8192xi32, #tpu.memory_space<vmem>>, vector<16xi32>,
      %add3A_446 = arith.constant 48 : i32
      %add3A_447 = arith.addi %mul3A_433, %add3A_446 : i32
      %get3A_448 = arith.index_cast %add3A_447 : i32 to index
      %get3A_449 = tpu.vector_load %arg8[%get3A_448] {strides = array<i32>} : memref<8192xi32, #tpu.memory_space<vmem>>, vector<16xi32>,
      %add3A_450 = arith.constant 64 : i32
      %add3A_451 = arith.addi %mul3A_433, %add3A_450 : i32
      %get3A_452 = arith.index_cast %add3A_451 : i32 to index
      %get3A_453 = tpu.vector_load %arg8[%get3A_452] {strides = array<i32>} : memref<8192xi32, #tpu.memory_space<vmem>>, vector<16xi32>,
      %add3A_454 = arith.constant 80 : i32
      %add3A_455 = arith.addi %mul3A_433, %add3A_454 : i32
      %get3A_456 = arith.index_cast %add3A_455 : i32 to index
      %get3A_457 = tpu.vector_load %arg8[%get3A_456] {strides = array<i32>} : memref<8192xi32, #tpu.memory_space<vmem>>, vector<16xi32>,
      %add3A_458 = arith.constant 96 : i32
      %add3A_459 = arith.addi %mul3A_433, %add3A_458 : i32
      %get3A_460 = arith.index_cast %add3A_459 : i32 to index
      %get3A_461 = tpu.vector_load %arg8[%get3A_460] {strides = array<i32>} : memref<8192xi32, #tpu.memory_space<vmem>>, vector<16xi32>,
      %add3A_462 = arith.constant 112 : i32
      %add3A_463 = arith.addi %mul3A_433, %add3A_462 : i32
      %get3A_464 = arith.index_cast %add3A_463 : i32 to index
      %get3A_465 = tpu.vector_load %arg8[%get3A_464] {strides = array<i32>} : memref<8192xi32, #tpu.memory_space<vmem>>, vector<16xi32>,
      %parallel_loop3A_466 = arith.constant 0 : i32
      %parallel_loop3A_467 = arith.constant 64 : i32
      %parallel_loop3A_468 = arith.constant 1 : i32
      scf.for %parallel_loop3A_486 = %parallel_loop3A_466 to %parallel_loop3A_467 step %parallel_loop3A_468  : i32 {
        %parallel_loop3A_487 = arith.constant 16 : i32
        %parallel_loop3A_488 = arith.muli %parallel_loop3A_486, %parallel_loop3A_487 : i32
        %parallel_loop3A_489 = arith.index_cast %parallel_loop3A_488 : i32 to index
        %parallel_loop3A_490 = tpu.vector_load %arg7[%parallel_loop3A_489] {strides = array<i32>} : memref<1024xi32, #tpu.memory_space<vmem>>, vector<16xi32>,
        %parallel_loop3A_491 = arith.subi %get3A_437, %parallel_loop3A_490 : vector<16xi32>
        %parallel_loop3A_492 = tpu.vector_load_idx %arg6[%parallel_loop3A_491] : memref<63504xf32, #tpu.memory_space<vmem>>[vector<16xi32>], vector<16xf32>,
        %parallel_loop3A_493 = arith.constant 16 : i32
        %parallel_loop3A_494 = arith.muli %parallel_loop3A_486, %parallel_loop3A_493 : i32
        %parallel_loop3A_495 = arith.constant 3 : i32
        %parallel_loop3A_496 = arith.constant 0 : i32
        %parallel_loop3A_497 = arith.index_cast %parallel_loop3A_495 : i32 to index
        %parallel_loop3A_498 = arith.index_cast %parallel_loop3A_496 : i32 to index
        %parallel_loop3A_499 = arith.index_cast %parallel_loop3A_494 : i32 to index
        %parallel_loop3A_500 = tpu.vector_load %arg9[%parallel_loop3A_497, %parallel_loop3A_498, %parallel_loop3A_499] {strides = array<i32>} : memref<4x8x1024xf32, #tpu.memory_space<vmem>>, vector<16xf32>,
        tpu.vector_store %arg9[%parallel_loop3A_497, %parallel_loop3A_498, %parallel_loop3A_499], %parallel_loop3A_492 {strides = array<i32>} : memref<4x8x1024xf32, #tpu.memory_space<vmem>>, vector<16xf32>,
        %parallel_loop3A_501 = arith.subi %get3A_441, %parallel_loop3A_490 : vector<16xi32>
        %parallel_loop3A_502 = tpu.vector_load_idx %arg6[%parallel_loop3A_501] : memref<63504xf32, #tpu.memory_space<vmem>>[vector<16xi32>], vector<16xf32>,
        %parallel_loop3A_503 = arith.constant 16 : i32
        %parallel_loop3A_504 = arith.muli %parallel_loop3A_486, %parallel_loop3A_503 : i32
        %parallel_loop3A_505 = arith.constant 3 : i32
        %parallel_loop3A_506 = arith.constant 1 : i32
        %parallel_loop3A_507 = arith.index_cast %parallel_loop3A_505 : i32 to index
        %parallel_loop3A_508 = arith.index_cast %parallel_loop3A_506 : i32 to index
        %parallel_loop3A_509 = arith.index_cast %parallel_loop3A_504 : i32 to index
        %parallel_loop3A_510 = tpu.vector_load %arg9[%parallel_loop3A_507, %parallel_loop3A_508, %parallel_loop3A_509] {strides = array<i32>} : memref<4x8x1024xf32, #tpu.memory_space<vmem>>, vector<16xf32>,
        tpu.vector_store %arg9[%parallel_loop3A_507, %parallel_loop3A_508, %parallel_loop3A_509], %parallel_loop3A_502 {strides = array<i32>} : memref<4x8x1024xf32, #tpu.memory_space<vmem>>, vector<16xf32>,
        %parallel_loop3A_511 = arith.subi %get3A_445, %parallel_loop3A_490 : vector<16xi32>
        %parallel_loop3A_512 = tpu.vector_load_idx %arg6[%parallel_loop3A_511] : memref<63504xf32, #tpu.memory_space<vmem>>[vector<16xi32>], vector<16xf32>,
        %parallel_loop3A_513 = arith.constant 16 : i32
        %parallel_loop3A_514 = arith.muli %parallel_loop3A_486, %parallel_loop3A_513 : i32
        %parallel_loop3A_515 = arith.constant 3 : i32
        %parallel_loop3A_516 = arith.constant 2 : i32
        %parallel_loop3A_517 = arith.index_cast %parallel_loop3A_515 : i32 to index
        %parallel_loop3A_518 = arith.index_cast %parallel_loop3A_516 : i32 to index
        %parallel_loop3A_519 = arith.index_cast %parallel_loop3A_514 : i32 to index
        %parallel_loop3A_520 = tpu.vector_load %arg9[%parallel_loop3A_517, %parallel_loop3A_518, %parallel_loop3A_519] {strides = array<i32>} : memref<4x8x1024xf32, #tpu.memory_space<vmem>>, vector<16xf32>,
        tpu.vector_store %arg9[%parallel_loop3A_517, %parallel_loop3A_518, %parallel_loop3A_519], %parallel_loop3A_512 {strides = array<i32>} : memref<4x8x1024xf32, #tpu.memory_space<vmem>>, vector<16xf32>,
        %parallel_loop3A_521 = arith.subi %get3A_449, %parallel_loop3A_490 : vector<16xi32>
        %parallel_loop3A_522 = tpu.vector_load_idx %arg6[%parallel_loop3A_521] : memref<63504xf32, #tpu.memory_space<vmem>>[vector<16xi32>], vector<16xf32>,
        %parallel_loop3A_523 = arith.constant 16 : i32
        %parallel_loop3A_524 = arith.muli %parallel_loop3A_486, %parallel_loop3A_523 : i32
        %parallel_loop3A_525 = arith.constant 3 : i32
        %parallel_loop3A_526 = arith.constant 3 : i32
        %parallel_loop3A_527 = arith.index_cast %parallel_loop3A_525 : i32 to index
        %parallel_loop3A_528 = arith.index_cast %parallel_loop3A_526 : i32 to index
        %parallel_loop3A_529 = arith.index_cast %parallel_loop3A_524 : i32 to index
        %parallel_loop3A_530 = tpu.vector_load %arg9[%parallel_loop3A_527, %parallel_loop3A_528, %parallel_loop3A_529] {strides = array<i32>} : memref<4x8x1024xf32, #tpu.memory_space<vmem>>, vector<16xf32>,
        tpu.vector_store %arg9[%parallel_loop3A_527, %parallel_loop3A_528, %parallel_loop3A_529], %parallel_loop3A_522 {strides = array<i32>} : memref<4x8x1024xf32, #tpu.memory_space<vmem>>, vector<16xf32>,
        %parallel_loop3A_531 = arith.subi %get3A_453, %parallel_loop3A_490 : vector<16xi32>
        %parallel_loop3A_532 = tpu.vector_load_idx %arg6[%parallel_loop3A_531] : memref<63504xf32, #tpu.memory_space<vmem>>[vector<16xi32>], vector<16xf32>,
        %parallel_loop3A_533 = arith.constant 16 : i32
        %parallel_loop3A_534 = arith.muli %parallel_loop3A_486, %parallel_loop3A_533 : i32
        %parallel_loop3A_535 = arith.constant 3 : i32
        %parallel_loop3A_536 = arith.constant 4 : i32
        %parallel_loop3A_537 = arith.index_cast %parallel_loop3A_535 : i32 to index
        %parallel_loop3A_538 = arith.index_cast %parallel_loop3A_536 : i32 to index
        %parallel_loop3A_539 = arith.index_cast %parallel_loop3A_534 : i32 to index
        %parallel_loop3A_540 = tpu.vector_load %arg9[%parallel_loop3A_537, %parallel_loop3A_538, %parallel_loop3A_539] {strides = array<i32>} : memref<4x8x1024xf32, #tpu.memory_space<vmem>>, vector<16xf32>,
        tpu.vector_store %arg9[%parallel_loop3A_537, %parallel_loop3A_538, %parallel_loop3A_539], %parallel_loop3A_532 {strides = array<i32>} : memref<4x8x1024xf32, #tpu.memory_space<vmem>>, vector<16xf32>,
        %parallel_loop3A_541 = arith.subi %get3A_457, %parallel_loop3A_490 : vector<16xi32>
        %parallel_loop3A_542 = tpu.vector_load_idx %arg6[%parallel_loop3A_541] : memref<63504xf32, #tpu.memory_space<vmem>>[vector<16xi32>], vector<16xf32>,
        %parallel_loop3A_543 = arith.constant 16 : i32
        %parallel_loop3A_544 = arith.muli %parallel_loop3A_486, %parallel_loop3A_543 : i32
        %parallel_loop3A_545 = arith.constant 3 : i32
        %parallel_loop3A_546 = arith.constant 5 : i32
        %parallel_loop3A_547 = arith.index_cast %parallel_loop3A_545 : i32 to index
        %parallel_loop3A_548 = arith.index_cast %parallel_loop3A_546 : i32 to index
        %parallel_loop3A_549 = arith.index_cast %parallel_loop3A_544 : i32 to index
        %parallel_loop3A_550 = tpu.vector_load %arg9[%parallel_loop3A_547, %parallel_loop3A_548, %parallel_loop3A_549] {strides = array<i32>} : memref<4x8x1024xf32, #tpu.memory_space<vmem>>, vector<16xf32>,
        tpu.vector_store %arg9[%parallel_loop3A_547, %parallel_loop3A_548, %parallel_loop3A_549], %parallel_loop3A_542 {strides = array<i32>} : memref<4x8x1024xf32, #tpu.memory_space<vmem>>, vector<16xf32>,
        %parallel_loop3A_551 = arith.subi %get3A_461, %parallel_loop3A_490 : vector<16xi32>
        %parallel_loop3A_552 = tpu.vector_load_idx %arg6[%parallel_loop3A_551] : memref<63504xf32, #tpu.memory_space<vmem>>[vector<16xi32>], vector<16xf32>,
        %parallel_loop3A_553 = arith.constant 16 : i32
        %parallel_loop3A_554 = arith.muli %parallel_loop3A_486, %parallel_loop3A_553 : i32
        %parallel_loop3A_555 = arith.constant 3 : i32
        %parallel_loop3A_556 = arith.constant 6 : i32
        %parallel_loop3A_557 = arith.index_cast %parallel_loop3A_555 : i32 to index
        %parallel_loop3A_558 = arith.index_cast %parallel_loop3A_556 : i32 to index
        %parallel_loop3A_559 = arith.index_cast %parallel_loop3A_554 : i32 to index
        %parallel_loop3A_560 = tpu.vector_load %arg9[%parallel_loop3A_557, %parallel_loop3A_558, %parallel_loop3A_559] {strides = array<i32>} : memref<4x8x1024xf32, #tpu.memory_space<vmem>>, vector<16xf32>,
        tpu.vector_store %arg9[%parallel_loop3A_557, %parallel_loop3A_558, %parallel_loop3A_559], %parallel_loop3A_552 {strides = array<i32>} : memref<4x8x1024xf32, #tpu.memory_space<vmem>>, vector<16xf32>,
        %parallel_loop3A_561 = arith.subi %get3A_465, %parallel_loop3A_490 : vector<16xi32>
        %parallel_loop3A_562 = tpu.vector_load_idx %arg6[%parallel_loop3A_561] : memref<63504xf32, #tpu.memory_space<vmem>>[vector<16xi32>], vector<16xf32>,
        %parallel_loop3A_563 = arith.constant 16 : i32
        %parallel_loop3A_564 = arith.muli %parallel_loop3A_486, %parallel_loop3A_563 : i32
        %parallel_loop3A_565 = arith.constant 3 : i32
        %parallel_loop3A_566 = arith.constant 7 : i32
        %parallel_loop3A_567 = arith.index_cast %parallel_loop3A_565 : i32 to index
        %parallel_loop3A_568 = arith.index_cast %parallel_loop3A_566 : i32 to index
        %parallel_loop3A_569 = arith.index_cast %parallel_loop3A_564 : i32 to index
        %parallel_loop3A_570 = tpu.vector_load %arg9[%parallel_loop3A_567, %parallel_loop3A_568, %parallel_loop3A_569] {strides = array<i32>} : memref<4x8x1024xf32, #tpu.memory_space<vmem>>, vector<16xf32>,
        tpu.vector_store %arg9[%parallel_loop3A_567, %parallel_loop3A_568, %parallel_loop3A_569], %parallel_loop3A_562 {strides = array<i32>} : memref<4x8x1024xf32, #tpu.memory_space<vmem>>, vector<16xf32>,
      } {sc.loop_unroll_factor = 8 : i64, sc.parallel_access}
      %mul3A_469 = arith.constant 8 : i32
      %mul3A_470 = arith.muli %add3A_418, %mul3A_469 : i32
      %add3A_471 = arith.addi %mul3A_2, %mul3A_470 : i32
      %dma_start3A_472 = arith.constant 3 : i32
      %dma_start3A_473 = arith.constant 0 : i32
      %dma_start3A_474 = arith.constant 0 : i32
      %dma_start3A_475 = tpu.memref_slice %arg9[%dma_start3A_472, %dma_start3A_473, %dma_start3A_474] : memref<4x8x1024xf32, #tpu.memory_space<vmem>> -> memref<1x8x1024xf32, #tpu.memory_space<vmem>>
      %dma_start3A_476 = tpu.memref_squeeze %dma_start3A_475 : memref<1x8x1024xf32, #tpu.memory_space<vmem>> -> memref<8x1024xf32, #tpu.memory_space<vmem>>
      %dma_start3A_477 = arith.constant 0 : i32
      %dma_start3A_478 = tpu.memref_slice %arg5[%add3A_471, %dma_start3A_477] : memref<16384x1024xf32, #tpu.memory_space<hbm>> -> memref<8x1024xf32, #tpu.memory_space<hbm>>
      %dma_start3A_479 = arith.constant 0 : i32
      %dma_start3A_480 = tpu.memref_slice %arg5[%add3A_471, %dma_start3A_479] : memref<16384x1024xf32, #tpu.memory_space<hbm>> -> memref<8x1024xf32, #tpu.memory_space<hbm>>
      %dma_start3A_481 = arith.constant 0 : i32
      %dma_start3A_482 = arith.constant 0 : i32
      %dma_start3A_483 = tpu.memref_slice %arg9[%dma_start3A_472, %dma_start3A_481, %dma_start3A_482] : memref<4x8x1024xf32, #tpu.memory_space<vmem>> -> memref<1x8x1024xf32, #tpu.memory_space<vmem>>
      %dma_start3A_484 = tpu.memref_squeeze %dma_start3A_483 : memref<1x8x1024xf32, #tpu.memory_space<vmem>> -> memref<8x1024xf32, #tpu.memory_space<vmem>>
      tpu.enqueue_dma source(%dma_start3A_484 : memref<8x1024xf32, #tpu.memory_space<vmem>>) target(%dma_start3A_480 : memref<8x1024xf32, #tpu.memory_space<hbm>>) target_semaphore(%arg13 : memref<!tpu.dma_semaphore, #tpu.memory_space<semaphore_mem>>)
      %scan3A_485 = arith.constant 0 : i32
      scf.yield %scan3A_485 : i32
    }
    %scan3A_143 = arith.constant 15 : i32
    %dma_wait3A = arith.constant 0 : i32
    %dma_wait3A_144 = arith.constant 0 : i32
    %dma_wait3A_145 = arith.constant 0 : i32
    %dma_wait3A_146 = tpu.memref_slice %arg9[%dma_wait3A, %dma_wait3A_144, %dma_wait3A_145] : memref<4x8x1024xf32, #tpu.memory_space<vmem>> -> memref<1x8x1024xf32, #tpu.memory_space<vmem>>
    %dma_wait3A_147 = tpu.memref_squeeze %dma_wait3A_146 : memref<1x8x1024xf32, #tpu.memory_space<vmem>> -> memref<8x1024xf32, #tpu.memory_space<vmem>>
    %dma_wait3A_148 = arith.constant 0 : i32
    %dma_wait3A_149 = tpu.memref_slice %arg5[%mul3A_2, %dma_wait3A_148] : memref<16384x1024xf32, #tpu.memory_space<hbm>> -> memref<8x1024xf32, #tpu.memory_space<hbm>>
    %dma_wait3A_150 = arith.constant 0 : i32
    %dma_wait3A_151 = tpu.memref_slice %arg5[%mul3A_2, %dma_wait3A_150] : memref<16384x1024xf32, #tpu.memory_space<hbm>> -> memref<8x1024xf32, #tpu.memory_space<hbm>>
    %dma_wait3A_152 = arith.constant 0 : i32
    %dma_wait3A_153 = arith.constant 0 : i32
    %dma_wait3A_154 = tpu.memref_slice %arg9[%dma_wait3A, %dma_wait3A_152, %dma_wait3A_153] : memref<4x8x1024xf32, #tpu.memory_space<vmem>> -> memref<1x8x1024xf32, #tpu.memory_space<vmem>>
    %dma_wait3A_155 = tpu.memref_squeeze %dma_wait3A_154 : memref<1x8x1024xf32, #tpu.memory_space<vmem>> -> memref<8x1024xf32, #tpu.memory_space<vmem>>
    tpu.wait_dma2 semaphore(%arg10 : memref<!tpu.dma_semaphore, #tpu.memory_space<semaphore_mem>>) src(%dma_wait3A_155 : memref<8x1024xf32, #tpu.memory_space<vmem>>) dst(%dma_wait3A_151 : memref<8x1024xf32, #tpu.memory_space<hbm>>)
    %dma_wait3A_156 = arith.constant 1 : i32
    %dma_wait3A_157 = arith.constant 0 : i32
    %dma_wait3A_158 = arith.constant 0 : i32
    %dma_wait3A_159 = tpu.memref_slice %arg9[%dma_wait3A_156, %dma_wait3A_157, %dma_wait3A_158] : memref<4x8x1024xf32, #tpu.memory_space<vmem>> -> memref<1x8x1024xf32, #tpu.memory_space<vmem>>
    %dma_wait3A_160 = tpu.memref_squeeze %dma_wait3A_159 : memref<1x8x1024xf32, #tpu.memory_space<vmem>> -> memref<8x1024xf32, #tpu.memory_space<vmem>>
    %dma_wait3A_161 = arith.constant 0 : i32
    %dma_wait3A_162 = tpu.memref_slice %arg5[%mul3A_2, %dma_wait3A_161] : memref<16384x1024xf32, #tpu.memory_space<hbm>> -> memref<8x1024xf32, #tpu.memory_space<hbm>>
    %dma_wait3A_163 = arith.constant 0 : i32
    %dma_wait3A_164 = tpu.memref_slice %arg5[%mul3A_2, %dma_wait3A_163] : memref<16384x1024xf32, #tpu.memory_space<hbm>> -> memref<8x1024xf32, #tpu.memory_space<hbm>>
    %dma_wait3A_165 = arith.constant 0 : i32
    %dma_wait3A_166 = arith.constant 0 : i32
    %dma_wait3A_167 = tpu.memref_slice %arg9[%dma_wait3A_156, %dma_wait3A_165, %dma_wait3A_166] : memref<4x8x1024xf32, #tpu.memory_space<vmem>> -> memref<1x8x1024xf32, #tpu.memory_space<vmem>>
    %dma_wait3A_168 = tpu.memref_squeeze %dma_wait3A_167 : memref<1x8x1024xf32, #tpu.memory_space<vmem>> -> memref<8x1024xf32, #tpu.memory_space<vmem>>
    tpu.wait_dma2 semaphore(%arg11 : memref<!tpu.dma_semaphore, #tpu.memory_space<semaphore_mem>>) src(%dma_wait3A_168 : memref<8x1024xf32, #tpu.memory_space<vmem>>) dst(%dma_wait3A_164 : memref<8x1024xf32, #tpu.memory_space<hbm>>)
    %dma_wait3A_169 = arith.constant 2 : i32
    %dma_wait3A_170 = arith.constant 0 : i32
    %dma_wait3A_171 = arith.constant 0 : i32
    %dma_wait3A_172 = tpu.memref_slice %arg9[%dma_wait3A_169, %dma_wait3A_170, %dma_wait3A_171] : memref<4x8x1024xf32, #tpu.memory_space<vmem>> -> memref<1x8x1024xf32, #tpu.memory_space<vmem>>
    %dma_wait3A_173 = tpu.memref_squeeze %dma_wait3A_172 : memref<1x8x1024xf32, #tpu.memory_space<vmem>> -> memref<8x1024xf32, #tpu.memory_space<vmem>>
    %dma_wait3A_174 = arith.constant 0 : i32
    %dma_wait3A_175 = tpu.memref_slice %arg5[%mul3A_2, %dma_wait3A_174] : memref<16384x1024xf32, #tpu.memory_space<hbm>> -> memref<8x1024xf32, #tpu.memory_space<hbm>>
    %dma_wait3A_176 = arith.constant 0 : i32
    %dma_wait3A_177 = tpu.memref_slice %arg5[%mul3A_2, %dma_wait3A_176] : memref<16384x1024xf32, #tpu.memory_space<hbm>> -> memref<8x1024xf32, #tpu.memory_space<hbm>>
    %dma_wait3A_178 = arith.constant 0 : i32
    %dma_wait3A_179 = arith.constant 0 : i32
    %dma_wait3A_180 = tpu.memref_slice %arg9[%dma_wait3A_169, %dma_wait3A_178, %dma_wait3A_179] : memref<4x8x1024xf32, #tpu.memory_space<vmem>> -> memref<1x8x1024xf32, #tpu.memory_space<vmem>>
    %dma_wait3A_181 = tpu.memref_squeeze %dma_wait3A_180 : memref<1x8x1024xf32, #tpu.memory_space<vmem>> -> memref<8x1024xf32, #tpu.memory_space<vmem>>
    tpu.wait_dma2 semaphore(%arg12 : memref<!tpu.dma_semaphore, #tpu.memory_space<semaphore_mem>>) src(%dma_wait3A_181 : memref<8x1024xf32, #tpu.memory_space<vmem>>) dst(%dma_wait3A_177 : memref<8x1024xf32, #tpu.memory_space<hbm>>)
    %dma_wait3A_182 = arith.constant 3 : i32
    %dma_wait3A_183 = arith.constant 0 : i32
    %dma_wait3A_184 = arith.constant 0 : i32
    %dma_wait3A_185 = tpu.memref_slice %arg9[%dma_wait3A_182, %dma_wait3A_183, %dma_wait3A_184] : memref<4x8x1024xf32, #tpu.memory_space<vmem>> -> memref<1x8x1024xf32, #tpu.memory_space<vmem>>
    %dma_wait3A_186 = tpu.memref_squeeze %dma_wait3A_185 : memref<1x8x1024xf32, #tpu.memory_space<vmem>> -> memref<8x1024xf32, #tpu.memory_space<vmem>>
    %dma_wait3A_187 = arith.constant 0 : i32
    %dma_wait3A_188 = tpu.memref_slice %arg5[%mul3A_2, %dma_wait3A_187] : memref<16384x1024xf32, #tpu.memory_space<hbm>> -> memref<8x1024xf32, #tpu.memory_space<hbm>>
    %dma_wait3A_189 = arith.constant 0 : i32
    %dma_wait3A_190 = tpu.memref_slice %arg5[%mul3A_2, %dma_wait3A_189] : memref<16384x1024xf32, #tpu.memory_space<hbm>> -> memref<8x1024xf32, #tpu.memory_space<hbm>>
    %dma_wait3A_191 = arith.constant 0 : i32
    %dma_wait3A_192 = arith.constant 0 : i32
    %dma_wait3A_193 = tpu.memref_slice %arg9[%dma_wait3A_182, %dma_wait3A_191, %dma_wait3A_192] : memref<4x8x1024xf32, #tpu.memory_space<vmem>> -> memref<1x8x1024xf32, #tpu.memory_space<vmem>>
    %dma_wait3A_194 = tpu.memref_squeeze %dma_wait3A_193 : memref<1x8x1024xf32, #tpu.memory_space<vmem>> -> memref<8x1024xf32, #tpu.memory_space<vmem>>
    tpu.wait_dma2 semaphore(%arg13 : memref<!tpu.dma_semaphore, #tpu.memory_space<semaphore_mem>>) src(%dma_wait3A_194 : memref<8x1024xf32, #tpu.memory_space<vmem>>) dst(%dma_wait3A_190 : memref<8x1024xf32, #tpu.memory_space<hbm>>)
    return
  }
}

</mosaic_0001>

<sc_bundles>
// kernel: kernel.3.cloned.1.call-start
scs
__scs_entry_jumppad:
0x0: {  	(pc) =	sbr.rel $0x88, $3  }
0x1: {  	(tag) =	ssettag $0x0;
	lr =	simm.s32 $0x1  }
0x2: {  	[smem:$0x3FA0] =	sst lr;
	_ =	strace $0xD0000000  }
0x3: {  	_ = 	snop  }
0x4: {  	_ = 	snop  }
0x5: {  	_ = 	snop  }
0x6: {  	_ = 	snop  }
0x7: {  	_ = 	snop  }
__scs_overlays_trampoline_lowered:
0x8: {  	[smem:$0x3FAF] =	sst s0  }
0x9: {  	[smem:$0x3FB0] =	sst s1  }
0xa: {  	[smem:$0x3FB1] =	sst s2  }
0xb: {  	[smem:$0x3FB2] =	sst s3  }
0xc: {  	[smem:$0x3FB3] =	sst s4  }
0xd: {  	[smem:$0x3FB4] =	sst s5  }
0xe: {  	[smem:$0x3FB5] =	sst s6  }
0xf: {  	[smem:$0x3FB6] =	sst s7  }
0x10: {  	[smem:$0x3FB7] =	sst s8  }
0x11: {  	[smem:$0x3FB8] =	sst s9;
	s0 =	simm.s32 @!p0 $0x0  }
0x12: {  	s1 =	sld [smem:$0x3F9E];
	s0 =	simm.s32 @p0 $0x1  }
0x13: {  	[smem:$0x3FB9] =	sst s0;
	s0 =	simm.s32 @!p1 $0x0  }
0x14: {  	s2 =	sld [smem:$0x3F9D];
	s0 =	simm.s32 @p1 $0x1  }
0x15: {  	[smem:$0x3FBA] =	sst s0;
	s0 =	simm.s32 @!p2 $0x0  }
0x16: {  	s3 =	sld [smem:$0x3FDB];
	s0 =	simm.s32 @p2 $0x1  }
0x17: {  	s4 =	simm.s32 $0x1BF5;
	[smem:$0x3FBC] =	sst s0  }
0x18: {  	s0 =	sld [smem:$0x3F9F];
	_ =	swait.ge [sflag:s4], $0x0  }
0x19: {  	s7 =	sld [smem:$0x3FA0]  }
0x1a: {  	s8 =	sadd.s32 $0xFFFFE003, lr  }
0x1b: {  	s9 =	sadd.s32 $0xFFFFFEF7, lr;
	s5 =	simm.s32 $0xFFFFFFFF;
	p2 =	slt.u32 s8, $0xFFFFF086  }
0x1c: {  	p1 =	slt.u32 s9, $0xF7A;
	s5 =	simm.s32 @!p2 $0x0  }
0x1d: {  	s5 =	simm.s32 @p1 $0x1;
	p0 =	seq.s32 s7, s2  }
0x1e: {  	s7 =	smul.u32 @!p0 $0xF7A, s2;
	p2 =	seq.s32 @!p0 s5, $0x0  }
0x1f: {  	s9 =	smul.u32 $0xF7A, s1;
	s8 =	simm.s32 @!p0 $0x1BF5;
	p2 =	por !p2, p0  }
0x20: {  	[sflag:s8] =	ssyncset.s32 @!p0 $0xFFFFF086;
	s6 =	sadd.s32 @!p0 s3, s7;
	s7 =	simm.s32 @!p0 $0x108  }
0x21: {  	s3 =	sadd.s32 s3, s9;
	s6 =	sadd.s32 @!p0 $0x88, s6;
	s7 =	simm.s32 @p2 $0x1082  }
0x22: {  	[simem:s7], [sflag:s8] =	dma.local @!p0 [hbm:s6], $0xF7A  }
0x23: {  	s9 =	sor.u32 $0xD0000000, s2;
	s6 =	simm.s32 $0x108;
	_ =	swait.ge @!p0 [sflag:s8], $0x0  }
0x24: {  	s3 =	sadd.s32 $0x88, s3;
	s6 =	simm.s32 @!p1 $0x1082;
	[sflag:s4] =	ssyncset.s32 $0xFFFFF086  }
0x25: {  	[simem:s6], [sflag:s4] =	dma.local [hbm:s3], $0xF7A  }
0x26: {  	[smem:$0x3FA0] =	sst s1;
	(tag) =	ssettag s2;
	_ =	strace s9  }
0x27: {  	s1 =	sld [smem:$0x3FB0]  }
0x28: {  	s2 =	sld [smem:$0x3FB1]  }
0x29: {  	s4 =	sld [smem:$0x3FB3]  }
0x2a: {  	p0 =	seq.s32 s5, $0x0;
	s5 =	sld [smem:$0x3FB4]  }
0x2b: {  	s6 =	sld [smem:$0x3FB5]  }
0x2c: {  	s7 =	sld [smem:$0x3FB6]  }
0x2d: {  	s3 =	simm.s32 $0x108;
	s8 =	sld [smem:$0x3FB7]  }
0x2e: {  	s3 =	simm.s32 @!p0 $0x1082;
	s9 =	sld [smem:$0x3FB8]  }
0x2f: {  	lr =	sadd.s32 s0, s3;
	s0 =	sld [smem:$0x3FAF]  }
0x30: {  	s3 =	sld [smem:$0x3FB2]  }
0x31: {  	[smem:$0x3FBB] =	sst s10  }
0x32: {  	s10 =	sld [smem:$0x3FB9];
	_ =	sdelay $0x3  }
0x33: {  	p0 =	seq.s32 s10, $0x1;
	s10 =	sld [smem:$0x3FBB];
	_ =	sdelay $0x3  }
0x34: {  	[smem:$0x3FBB] =	sst s10  }
0x35: {  	s10 =	sld [smem:$0x3FBA];
	_ =	sdelay $0x3  }
0x36: {  	p1 =	seq.s32 s10, $0x1;
	s10 =	sld [smem:$0x3FBB];
	_ =	sdelay $0x3  }
0x37: {  	[smem:$0x3FBB] =	sst s10  }
0x38: {  	s10 =	sld [smem:$0x3FBC]  }
0x39: {  	_ = 	snop;
	(pc) =	sbr.ind lr, $3  }
0x3a: {  	_ = 	snop  }
0x3b: {  	_ = 	snop  }
0x3c: {  	p2 =	seq.s32 s10, $0x1;
	s10 =	sld [smem:$0x3FBB]  }
0x3d: {  	_ =	shalt  }
0x3e: {  	_ =	shalt  }
0x3f: {  	_ =	shalt  }
0x40: {  	_ =	shalt  }
0x41: {  	_ =	shalt  }
0x42: {  	_ =	shalt  }
0x43: {  	_ =	shalt  }
0x44: {  	_ =	shalt  }
0x45: {  	_ =	shalt  }
0x46: {  	_ =	shalt  }
0x47: {  	_ =	shalt  }
0x48: {  	_ =	shalt  }
0x49: {  	_ =	shalt  }
0x4a: {  	_ =	shalt  }
0x4b: {  	_ =	shalt  }
0x4c: {  	_ =	shalt  }
0x4d: {  	_ =	shalt  }
0x4e: {  	_ =	shalt  }
0x4f: {  	_ =	shalt  }
0x50: {  	_ =	shalt  }
0x51: {  	_ =	shalt  }
0x52: {  	_ =	shalt  }
0x53: {  	_ =	shalt  }
0x54: {  	_ =	shalt  }
0x55: {  	_ =	shalt  }
0x56: {  	_ =	shalt  }
0x57: {  	_ =	shalt  }
0x58: {  	_ =	shalt  }
0x59: {  	_ =	shalt  }
0x5a: {  	_ =	shalt  }
0x5b: {  	_ =	shalt  }
0x5c: {  	_ =	shalt  }
0x5d: {  	_ =	shalt  }
0x5e: {  	_ =	shalt  }
0x5f: {  	_ =	shalt  }
0x60: {  	_ =	shalt  }
0x61: {  	_ =	shalt  }
0x62: {  	_ =	shalt  }
0x63: {  	_ =	shalt  }
0x64: {  	_ =	shalt  }
0x65: {  	_ =	shalt  }
0x66: {  	_ =	shalt  }
0x67: {  	_ =	shalt  }
0x68: {  	_ =	shalt  }
0x69: {  	_ =	shalt  }
0x6a: {  	_ =	shalt  }
0x6b: {  	_ =	shalt  }
0x6c: {  	_ =	shalt  }
0x6d: {  	_ =	shalt  }
0x6e: {  	_ =	shalt  }
0x6f: {  	_ =	shalt  }
0x70: {  	_ =	shalt  }
0x71: {  	_ =	shalt  }
0x72: {  	_ =	shalt  }
0x73: {  	_ =	shalt  }
0x74: {  	_ =	shalt  }
0x75: {  	_ =	shalt  }
0x76: {  	_ =	shalt  }
0x77: {  	_ =	shalt  }
0x78: {  	_ =	shalt  }
0x79: {  	_ =	shalt  }
0x7a: {  	_ =	shalt  }
0x7b: {  	_ =	shalt  }
0x7c: {  	_ =	shalt  }
0x7d: {  	_ =	shalt  }
0x7e: {  	_ =	shalt  }
0x7f: {  	_ =	shalt  }
0x80: {  	_ =	shalt  }
0x81: {  	_ =	shalt  }
0x82: {  	_ =	shalt  }
0x83: {  	_ =	shalt  }
0x84: {  	_ =	shalt  }
0x85: {  	_ =	shalt  }
0x86: {  	_ =	shalt  }
0x87: {  	_ =	shalt  }
.Lfunc_end0:
.L_simem_size_0:
called_computation_lowered:
.L_overlay_start_0:
0x88: {  	s2 =	sld [smem:$0x3FD9]  }
0x89: {  	s3 =	sld [smem:$0x3FFE];
	_ =	sdelay $0x1  }
0x8a: {  	s1 =	srdreg.scid  }
0x8b: {  	s0 =	sand.u32 $0x1, s1  }
0x8c: {  	s17 =	sshll.u32 s0, $0xA;
	s2 =	sadd.s32 s3, s2  }
0x8d: {  	s2 =	sadd.s32 s2, s17  }
0x8e: {  	[smem:$0x3FC7] =	sst s2  }
0x8f: {  	_ = 	snop  }
0x90: {  	s2 =	sld [smem:$0x3FD0];
	(tm) =	ssettm $0x1  }
0x91: {  	s18 =	sld [smem:$0x3FFB];
	_ =	sdelay $0x3  }
0x92: {  	_ =	strace s18  }
0x93: {  	s3 =	sld [smem:$0x3FFC];
	_ =	sdelay $0x3  }
0x94: {  	_ =	strace s3  }
0x95: {  	s3 =	sld [smem:$0x3FFD];
	_ =	sdelay $0x3  }
0x96: {  	_ =	strace s3  }
0x97: {  	_ =	strace $0x8FFFFFFF  }
0x98: {  	s19 =	sld [smem:$0x3FDB];
	_ =	sdelay $0x1  }
0x99: {  	s4 =	simm.s32 $_scs_section_size  }
0x9a: {  	s5 =	simm.s32 $_size__tile_overlayer_lowered;
	s6 =	simm.s32 $_tile_overlayer_lowered  }
0x9b: {  	s22 =	simm.s32 $0x1BFF;
	s21 =	sshll.u32 s6, $0x1;
	s3 =	sadd.s32 s4, s19  }
0x9c: {  	s7 =	simm.s32 $0x0;
	s20 =	sshll.u32 s5, $0x1;
	s5 =	sadd.s32 s21, s3  }
0x9d: {  	[timem:s7], [sflag:s22] =	dma.local [hbm:s5], s20  }
0x9e: {  	_ =	swait.ge [sflag:s22], s20  }
0x9f: {  	s4 =	ssub.s32 $0x0, s20;
	[sflag:s22] =	ssyncset.done $0x0  }
0xa0: {  	[sflag:s22] =	ssyncadd.s32 s4;
	_ =	sdelay $0x1  }
0xa1: {  	s23 =	simm.s32 $0x1B8B  }
0xa2: {  	_ =	swait.ge [sflag:s23], $0x1  }
0xa3: {  	[sflag:s23] =	ssyncset.done $0x0  }
0xa4: {  	s25 =	simm.s32 $0x1B8E;
	s24 =	sld [smem:$0x3FFE];
	[sflag:s23] =	ssyncadd.s32 $0xFFFFFFFF  }
0xa5: {  	s26 =	simm.s32 $execute0_lowered;
	[smem:$0x3FD2] =	sst s25  }
0xa6: {  	s5 =	sshll.u32 s26, $0x1;
	_ =	strace $0x80000046;
	[dreg:$0x1] =	wrdreg $0xFFFFFFFF  }
0xa7: {  	s28 =	simm.s32 $_size_execute0_lowered;
	s3 =	sadd.s32 s3, s5;
	[dreg:$0x0] =	wrdreg $0x0  }
0xa8: {  	s5 =	sshll.u32 s28, $0x1;
	[dreg:$0x2] =	wrdreg s3  }
0xa9: {  	[dreg:$0x3] =	wrdreg s5  }
0xaa: {  	[dreg:$0x4] =	wrdreg $0xC0  }
0xab: {  	_ =	task [dreg:s7], $0x5FFFF  }
0xac: {  	[dreg:$0x1] =	wrdreg $0xFFFFFFFF  }
0xad: {  	[dreg:$0x0] =	wrdreg $0x60  }
0xae: {  	[dreg:$0x2] =	wrdreg s24  }
0xaf: {  	[dreg:$0x3] =	wrdreg s2  }
0xb0: {  	[dreg:$0x4] =	wrdreg $0x9  }
0xb1: {  	_ =	task.clear_ibuf [dreg:s7], $0x5FFFF;
	_ =	strace $0x90000046  }
0xb2: {  	s29 =	simm.s32 $0x9;
	_ =	strace $0x80000048  }
0xb3: {  	_ =	swait.ge [sflag:s29], $0x1  }
0xb4: {  	[sflag:s29] =	ssyncadd.s32 $0xFFFFFFFF  }
0xb5: {  	_ =	strace $0x90000048  }
0xb6: {  	_ =	sfence  }
0xb7: {  	s30 =	sld [smem:$0x0];
	_ =	sdelay $0x2  }
0xb8: {  	s31 =	sshll.u32 s1, $0xD;
	s1 =	sshrl.u32 s1, $0x2  }
0xb9: {  	s3 =	sand.u32 $0x4000, s31;
	s1 =	sadd.s32 s1, s30  }
0xba: {  	s0 =	sor.u32 s3, s0;
	s1 =	sshll.u32 s1, $0x11  }
0xbb: {  	s0 =	sor.u32 s1, s0  }
0xbc: {  	s0 =	sadd.s32 $0x8F2B, s0  }
0xbd: {  	[sflag:s0] =	ssyncadd.remote.s32 $0x1  }
0xbe: {  	_ =	sfence.sel $0xFFFF  }
0xbf: {  	[dreg:$0x0] =	wrdreg $0xFFFFFFFF;
	(pc) =	sbr.abs _section_cstart, $3  }
0xc0: {  	[dreg:$0x1] =	wrdreg $0xFFFFFFFF  }
0xc1: {  	_ =	task.clear_ibuf [dreg:s7], $0x2FFFF;
	_ =	strace $0x9FFFFFFF  }
0xc2: {  	(tm) =	ssettm $0x7FFFFFFF  }
0xc3: {  	_ =	shalt  }
tec
execute0_lowered:
.L_overlay_start_1:
0x0: {  	(tag) =	ssettag $0x1  }
0x1: {  	s5 =	rddreg [dreg:$0x0]  }
0x2: {  	s6 =	rddreg [dreg:$0x1]  }
0x3: {  	s0 =	rddreg [dreg:$0x2];
	s2 =	simm.s32 $0x0  }
0x4: {  	s3 =	srdreg.scid;
	s1 =	stileid.u32;
	s11 =	simm.s32 $0x5  }
0x5: {  	s12 =	simm.s32 $0xF880;
	s13 =	simm.s32 $0xFC80;
	s14 =	simm.s32 $0x11C80  }
0x6: {  	s15 =	simm.s32 $0x13C80;
	s16 =	simm.s32 $0x15C80;
	s17 =	simm.s32 $0x17C80  }
0x7: {  	s18 =	simm.s32 $0x1;
	s19 =	simm.s32 $0x2;
	s20 =	simm.s32 $0x3  }
0x8: {  	s21 =	simm.s32 $0x4;
	s22 =	simm.s32 $0x0;
	[smem:$0x7FF] =	sst s2  }
0x9: {  	s7 =	sand.u32 $0x1, s3;
	s8 =	sshll.u32 s1, $0x1;
	s3 =	sadd.s32 $0x400, s5  }
0xa: {  	s4 =	sadd.s32 $0xA400, s5;
	_ =	strace $0x80000047;
	s8 =	sor.u32 s7, s8  }
0xb: {  	s7 =	ssub.s32 $0x2, s7;
	s9 =	sshll.u32 s8, $0xA;
	s8 =	sshll.u32 s8, $0x10  }
0xc: {  	s10 =	sshrl.u32 s7, $0x1;
	s9 =	sadd.s32 s9, s5;
	s5 =	sadd.s32 s6, s8  }
0xd: {  	s10 =	ssub.s32 s7, s10;
	s6 =	sadd.s32 $0x2400, s9;
	s7 =	sadd.s32 $0x400, s5  }
0xe: {  	s8 =	sadd.s32 $0x800, s5;
	s9 =	sadd.s32 $0xC00, s5;
	s10 =	smax.u32 s10, $0x1  }
.LBB2_1:
0xf: {  	[tilespmem:s2], [sflag:$0x5] =	stream.linear.gather [hbm4b:s3+s2], $0xF880, $0x38;
	[tilespmem:$0x19C80] =	vst v63  }
0x10: {  	_ =	swait.ge [sflag:s11], $0xF880  }
0x11: {  	[sflag:s11] =	ssyncset.done $0x0  }
0x12: {  	[sflag:s11] =	ssyncadd.s32 $0xFFFF0780  }
0x13: {  	[tilespmem:s12], [sflag:$0x5] =	stream.linear.gather [hbm4b:s4+s2], $0x400, $0x38;
	[tilespmem:$0x19C80] =	vst v63  }
0x14: {  	_ =	swait.ge [sflag:s11], $0x400  }
0x15: {  	[sflag:s11] =	ssyncset.done $0x0  }
0x16: {  	[sflag:s11] =	ssyncadd.s32 $0xFFFFFC00  }
0x17: {  	[tilespmem:s13], [sflag:$0x5] =	stream.linear.gather [hbm4b:s6+s2], $0x2000, $0x38;
	[tilespmem:$0x19C80] =	vst v63  }
0x18: {  	_ =	swait.ge [sflag:s11], $0x2000  }
0x19: {  	[sflag:s11] =	ssyncset.done $0x0  }
0x1a: {  	[sflag:s11] =	ssyncadd.s32 $0xFFFFE000  }
0x1b: {  	v0 =	vld [tilespmem:$0xFC80]  }
0x1c: {  	v1 =	vld [tilespmem:$0xFC90]  }
0x1d: {  	v2 =	vld [tilespmem:$0xFCA0]  }
0x1e: {  	v3 =	vld [tilespmem:$0xFCB0]  }
0x1f: {  	v4 =	vld [tilespmem:$0xFCC0]  }
0x20: {  	s23 =	simm.s32 $0xF8C0;
	v5 =	vld [tilespmem:$0xFCD0]  }
0x21: {  	v15 =	vld [tilespmem:s23+$0x30]  }
0x22: {  	v13 =	vld [tilespmem:s23+$0xFFFFFFD0]  }
0x23: {  	v12 =	vld [tilespmem:s23+$0xFFFFFFE0]  }
0x24: {  	v11 =	vld [tilespmem:s23+$0xFFFFFFF0]  }
0x25: {  	v10 =	vld [tilespmem:s23+$0x0]  }
0x26: {  	v8 =	vld [tilespmem:s23+$0x10];
	v16 =	vsub.s32 v0, v15  }
0x27: {  	v9 =	vld [tilespmem:s23+$0x20];
	v17 =	vsub.s32 v0, v13  }
0x28: {  	v14 =	vld [tilespmem:s23+$0xFFFFFFC0];
	v18 =	vsub.s32 v0, v12  }
0x29: {  	v6 =	vld [tilespmem:$0xFCE0];
	v19 =	vsub.s32 v0, v11  }
0x2a: {  	v7 =	vld [tilespmem:$0xFCF0];
	v20 =	vsub.s32 v0, v10  }
0x2b: {  	v21 =	vsub.s32 v0, v8;
	v16 =	vld.idx.msk [tilespmem:v16+s2+$0x0], $0xffff  }
0x2c: {  	v22 =	vsub.s32 v0, v9;
	v17 =	vld.idx.msk [tilespmem:v17+s2+$0x0], $0xffff  }
0x2d: {  	v24 =	vsub.s32 v0, v14;
	v18 =	vld.idx.msk [tilespmem:v18+s2+$0x0], $0xffff  }
0x2e: {  	v23 =	vsub.s32 v1, v15;
	v19 =	vld.idx.msk [tilespmem:v19+s2+$0x0], $0xffff  }
0x2f: {  	v25 =	vsub.s32 v1, v13;
	v20 =	vld.idx.msk [tilespmem:v20+s2+$0x0], $0xffff  }
0x30: {  	s23 =	simm.s32 $0x11E80;
	v26 =	vsub.s32 v1, v12;
	v21 =	vld.idx.msk [tilespmem:v21+s2+$0x0], $0xffff  }
0x31: {  	v27 =	vsub.s32 v1, v11;
	v22 =	vld.idx.msk [tilespmem:v22+s2+$0x0], $0xffff;
	[tilespmem:s23+$0xFFFFFE70] =	vst v16  }
0x32: {  	v28 =	vsub.s32 v1, v8;
	[tilespmem:s23+$0xFFFFFE10] =	vst v17;
	v17 =	vld.idx.msk [tilespmem:v24+s2+$0x0], $0xffff  }
0x33: {  	v16 =	vsub.s32 v1, v10;
	[tilespmem:s23+$0xFFFFFE20] =	vst v18;
	v23 =	vld.idx.msk [tilespmem:v23+s2+$0x0], $0xffff  }
0x34: {  	v33 =	vsub.s32 v1, v14;
	[tilespmem:s23+$0xFFFFFE30] =	vst v19;
	v18 =	vld.idx.msk [tilespmem:v25+s2+$0x0], $0xffff  }
0x35: {  	v34 =	vsub.s32 v1, v9;
	[tilespmem:s23+$0xFFFFFE40] =	vst v20;
	v19 =	vld.idx.msk [tilespmem:v26+s2+$0x0], $0xffff  }
0x36: {  	v32 =	vsub.s32 v2, v15;
	[tilespmem:s23+$0xFFFFFE50] =	vst v21;
	v20 =	vld.idx.msk [tilespmem:v27+s2+$0x0], $0xffff  }
0x37: {  	v35 =	vsub.s32 v2, v13;
	[tilespmem:s23+$0xFFFFFE60] =	vst v22;
	v28 =	vld.idx.msk [tilespmem:v28+s2+$0x0], $0xffff  }
0x38: {  	v36 =	vsub.s32 v2, v12;
	v16 =	vld.idx.msk [tilespmem:v16+s2+$0x0], $0xffff;
	[tilespmem:s23+$0xFFFFFE00] =	vst v17  }
0x39: {  	v37 =	vsub.s32 v2, v11;
	[tilespmem:s23+$0xFFFFFEF0] =	vst v23;
	v39 =	vld.idx.msk [tilespmem:v33+s2+$0x0], $0xffff  }
0x3a: {  	v38 =	vsub.s32 v2, v10;
	[tilespmem:s23+$0xFFFFFE90] =	vst v18;
	v18 =	vld.idx.msk [tilespmem:v34+s2+$0x0], $0xffff  }
0x3b: {  	v42 =	vsub.s32 v2, v8;
	[tilespmem:s23+$0xFFFFFEA0] =	vst v19;
	v17 =	vld.idx.msk [tilespmem:v32+s2+$0x0], $0xffff  }
0x3c: {  	v41 =	vsub.s32 v2, v14;
	[tilespmem:s23+$0xFFFFFEB0] =	vst v20;
	v19 =	vld.idx.msk [tilespmem:v35+s2+$0x0], $0xffff  }
0x3d: {  	v43 =	vsub.s32 v2, v9;
	[tilespmem:s23+$0xFFFFFED0] =	vst v28;
	v20 =	vld.idx.msk [tilespmem:v36+s2+$0x0], $0xffff  }
0x3e: {  	v40 =	vsub.s32 v3, v15;
	[tilespmem:s23+$0xFFFFFEC0] =	vst v16;
	v16 =	vld.idx.msk [tilespmem:v37+s2+$0x0], $0xffff  }
0x3f: {  	v44 =	vsub.s32 v3, v13;
	v24 =	vld.idx.msk [tilespmem:v38+s2+$0x0], $0xffff;
	[tilespmem:s23+$0xFFFFFE80] =	vst v39  }
0x40: {  	v46 =	vsub.s32 v3, v11;
	[tilespmem:s23+$0xFFFFFEE0] =	vst v18;
	v18 =	vld.idx.msk [tilespmem:v42+s2+$0x0], $0xffff  }
0x41: {  	[tilespmem:s23+$0xFFFFFF70] =	vst v17;
	v17 =	vsub.s32 v3, v12;
	v26 =	vld.idx.msk [tilespmem:v41+s2+$0x0], $0xffff  }
0x42: {  	v49 =	vsub.s32 v3, v10;
	[tilespmem:s23+$0xFFFFFF10] =	vst v19;
	v19 =	vld.idx.msk [tilespmem:v43+s2+$0x0], $0xffff  }
0x43: {  	v50 =	vsub.s32 v3, v8;
	[tilespmem:s23+$0xFFFFFF20] =	vst v20;
	v45 =	vld.idx.msk [tilespmem:v40+s2+$0x0], $0xffff  }
0x44: {  	v48 =	vsub.s32 v3, v14;
	v20 =	vld.idx.msk [tilespmem:v44+s2+$0x0], $0xffff;
	[tilespmem:s23+$0xFFFFFF30] =	vst v16  }
0x45: {  	v47 =	vsub.s32 v4, v15;
	v25 =	vld.idx.msk [tilespmem:v46+s2+$0x0], $0xffff;
	[tilespmem:s23+$0xFFFFFF40] =	vst v24  }
0x46: {  	[tilespmem:s23+$0xFFFFFF50] =	vst v18;
	v16 =	vld.idx.msk [tilespmem:v17+s2+$0x0], $0xffff;
	v17 =	vsub.s32 v3, v9  }
0x47: {  	v51 =	vsub.s32 v4, v13;
	[tilespmem:s23+$0xFFFFFF00] =	vst v26;
	v18 =	vld.idx.msk [tilespmem:v49+s2+$0x0], $0xffff  }
0x48: {  	v57 =	vsub.s32 v4, v11;
	[tilespmem:s23+$0xFFFFFF60] =	vst v19;
	v19 =	vld.idx.msk [tilespmem:v50+s2+$0x0], $0xffff  }
0x49: {  	v53 =	vsub.s32 v4, v12;
	[tilespmem:s23+$0xFFFFFFF0] =	vst v45;
	v54 =	vld.idx.msk [tilespmem:v48+s2+$0x0], $0xffff  }
0x4a: {  	[tilespmem:s23+$0xFFFFFF90] =	vst v20;
	v20 =	vsub.s32 v4, v10;
	v52 =	vld.idx.msk [tilespmem:v47+s2+$0x0], $0xffff  }
0x4b: {  	v56 =	vsub.s32 v4, v14;
	[tilespmem:s23+$0xFFFFFFB0] =	vst v25;
	v17 =	vld.idx.msk [tilespmem:v17+s2+$0x0], $0xffff  }
0x4c: {  	v55 =	vsub.s32 v5, v15;
	[tilespmem:s23+$0xFFFFFFA0] =	vst v16;
	v16 =	vld.idx.msk [tilespmem:v51+s2+$0x0], $0xffff  }
0x4d: {  	v58 =	vsub.s32 v4, v8;
	[tilespmem:s23+$0xFFFFFFC0] =	vst v18;
	v18 =	vld.idx.msk [tilespmem:v57+s2+$0x0], $0xffff  }
0x4e: {  	v59 =	vsub.s32 v4, v9;
	[tilespmem:s23+$0xFFFFFFD0] =	vst v19;
	v27 =	vld.idx.msk [tilespmem:v53+s2+$0x0], $0xffff  }
0x4f: {  	v60 =	vsub.s32 v5, v13;
	[tilespmem:s23+$0xFFFFFF80] =	vst v54;
	v19 =	vld.idx.msk [tilespmem:v20+s2+$0x0], $0xffff  }
0x50: {  	v30 =	vsub.s32 v5, v11;
	[tilespmem:s23+$0x70] =	vst v52;
	v61 =	vld.idx.msk [tilespmem:v56+s2+$0x0], $0xffff  }
0x51: {  	v20 =	vsub.s32 v5, v12;
	v21 =	vld.idx.msk [tilespmem:v55+s2+$0x0], $0xffff;
	[tilespmem:s23+$0xFFFFFFE0] =	vst v17  }
0x52: {  	v63 =	vsub.s32 v5, v14;
	v17 =	vld.idx.msk [tilespmem:v58+s2+$0x0], $0xffff;
	[tilespmem:s23+$0x10] =	vst v16  }
0x53: {  	v62 =	vsub.s32 v6, v15;
	[tilespmem:s23+$0x30] =	vst v18;
	v16 =	vld.idx.msk [tilespmem:v59+s2+$0x0], $0xffff  }
0x54: {  	v31 =	vsub.s32 v5, v10;
	v24 =	vld.idx.msk [tilespmem:v60+s2+$0x0], $0xffff;
	[tilespmem:s23+$0x20] =	vst v27  }
0x55: {  	v32 =	vsub.s32 v5, v8;
	[tilespmem:s23+$0x40] =	vst v19;
	v19 =	vld.idx.msk [tilespmem:v30+s2+$0x0], $0xffff  }
0x56: {  	v33 =	vsub.s32 v5, v9;
	[tilespmem:s23+$0x0] =	vst v61;
	v18 =	vld.idx.msk [tilespmem:v20+s2+$0x0], $0xffff  }
0x57: {  	v35 =	vsub.s32 v6, v13;
	[tilespmem:s23+$0xF0] =	vst v21;
	v34 =	vld.idx.msk [tilespmem:v63+s2+$0x0], $0xffff  }
0x58: {  	v36 =	vsub.s32 v6, v12;
	v23 =	vld.idx.msk [tilespmem:v62+s2+$0x0], $0xffff;
	[tilespmem:s23+$0x50] =	vst v17  }
0x59: {  	v20 =	vsub.s32 v6, v14;
	v17 =	vld.idx.msk [tilespmem:v31+s2+$0x0], $0xffff;
	[tilespmem:s23+$0x60] =	vst v16  }
0x5a: {  	v15 =	vsub.s32 v7, v15;
	v16 =	vld.idx.msk [tilespmem:v32+s2+$0x0], $0xffff;
	[tilespmem:s23+$0x90] =	vst v24  }
0x5b: {  	v37 =	vsub.s32 v6, v11;
	[tilespmem:s23+$0xB0] =	vst v19;
	v25 =	vld.idx.msk [tilespmem:v33+s2+$0x0], $0xffff  }
0x5c: {  	v38 =	vsub.s32 v6, v10;
	[tilespmem:s23+$0xA0] =	vst v18;
	v18 =	vld.idx.msk [tilespmem:v35+s2+$0x0], $0xffff  }
0x5d: {  	v13 =	vsub.s32 v7, v13;
	[tilespmem:s23+$0x80] =	vst v34;
	v19 =	vld.idx.msk [tilespmem:v36+s2+$0x0], $0xffff  }
0x5e: {  	[tilespmem:s23+$0x170] =	vst v23;
	v20 =	vld.idx.msk [tilespmem:v20+s2+$0x0], $0xffff  }
0x5f: {  	v40 =	vsub.s32 v6, v9;
	v39 =	vld.idx.msk [tilespmem:v15+s2+$0x0], $0xffff;
	[tilespmem:s23+$0xC0] =	vst v17  }
0x60: {  	v12 =	vsub.s32 v7, v12;
	v17 =	vld.idx.msk [tilespmem:v37+s2+$0x0], $0xffff;
	[tilespmem:s23+$0xD0] =	vst v16  }
0x61: {  	v16 =	vld.idx.msk [tilespmem:v38+s2+$0x0], $0xffff;
	[tilespmem:s23+$0x110] =	vst v18  }
0x62: {  	s24 =	simm.s32 $0xF940;
	v15 =	vsub.s32 v6, v8;
	[tilespmem:s23+$0xE0] =	vst v25;
	v18 =	vld.idx.msk [tilespmem:v13+s2+$0x0], $0xffff  }
0x63: {  	v14 =	vsub.s32 v7, v14;
	[tilespmem:s23+$0x120] =	vst v19;
	v13 =	vld [tilespmem:s24+$0xFFFFFFF0]  }
0x64: {  	[tilespmem:s23+$0x100] =	vst v20;
	v20 =	vld.idx.msk [tilespmem:v40+s2+$0x0], $0xffff  }
0x65: {  	v19 =	vld.idx.msk [tilespmem:v12+s2+$0x0], $0xffff  }
0x66: {  	v12 =	vld [tilespmem:s24+$0x0]  }
0x67: {  	v11 =	vsub.s32 v7, v11;
	v41 =	vld.idx.msk [tilespmem:v15+s2+$0x0], $0xffff  }
0x68: {  	v42 =	vld.idx.msk [tilespmem:v14+s2+$0x0], $0xffff  }
0x69: {  	[tilespmem:s23+$0x130] =	vst v17;
	v17 =	vld [tilespmem:s24+$0x30]  }
0x6a: {  	v10 =	vsub.s32 v7, v10;
	v15 =	vld [tilespmem:s24+$0xFFFFFFD0]  }
0x6b: {  	v14 =	vld [tilespmem:s24+$0xFFFFFFE0]  }
0x6c: {  	v9 =	vsub.s32 v7, v9;
	v43 =	vld.idx.msk [tilespmem:v11+s2+$0x0], $0xffff  }
0x6d: {  	v8 =	vsub.s32 v7, v8;
	[tilespmem:s23+$0x140] =	vst v16;
	v11 =	vld [tilespmem:s24+$0x20]  }
0x6e: {  	v16 =	vld [tilespmem:s24+$0xFFFFFFC0];
	[tilespmem:s23+$0x160] =	vst v20;
	v20 =	vsub.s32 v0, v13  }
0x6f: {  	v44 =	vld.idx.msk [tilespmem:v10+s2+$0x0], $0xffff;
	v48 =	vsub.s32 v0, v12  }
0x70: {  	v10 =	vld [tilespmem:s24+$0x10];
	v45 =	vsub.s32 v0, v17  }
0x71: {  	v46 =	vsub.s32 v0, v15;
	[tilespmem:s23+$0x150] =	vst v41;
	v9 =	vld.idx.msk [tilespmem:v9+s2+$0x0], $0xffff  }
0x72: {  	v47 =	vsub.s32 v0, v14;
	v8 =	vld.idx.msk [tilespmem:v8+s2+$0x0], $0xffff  }
0x73: {  	[tilespmem:s23+$0x1F0] =	vst v39;
	v51 =	vsub.s32 v0, v11;
	v20 =	vld.idx.msk [tilespmem:v20+s2+$0x0], $0xffff  }
0x74: {  	[tilespmem:s23+$0x1A0] =	vst v19;
	v19 =	vsub.s32 v0, v16;
	v28 =	vld.idx.msk [tilespmem:v48+s2+$0x0], $0xffff  }
0x75: {  	[tilespmem:s23+$0x190] =	vst v18;
	v49 =	vsub.s32 v0, v10;
	v25 =	vld.idx.msk [tilespmem:v45+s2+$0x0], $0xffff  }
0x76: {  	v29 =	vsub.s32 v1, v13;
	[tilespmem:s23+$0x180] =	vst v42;
	v50 =	vld.idx.msk [tilespmem:v46+s2+$0x0], $0xffff  }
0x77: {  	v55 =	vsub.s32 v1, v12;
	[tilespmem:s23+$0x1B0] =	vst v43;
	v18 =	vld.idx.msk [tilespmem:v47+s2+$0x0], $0xffff  }
0x78: {  	s24 =	simm.s32 $0x12280;
	v53 =	vsub.s32 v1, v15;
	[tilespmem:s23+$0x1C0] =	vst v44;
	v26 =	vld.idx.msk [tilespmem:v51+s2+$0x0], $0xffff  }
0x79: {  	v52 =	vsub.s32 v1, v17;
	v19 =	vld.idx.msk [tilespmem:v19+s2+$0x0], $0xffff;
	[tilespmem:s24+$0xFFFFFE30] =	vst v20  }
0x7a: {  	v54 =	vsub.s32 v1, v14;
	v27 =	vld.idx.msk [tilespmem:v49+s2+$0x0], $0xffff;
	[tilespmem:s24+$0xFFFFFE40] =	vst v28  }
0x7b: {  	v57 =	vsub.s32 v1, v16;
	[tilespmem:s24+$0xFFFFFE70] =	vst v25;
	v29 =	vld.idx.msk [tilespmem:v29+s2+$0x0], $0xffff  }
0x7c: {  	v56 =	vsub.s32 v1, v10;
	[tilespmem:s24+$0xFFFFFE10] =	vst v50;
	v25 =	vld.idx.msk [tilespmem:v55+s2+$0x0], $0xffff  }
0x7d: {  	v58 =	vsub.s32 v1, v11;
	[tilespmem:s24+$0xFFFFFE20] =	vst v18;
	v18 =	vld.idx.msk [tilespmem:v53+s2+$0x0], $0xffff  }
0x7e: {  	v61 =	vsub.s32 v2, v13;
	v21 =	vld.idx.msk [tilespmem:v52+s2+$0x0], $0xffff;
	[tilespmem:s24+$0xFFFFFE60] =	vst v26  }
0x7f: {  	v20 =	vsub.s32 v2, v17;
	v24 =	vld.idx.msk [tilespmem:v54+s2+$0x0], $0xffff;
	[tilespmem:s24+$0xFFFFFE00] =	vst v19  }
0x80: {  	v59 =	vsub.s32 v2, v15;
	[tilespmem:s24+$0xFFFFFE50] =	vst v27;
	v23 =	vld.idx.msk [tilespmem:v57+s2+$0x0], $0xffff  }
0x81: {  	v60 =	vsub.s32 v2, v14;
	v22 =	vld.idx.msk [tilespmem:v56+s2+$0x0], $0xffff;
	[tilespmem:s24+$0xFFFFFEB0] =	vst v29  }
0x82: {  	v63 =	vsub.s32 v2, v16;
	[tilespmem:s24+$0xFFFFFE90] =	vst v18;
	v18 =	vld.idx.msk [tilespmem:v58+s2+$0x0], $0xffff  }
0x83: {  	v32 =	vsub.s32 v2, v10;
	[tilespmem:s24+$0xFFFFFEF0] =	vst v21;
	v21 =	vld.idx.msk [tilespmem:v61+s2+$0x0], $0xffff  }
0x84: {  	[tilespmem:s24+$0xFFFFFEC0] =	vst v25;
	v19 =	vld.idx.msk [tilespmem:v20+s2+$0x0], $0xffff;
	v20 =	vsub.s32 v2, v12  }
0x85: {  	v33 =	vsub.s32 v2, v11;
	[tilespmem:s24+$0xFFFFFEA0] =	vst v24;
	v27 =	vld.idx.msk [tilespmem:v59+s2+$0x0], $0xffff  }
0x86: {  	v36 =	vsub.s32 v3, v13;
	v26 =	vld.idx.msk [tilespmem:v60+s2+$0x0], $0xffff;
	[tilespmem:s24+$0xFFFFFE80] =	vst v23  }
0x87: {  	v62 =	vsub.s32 v3, v17;
	[tilespmem:s24+$0xFFFFFED0] =	vst v22;
	v28 =	vld.idx.msk [tilespmem:v63+s2+$0x0], $0xffff  }
0x88: {  	v34 =	vsub.s32 v3, v15;
	[tilespmem:s24+$0xFFFFFEE0] =	vst v18;
	v18 =	vld.idx.msk [tilespmem:v32+s2+$0x0], $0xffff  }
0x89: {  	v38 =	vsub.s32 v3, v16;
	[tilespmem:s24+$0xFFFFFF30] =	vst v21;
	v20 =	vld.idx.msk [tilespmem:v20+s2+$0x0], $0xffff  }
0x8a: {  	[tilespmem:s24+$0xFFFFFF70] =	vst v19;
	v19 =	vsub.s32 v3, v14;
	v25 =	vld.idx.msk [tilespmem:v33+s2+$0x0], $0xffff  }
0x8b: {  	v40 =	vsub.s32 v3, v10;
	[tilespmem:s24+$0xFFFFFF10] =	vst v27;
	v24 =	vld.idx.msk [tilespmem:v36+s2+$0x0], $0xffff  }
0x8c: {  	v39 =	vsub.s32 v3, v12;
	[tilespmem:s24+$0xFFFFFF20] =	vst v26;
	v35 =	vld.idx.msk [tilespmem:v62+s2+$0x0], $0xffff  }
0x8d: {  	v37 =	vsub.s32 v4, v17;
	v22 =	vld.idx.msk [tilespmem:v34+s2+$0x0], $0xffff;
	[tilespmem:s24+$0xFFFFFF00] =	vst v28  }
0x8e: {  	v41 =	vsub.s32 v4, v15;
	v29 =	vld.idx.msk [tilespmem:v38+s2+$0x0], $0xffff;
	[tilespmem:s24+$0xFFFFFF50] =	vst v18  }
0x8f: {  	v44 =	vsub.s32 v4, v16;
	v19 =	vld.idx.msk [tilespmem:v19+s2+$0x0], $0xffff;
	[tilespmem:s24+$0xFFFFFF40] =	vst v20  }
0x90: {  	v20 =	vsub.s32 v3, v11;
	[tilespmem:s24+$0xFFFFFF60] =	vst v25;
	v21 =	vld.idx.msk [tilespmem:v40+s2+$0x0], $0xffff  }
0x91: {  	v42 =	vsub.s32 v4, v14;
	[tilespmem:s24+$0xFFFFFFF0] =	vst v35;
	v18 =	vld.idx.msk [tilespmem:v39+s2+$0x0], $0xffff  }
0x92: {  	v45 =	vsub.s32 v4, v13;
	[tilespmem:s24+$0xFFFFFF90] =	vst v22;
	v27 =	vld.idx.msk [tilespmem:v37+s2+$0x0], $0xffff  }
0x93: {  	v46 =	vsub.s32 v4, v10;
	v23 =	vld.idx.msk [tilespmem:v41+s2+$0x0], $0xffff;
	[tilespmem:s24+$0xFFFFFF80] =	vst v29  }
0x94: {  	v43 =	vsub.s32 v5, v17;
	[tilespmem:s24+$0xFFFFFFB0] =	vst v24;
	v26 =	vld.idx.msk [tilespmem:v44+s2+$0x0], $0xffff  }
0x95: {  	v48 =	vsub.s32 v5, v15;
	[tilespmem:s24+$0xFFFFFFA0] =	vst v19;
	v19 =	vld.idx.msk [tilespmem:v20+s2+$0x0], $0xffff  }
0x96: {  	v50 =	vsub.s32 v5, v16;
	[tilespmem:s24+$0xFFFFFFD0] =	vst v21;
	v28 =	vld.idx.msk [tilespmem:v42+s2+$0x0], $0xffff  }
0x97: {  	v20 =	vsub.s32 v4, v12;
	[tilespmem:s24+$0xFFFFFFC0] =	vst v18;
	v18 =	vld.idx.msk [tilespmem:v45+s2+$0x0], $0xffff  }
0x98: {  	v47 =	vsub.s32 v4, v11;
	v51 =	vld.idx.msk [tilespmem:v46+s2+$0x0], $0xffff;
	[tilespmem:s24+$0x70] =	vst v27  }
0x99: {  	v54 =	vsub.s32 v5, v10;
	[tilespmem:s24+$0x10] =	vst v23;
	v25 =	vld.idx.msk [tilespmem:v43+s2+$0x0], $0xffff  }
0x9a: {  	v49 =	vsub.s32 v6, v17;
	v29 =	vld.idx.msk [tilespmem:v48+s2+$0x0], $0xffff;
	[tilespmem:s24+$0x0] =	vst v26  }
0x9b: {  	v56 =	vsub.s32 v6, v15;
	v22 =	vld.idx.msk [tilespmem:v50+s2+$0x0], $0xffff;
	[tilespmem:s24+$0xFFFFFFE0] =	vst v19  }
0x9c: {  	v20 =	vld.idx.msk [tilespmem:v20+s2+$0x0], $0xffff;
	v19 =	vsub.s32 v5, v14;
	[tilespmem:s24+$0x20] =	vst v28  }
0x9d: {  	v52 =	vsub.s32 v5, v13;
	v27 =	vld.idx.msk [tilespmem:v47+s2+$0x0], $0xffff;
	[tilespmem:s24+$0x50] =	vst v51  }
0x9e: {  	v53 =	vsub.s32 v5, v12;
	[tilespmem:s24+$0xF0] =	vst v25;
	v25 =	vld.idx.msk [tilespmem:v54+s2+$0x0], $0xffff  }
0x9f: {  	v55 =	vsub.s32 v5, v11;
	[tilespmem:s24+$0x90] =	vst v29;
	v21 =	vld.idx.msk [tilespmem:v49+s2+$0x0], $0xffff  }
0xa0: {  	v61 =	vsub.s32 v6, v10;
	[tilespmem:s24+$0x30] =	vst v18;
	v23 =	vld.idx.msk [tilespmem:v56+s2+$0x0], $0xffff  }
0xa1: {  	v17 =	vsub.s32 v7, v17;
	[tilespmem:s24+$0x80] =	vst v22;
	v18 =	vld.idx.msk [tilespmem:v19+s2+$0x0], $0xffff  }
0xa2: {  	[tilespmem:s24+$0x40] =	vst v20;
	v19 =	vsub.s32 v6, v16;
	v20 =	vld.idx.msk [tilespmem:v52+s2+$0x0], $0xffff  }
0xa3: {  	v58 =	vsub.s32 v6, v14;
	v57 =	vld.idx.msk [tilespmem:v53+s2+$0x0], $0xffff;
	[tilespmem:s24+$0x60] =	vst v27  }
0xa4: {  	v59 =	vsub.s32 v6, v13;
	v26 =	vld.idx.msk [tilespmem:v55+s2+$0x0], $0xffff;
	[tilespmem:s24+$0xD0] =	vst v25  }
0xa5: {  	v60 =	vsub.s32 v6, v12;
	[tilespmem:s24+$0x170] =	vst v21;
	v22 =	vld.idx.msk [tilespmem:v61+s2+$0x0], $0xffff  }
0xa6: {  	v15 =	vsub.s32 v7, v15;
	[tilespmem:s24+$0x110] =	vst v23;
	v17 =	vld.idx.msk [tilespmem:v17+s2+$0x0], $0xffff  }
0xa7: {  	v19 =	vld.idx.msk [tilespmem:v19+s2+$0x0], $0xffff;
	[tilespmem:s24+$0xA0] =	vst v18;
	v18 =	vsub.s32 v6, v11  }
0xa8: {  	[tilespmem:s24+$0xB0] =	vst v20;
	v20 =	vsub.s32 v7, v16;
	v27 =	vld.idx.msk [tilespmem:v58+s2+$0x0], $0xffff  }
0xa9: {  	v63 =	vsub.s32 v7, v14;
	[tilespmem:s24+$0xC0] =	vst v57;
	v62 =	vld.idx.msk [tilespmem:v59+s2+$0x0], $0xffff  }
0xaa: {  	v13 =	vsub.s32 v7, v13;
	v21 =	vld.idx.msk [tilespmem:v60+s2+$0x0], $0xffff;
	[tilespmem:s24+$0xE0] =	vst v26  }
0xab: {  	v15 =	vld.idx.msk [tilespmem:v15+s2+$0x0], $0xffff;
	[tilespmem:s24+$0x1F0] =	vst v17;
	v17 =	vsub.s32 v7, v12  }
0xac: {  	[tilespmem:s24+$0x100] =	vst v19;
	v16 =	vld.idx.msk [tilespmem:v18+s2+$0x0], $0xffff  }
0xad: {  	v14 =	vld.idx.msk [tilespmem:v20+s2+$0x0], $0xffff;
	[tilespmem:s24+$0x120] =	vst v27  }
0xae: {  	[tilespmem:s24+$0x130] =	vst v62;
	v18 =	vld.idx.msk [tilespmem:v63+s2+$0x0], $0xffff  }
0xaf: {  	v13 =	vld.idx.msk [tilespmem:v13+s2+$0x0], $0xffff;
	[tilespmem:s24+$0x140] =	vst v21  }
0xb0: {  	s25 =	simm.s32 $0x8;
	s26 =	simm.s32 $0xF9C0;
	v11 =	vsub.s32 v7, v11;
	[tilespmem:s24+$0x150] =	vst v22;
	v12 =	vsub.s32 v7, v10;
	v17 =	vld.idx.msk [tilespmem:v17+s2+$0x0], $0xffff  }
.LBB2_2:
0xb1: {  	v10 =	vld [tilespmem:s26+$0x30];
	s25 =	sadd.s32 $0x8, s25;
	[tilespmem:s24+$0x160] =	vst v16  }
0xb2: {  	v21 =	vld [tilespmem:s26+$0xFFFFFFD0];
	p0 =	slt.u32 s25, $0x38;
	[tilespmem:s24+$0x180] =	vst v14  }
0xb3: {  	v25 =	vld [tilespmem:s26+$0xFFFFFFE0];
	[tilespmem:s24+$0x190] =	vst v15  }
0xb4: {  	v26 =	vld [tilespmem:s26+$0xFFFFFFF0];
	[tilespmem:s24+$0x1A0] =	vst v18  }
0xb5: {  	v27 =	vld [tilespmem:s26+$0x0];
	[tilespmem:s24+$0x1B0] =	vst v13  }
0xb6: {  	v28 =	vld [tilespmem:s26+$0x10];
	v13 =	vsub.s32 v0, v10;
	[tilespmem:s24+$0x1C0] =	vst v17  }
0xb7: {  	v14 =	vsub.s32 v0, v21;
	v15 =	vsub.s32 v1, v21;
	v17 =	vsub.s32 v2, v21;
	v29 =	vld [tilespmem:s26+$0x20];
	[tilespmem:s23+$0x1D0] =	vst v8  }
0xb8: {  	v20 =	vld [tilespmem:s26+$0xFFFFFFC0];
	v16 =	vsub.s32 v0, v25;
	v18 =	vsub.s32 v1, v25;
	v30 =	vsub.s32 v2, v25;
	[tilespmem:s23+$0x1E0] =	vst v9;
	s23 =	smov.u32 s24  }
0xb9: {  	v19 =	vsub.s32 v0, v26;
	v22 =	vsub.s32 v1, v26;
	v31 =	vsub.s32 v2, v26;
	v8 =	vld.idx.msk [tilespmem:v12+s2+$0x0], $0xffff  }
0xba: {  	v12 =	vsub.s32 v0, v27;
	v23 =	vsub.s32 v1, v27;
	v32 =	vsub.s32 v2, v27;
	v9 =	vld.idx.msk [tilespmem:v11+s2+$0x0], $0xffff  }
0xbb: {  	v11 =	vsub.s32 v0, v28;
	v24 =	vsub.s32 v1, v28;
	v33 =	vsub.s32 v2, v28;
	v13 =	vld.idx.msk [tilespmem:v13+s2+$0x0], $0xffff  }
0xbc: {  	v14 =	vld.idx.msk [tilespmem:v14+s2+$0x0], $0xffff;
	v34 =	vsub.s32 v0, v29;
	v35 =	vsub.s32 v1, v29;
	v36 =	vsub.s32 v2, v29  }
0xbd: {  	v39 =	vsub.s32 v1, v10;
	v37 =	vsub.s32 v0, v20;
	v38 =	vsub.s32 v1, v20;
	v16 =	vld.idx.msk [tilespmem:v16+s2+$0x0], $0xffff  }
0xbe: {  	v42 =	vsub.s32 v3, v21;
	v40 =	vsub.s32 v2, v20;
	v41 =	vsub.s32 v3, v20;
	v19 =	vld.idx.msk [tilespmem:v19+s2+$0x0], $0xffff  }
0xbf: {  	v43 =	vsub.s32 v3, v25;
	v44 =	vsub.s32 v3, v26;
	v45 =	vsub.s32 v3, v27;
	v12 =	vld.idx.msk [tilespmem:v12+s2+$0x0], $0xffff  }
0xc0: {  	s24 =	sadd.s32 $0x400, s24;
	v47 =	vsub.s32 v3, v28;
	v48 =	vsub.s32 v3, v29;
	v46 =	vsub.s32 v4, v20;
	v11 =	vld.idx.msk [tilespmem:v11+s2+$0x0], $0xffff  }
0xc1: {  	v49 =	vsub.s32 v4, v21;
	v50 =	vsub.s32 v4, v25;
	v34 =	vld.idx.msk [tilespmem:v34+s2+$0x0], $0xffff;
	[tilespmem:s24+$0xFFFFFE70] =	vst v13  }
0xc2: {  	v51 =	vsub.s32 v4, v26;
	v52 =	vsub.s32 v4, v27;
	[tilespmem:s24+$0xFFFFFE10] =	vst v14;
	v13 =	vld.idx.msk [tilespmem:v39+s2+$0x0], $0xffff  }
0xc3: {  	v53 =	vsub.s32 v4, v29;
	v39 =	vsub.s32 v4, v28;
	v37 =	vld.idx.msk [tilespmem:v37+s2+$0x0], $0xffff;
	[tilespmem:s24+$0xFFFFFE20] =	vst v16  }
0xc4: {  	v54 =	vsub.s32 v5, v20;
	v15 =	vld.idx.msk [tilespmem:v15+s2+$0x0], $0xffff;
	[tilespmem:s24+$0xFFFFFE30] =	vst v19;
	v19 =	vsub.s32 v2, v10  }
0xc5: {  	v55 =	vsub.s32 v5, v21;
	v57 =	vsub.s32 v5, v25;
	v56 =	vld.idx.msk [tilespmem:v18+s2+$0x0], $0xffff;
	[tilespmem:s24+$0xFFFFFE40] =	vst v12  }
0xc6: {  	v58 =	vsub.s32 v5, v26;
	v59 =	vsub.s32 v5, v27;
	v12 =	vld.idx.msk [tilespmem:v22+s2+$0x0], $0xffff;
	[tilespmem:s24+$0xFFFFFE50] =	vst v11  }
0xc7: {  	v60 =	vsub.s32 v5, v28;
	v11 =	vld.idx.msk [tilespmem:v23+s2+$0x0], $0xffff;
	[tilespmem:s24+$0xFFFFFE60] =	vst v34;
	v34 =	vsub.s32 v5, v29  }
0xc8: {  	v14 =	vsub.s32 v6, v21;
	v22 =	vsub.s32 v6, v20;
	v61 =	vld.idx.msk [tilespmem:v24+s2+$0x0], $0xffff;
	[tilespmem:s24+$0xFFFFFEF0] =	vst v13  }
0xc9: {  	v16 =	vsub.s32 v6, v26;
	v23 =	vsub.s32 v6, v25;
	[tilespmem:s24+$0xFFFFFE00] =	vst v37;
	v37 =	vld.idx.msk [tilespmem:v19+s2+$0x0], $0xffff  }
0xca: {  	v18 =	vsub.s32 v6, v28;
	v24 =	vsub.s32 v6, v27;
	v38 =	vld.idx.msk [tilespmem:v38+s2+$0x0], $0xffff;
	[tilespmem:s24+$0xFFFFFE90] =	vst v15  }
0xcb: {  	v19 =	vsub.s32 v6, v29;
	[tilespmem:s24+$0xFFFFFEA0] =	vst v56;
	v35 =	vld.idx.msk [tilespmem:v35+s2+$0x0], $0xffff;
	v56 =	vsub.s32 v3, v10  }
0xcc: {  	v20 =	vsub.s32 v7, v20;
	v15 =	vsub.s32 v7, v21;
	v62 =	vld.idx.msk [tilespmem:v17+s2+$0x0], $0xffff;
	[tilespmem:s24+$0xFFFFFEB0] =	vst v12  }
0xcd: {  	v13 =	vsub.s32 v7, v26;
	v21 =	vsub.s32 v7, v25;
	v30 =	vld.idx.msk [tilespmem:v30+s2+$0x0], $0xffff;
	[tilespmem:s24+$0xFFFFFEC0] =	vst v11  }
0xce: {  	v17 =	vsub.s32 v7, v27;
	v12 =	vsub.s32 v7, v28;
	v25 =	vld.idx.msk [tilespmem:v31+s2+$0x0], $0xffff;
	[tilespmem:s24+$0xFFFFFED0] =	vst v61  }
0xcf: {  	v11 =	vsub.s32 v7, v29;
	v26 =	vld.idx.msk [tilespmem:v32+s2+$0x0], $0xffff;
	[tilespmem:s24+$0xFFFFFF70] =	vst v37  }
0xd0: {  	[tilespmem:s24+$0xFFFFFE80] =	vst v38;
	v27 =	vld.idx.msk [tilespmem:v56+s2+$0x0], $0xffff  }
0xd1: {  	v28 =	vld.idx.msk [tilespmem:v40+s2+$0x0], $0xffff;
	[tilespmem:s24+$0xFFFFFEE0] =	vst v35  }
0xd2: {  	v31 =	vsub.s32 v4, v10;
	[tilespmem:s24+$0xFFFFFF10] =	vst v62;
	v29 =	vld.idx.msk [tilespmem:v33+s2+$0x0], $0xffff  }
0xd3: {  	[tilespmem:s24+$0xFFFFFF20] =	vst v30;
	v30 =	vld.idx.msk [tilespmem:v36+s2+$0x0], $0xffff  }
0xd4: {  	v32 =	vld.idx.msk [tilespmem:v42+s2+$0x0], $0xffff;
	[tilespmem:s24+$0xFFFFFF30] =	vst v25  }
0xd5: {  	v25 =	vld.idx.msk [tilespmem:v43+s2+$0x0], $0xffff;
	[tilespmem:s24+$0xFFFFFF40] =	vst v26  }
0xd6: {  	v26 =	vld.idx.msk [tilespmem:v44+s2+$0x0], $0xffff;
	[tilespmem:s24+$0xFFFFFFF0] =	vst v27  }
0xd7: {  	[tilespmem:s24+$0xFFFFFF00] =	vst v28;
	v27 =	vld.idx.msk [tilespmem:v31+s2+$0x0], $0xffff  }
0xd8: {  	v28 =	vld.idx.msk [tilespmem:v41+s2+$0x0], $0xffff;
	[tilespmem:s24+$0xFFFFFF50] =	vst v29  }
0xd9: {  	v29 =	vld.idx.msk [tilespmem:v45+s2+$0x0], $0xffff;
	[tilespmem:s24+$0xFFFFFF60] =	vst v30;
	v30 =	vsub.s32 v5, v10  }
0xda: {  	[tilespmem:s24+$0xFFFFFF90] =	vst v32;
	v31 =	vld.idx.msk [tilespmem:v47+s2+$0x0], $0xffff  }
0xdb: {  	[tilespmem:s24+$0xFFFFFFA0] =	vst v25;
	v25 =	vld.idx.msk [tilespmem:v48+s2+$0x0], $0xffff  }
0xdc: {  	v32 =	vld.idx.msk [tilespmem:v49+s2+$0x0], $0xffff;
	[tilespmem:s24+$0xFFFFFFB0] =	vst v26  }
0xdd: {  	v26 =	vld.idx.msk [tilespmem:v50+s2+$0x0], $0xffff;
	[tilespmem:s24+$0x70] =	vst v27  }
0xde: {  	[tilespmem:s24+$0xFFFFFF80] =	vst v28;
	v27 =	vld.idx.msk [tilespmem:v30+s2+$0x0], $0xffff  }
0xdf: {  	v28 =	vld.idx.msk [tilespmem:v46+s2+$0x0], $0xffff;
	[tilespmem:s24+$0xFFFFFFC0] =	vst v29  }
0xe0: {  	v30 =	vsub.s32 v6, v10;
	v29 =	vld.idx.msk [tilespmem:v51+s2+$0x0], $0xffff;
	[tilespmem:s24+$0xFFFFFFD0] =	vst v31  }
0xe1: {  	v31 =	vld.idx.msk [tilespmem:v52+s2+$0x0], $0xffff;
	[tilespmem:s24+$0xFFFFFFE0] =	vst v25  }
0xe2: {  	[tilespmem:s24+$0x10] =	vst v32;
	v25 =	vld.idx.msk [tilespmem:v39+s2+$0x0], $0xffff  }
0xe3: {  	[tilespmem:s24+$0x20] =	vst v26;
	v26 =	vld.idx.msk [tilespmem:v53+s2+$0x0], $0xffff  }
0xe4: {  	v32 =	vld.idx.msk [tilespmem:v55+s2+$0x0], $0xffff;
	[tilespmem:s24+$0xF0] =	vst v27  }
0xe5: {  	[tilespmem:s24+$0x0] =	vst v28;
	v27 =	vld.idx.msk [tilespmem:v30+s2+$0x0], $0xffff  }
0xe6: {  	v28 =	vld.idx.msk [tilespmem:v54+s2+$0x0], $0xffff;
	[tilespmem:s24+$0x30] =	vst v29  }
0xe7: {  	v10 =	vsub.s32 v7, v10;
	v29 =	vld.idx.msk [tilespmem:v57+s2+$0x0], $0xffff;
	[tilespmem:s24+$0x40] =	vst v31  }
0xe8: {  	v30 =	vld.idx.msk [tilespmem:v58+s2+$0x0], $0xffff;
	[tilespmem:s24+$0x50] =	vst v25  }
0xe9: {  	v25 =	vld.idx.msk [tilespmem:v59+s2+$0x0], $0xffff;
	[tilespmem:s24+$0x60] =	vst v26  }
0xea: {  	[tilespmem:s24+$0x90] =	vst v32;
	v26 =	vld.idx.msk [tilespmem:v60+s2+$0x0], $0xffff  }
0xeb: {  	v31 =	vld.idx.msk [tilespmem:v34+s2+$0x0], $0xffff;
	[tilespmem:s24+$0x170] =	vst v27  }
0xec: {  	[tilespmem:s24+$0x80] =	vst v28;
	v10 =	vld.idx.msk [tilespmem:v10+s2+$0x0], $0xffff  }
0xed: {  	v22 =	vld.idx.msk [tilespmem:v22+s2+$0x0], $0xffff;
	[tilespmem:s24+$0xA0] =	vst v29  }
0xee: {  	v27 =	vld.idx.msk [tilespmem:v14+s2+$0x0], $0xffff;
	[tilespmem:s24+$0xB0] =	vst v30  }
0xef: {  	v23 =	vld.idx.msk [tilespmem:v23+s2+$0x0], $0xffff;
	[tilespmem:s24+$0xC0] =	vst v25  }
0xf0: {  	v25 =	vld.idx.msk [tilespmem:v16+s2+$0x0], $0xffff;
	[tilespmem:s24+$0xD0] =	vst v26  }
0xf1: {  	v24 =	vld.idx.msk [tilespmem:v24+s2+$0x0], $0xffff;
	[tilespmem:s24+$0xE0] =	vst v31  }
0xf2: {  	v26 =	vld.idx.msk [tilespmem:v18+s2+$0x0], $0xffff;
	[tilespmem:s24+$0x1F0] =	vst v10  }
0xf3: {  	[tilespmem:s24+$0x100] =	vst v22;
	v16 =	vld.idx.msk [tilespmem:v19+s2+$0x0], $0xffff  }
.Ltmp0:
0xf4: {  	v14 =	vld.idx.msk [tilespmem:v20+s2+$0x0], $0xffff;
	[tilespmem:s24+$0x110] =	vst v27;
	(pc) =	sbr.rel @p0 .LBB2_2-.Ltmp0, $4  }
0xf5: {  	v15 =	vld.idx.msk [tilespmem:v15+s2+$0x0], $0xffff;
	[tilespmem:s24+$0x120] =	vst v23  }
0xf6: {  	v18 =	vld.idx.msk [tilespmem:v21+s2+$0x0], $0xffff;
	[tilespmem:s24+$0x130] =	vst v25  }
0xf7: {  	v13 =	vld.idx.msk [tilespmem:v13+s2+$0x0], $0xffff;
	[tilespmem:s24+$0x140] =	vst v24  }
0xf8: {  	s26 =	sadd.s32 $0x80, s26;
	v17 =	vld.idx.msk [tilespmem:v17+s2+$0x0], $0xffff;
	[tilespmem:s24+$0x150] =	vst v26  }
0xf9: {  	_ = 	snop  }
0xfa: {  	[tilespmem:s24+$0x160] =	vst v16  }
0xfb: {  	[tilespmem:s24+$0x180] =	vst v14  }
0xfc: {  	[tilespmem:s23+$0x1D0] =	vst v8  }
0xfd: {  	v0 =	vld.idx.msk [tilespmem:v12+s2+$0x0], $0xffff;
	[tilespmem:s23+$0x1E0] =	vst v9  }
0xfe: {  	[tilespmem:s24+$0x190] =	vst v15;
	v1 =	vld.idx.msk [tilespmem:v11+s2+$0x0], $0xffff  }
0xff: {  	[tilespmem:s24+$0x1A0] =	vst v18  }
0x100: {  	[tilespmem:s24+$0x1B0] =	vst v13  }
0x101: {  	[tilespmem:s24+$0x1C0] =	vst v17  }
0x102: {  	[tilespmem:s24+$0x1D0] =	vst v0  }
0x103: {  	[tilespmem:s24+$0x1E0] =	vst v1  }
0x104: {  	[hbm4b:s5+s2] =	stream.linear.scatter [tilespmem:s14], [sflag:$0x1], $0x2000, $0x38;
	[tilespmem:$0x19C80] =	vst v63  }
0x105: {  	v0 =	vld [tilespmem:$0xFD00]  }
0x106: {  	v1 =	vld [tilespmem:$0xFD10]  }
0x107: {  	v2 =	vld [tilespmem:$0xFD20]  }
0x108: {  	v3 =	vld [tilespmem:$0xFD30]  }
0x109: {  	v4 =	vld [tilespmem:$0xFD40]  }
0x10a: {  	s30 =	simm.s32 $0xF8C0;
	v5 =	vld [tilespmem:$0xFD50]  }
0x10b: {  	v15 =	vld [tilespmem:s30+$0x30]  }
0x10c: {  	v13 =	vld [tilespmem:s30+$0xFFFFFFD0]  }
0x10d: {  	v12 =	vld [tilespmem:s30+$0xFFFFFFE0]  }
0x10e: {  	v11 =	vld [tilespmem:s30+$0xFFFFFFF0]  }
0x10f: {  	v10 =	vld [tilespmem:s30+$0x0]  }
0x110: {  	v8 =	vld [tilespmem:s30+$0x10];
	v16 =	vsub.s32 v0, v15  }
0x111: {  	v9 =	vld [tilespmem:s30+$0x20];
	v17 =	vsub.s32 v0, v13  }
0x112: {  	v14 =	vld [tilespmem:s30+$0xFFFFFFC0];
	v18 =	vsub.s32 v0, v12  }
0x113: {  	v6 =	vld [tilespmem:$0xFD60];
	v19 =	vsub.s32 v0, v11  }
0x114: {  	v7 =	vld [tilespmem:$0xFD70];
	v20 =	vsub.s32 v0, v10  }
0x115: {  	v21 =	vsub.s32 v0, v8;
	v16 =	vld.idx.msk [tilespmem:v16+s2+$0x0], $0xffff  }
0x116: {  	v22 =	vsub.s32 v0, v9;
	v17 =	vld.idx.msk [tilespmem:v17+s2+$0x0], $0xffff  }
0x117: {  	v24 =	vsub.s32 v0, v14;
	v18 =	vld.idx.msk [tilespmem:v18+s2+$0x0], $0xffff  }
0x118: {  	v23 =	vsub.s32 v1, v15;
	v19 =	vld.idx.msk [tilespmem:v19+s2+$0x0], $0xffff  }
0x119: {  	v25 =	vsub.s32 v1, v13;
	v20 =	vld.idx.msk [tilespmem:v20+s2+$0x0], $0xffff  }
0x11a: {  	s23 =	simm.s32 $0x14070;
	v26 =	vsub.s32 v1, v12;
	v21 =	vld.idx.msk [tilespmem:v21+s2+$0x0], $0xffff  }
0x11b: {  	v27 =	vsub.s32 v1, v11;
	v22 =	vld.idx.msk [tilespmem:v22+s2+$0x0], $0xffff;
	[tilespmem:s23+$0xFFFFFC80] =	vst v16  }
0x11c: {  	v28 =	vsub.s32 v1, v8;
	[tilespmem:s23+$0xFFFFFC20] =	vst v17;
	v17 =	vld.idx.msk [tilespmem:v24+s2+$0x0], $0xffff  }
0x11d: {  	v16 =	vsub.s32 v1, v10;
	[tilespmem:s23+$0xFFFFFC30] =	vst v18;
	v23 =	vld.idx.msk [tilespmem:v23+s2+$0x0], $0xffff  }
0x11e: {  	v33 =	vsub.s32 v1, v14;
	[tilespmem:s23+$0xFFFFFC40] =	vst v19;
	v18 =	vld.idx.msk [tilespmem:v25+s2+$0x0], $0xffff  }
0x11f: {  	v34 =	vsub.s32 v1, v9;
	[tilespmem:s23+$0xFFFFFC50] =	vst v20;
	v19 =	vld.idx.msk [tilespmem:v26+s2+$0x0], $0xffff  }
0x120: {  	v32 =	vsub.s32 v2, v15;
	[tilespmem:s23+$0xFFFFFC60] =	vst v21;
	v20 =	vld.idx.msk [tilespmem:v27+s2+$0x0], $0xffff  }
0x121: {  	v35 =	vsub.s32 v2, v13;
	[tilespmem:s23+$0xFFFFFC70] =	vst v22;
	v28 =	vld.idx.msk [tilespmem:v28+s2+$0x0], $0xffff  }
0x122: {  	v36 =	vsub.s32 v2, v12;
	v16 =	vld.idx.msk [tilespmem:v16+s2+$0x0], $0xffff;
	[tilespmem:s23+$0xFFFFFC10] =	vst v17  }
0x123: {  	v37 =	vsub.s32 v2, v11;
	[tilespmem:s23+$0xFFFFFD00] =	vst v23;
	v39 =	vld.idx.msk [tilespmem:v33+s2+$0x0], $0xffff  }
0x124: {  	v38 =	vsub.s32 v2, v10;
	[tilespmem:s23+$0xFFFFFCA0] =	vst v18;
	v18 =	vld.idx.msk [tilespmem:v34+s2+$0x0], $0xffff  }
0x125: {  	v42 =	vsub.s32 v2, v8;
	[tilespmem:s23+$0xFFFFFCB0] =	vst v19;
	v17 =	vld.idx.msk [tilespmem:v32+s2+$0x0], $0xffff  }
0x126: {  	v41 =	vsub.s32 v2, v14;
	[tilespmem:s23+$0xFFFFFCC0] =	vst v20;
	v19 =	vld.idx.msk [tilespmem:v35+s2+$0x0], $0xffff  }
0x127: {  	v43 =	vsub.s32 v2, v9;
	[tilespmem:s23+$0xFFFFFCE0] =	vst v28;
	v20 =	vld.idx.msk [tilespmem:v36+s2+$0x0], $0xffff  }
0x128: {  	v40 =	vsub.s32 v3, v15;
	[tilespmem:s23+$0xFFFFFCD0] =	vst v16;
	v16 =	vld.idx.msk [tilespmem:v37+s2+$0x0], $0xffff  }
0x129: {  	v44 =	vsub.s32 v3, v13;
	v24 =	vld.idx.msk [tilespmem:v38+s2+$0x0], $0xffff;
	[tilespmem:s23+$0xFFFFFC90] =	vst v39  }
0x12a: {  	v46 =	vsub.s32 v3, v11;
	[tilespmem:s23+$0xFFFFFCF0] =	vst v18;
	v18 =	vld.idx.msk [tilespmem:v42+s2+$0x0], $0xffff  }
0x12b: {  	[tilespmem:s23+$0xFFFFFD80] =	vst v17;
	v17 =	vsub.s32 v3, v12;
	v26 =	vld.idx.msk [tilespmem:v41+s2+$0x0], $0xffff  }
0x12c: {  	v49 =	vsub.s32 v3, v10;
	[tilespmem:s23+$0xFFFFFD20] =	vst v19;
	v19 =	vld.idx.msk [tilespmem:v43+s2+$0x0], $0xffff  }
0x12d: {  	v50 =	vsub.s32 v3, v8;
	[tilespmem:s23+$0xFFFFFD30] =	vst v20;
	v45 =	vld.idx.msk [tilespmem:v40+s2+$0x0], $0xffff  }
0x12e: {  	v48 =	vsub.s32 v3, v14;
	v20 =	vld.idx.msk [tilespmem:v44+s2+$0x0], $0xffff;
	[tilespmem:s23+$0xFFFFFD40] =	vst v16  }
0x12f: {  	v47 =	vsub.s32 v4, v15;
	v25 =	vld.idx.msk [tilespmem:v46+s2+$0x0], $0xffff;
	[tilespmem:s23+$0xFFFFFD50] =	vst v24  }
0x130: {  	[tilespmem:s23+$0xFFFFFD60] =	vst v18;
	v16 =	vld.idx.msk [tilespmem:v17+s2+$0x0], $0xffff;
	v17 =	vsub.s32 v3, v9  }
0x131: {  	v51 =	vsub.s32 v4, v13;
	[tilespmem:s23+$0xFFFFFD10] =	vst v26;
	v18 =	vld.idx.msk [tilespmem:v49+s2+$0x0], $0xffff  }
0x132: {  	v57 =	vsub.s32 v4, v11;
	[tilespmem:s23+$0xFFFFFD70] =	vst v19;
	v19 =	vld.idx.msk [tilespmem:v50+s2+$0x0], $0xffff  }
0x133: {  	v53 =	vsub.s32 v4, v12;
	[tilespmem:s23+$0xFFFFFE00] =	vst v45;
	v54 =	vld.idx.msk [tilespmem:v48+s2+$0x0], $0xffff  }
0x134: {  	[tilespmem:s23+$0xFFFFFDA0] =	vst v20;
	v20 =	vsub.s32 v4, v10;
	v52 =	vld.idx.msk [tilespmem:v47+s2+$0x0], $0xffff  }
0x135: {  	v56 =	vsub.s32 v4, v14;
	[tilespmem:s23+$0xFFFFFDC0] =	vst v25;
	v17 =	vld.idx.msk [tilespmem:v17+s2+$0x0], $0xffff  }
0x136: {  	v55 =	vsub.s32 v5, v15;
	[tilespmem:s23+$0xFFFFFDB0] =	vst v16;
	v16 =	vld.idx.msk [tilespmem:v51+s2+$0x0], $0xffff  }
0x137: {  	v58 =	vsub.s32 v4, v8;
	[tilespmem:s23+$0xFFFFFDD0] =	vst v18;
	v18 =	vld.idx.msk [tilespmem:v57+s2+$0x0], $0xffff  }
0x138: {  	v59 =	vsub.s32 v4, v9;
	[tilespmem:s23+$0xFFFFFDE0] =	vst v19;
	v27 =	vld.idx.msk [tilespmem:v53+s2+$0x0], $0xffff  }
0x139: {  	v60 =	vsub.s32 v5, v13;
	[tilespmem:s23+$0xFFFFFD90] =	vst v54;
	v19 =	vld.idx.msk [tilespmem:v20+s2+$0x0], $0xffff  }
0x13a: {  	v30 =	vsub.s32 v5, v11;
	[tilespmem:s23+$0xFFFFFE80] =	vst v52;
	v61 =	vld.idx.msk [tilespmem:v56+s2+$0x0], $0xffff  }
0x13b: {  	v20 =	vsub.s32 v5, v12;
	v21 =	vld.idx.msk [tilespmem:v55+s2+$0x0], $0xffff;
	[tilespmem:s23+$0xFFFFFDF0] =	vst v17  }
0x13c: {  	v63 =	vsub.s32 v5, v14;
	v17 =	vld.idx.msk [tilespmem:v58+s2+$0x0], $0xffff;
	[tilespmem:s23+$0xFFFFFE20] =	vst v16  }
0x13d: {  	v62 =	vsub.s32 v6, v15;
	[tilespmem:s23+$0xFFFFFE40] =	vst v18;
	v16 =	vld.idx.msk [tilespmem:v59+s2+$0x0], $0xffff  }
0x13e: {  	v31 =	vsub.s32 v5, v10;
	v24 =	vld.idx.msk [tilespmem:v60+s2+$0x0], $0xffff;
	[tilespmem:s23+$0xFFFFFE30] =	vst v27  }
0x13f: {  	v32 =	vsub.s32 v5, v8;
	[tilespmem:s23+$0xFFFFFE50] =	vst v19;
	v19 =	vld.idx.msk [tilespmem:v30+s2+$0x0], $0xffff  }
0x140: {  	v33 =	vsub.s32 v5, v9;
	[tilespmem:s23+$0xFFFFFE10] =	vst v61;
	v18 =	vld.idx.msk [tilespmem:v20+s2+$0x0], $0xffff  }
0x141: {  	v35 =	vsub.s32 v6, v13;
	[tilespmem:s23+$0xFFFFFF00] =	vst v21;
	v34 =	vld.idx.msk [tilespmem:v63+s2+$0x0], $0xffff  }
0x142: {  	v36 =	vsub.s32 v6, v12;
	v23 =	vld.idx.msk [tilespmem:v62+s2+$0x0], $0xffff;
	[tilespmem:s23+$0xFFFFFE60] =	vst v17  }
0x143: {  	v20 =	vsub.s32 v6, v14;
	v17 =	vld.idx.msk [tilespmem:v31+s2+$0x0], $0xffff;
	[tilespmem:s23+$0xFFFFFE70] =	vst v16  }
0x144: {  	v15 =	vsub.s32 v7, v15;
	v16 =	vld.idx.msk [tilespmem:v32+s2+$0x0], $0xffff;
	[tilespmem:s23+$0xFFFFFEA0] =	vst v24  }
0x145: {  	v37 =	vsub.s32 v6, v11;
	[tilespmem:s23+$0xFFFFFEC0] =	vst v19;
	v25 =	vld.idx.msk [tilespmem:v33+s2+$0x0], $0xffff  }
0x146: {  	v38 =	vsub.s32 v6, v10;
	[tilespmem:s23+$0xFFFFFEB0] =	vst v18;
	v18 =	vld.idx.msk [tilespmem:v35+s2+$0x0], $0xffff  }
0x147: {  	v13 =	vsub.s32 v7, v13;
	[tilespmem:s23+$0xFFFFFE90] =	vst v34;
	v19 =	vld.idx.msk [tilespmem:v36+s2+$0x0], $0xffff  }
0x148: {  	[tilespmem:s23+$0xFFFFFF80] =	vst v23;
	v20 =	vld.idx.msk [tilespmem:v20+s2+$0x0], $0xffff  }
0x149: {  	v40 =	vsub.s32 v6, v9;
	v39 =	vld.idx.msk [tilespmem:v15+s2+$0x0], $0xffff;
	[tilespmem:s23+$0xFFFFFED0] =	vst v17  }
0x14a: {  	v12 =	vsub.s32 v7, v12;
	v17 =	vld.idx.msk [tilespmem:v37+s2+$0x0], $0xffff;
	[tilespmem:s23+$0xFFFFFEE0] =	vst v16  }
0x14b: {  	v16 =	vld.idx.msk [tilespmem:v38+s2+$0x0], $0xffff;
	[tilespmem:s23+$0xFFFFFF20] =	vst v18  }
0x14c: {  	s31 =	simm.s32 $0xF940;
	v15 =	vsub.s32 v6, v8;
	[tilespmem:s23+$0xFFFFFEF0] =	vst v25;
	v18 =	vld.idx.msk [tilespmem:v13+s2+$0x0], $0xffff  }
0x14d: {  	v14 =	vsub.s32 v7, v14;
	[tilespmem:s23+$0xFFFFFF30] =	vst v19;
	v13 =	vld [tilespmem:s31+$0xFFFFFFF0]  }
0x14e: {  	[tilespmem:s23+$0xFFFFFF10] =	vst v20;
	v20 =	vld.idx.msk [tilespmem:v40+s2+$0x0], $0xffff  }
0x14f: {  	v19 =	vld.idx.msk [tilespmem:v12+s2+$0x0], $0xffff  }
0x150: {  	v12 =	vld [tilespmem:s31+$0x0]  }
0x151: {  	v11 =	vsub.s32 v7, v11;
	v41 =	vld.idx.msk [tilespmem:v15+s2+$0x0], $0xffff  }
0x152: {  	v42 =	vld.idx.msk [tilespmem:v14+s2+$0x0], $0xffff  }
0x153: {  	[tilespmem:s23+$0xFFFFFF40] =	vst v17;
	v17 =	vld [tilespmem:s31+$0x30]  }
0x154: {  	v10 =	vsub.s32 v7, v10;
	v15 =	vld [tilespmem:s31+$0xFFFFFFD0]  }
0x155: {  	v14 =	vld [tilespmem:s31+$0xFFFFFFE0]  }
0x156: {  	v9 =	vsub.s32 v7, v9;
	v43 =	vld.idx.msk [tilespmem:v11+s2+$0x0], $0xffff  }
0x157: {  	v8 =	vsub.s32 v7, v8;
	[tilespmem:s23+$0xFFFFFF50] =	vst v16;
	v11 =	vld [tilespmem:s31+$0x20]  }
0x158: {  	v16 =	vld [tilespmem:s31+$0xFFFFFFC0];
	[tilespmem:s23+$0xFFFFFF70] =	vst v20;
	v20 =	vsub.s32 v0, v13  }
0x159: {  	v44 =	vld.idx.msk [tilespmem:v10+s2+$0x0], $0xffff;
	v48 =	vsub.s32 v0, v12  }
0x15a: {  	v10 =	vld [tilespmem:s31+$0x10];
	v45 =	vsub.s32 v0, v17  }
0x15b: {  	v46 =	vsub.s32 v0, v15;
	[tilespmem:s23+$0xFFFFFF60] =	vst v41;
	v9 =	vld.idx.msk [tilespmem:v9+s2+$0x0], $0xffff  }
0x15c: {  	v47 =	vsub.s32 v0, v14;
	v8 =	vld.idx.msk [tilespmem:v8+s2+$0x0], $0xffff  }
0x15d: {  	[tilespmem:s23+$0x0] =	vst v39;
	v51 =	vsub.s32 v0, v11;
	v20 =	vld.idx.msk [tilespmem:v20+s2+$0x0], $0xffff  }
0x15e: {  	[tilespmem:s23+$0xFFFFFFB0] =	vst v19;
	v19 =	vsub.s32 v0, v16;
	v28 =	vld.idx.msk [tilespmem:v48+s2+$0x0], $0xffff  }
0x15f: {  	[tilespmem:s23+$0xFFFFFFA0] =	vst v18;
	v49 =	vsub.s32 v0, v10;
	v25 =	vld.idx.msk [tilespmem:v45+s2+$0x0], $0xffff  }
0x160: {  	v29 =	vsub.s32 v1, v13;
	[tilespmem:s23+$0xFFFFFF90] =	vst v42;
	v50 =	vld.idx.msk [tilespmem:v46+s2+$0x0], $0xffff  }
0x161: {  	v55 =	vsub.s32 v1, v12;
	[tilespmem:s23+$0xFFFFFFC0] =	vst v43;
	v18 =	vld.idx.msk [tilespmem:v47+s2+$0x0], $0xffff  }
0x162: {  	s24 =	simm.s32 $0x14470;
	v53 =	vsub.s32 v1, v15;
	[tilespmem:s23+$0xFFFFFFD0] =	vst v44;
	v26 =	vld.idx.msk [tilespmem:v51+s2+$0x0], $0xffff  }
0x163: {  	v52 =	vsub.s32 v1, v17;
	v19 =	vld.idx.msk [tilespmem:v19+s2+$0x0], $0xffff;
	[tilespmem:s24+$0xFFFFFC40] =	vst v20  }
0x164: {  	v54 =	vsub.s32 v1, v14;
	v27 =	vld.idx.msk [tilespmem:v49+s2+$0x0], $0xffff;
	[tilespmem:s24+$0xFFFFFC50] =	vst v28  }
0x165: {  	v57 =	vsub.s32 v1, v16;
	[tilespmem:s24+$0xFFFFFC80] =	vst v25;
	v29 =	vld.idx.msk [tilespmem:v29+s2+$0x0], $0xffff  }
0x166: {  	v56 =	vsub.s32 v1, v10;
	[tilespmem:s24+$0xFFFFFC20] =	vst v50;
	v25 =	vld.idx.msk [tilespmem:v55+s2+$0x0], $0xffff  }
0x167: {  	v58 =	vsub.s32 v1, v11;
	[tilespmem:s24+$0xFFFFFC30] =	vst v18;
	v18 =	vld.idx.msk [tilespmem:v53+s2+$0x0], $0xffff  }
0x168: {  	v61 =	vsub.s32 v2, v13;
	v21 =	vld.idx.msk [tilespmem:v52+s2+$0x0], $0xffff;
	[tilespmem:s24+$0xFFFFFC70] =	vst v26  }
0x169: {  	v20 =	vsub.s32 v2, v17;
	v24 =	vld.idx.msk [tilespmem:v54+s2+$0x0], $0xffff;
	[tilespmem:s24+$0xFFFFFC10] =	vst v19  }
0x16a: {  	v59 =	vsub.s32 v2, v15;
	[tilespmem:s24+$0xFFFFFC60] =	vst v27;
	v23 =	vld.idx.msk [tilespmem:v57+s2+$0x0], $0xffff  }
0x16b: {  	v60 =	vsub.s32 v2, v14;
	v22 =	vld.idx.msk [tilespmem:v56+s2+$0x0], $0xffff;
	[tilespmem:s24+$0xFFFFFCC0] =	vst v29  }
0x16c: {  	v63 =	vsub.s32 v2, v16;
	[tilespmem:s24+$0xFFFFFCA0] =	vst v18;
	v18 =	vld.idx.msk [tilespmem:v58+s2+$0x0], $0xffff  }
0x16d: {  	v32 =	vsub.s32 v2, v10;
	[tilespmem:s24+$0xFFFFFD00] =	vst v21;
	v21 =	vld.idx.msk [tilespmem:v61+s2+$0x0], $0xffff  }
0x16e: {  	[tilespmem:s24+$0xFFFFFCD0] =	vst v25;
	v19 =	vld.idx.msk [tilespmem:v20+s2+$0x0], $0xffff;
	v20 =	vsub.s32 v2, v12  }
0x16f: {  	v33 =	vsub.s32 v2, v11;
	[tilespmem:s24+$0xFFFFFCB0] =	vst v24;
	v27 =	vld.idx.msk [tilespmem:v59+s2+$0x0], $0xffff  }
0x170: {  	v36 =	vsub.s32 v3, v13;
	v26 =	vld.idx.msk [tilespmem:v60+s2+$0x0], $0xffff;
	[tilespmem:s24+$0xFFFFFC90] =	vst v23  }
0x171: {  	v62 =	vsub.s32 v3, v17;
	[tilespmem:s24+$0xFFFFFCE0] =	vst v22;
	v28 =	vld.idx.msk [tilespmem:v63+s2+$0x0], $0xffff  }
0x172: {  	v34 =	vsub.s32 v3, v15;
	[tilespmem:s24+$0xFFFFFCF0] =	vst v18;
	v18 =	vld.idx.msk [tilespmem:v32+s2+$0x0], $0xffff  }
0x173: {  	v38 =	vsub.s32 v3, v16;
	[tilespmem:s24+$0xFFFFFD40] =	vst v21;
	v20 =	vld.idx.msk [tilespmem:v20+s2+$0x0], $0xffff  }
0x174: {  	[tilespmem:s24+$0xFFFFFD80] =	vst v19;
	v19 =	vsub.s32 v3, v14;
	v25 =	vld.idx.msk [tilespmem:v33+s2+$0x0], $0xffff  }
0x175: {  	v40 =	vsub.s32 v3, v10;
	[tilespmem:s24+$0xFFFFFD20] =	vst v27;
	v24 =	vld.idx.msk [tilespmem:v36+s2+$0x0], $0xffff  }
0x176: {  	v39 =	vsub.s32 v3, v12;
	[tilespmem:s24+$0xFFFFFD30] =	vst v26;
	v35 =	vld.idx.msk [tilespmem:v62+s2+$0x0], $0xffff  }
0x177: {  	v37 =	vsub.s32 v4, v17;
	v22 =	vld.idx.msk [tilespmem:v34+s2+$0x0], $0xffff;
	[tilespmem:s24+$0xFFFFFD10] =	vst v28  }
0x178: {  	v41 =	vsub.s32 v4, v15;
	v29 =	vld.idx.msk [tilespmem:v38+s2+$0x0], $0xffff;
	[tilespmem:s24+$0xFFFFFD60] =	vst v18  }
0x179: {  	v44 =	vsub.s32 v4, v16;
	v19 =	vld.idx.msk [tilespmem:v19+s2+$0x0], $0xffff;
	[tilespmem:s24+$0xFFFFFD50] =	vst v20  }
0x17a: {  	v20 =	vsub.s32 v3, v11;
	[tilespmem:s24+$0xFFFFFD70] =	vst v25;
	v21 =	vld.idx.msk [tilespmem:v40+s2+$0x0], $0xffff  }
0x17b: {  	v42 =	vsub.s32 v4, v14;
	[tilespmem:s24+$0xFFFFFE00] =	vst v35;
	v18 =	vld.idx.msk [tilespmem:v39+s2+$0x0], $0xffff  }
0x17c: {  	v45 =	vsub.s32 v4, v13;
	[tilespmem:s24+$0xFFFFFDA0] =	vst v22;
	v27 =	vld.idx.msk [tilespmem:v37+s2+$0x0], $0xffff  }
0x17d: {  	v46 =	vsub.s32 v4, v10;
	v23 =	vld.idx.msk [tilespmem:v41+s2+$0x0], $0xffff;
	[tilespmem:s24+$0xFFFFFD90] =	vst v29  }
0x17e: {  	v43 =	vsub.s32 v5, v17;
	[tilespmem:s24+$0xFFFFFDC0] =	vst v24;
	v26 =	vld.idx.msk [tilespmem:v44+s2+$0x0], $0xffff  }
0x17f: {  	v48 =	vsub.s32 v5, v15;
	[tilespmem:s24+$0xFFFFFDB0] =	vst v19;
	v19 =	vld.idx.msk [tilespmem:v20+s2+$0x0], $0xffff  }
0x180: {  	v50 =	vsub.s32 v5, v16;
	[tilespmem:s24+$0xFFFFFDE0] =	vst v21;
	v28 =	vld.idx.msk [tilespmem:v42+s2+$0x0], $0xffff  }
0x181: {  	v20 =	vsub.s32 v4, v12;
	[tilespmem:s24+$0xFFFFFDD0] =	vst v18;
	v18 =	vld.idx.msk [tilespmem:v45+s2+$0x0], $0xffff  }
0x182: {  	v47 =	vsub.s32 v4, v11;
	v51 =	vld.idx.msk [tilespmem:v46+s2+$0x0], $0xffff;
	[tilespmem:s24+$0xFFFFFE80] =	vst v27  }
0x183: {  	v54 =	vsub.s32 v5, v10;
	[tilespmem:s24+$0xFFFFFE20] =	vst v23;
	v25 =	vld.idx.msk [tilespmem:v43+s2+$0x0], $0xffff  }
0x184: {  	v49 =	vsub.s32 v6, v17;
	v29 =	vld.idx.msk [tilespmem:v48+s2+$0x0], $0xffff;
	[tilespmem:s24+$0xFFFFFE10] =	vst v26  }
0x185: {  	v56 =	vsub.s32 v6, v15;
	v22 =	vld.idx.msk [tilespmem:v50+s2+$0x0], $0xffff;
	[tilespmem:s24+$0xFFFFFDF0] =	vst v19  }
0x186: {  	v20 =	vld.idx.msk [tilespmem:v20+s2+$0x0], $0xffff;
	v19 =	vsub.s32 v5, v14;
	[tilespmem:s24+$0xFFFFFE30] =	vst v28  }
0x187: {  	v52 =	vsub.s32 v5, v13;
	v27 =	vld.idx.msk [tilespmem:v47+s2+$0x0], $0xffff;
	[tilespmem:s24+$0xFFFFFE60] =	vst v51  }
0x188: {  	v53 =	vsub.s32 v5, v12;
	[tilespmem:s24+$0xFFFFFF00] =	vst v25;
	v25 =	vld.idx.msk [tilespmem:v54+s2+$0x0], $0xffff  }
0x189: {  	v55 =	vsub.s32 v5, v11;
	[tilespmem:s24+$0xFFFFFEA0] =	vst v29;
	v21 =	vld.idx.msk [tilespmem:v49+s2+$0x0], $0xffff  }
0x18a: {  	v61 =	vsub.s32 v6, v10;
	[tilespmem:s24+$0xFFFFFE40] =	vst v18;
	v23 =	vld.idx.msk [tilespmem:v56+s2+$0x0], $0xffff  }
0x18b: {  	v17 =	vsub.s32 v7, v17;
	[tilespmem:s24+$0xFFFFFE90] =	vst v22;
	v18 =	vld.idx.msk [tilespmem:v19+s2+$0x0], $0xffff  }
0x18c: {  	[tilespmem:s24+$0xFFFFFE50] =	vst v20;
	v19 =	vsub.s32 v6, v16;
	v20 =	vld.idx.msk [tilespmem:v52+s2+$0x0], $0xffff  }
0x18d: {  	v58 =	vsub.s32 v6, v14;
	v57 =	vld.idx.msk [tilespmem:v53+s2+$0x0], $0xffff;
	[tilespmem:s24+$0xFFFFFE70] =	vst v27  }
0x18e: {  	v59 =	vsub.s32 v6, v13;
	v26 =	vld.idx.msk [tilespmem:v55+s2+$0x0], $0xffff;
	[tilespmem:s24+$0xFFFFFEE0] =	vst v25  }
0x18f: {  	v60 =	vsub.s32 v6, v12;
	[tilespmem:s24+$0xFFFFFF80] =	vst v21;
	v22 =	vld.idx.msk [tilespmem:v61+s2+$0x0], $0xffff  }
0x190: {  	v15 =	vsub.s32 v7, v15;
	[tilespmem:s24+$0xFFFFFF20] =	vst v23;
	v17 =	vld.idx.msk [tilespmem:v17+s2+$0x0], $0xffff  }
0x191: {  	v19 =	vld.idx.msk [tilespmem:v19+s2+$0x0], $0xffff;
	[tilespmem:s24+$0xFFFFFEB0] =	vst v18;
	v18 =	vsub.s32 v6, v11  }
0x192: {  	[tilespmem:s24+$0xFFFFFEC0] =	vst v20;
	v20 =	vsub.s32 v7, v16;
	v27 =	vld.idx.msk [tilespmem:v58+s2+$0x0], $0xffff  }
0x193: {  	v63 =	vsub.s32 v7, v14;
	[tilespmem:s24+$0xFFFFFED0] =	vst v57;
	v62 =	vld.idx.msk [tilespmem:v59+s2+$0x0], $0xffff  }
0x194: {  	v13 =	vsub.s32 v7, v13;
	v21 =	vld.idx.msk [tilespmem:v60+s2+$0x0], $0xffff;
	[tilespmem:s24+$0xFFFFFEF0] =	vst v26  }
0x195: {  	v15 =	vld.idx.msk [tilespmem:v15+s2+$0x0], $0xffff;
	[tilespmem:s24+$0x0] =	vst v17;
	v17 =	vsub.s32 v7, v12  }
0x196: {  	[tilespmem:s24+$0xFFFFFF10] =	vst v19;
	v16 =	vld.idx.msk [tilespmem:v18+s2+$0x0], $0xffff  }
0x197: {  	v14 =	vld.idx.msk [tilespmem:v20+s2+$0x0], $0xffff;
	[tilespmem:s24+$0xFFFFFF30] =	vst v27  }
0x198: {  	[tilespmem:s24+$0xFFFFFF40] =	vst v62;
	v18 =	vld.idx.msk [tilespmem:v63+s2+$0x0], $0xffff  }
0x199: {  	v13 =	vld.idx.msk [tilespmem:v13+s2+$0x0], $0xffff;
	[tilespmem:s24+$0xFFFFFF50] =	vst v21  }
0x19a: {  	s25 =	simm.s32 $0x8;
	s26 =	simm.s32 $0xF9C0;
	v11 =	vsub.s32 v7, v11;
	[tilespmem:s24+$0xFFFFFF60] =	vst v22;
	v12 =	vsub.s32 v7, v10;
	v17 =	vld.idx.msk [tilespmem:v17+s2+$0x0], $0xffff  }
.LBB2_4:
0x19b: {  	v10 =	vld [tilespmem:s26+$0x30];
	s25 =	sadd.s32 $0x8, s25;
	[tilespmem:s24+$0xFFFFFF70] =	vst v16  }
0x19c: {  	v21 =	vld [tilespmem:s26+$0xFFFFFFD0];
	p0 =	slt.u32 s25, $0x38;
	[tilespmem:s24+$0xFFFFFF90] =	vst v14  }
0x19d: {  	v25 =	vld [tilespmem:s26+$0xFFFFFFE0];
	[tilespmem:s24+$0xFFFFFFA0] =	vst v15  }
0x19e: {  	v26 =	vld [tilespmem:s26+$0xFFFFFFF0];
	[tilespmem:s24+$0xFFFFFFB0] =	vst v18  }
0x19f: {  	v27 =	vld [tilespmem:s26+$0x0];
	[tilespmem:s24+$0xFFFFFFC0] =	vst v13  }
0x1a0: {  	v28 =	vld [tilespmem:s26+$0x10];
	v13 =	vsub.s32 v0, v10;
	[tilespmem:s24+$0xFFFFFFD0] =	vst v17  }
0x1a1: {  	v14 =	vsub.s32 v0, v21;
	v15 =	vsub.s32 v1, v21;
	v17 =	vsub.s32 v2, v21;
	v29 =	vld [tilespmem:s26+$0x20];
	[tilespmem:s23+$0xFFFFFFE0] =	vst v8  }
0x1a2: {  	v20 =	vld [tilespmem:s26+$0xFFFFFFC0];
	v16 =	vsub.s32 v0, v25;
	v18 =	vsub.s32 v1, v25;
	v30 =	vsub.s32 v2, v25;
	[tilespmem:s23+$0xFFFFFFF0] =	vst v9;
	s23 =	smov.u32 s24  }
0x1a3: {  	v19 =	vsub.s32 v0, v26;
	v22 =	vsub.s32 v1, v26;
	v31 =	vsub.s32 v2, v26;
	v8 =	vld.idx.msk [tilespmem:v12+s2+$0x0], $0xffff  }
0x1a4: {  	v12 =	vsub.s32 v0, v27;
	v23 =	vsub.s32 v1, v27;
	v32 =	vsub.s32 v2, v27;
	v9 =	vld.idx.msk [tilespmem:v11+s2+$0x0], $0xffff  }
0x1a5: {  	v11 =	vsub.s32 v0, v28;
	v24 =	vsub.s32 v1, v28;
	v33 =	vsub.s32 v2, v28;
	v13 =	vld.idx.msk [tilespmem:v13+s2+$0x0], $0xffff  }
0x1a6: {  	v14 =	vld.idx.msk [tilespmem:v14+s2+$0x0], $0xffff;
	v34 =	vsub.s32 v0, v29;
	v35 =	vsub.s32 v1, v29;
	v36 =	vsub.s32 v2, v29  }
0x1a7: {  	v39 =	vsub.s32 v1, v10;
	v37 =	vsub.s32 v0, v20;
	v38 =	vsub.s32 v1, v20;
	v16 =	vld.idx.msk [tilespmem:v16+s2+$0x0], $0xffff  }
0x1a8: {  	v42 =	vsub.s32 v3, v21;
	v40 =	vsub.s32 v2, v20;
	v41 =	vsub.s32 v3, v20;
	v19 =	vld.idx.msk [tilespmem:v19+s2+$0x0], $0xffff  }
0x1a9: {  	v43 =	vsub.s32 v3, v25;
	v44 =	vsub.s32 v3, v26;
	v45 =	vsub.s32 v3, v27;
	v12 =	vld.idx.msk [tilespmem:v12+s2+$0x0], $0xffff  }
0x1aa: {  	s24 =	sadd.s32 $0x400, s24;
	v47 =	vsub.s32 v3, v28;
	v48 =	vsub.s32 v3, v29;
	v46 =	vsub.s32 v4, v20;
	v11 =	vld.idx.msk [tilespmem:v11+s2+$0x0], $0xffff  }
0x1ab: {  	v49 =	vsub.s32 v4, v21;
	v50 =	vsub.s32 v4, v25;
	v34 =	vld.idx.msk [tilespmem:v34+s2+$0x0], $0xffff;
	[tilespmem:s24+$0xFFFFFC80] =	vst v13  }
0x1ac: {  	v51 =	vsub.s32 v4, v26;
	v52 =	vsub.s32 v4, v27;
	[tilespmem:s24+$0xFFFFFC20] =	vst v14;
	v13 =	vld.idx.msk [tilespmem:v39+s2+$0x0], $0xffff  }
0x1ad: {  	v53 =	vsub.s32 v4, v29;
	v39 =	vsub.s32 v4, v28;
	v37 =	vld.idx.msk [tilespmem:v37+s2+$0x0], $0xffff;
	[tilespmem:s24+$0xFFFFFC30] =	vst v16  }
0x1ae: {  	v54 =	vsub.s32 v5, v20;
	v15 =	vld.idx.msk [tilespmem:v15+s2+$0x0], $0xffff;
	[tilespmem:s24+$0xFFFFFC40] =	vst v19;
	v19 =	vsub.s32 v2, v10  }
0x1af: {  	v55 =	vsub.s32 v5, v21;
	v57 =	vsub.s32 v5, v25;
	v56 =	vld.idx.msk [tilespmem:v18+s2+$0x0], $0xffff;
	[tilespmem:s24+$0xFFFFFC50] =	vst v12  }
0x1b0: {  	v58 =	vsub.s32 v5, v26;
	v59 =	vsub.s32 v5, v27;
	v12 =	vld.idx.msk [tilespmem:v22+s2+$0x0], $0xffff;
	[tilespmem:s24+$0xFFFFFC60] =	vst v11  }
0x1b1: {  	v60 =	vsub.s32 v5, v28;
	v11 =	vld.idx.msk [tilespmem:v23+s2+$0x0], $0xffff;
	[tilespmem:s24+$0xFFFFFC70] =	vst v34;
	v34 =	vsub.s32 v5, v29  }
0x1b2: {  	v14 =	vsub.s32 v6, v21;
	v22 =	vsub.s32 v6, v20;
	v61 =	vld.idx.msk [tilespmem:v24+s2+$0x0], $0xffff;
	[tilespmem:s24+$0xFFFFFD00] =	vst v13  }
0x1b3: {  	v16 =	vsub.s32 v6, v26;
	v23 =	vsub.s32 v6, v25;
	[tilespmem:s24+$0xFFFFFC10] =	vst v37;
	v37 =	vld.idx.msk [tilespmem:v19+s2+$0x0], $0xffff  }
0x1b4: {  	v18 =	vsub.s32 v6, v28;
	v24 =	vsub.s32 v6, v27;
	v38 =	vld.idx.msk [tilespmem:v38+s2+$0x0], $0xffff;
	[tilespmem:s24+$0xFFFFFCA0] =	vst v15  }
0x1b5: {  	v19 =	vsub.s32 v6, v29;
	[tilespmem:s24+$0xFFFFFCB0] =	vst v56;
	v35 =	vld.idx.msk [tilespmem:v35+s2+$0x0], $0xffff;
	v56 =	vsub.s32 v3, v10  }
0x1b6: {  	v20 =	vsub.s32 v7, v20;
	v15 =	vsub.s32 v7, v21;
	v62 =	vld.idx.msk [tilespmem:v17+s2+$0x0], $0xffff;
	[tilespmem:s24+$0xFFFFFCC0] =	vst v12  }
0x1b7: {  	v13 =	vsub.s32 v7, v26;
	v21 =	vsub.s32 v7, v25;
	v30 =	vld.idx.msk [tilespmem:v30+s2+$0x0], $0xffff;
	[tilespmem:s24+$0xFFFFFCD0] =	vst v11  }
0x1b8: {  	v17 =	vsub.s32 v7, v27;
	v12 =	vsub.s32 v7, v28;
	v25 =	vld.idx.msk [tilespmem:v31+s2+$0x0], $0xffff;
	[tilespmem:s24+$0xFFFFFCE0] =	vst v61  }
0x1b9: {  	v11 =	vsub.s32 v7, v29;
	v26 =	vld.idx.msk [tilespmem:v32+s2+$0x0], $0xffff;
	[tilespmem:s24+$0xFFFFFD80] =	vst v37  }
0x1ba: {  	[tilespmem:s24+$0xFFFFFC90] =	vst v38;
	v27 =	vld.idx.msk [tilespmem:v56+s2+$0x0], $0xffff  }
0x1bb: {  	v28 =	vld.idx.msk [tilespmem:v40+s2+$0x0], $0xffff;
	[tilespmem:s24+$0xFFFFFCF0] =	vst v35  }
0x1bc: {  	v31 =	vsub.s32 v4, v10;
	[tilespmem:s24+$0xFFFFFD20] =	vst v62;
	v29 =	vld.idx.msk [tilespmem:v33+s2+$0x0], $0xffff  }
0x1bd: {  	[tilespmem:s24+$0xFFFFFD30] =	vst v30;
	v30 =	vld.idx.msk [tilespmem:v36+s2+$0x0], $0xffff  }
0x1be: {  	v32 =	vld.idx.msk [tilespmem:v42+s2+$0x0], $0xffff;
	[tilespmem:s24+$0xFFFFFD40] =	vst v25  }
0x1bf: {  	v25 =	vld.idx.msk [tilespmem:v43+s2+$0x0], $0xffff;
	[tilespmem:s24+$0xFFFFFD50] =	vst v26  }
0x1c0: {  	v26 =	vld.idx.msk [tilespmem:v44+s2+$0x0], $0xffff;
	[tilespmem:s24+$0xFFFFFE00] =	vst v27  }
0x1c1: {  	[tilespmem:s24+$0xFFFFFD10] =	vst v28;
	v27 =	vld.idx.msk [tilespmem:v31+s2+$0x0], $0xffff  }
0x1c2: {  	v28 =	vld.idx.msk [tilespmem:v41+s2+$0x0], $0xffff;
	[tilespmem:s24+$0xFFFFFD60] =	vst v29  }
0x1c3: {  	v29 =	vld.idx.msk [tilespmem:v45+s2+$0x0], $0xffff;
	[tilespmem:s24+$0xFFFFFD70] =	vst v30;
	v30 =	vsub.s32 v5, v10  }
0x1c4: {  	[tilespmem:s24+$0xFFFFFDA0] =	vst v32;
	v31 =	vld.idx.msk [tilespmem:v47+s2+$0x0], $0xffff  }
0x1c5: {  	[tilespmem:s24+$0xFFFFFDB0] =	vst v25;
	v25 =	vld.idx.msk [tilespmem:v48+s2+$0x0], $0xffff  }
0x1c6: {  	v32 =	vld.idx.msk [tilespmem:v49+s2+$0x0], $0xffff;
	[tilespmem:s24+$0xFFFFFDC0] =	vst v26  }
0x1c7: {  	v26 =	vld.idx.msk [tilespmem:v50+s2+$0x0], $0xffff;
	[tilespmem:s24+$0xFFFFFE80] =	vst v27  }
0x1c8: {  	[tilespmem:s24+$0xFFFFFD90] =	vst v28;
	v27 =	vld.idx.msk [tilespmem:v30+s2+$0x0], $0xffff  }
0x1c9: {  	v28 =	vld.idx.msk [tilespmem:v46+s2+$0x0], $0xffff;
	[tilespmem:s24+$0xFFFFFDD0] =	vst v29  }
0x1ca: {  	v30 =	vsub.s32 v6, v10;
	v29 =	vld.idx.msk [tilespmem:v51+s2+$0x0], $0xffff;
	[tilespmem:s24+$0xFFFFFDE0] =	vst v31  }
0x1cb: {  	v31 =	vld.idx.msk [tilespmem:v52+s2+$0x0], $0xffff;
	[tilespmem:s24+$0xFFFFFDF0] =	vst v25  }
0x1cc: {  	[tilespmem:s24+$0xFFFFFE20] =	vst v32;
	v25 =	vld.idx.msk [tilespmem:v39+s2+$0x0], $0xffff  }
0x1cd: {  	[tilespmem:s24+$0xFFFFFE30] =	vst v26;
	v26 =	vld.idx.msk [tilespmem:v53+s2+$0x0], $0xffff  }
0x1ce: {  	v32 =	vld.idx.msk [tilespmem:v55+s2+$0x0], $0xffff;
	[tilespmem:s24+$0xFFFFFF00] =	vst v27  }
0x1cf: {  	[tilespmem:s24+$0xFFFFFE10] =	vst v28;
	v27 =	vld.idx.msk [tilespmem:v30+s2+$0x0], $0xffff  }
0x1d0: {  	v28 =	vld.idx.msk [tilespmem:v54+s2+$0x0], $0xffff;
	[tilespmem:s24+$0xFFFFFE40] =	vst v29  }
0x1d1: {  	v10 =	vsub.s32 v7, v10;
	v29 =	vld.idx.msk [tilespmem:v57+s2+$0x0], $0xffff;
	[tilespmem:s24+$0xFFFFFE50] =	vst v31  }
0x1d2: {  	v30 =	vld.idx.msk [tilespmem:v58+s2+$0x0], $0xffff;
	[tilespmem:s24+$0xFFFFFE60] =	vst v25  }
0x1d3: {  	v25 =	vld.idx.msk [tilespmem:v59+s2+$0x0], $0xffff;
	[tilespmem:s24+$0xFFFFFE70] =	vst v26  }
0x1d4: {  	[tilespmem:s24+$0xFFFFFEA0] =	vst v32;
	v26 =	vld.idx.msk [tilespmem:v60+s2+$0x0], $0xffff  }
0x1d5: {  	v31 =	vld.idx.msk [tilespmem:v34+s2+$0x0], $0xffff;
	[tilespmem:s24+$0xFFFFFF80] =	vst v27  }
0x1d6: {  	[tilespmem:s24+$0xFFFFFE90] =	vst v28;
	v10 =	vld.idx.msk [tilespmem:v10+s2+$0x0], $0xffff  }
0x1d7: {  	v22 =	vld.idx.msk [tilespmem:v22+s2+$0x0], $0xffff;
	[tilespmem:s24+$0xFFFFFEB0] =	vst v29  }
0x1d8: {  	v27 =	vld.idx.msk [tilespmem:v14+s2+$0x0], $0xffff;
	[tilespmem:s24+$0xFFFFFEC0] =	vst v30  }
0x1d9: {  	v23 =	vld.idx.msk [tilespmem:v23+s2+$0x0], $0xffff;
	[tilespmem:s24+$0xFFFFFED0] =	vst v25  }
0x1da: {  	v25 =	vld.idx.msk [tilespmem:v16+s2+$0x0], $0xffff;
	[tilespmem:s24+$0xFFFFFEE0] =	vst v26  }
0x1db: {  	v24 =	vld.idx.msk [tilespmem:v24+s2+$0x0], $0xffff;
	[tilespmem:s24+$0xFFFFFEF0] =	vst v31  }
0x1dc: {  	v26 =	vld.idx.msk [tilespmem:v18+s2+$0x0], $0xffff;
	[tilespmem:s24+$0x0] =	vst v10  }
0x1dd: {  	[tilespmem:s24+$0xFFFFFF10] =	vst v22;
	v16 =	vld.idx.msk [tilespmem:v19+s2+$0x0], $0xffff  }
.Ltmp1:
0x1de: {  	v14 =	vld.idx.msk [tilespmem:v20+s2+$0x0], $0xffff;
	[tilespmem:s24+$0xFFFFFF20] =	vst v27;
	(pc) =	sbr.rel @p0 .LBB2_4-.Ltmp1, $4  }
0x1df: {  	v15 =	vld.idx.msk [tilespmem:v15+s2+$0x0], $0xffff;
	[tilespmem:s24+$0xFFFFFF30] =	vst v23  }
0x1e0: {  	v18 =	vld.idx.msk [tilespmem:v21+s2+$0x0], $0xffff;
	[tilespmem:s24+$0xFFFFFF40] =	vst v25  }
0x1e1: {  	v13 =	vld.idx.msk [tilespmem:v13+s2+$0x0], $0xffff;
	[tilespmem:s24+$0xFFFFFF50] =	vst v24  }
0x1e2: {  	s26 =	sadd.s32 $0x80, s26;
	v17 =	vld.idx.msk [tilespmem:v17+s2+$0x0], $0xffff;
	[tilespmem:s24+$0xFFFFFF60] =	vst v26  }
0x1e3: {  	_ = 	snop  }
0x1e4: {  	[tilespmem:s24+$0xFFFFFF70] =	vst v16  }
0x1e5: {  	[tilespmem:s24+$0xFFFFFF90] =	vst v14  }
0x1e6: {  	[tilespmem:s23+$0xFFFFFFE0] =	vst v8  }
0x1e7: {  	v0 =	vld.idx.msk [tilespmem:v12+s2+$0x0], $0xffff;
	[tilespmem:s23+$0xFFFFFFF0] =	vst v9  }
0x1e8: {  	[tilespmem:s24+$0xFFFFFFA0] =	vst v15;
	v1 =	vld.idx.msk [tilespmem:v11+s2+$0x0], $0xffff  }
0x1e9: {  	[tilespmem:s24+$0xFFFFFFB0] =	vst v18  }
0x1ea: {  	[tilespmem:s24+$0xFFFFFFC0] =	vst v13  }
0x1eb: {  	[tilespmem:s24+$0xFFFFFFD0] =	vst v17  }
0x1ec: {  	[tilespmem:s24+$0xFFFFFFE0] =	vst v0  }
0x1ed: {  	[tilespmem:s24+$0xFFFFFFF0] =	vst v1  }
0x1ee: {  	[hbm4b:s7+s2] =	stream.linear.scatter [tilespmem:s15], [sflag:$0x2], $0x2000, $0x38;
	[tilespmem:$0x19C80] =	vst v63  }
0x1ef: {  	v0 =	vld [tilespmem:$0xFD80]  }
0x1f0: {  	v1 =	vld [tilespmem:$0xFD90]  }
0x1f1: {  	v2 =	vld [tilespmem:$0xFDA0]  }
0x1f2: {  	v3 =	vld [tilespmem:$0xFDB0]  }
0x1f3: {  	v4 =	vld [tilespmem:$0xFDC0]  }
0x1f4: {  	s30 =	simm.s32 $0xF8C0;
	v5 =	vld [tilespmem:$0xFDD0]  }
0x1f5: {  	v15 =	vld [tilespmem:s30+$0x30]  }
0x1f6: {  	v13 =	vld [tilespmem:s30+$0xFFFFFFD0]  }
0x1f7: {  	v12 =	vld [tilespmem:s30+$0xFFFFFFE0]  }
0x1f8: {  	v11 =	vld [tilespmem:s30+$0xFFFFFFF0]  }
0x1f9: {  	v10 =	vld [tilespmem:s30+$0x0]  }
0x1fa: {  	v8 =	vld [tilespmem:s30+$0x10];
	v16 =	vsub.s32 v0, v15  }
0x1fb: {  	v9 =	vld [tilespmem:s30+$0x20];
	v17 =	vsub.s32 v0, v13  }
0x1fc: {  	v14 =	vld [tilespmem:s30+$0xFFFFFFC0];
	v18 =	vsub.s32 v0, v12  }
0x1fd: {  	v6 =	vld [tilespmem:$0xFDE0];
	v19 =	vsub.s32 v0, v11  }
0x1fe: {  	v7 =	vld [tilespmem:$0xFDF0];
	v20 =	vsub.s32 v0, v10  }
0x1ff: {  	v21 =	vsub.s32 v0, v8;
	v16 =	vld.idx.msk [tilespmem:v16+s2+$0x0], $0xffff  }
0x200: {  	v22 =	vsub.s32 v0, v9;
	v17 =	vld.idx.msk [tilespmem:v17+s2+$0x0], $0xffff  }
0x201: {  	v24 =	vsub.s32 v0, v14;
	v18 =	vld.idx.msk [tilespmem:v18+s2+$0x0], $0xffff  }
0x202: {  	v23 =	vsub.s32 v1, v15;
	v19 =	vld.idx.msk [tilespmem:v19+s2+$0x0], $0xffff  }
0x203: {  	v25 =	vsub.s32 v1, v13;
	v20 =	vld.idx.msk [tilespmem:v20+s2+$0x0], $0xffff  }
0x204: {  	s23 =	simm.s32 $0x15C80;
	v26 =	vsub.s32 v1, v12;
	v21 =	vld.idx.msk [tilespmem:v21+s2+$0x0], $0xffff  }
0x205: {  	v27 =	vsub.s32 v1, v11;
	v22 =	vld.idx.msk [tilespmem:v22+s2+$0x0], $0xffff;
	[tilespmem:s23+$0x70] =	vst v16  }
0x206: {  	v28 =	vsub.s32 v1, v8;
	[tilespmem:s23+$0x10] =	vst v17;
	v17 =	vld.idx.msk [tilespmem:v24+s2+$0x0], $0xffff  }
0x207: {  	v16 =	vsub.s32 v1, v10;
	[tilespmem:s23+$0x20] =	vst v18;
	v23 =	vld.idx.msk [tilespmem:v23+s2+$0x0], $0xffff  }
0x208: {  	v33 =	vsub.s32 v1, v14;
	[tilespmem:s23+$0x30] =	vst v19;
	v18 =	vld.idx.msk [tilespmem:v25+s2+$0x0], $0xffff  }
0x209: {  	v34 =	vsub.s32 v1, v9;
	[tilespmem:s23+$0x40] =	vst v20;
	v19 =	vld.idx.msk [tilespmem:v26+s2+$0x0], $0xffff  }
0x20a: {  	v32 =	vsub.s32 v2, v15;
	[tilespmem:s23+$0x50] =	vst v21;
	v20 =	vld.idx.msk [tilespmem:v27+s2+$0x0], $0xffff  }
0x20b: {  	v35 =	vsub.s32 v2, v13;
	[tilespmem:s23+$0x60] =	vst v22;
	v28 =	vld.idx.msk [tilespmem:v28+s2+$0x0], $0xffff  }
0x20c: {  	v36 =	vsub.s32 v2, v12;
	v16 =	vld.idx.msk [tilespmem:v16+s2+$0x0], $0xffff;
	[tilespmem:s23+$0x0] =	vst v17  }
0x20d: {  	v37 =	vsub.s32 v2, v11;
	[tilespmem:s23+$0xF0] =	vst v23;
	v39 =	vld.idx.msk [tilespmem:v33+s2+$0x0], $0xffff  }
0x20e: {  	v38 =	vsub.s32 v2, v10;
	[tilespmem:s23+$0x90] =	vst v18;
	v18 =	vld.idx.msk [tilespmem:v34+s2+$0x0], $0xffff  }
0x20f: {  	v42 =	vsub.s32 v2, v8;
	[tilespmem:s23+$0xA0] =	vst v19;
	v17 =	vld.idx.msk [tilespmem:v32+s2+$0x0], $0xffff  }
0x210: {  	v41 =	vsub.s32 v2, v14;
	[tilespmem:s23+$0xB0] =	vst v20;
	v19 =	vld.idx.msk [tilespmem:v35+s2+$0x0], $0xffff  }
0x211: {  	v43 =	vsub.s32 v2, v9;
	[tilespmem:s23+$0xD0] =	vst v28;
	v20 =	vld.idx.msk [tilespmem:v36+s2+$0x0], $0xffff  }
0x212: {  	v40 =	vsub.s32 v3, v15;
	[tilespmem:s23+$0xC0] =	vst v16;
	v16 =	vld.idx.msk [tilespmem:v37+s2+$0x0], $0xffff  }
0x213: {  	v44 =	vsub.s32 v3, v13;
	v24 =	vld.idx.msk [tilespmem:v38+s2+$0x0], $0xffff;
	[tilespmem:s23+$0x80] =	vst v39  }
0x214: {  	v46 =	vsub.s32 v3, v11;
	[tilespmem:s23+$0xE0] =	vst v18;
	v18 =	vld.idx.msk [tilespmem:v42+s2+$0x0], $0xffff  }
0x215: {  	[tilespmem:s23+$0x170] =	vst v17;
	v17 =	vsub.s32 v3, v12;
	v26 =	vld.idx.msk [tilespmem:v41+s2+$0x0], $0xffff  }
0x216: {  	v49 =	vsub.s32 v3, v10;
	[tilespmem:s23+$0x110] =	vst v19;
	v19 =	vld.idx.msk [tilespmem:v43+s2+$0x0], $0xffff  }
0x217: {  	v50 =	vsub.s32 v3, v8;
	[tilespmem:s23+$0x120] =	vst v20;
	v45 =	vld.idx.msk [tilespmem:v40+s2+$0x0], $0xffff  }
0x218: {  	v48 =	vsub.s32 v3, v14;
	v20 =	vld.idx.msk [tilespmem:v44+s2+$0x0], $0xffff;
	[tilespmem:s23+$0x130] =	vst v16  }
0x219: {  	v47 =	vsub.s32 v4, v15;
	v25 =	vld.idx.msk [tilespmem:v46+s2+$0x0], $0xffff;
	[tilespmem:s23+$0x140] =	vst v24  }
0x21a: {  	[tilespmem:s23+$0x150] =	vst v18;
	v16 =	vld.idx.msk [tilespmem:v17+s2+$0x0], $0xffff;
	v17 =	vsub.s32 v3, v9  }
0x21b: {  	v51 =	vsub.s32 v4, v13;
	[tilespmem:s23+$0x100] =	vst v26;
	v18 =	vld.idx.msk [tilespmem:v49+s2+$0x0], $0xffff  }
0x21c: {  	v57 =	vsub.s32 v4, v11;
	[tilespmem:s23+$0x160] =	vst v19;
	v19 =	vld.idx.msk [tilespmem:v50+s2+$0x0], $0xffff  }
0x21d: {  	v53 =	vsub.s32 v4, v12;
	[tilespmem:s23+$0x1F0] =	vst v45;
	v54 =	vld.idx.msk [tilespmem:v48+s2+$0x0], $0xffff  }
0x21e: {  	[tilespmem:s23+$0x190] =	vst v20;
	v20 =	vsub.s32 v4, v10;
	v52 =	vld.idx.msk [tilespmem:v47+s2+$0x0], $0xffff  }
0x21f: {  	v56 =	vsub.s32 v4, v14;
	[tilespmem:s23+$0x1B0] =	vst v25;
	v17 =	vld.idx.msk [tilespmem:v17+s2+$0x0], $0xffff  }
0x220: {  	v55 =	vsub.s32 v5, v15;
	[tilespmem:s23+$0x1A0] =	vst v16;
	v16 =	vld.idx.msk [tilespmem:v51+s2+$0x0], $0xffff  }
0x221: {  	v58 =	vsub.s32 v4, v8;
	[tilespmem:s23+$0x1C0] =	vst v18;
	v18 =	vld.idx.msk [tilespmem:v57+s2+$0x0], $0xffff  }
0x222: {  	v59 =	vsub.s32 v4, v9;
	[tilespmem:s23+$0x1D0] =	vst v19;
	v27 =	vld.idx.msk [tilespmem:v53+s2+$0x0], $0xffff  }
0x223: {  	v60 =	vsub.s32 v5, v13;
	[tilespmem:s23+$0x180] =	vst v54;
	v19 =	vld.idx.msk [tilespmem:v20+s2+$0x0], $0xffff  }
0x224: {  	v30 =	vsub.s32 v5, v11;
	[tilespmem:s23+$0x270] =	vst v52;
	v61 =	vld.idx.msk [tilespmem:v56+s2+$0x0], $0xffff  }
0x225: {  	v20 =	vsub.s32 v5, v12;
	v21 =	vld.idx.msk [tilespmem:v55+s2+$0x0], $0xffff;
	[tilespmem:s23+$0x1E0] =	vst v17  }
0x226: {  	v63 =	vsub.s32 v5, v14;
	v17 =	vld.idx.msk [tilespmem:v58+s2+$0x0], $0xffff;
	[tilespmem:s23+$0x210] =	vst v16  }
0x227: {  	v62 =	vsub.s32 v6, v15;
	[tilespmem:s23+$0x230] =	vst v18;
	v16 =	vld.idx.msk [tilespmem:v59+s2+$0x0], $0xffff  }
0x228: {  	v31 =	vsub.s32 v5, v10;
	v24 =	vld.idx.msk [tilespmem:v60+s2+$0x0], $0xffff;
	[tilespmem:s23+$0x220] =	vst v27  }
0x229: {  	v32 =	vsub.s32 v5, v8;
	[tilespmem:s23+$0x240] =	vst v19;
	v19 =	vld.idx.msk [tilespmem:v30+s2+$0x0], $0xffff  }
0x22a: {  	v33 =	vsub.s32 v5, v9;
	[tilespmem:s23+$0x200] =	vst v61;
	v18 =	vld.idx.msk [tilespmem:v20+s2+$0x0], $0xffff  }
0x22b: {  	v35 =	vsub.s32 v6, v13;
	[tilespmem:s23+$0x2F0] =	vst v21;
	v34 =	vld.idx.msk [tilespmem:v63+s2+$0x0], $0xffff  }
0x22c: {  	v36 =	vsub.s32 v6, v12;
	v23 =	vld.idx.msk [tilespmem:v62+s2+$0x0], $0xffff;
	[tilespmem:s23+$0x250] =	vst v17  }
0x22d: {  	v20 =	vsub.s32 v6, v14;
	v17 =	vld.idx.msk [tilespmem:v31+s2+$0x0], $0xffff;
	[tilespmem:s23+$0x260] =	vst v16  }
0x22e: {  	v15 =	vsub.s32 v7, v15;
	v16 =	vld.idx.msk [tilespmem:v32+s2+$0x0], $0xffff;
	[tilespmem:s23+$0x290] =	vst v24  }
0x22f: {  	v37 =	vsub.s32 v6, v11;
	[tilespmem:s23+$0x2B0] =	vst v19;
	v25 =	vld.idx.msk [tilespmem:v33+s2+$0x0], $0xffff  }
0x230: {  	v38 =	vsub.s32 v6, v10;
	[tilespmem:s23+$0x2A0] =	vst v18;
	v18 =	vld.idx.msk [tilespmem:v35+s2+$0x0], $0xffff  }
0x231: {  	v13 =	vsub.s32 v7, v13;
	[tilespmem:s23+$0x280] =	vst v34;
	v19 =	vld.idx.msk [tilespmem:v36+s2+$0x0], $0xffff  }
0x232: {  	[tilespmem:s23+$0x370] =	vst v23;
	v20 =	vld.idx.msk [tilespmem:v20+s2+$0x0], $0xffff  }
0x233: {  	v40 =	vsub.s32 v6, v9;
	v39 =	vld.idx.msk [tilespmem:v15+s2+$0x0], $0xffff;
	[tilespmem:s23+$0x2C0] =	vst v17  }
0x234: {  	v12 =	vsub.s32 v7, v12;
	v17 =	vld.idx.msk [tilespmem:v37+s2+$0x0], $0xffff;
	[tilespmem:s23+$0x2D0] =	vst v16  }
0x235: {  	v16 =	vld.idx.msk [tilespmem:v38+s2+$0x0], $0xffff;
	[tilespmem:s23+$0x310] =	vst v18  }
0x236: {  	s31 =	simm.s32 $0xF940;
	v15 =	vsub.s32 v6, v8;
	[tilespmem:s23+$0x2E0] =	vst v25;
	v18 =	vld.idx.msk [tilespmem:v13+s2+$0x0], $0xffff  }
0x237: {  	v14 =	vsub.s32 v7, v14;
	[tilespmem:s23+$0x320] =	vst v19;
	v13 =	vld [tilespmem:s31+$0xFFFFFFF0]  }
0x238: {  	[tilespmem:s23+$0x300] =	vst v20;
	v20 =	vld.idx.msk [tilespmem:v40+s2+$0x0], $0xffff  }
0x239: {  	v19 =	vld.idx.msk [tilespmem:v12+s2+$0x0], $0xffff  }
0x23a: {  	v12 =	vld [tilespmem:s31+$0x0]  }
0x23b: {  	v11 =	vsub.s32 v7, v11;
	v41 =	vld.idx.msk [tilespmem:v15+s2+$0x0], $0xffff  }
0x23c: {  	v42 =	vld.idx.msk [tilespmem:v14+s2+$0x0], $0xffff  }
0x23d: {  	[tilespmem:s23+$0x330] =	vst v17;
	v17 =	vld [tilespmem:s31+$0x30]  }
0x23e: {  	v10 =	vsub.s32 v7, v10;
	v15 =	vld [tilespmem:s31+$0xFFFFFFD0]  }
0x23f: {  	v14 =	vld [tilespmem:s31+$0xFFFFFFE0]  }
0x240: {  	v9 =	vsub.s32 v7, v9;
	v43 =	vld.idx.msk [tilespmem:v11+s2+$0x0], $0xffff  }
0x241: {  	v8 =	vsub.s32 v7, v8;
	[tilespmem:s23+$0x340] =	vst v16;
	v11 =	vld [tilespmem:s31+$0x20]  }
0x242: {  	v16 =	vld [tilespmem:s31+$0xFFFFFFC0];
	[tilespmem:s23+$0x360] =	vst v20;
	v20 =	vsub.s32 v0, v13  }
0x243: {  	v44 =	vld.idx.msk [tilespmem:v10+s2+$0x0], $0xffff;
	v48 =	vsub.s32 v0, v12  }
0x244: {  	v10 =	vld [tilespmem:s31+$0x10];
	v45 =	vsub.s32 v0, v17  }
0x245: {  	v46 =	vsub.s32 v0, v15;
	[tilespmem:s23+$0x350] =	vst v41;
	v9 =	vld.idx.msk [tilespmem:v9+s2+$0x0], $0xffff  }
0x246: {  	v47 =	vsub.s32 v0, v14;
	v8 =	vld.idx.msk [tilespmem:v8+s2+$0x0], $0xffff  }
0x247: {  	[tilespmem:s23+$0x3F0] =	vst v39;
	v51 =	vsub.s32 v0, v11;
	v20 =	vld.idx.msk [tilespmem:v20+s2+$0x0], $0xffff  }
0x248: {  	[tilespmem:s23+$0x3A0] =	vst v19;
	v19 =	vsub.s32 v0, v16;
	v28 =	vld.idx.msk [tilespmem:v48+s2+$0x0], $0xffff  }
0x249: {  	[tilespmem:s23+$0x390] =	vst v18;
	v49 =	vsub.s32 v0, v10;
	v25 =	vld.idx.msk [tilespmem:v45+s2+$0x0], $0xffff  }
0x24a: {  	v29 =	vsub.s32 v1, v13;
	[tilespmem:s23+$0x380] =	vst v42;
	v50 =	vld.idx.msk [tilespmem:v46+s2+$0x0], $0xffff  }
0x24b: {  	v55 =	vsub.s32 v1, v12;
	[tilespmem:s23+$0x3B0] =	vst v43;
	v18 =	vld.idx.msk [tilespmem:v47+s2+$0x0], $0xffff  }
0x24c: {  	s24 =	simm.s32 $0x16080;
	v53 =	vsub.s32 v1, v15;
	[tilespmem:s23+$0x3C0] =	vst v44;
	v26 =	vld.idx.msk [tilespmem:v51+s2+$0x0], $0xffff  }
0x24d: {  	v52 =	vsub.s32 v1, v17;
	v19 =	vld.idx.msk [tilespmem:v19+s2+$0x0], $0xffff;
	[tilespmem:s24+$0x30] =	vst v20  }
0x24e: {  	v54 =	vsub.s32 v1, v14;
	v27 =	vld.idx.msk [tilespmem:v49+s2+$0x0], $0xffff;
	[tilespmem:s24+$0x40] =	vst v28  }
0x24f: {  	v57 =	vsub.s32 v1, v16;
	[tilespmem:s24+$0x70] =	vst v25;
	v29 =	vld.idx.msk [tilespmem:v29+s2+$0x0], $0xffff  }
0x250: {  	v56 =	vsub.s32 v1, v10;
	[tilespmem:s24+$0x10] =	vst v50;
	v25 =	vld.idx.msk [tilespmem:v55+s2+$0x0], $0xffff  }
0x251: {  	v58 =	vsub.s32 v1, v11;
	[tilespmem:s24+$0x20] =	vst v18;
	v18 =	vld.idx.msk [tilespmem:v53+s2+$0x0], $0xffff  }
0x252: {  	v61 =	vsub.s32 v2, v13;
	v21 =	vld.idx.msk [tilespmem:v52+s2+$0x0], $0xffff;
	[tilespmem:s24+$0x60] =	vst v26  }
0x253: {  	v20 =	vsub.s32 v2, v17;
	v24 =	vld.idx.msk [tilespmem:v54+s2+$0x0], $0xffff;
	[tilespmem:s24+$0x0] =	vst v19  }
0x254: {  	v59 =	vsub.s32 v2, v15;
	[tilespmem:s24+$0x50] =	vst v27;
	v23 =	vld.idx.msk [tilespmem:v57+s2+$0x0], $0xffff  }
0x255: {  	v60 =	vsub.s32 v2, v14;
	v22 =	vld.idx.msk [tilespmem:v56+s2+$0x0], $0xffff;
	[tilespmem:s24+$0xB0] =	vst v29  }
0x256: {  	v63 =	vsub.s32 v2, v16;
	[tilespmem:s24+$0x90] =	vst v18;
	v18 =	vld.idx.msk [tilespmem:v58+s2+$0x0], $0xffff  }
0x257: {  	v32 =	vsub.s32 v2, v10;
	[tilespmem:s24+$0xF0] =	vst v21;
	v21 =	vld.idx.msk [tilespmem:v61+s2+$0x0], $0xffff  }
0x258: {  	[tilespmem:s24+$0xC0] =	vst v25;
	v19 =	vld.idx.msk [tilespmem:v20+s2+$0x0], $0xffff;
	v20 =	vsub.s32 v2, v12  }
0x259: {  	v33 =	vsub.s32 v2, v11;
	[tilespmem:s24+$0xA0] =	vst v24;
	v27 =	vld.idx.msk [tilespmem:v59+s2+$0x0], $0xffff  }
0x25a: {  	v36 =	vsub.s32 v3, v13;
	v26 =	vld.idx.msk [tilespmem:v60+s2+$0x0], $0xffff;
	[tilespmem:s24+$0x80] =	vst v23  }
0x25b: {  	v62 =	vsub.s32 v3, v17;
	[tilespmem:s24+$0xD0] =	vst v22;
	v28 =	vld.idx.msk [tilespmem:v63+s2+$0x0], $0xffff  }
0x25c: {  	v34 =	vsub.s32 v3, v15;
	[tilespmem:s24+$0xE0] =	vst v18;
	v18 =	vld.idx.msk [tilespmem:v32+s2+$0x0], $0xffff  }
0x25d: {  	v38 =	vsub.s32 v3, v16;
	[tilespmem:s24+$0x130] =	vst v21;
	v20 =	vld.idx.msk [tilespmem:v20+s2+$0x0], $0xffff  }
0x25e: {  	[tilespmem:s24+$0x170] =	vst v19;
	v19 =	vsub.s32 v3, v14;
	v25 =	vld.idx.msk [tilespmem:v33+s2+$0x0], $0xffff  }
0x25f: {  	v40 =	vsub.s32 v3, v10;
	[tilespmem:s24+$0x110] =	vst v27;
	v24 =	vld.idx.msk [tilespmem:v36+s2+$0x0], $0xffff  }
0x260: {  	v39 =	vsub.s32 v3, v12;
	[tilespmem:s24+$0x120] =	vst v26;
	v35 =	vld.idx.msk [tilespmem:v62+s2+$0x0], $0xffff  }
0x261: {  	v37 =	vsub.s32 v4, v17;
	v22 =	vld.idx.msk [tilespmem:v34+s2+$0x0], $0xffff;
	[tilespmem:s24+$0x100] =	vst v28  }
0x262: {  	v41 =	vsub.s32 v4, v15;
	v29 =	vld.idx.msk [tilespmem:v38+s2+$0x0], $0xffff;
	[tilespmem:s24+$0x150] =	vst v18  }
0x263: {  	v44 =	vsub.s32 v4, v16;
	v19 =	vld.idx.msk [tilespmem:v19+s2+$0x0], $0xffff;
	[tilespmem:s24+$0x140] =	vst v20  }
0x264: {  	v20 =	vsub.s32 v3, v11;
	[tilespmem:s24+$0x160] =	vst v25;
	v21 =	vld.idx.msk [tilespmem:v40+s2+$0x0], $0xffff  }
0x265: {  	v42 =	vsub.s32 v4, v14;
	[tilespmem:s24+$0x1F0] =	vst v35;
	v18 =	vld.idx.msk [tilespmem:v39+s2+$0x0], $0xffff  }
0x266: {  	v45 =	vsub.s32 v4, v13;
	[tilespmem:s24+$0x190] =	vst v22;
	v27 =	vld.idx.msk [tilespmem:v37+s2+$0x0], $0xffff  }
0x267: {  	v46 =	vsub.s32 v4, v10;
	v23 =	vld.idx.msk [tilespmem:v41+s2+$0x0], $0xffff;
	[tilespmem:s24+$0x180] =	vst v29  }
0x268: {  	v43 =	vsub.s32 v5, v17;
	[tilespmem:s24+$0x1B0] =	vst v24;
	v26 =	vld.idx.msk [tilespmem:v44+s2+$0x0], $0xffff  }
0x269: {  	v48 =	vsub.s32 v5, v15;
	[tilespmem:s24+$0x1A0] =	vst v19;
	v19 =	vld.idx.msk [tilespmem:v20+s2+$0x0], $0xffff  }
0x26a: {  	v50 =	vsub.s32 v5, v16;
	[tilespmem:s24+$0x1D0] =	vst v21;
	v28 =	vld.idx.msk [tilespmem:v42+s2+$0x0], $0xffff  }
0x26b: {  	v20 =	vsub.s32 v4, v12;
	[tilespmem:s24+$0x1C0] =	vst v18;
	v18 =	vld.idx.msk [tilespmem:v45+s2+$0x0], $0xffff  }
0x26c: {  	v47 =	vsub.s32 v4, v11;
	v51 =	vld.idx.msk [tilespmem:v46+s2+$0x0], $0xffff;
	[tilespmem:s24+$0x270] =	vst v27  }
0x26d: {  	v54 =	vsub.s32 v5, v10;
	[tilespmem:s24+$0x210] =	vst v23;
	v25 =	vld.idx.msk [tilespmem:v43+s2+$0x0], $0xffff  }
0x26e: {  	v49 =	vsub.s32 v6, v17;
	v29 =	vld.idx.msk [tilespmem:v48+s2+$0x0], $0xffff;
	[tilespmem:s24+$0x200] =	vst v26  }
0x26f: {  	v56 =	vsub.s32 v6, v15;
	v22 =	vld.idx.msk [tilespmem:v50+s2+$0x0], $0xffff;
	[tilespmem:s24+$0x1E0] =	vst v19  }
0x270: {  	v20 =	vld.idx.msk [tilespmem:v20+s2+$0x0], $0xffff;
	v19 =	vsub.s32 v5, v14;
	[tilespmem:s24+$0x220] =	vst v28  }
0x271: {  	v52 =	vsub.s32 v5, v13;
	v27 =	vld.idx.msk [tilespmem:v47+s2+$0x0], $0xffff;
	[tilespmem:s24+$0x250] =	vst v51  }
0x272: {  	v53 =	vsub.s32 v5, v12;
	[tilespmem:s24+$0x2F0] =	vst v25;
	v25 =	vld.idx.msk [tilespmem:v54+s2+$0x0], $0xffff  }
0x273: {  	v55 =	vsub.s32 v5, v11;
	[tilespmem:s24+$0x290] =	vst v29;
	v21 =	vld.idx.msk [tilespmem:v49+s2+$0x0], $0xffff  }
0x274: {  	v61 =	vsub.s32 v6, v10;
	[tilespmem:s24+$0x230] =	vst v18;
	v23 =	vld.idx.msk [tilespmem:v56+s2+$0x0], $0xffff  }
0x275: {  	v17 =	vsub.s32 v7, v17;
	[tilespmem:s24+$0x280] =	vst v22;
	v18 =	vld.idx.msk [tilespmem:v19+s2+$0x0], $0xffff  }
0x276: {  	[tilespmem:s24+$0x240] =	vst v20;
	v19 =	vsub.s32 v6, v16;
	v20 =	vld.idx.msk [tilespmem:v52+s2+$0x0], $0xffff  }
0x277: {  	v58 =	vsub.s32 v6, v14;
	v57 =	vld.idx.msk [tilespmem:v53+s2+$0x0], $0xffff;
	[tilespmem:s24+$0x260] =	vst v27  }
0x278: {  	v59 =	vsub.s32 v6, v13;
	v26 =	vld.idx.msk [tilespmem:v55+s2+$0x0], $0xffff;
	[tilespmem:s24+$0x2D0] =	vst v25  }
0x279: {  	v60 =	vsub.s32 v6, v12;
	[tilespmem:s24+$0x370] =	vst v21;
	v22 =	vld.idx.msk [tilespmem:v61+s2+$0x0], $0xffff  }
0x27a: {  	v15 =	vsub.s32 v7, v15;
	[tilespmem:s24+$0x310] =	vst v23;
	v17 =	vld.idx.msk [tilespmem:v17+s2+$0x0], $0xffff  }
0x27b: {  	v19 =	vld.idx.msk [tilespmem:v19+s2+$0x0], $0xffff;
	[tilespmem:s24+$0x2A0] =	vst v18;
	v18 =	vsub.s32 v6, v11  }
0x27c: {  	[tilespmem:s24+$0x2B0] =	vst v20;
	v20 =	vsub.s32 v7, v16;
	v27 =	vld.idx.msk [tilespmem:v58+s2+$0x0], $0xffff  }
0x27d: {  	v63 =	vsub.s32 v7, v14;
	[tilespmem:s24+$0x2C0] =	vst v57;
	v62 =	vld.idx.msk [tilespmem:v59+s2+$0x0], $0xffff  }
0x27e: {  	v13 =	vsub.s32 v7, v13;
	v21 =	vld.idx.msk [tilespmem:v60+s2+$0x0], $0xffff;
	[tilespmem:s24+$0x2E0] =	vst v26  }
0x27f: {  	v15 =	vld.idx.msk [tilespmem:v15+s2+$0x0], $0xffff;
	[tilespmem:s24+$0x3F0] =	vst v17;
	v17 =	vsub.s32 v7, v12  }
0x280: {  	[tilespmem:s24+$0x300] =	vst v19;
	v16 =	vld.idx.msk [tilespmem:v18+s2+$0x0], $0xffff  }
0x281: {  	v14 =	vld.idx.msk [tilespmem:v20+s2+$0x0], $0xffff;
	[tilespmem:s24+$0x320] =	vst v27  }
0x282: {  	[tilespmem:s24+$0x330] =	vst v62;
	v18 =	vld.idx.msk [tilespmem:v63+s2+$0x0], $0xffff  }
0x283: {  	v13 =	vld.idx.msk [tilespmem:v13+s2+$0x0], $0xffff;
	[tilespmem:s24+$0x340] =	vst v21  }
0x284: {  	s25 =	simm.s32 $0x8;
	s26 =	simm.s32 $0xF9C0;
	v11 =	vsub.s32 v7, v11;
	[tilespmem:s24+$0x350] =	vst v22;
	v12 =	vsub.s32 v7, v10;
	v17 =	vld.idx.msk [tilespmem:v17+s2+$0x0], $0xffff  }
.LBB2_6:
0x285: {  	v10 =	vld [tilespmem:s26+$0x30];
	s25 =	sadd.s32 $0x8, s25;
	[tilespmem:s24+$0x360] =	vst v16  }
0x286: {  	v21 =	vld [tilespmem:s26+$0xFFFFFFD0];
	p0 =	slt.u32 s25, $0x38;
	[tilespmem:s24+$0x380] =	vst v14  }
0x287: {  	v25 =	vld [tilespmem:s26+$0xFFFFFFE0];
	[tilespmem:s24+$0x390] =	vst v15  }
0x288: {  	v26 =	vld [tilespmem:s26+$0xFFFFFFF0];
	[tilespmem:s24+$0x3A0] =	vst v18  }
0x289: {  	v27 =	vld [tilespmem:s26+$0x0];
	[tilespmem:s24+$0x3B0] =	vst v13  }
0x28a: {  	v28 =	vld [tilespmem:s26+$0x10];
	v13 =	vsub.s32 v0, v10;
	[tilespmem:s24+$0x3C0] =	vst v17  }
0x28b: {  	v14 =	vsub.s32 v0, v21;
	v15 =	vsub.s32 v1, v21;
	v17 =	vsub.s32 v2, v21;
	v29 =	vld [tilespmem:s26+$0x20];
	[tilespmem:s23+$0x3D0] =	vst v8  }
0x28c: {  	v20 =	vld [tilespmem:s26+$0xFFFFFFC0];
	v16 =	vsub.s32 v0, v25;
	v18 =	vsub.s32 v1, v25;
	v30 =	vsub.s32 v2, v25;
	[tilespmem:s23+$0x3E0] =	vst v9;
	s23 =	smov.u32 s24  }
0x28d: {  	v19 =	vsub.s32 v0, v26;
	v22 =	vsub.s32 v1, v26;
	v31 =	vsub.s32 v2, v26;
	v8 =	vld.idx.msk [tilespmem:v12+s2+$0x0], $0xffff  }
0x28e: {  	v12 =	vsub.s32 v0, v27;
	v23 =	vsub.s32 v1, v27;
	v32 =	vsub.s32 v2, v27;
	v9 =	vld.idx.msk [tilespmem:v11+s2+$0x0], $0xffff  }
0x28f: {  	v11 =	vsub.s32 v0, v28;
	v24 =	vsub.s32 v1, v28;
	v33 =	vsub.s32 v2, v28;
	v13 =	vld.idx.msk [tilespmem:v13+s2+$0x0], $0xffff  }
0x290: {  	v14 =	vld.idx.msk [tilespmem:v14+s2+$0x0], $0xffff;
	v34 =	vsub.s32 v0, v29;
	v35 =	vsub.s32 v1, v29;
	v36 =	vsub.s32 v2, v29  }
0x291: {  	v39 =	vsub.s32 v1, v10;
	v37 =	vsub.s32 v0, v20;
	v38 =	vsub.s32 v1, v20;
	v16 =	vld.idx.msk [tilespmem:v16+s2+$0x0], $0xffff  }
0x292: {  	v42 =	vsub.s32 v3, v21;
	v40 =	vsub.s32 v2, v20;
	v41 =	vsub.s32 v3, v20;
	v19 =	vld.idx.msk [tilespmem:v19+s2+$0x0], $0xffff  }
0x293: {  	v43 =	vsub.s32 v3, v25;
	v44 =	vsub.s32 v3, v26;
	v45 =	vsub.s32 v3, v27;
	v12 =	vld.idx.msk [tilespmem:v12+s2+$0x0], $0xffff  }
0x294: {  	s24 =	sadd.s32 $0x400, s24;
	v47 =	vsub.s32 v3, v28;
	v48 =	vsub.s32 v3, v29;
	v46 =	vsub.s32 v4, v20;
	v11 =	vld.idx.msk [tilespmem:v11+s2+$0x0], $0xffff  }
0x295: {  	v49 =	vsub.s32 v4, v21;
	v50 =	vsub.s32 v4, v25;
	v34 =	vld.idx.msk [tilespmem:v34+s2+$0x0], $0xffff;
	[tilespmem:s24+$0x70] =	vst v13  }
0x296: {  	v51 =	vsub.s32 v4, v26;
	v52 =	vsub.s32 v4, v27;
	[tilespmem:s24+$0x10] =	vst v14;
	v13 =	vld.idx.msk [tilespmem:v39+s2+$0x0], $0xffff  }
0x297: {  	v53 =	vsub.s32 v4, v29;
	v39 =	vsub.s32 v4, v28;
	v37 =	vld.idx.msk [tilespmem:v37+s2+$0x0], $0xffff;
	[tilespmem:s24+$0x20] =	vst v16  }
0x298: {  	v54 =	vsub.s32 v5, v20;
	v15 =	vld.idx.msk [tilespmem:v15+s2+$0x0], $0xffff;
	[tilespmem:s24+$0x30] =	vst v19;
	v19 =	vsub.s32 v2, v10  }
0x299: {  	v55 =	vsub.s32 v5, v21;
	v57 =	vsub.s32 v5, v25;
	v56 =	vld.idx.msk [tilespmem:v18+s2+$0x0], $0xffff;
	[tilespmem:s24+$0x40] =	vst v12  }
0x29a: {  	v58 =	vsub.s32 v5, v26;
	v59 =	vsub.s32 v5, v27;
	v12 =	vld.idx.msk [tilespmem:v22+s2+$0x0], $0xffff;
	[tilespmem:s24+$0x50] =	vst v11  }
0x29b: {  	v60 =	vsub.s32 v5, v28;
	v11 =	vld.idx.msk [tilespmem:v23+s2+$0x0], $0xffff;
	[tilespmem:s24+$0x60] =	vst v34;
	v34 =	vsub.s32 v5, v29  }
0x29c: {  	v14 =	vsub.s32 v6, v21;
	v22 =	vsub.s32 v6, v20;
	v61 =	vld.idx.msk [tilespmem:v24+s2+$0x0], $0xffff;
	[tilespmem:s24+$0xF0] =	vst v13  }
0x29d: {  	v16 =	vsub.s32 v6, v26;
	v23 =	vsub.s32 v6, v25;
	[tilespmem:s24+$0x0] =	vst v37;
	v37 =	vld.idx.msk [tilespmem:v19+s2+$0x0], $0xffff  }
0x29e: {  	v18 =	vsub.s32 v6, v28;
	v24 =	vsub.s32 v6, v27;
	v38 =	vld.idx.msk [tilespmem:v38+s2+$0x0], $0xffff;
	[tilespmem:s24+$0x90] =	vst v15  }
0x29f: {  	v19 =	vsub.s32 v6, v29;
	[tilespmem:s24+$0xA0] =	vst v56;
	v35 =	vld.idx.msk [tilespmem:v35+s2+$0x0], $0xffff;
	v56 =	vsub.s32 v3, v10  }
0x2a0: {  	v20 =	vsub.s32 v7, v20;
	v15 =	vsub.s32 v7, v21;
	v62 =	vld.idx.msk [tilespmem:v17+s2+$0x0], $0xffff;
	[tilespmem:s24+$0xB0] =	vst v12  }
0x2a1: {  	v13 =	vsub.s32 v7, v26;
	v21 =	vsub.s32 v7, v25;
	v30 =	vld.idx.msk [tilespmem:v30+s2+$0x0], $0xffff;
	[tilespmem:s24+$0xC0] =	vst v11  }
0x2a2: {  	v17 =	vsub.s32 v7, v27;
	v12 =	vsub.s32 v7, v28;
	v25 =	vld.idx.msk [tilespmem:v31+s2+$0x0], $0xffff;
	[tilespmem:s24+$0xD0] =	vst v61  }
0x2a3: {  	v11 =	vsub.s32 v7, v29;
	v26 =	vld.idx.msk [tilespmem:v32+s2+$0x0], $0xffff;
	[tilespmem:s24+$0x170] =	vst v37  }
0x2a4: {  	[tilespmem:s24+$0x80] =	vst v38;
	v27 =	vld.idx.msk [tilespmem:v56+s2+$0x0], $0xffff  }
0x2a5: {  	v28 =	vld.idx.msk [tilespmem:v40+s2+$0x0], $0xffff;
	[tilespmem:s24+$0xE0] =	vst v35  }
0x2a6: {  	v31 =	vsub.s32 v4, v10;
	[tilespmem:s24+$0x110] =	vst v62;
	v29 =	vld.idx.msk [tilespmem:v33+s2+$0x0], $0xffff  }
0x2a7: {  	[tilespmem:s24+$0x120] =	vst v30;
	v30 =	vld.idx.msk [tilespmem:v36+s2+$0x0], $0xffff  }
0x2a8: {  	v32 =	vld.idx.msk [tilespmem:v42+s2+$0x0], $0xffff;
	[tilespmem:s24+$0x130] =	vst v25  }
0x2a9: {  	v25 =	vld.idx.msk [tilespmem:v43+s2+$0x0], $0xffff;
	[tilespmem:s24+$0x140] =	vst v26  }
0x2aa: {  	v26 =	vld.idx.msk [tilespmem:v44+s2+$0x0], $0xffff;
	[tilespmem:s24+$0x1F0] =	vst v27  }
0x2ab: {  	[tilespmem:s24+$0x100] =	vst v28;
	v27 =	vld.idx.msk [tilespmem:v31+s2+$0x0], $0xffff  }
0x2ac: {  	v28 =	vld.idx.msk [tilespmem:v41+s2+$0x0], $0xffff;
	[tilespmem:s24+$0x150] =	vst v29  }
0x2ad: {  	v29 =	vld.idx.msk [tilespmem:v45+s2+$0x0], $0xffff;
	[tilespmem:s24+$0x160] =	vst v30;
	v30 =	vsub.s32 v5, v10  }
0x2ae: {  	[tilespmem:s24+$0x190] =	vst v32;
	v31 =	vld.idx.msk [tilespmem:v47+s2+$0x0], $0xffff  }
0x2af: {  	[tilespmem:s24+$0x1A0] =	vst v25;
	v25 =	vld.idx.msk [tilespmem:v48+s2+$0x0], $0xffff  }
0x2b0: {  	v32 =	vld.idx.msk [tilespmem:v49+s2+$0x0], $0xffff;
	[tilespmem:s24+$0x1B0] =	vst v26  }
0x2b1: {  	v26 =	vld.idx.msk [tilespmem:v50+s2+$0x0], $0xffff;
	[tilespmem:s24+$0x270] =	vst v27  }
0x2b2: {  	[tilespmem:s24+$0x180] =	vst v28;
	v27 =	vld.idx.msk [tilespmem:v30+s2+$0x0], $0xffff  }
0x2b3: {  	v28 =	vld.idx.msk [tilespmem:v46+s2+$0x0], $0xffff;
	[tilespmem:s24+$0x1C0] =	vst v29  }
0x2b4: {  	v30 =	vsub.s32 v6, v10;
	v29 =	vld.idx.msk [tilespmem:v51+s2+$0x0], $0xffff;
	[tilespmem:s24+$0x1D0] =	vst v31  }
0x2b5: {  	v31 =	vld.idx.msk [tilespmem:v52+s2+$0x0], $0xffff;
	[tilespmem:s24+$0x1E0] =	vst v25  }
0x2b6: {  	[tilespmem:s24+$0x210] =	vst v32;
	v25 =	vld.idx.msk [tilespmem:v39+s2+$0x0], $0xffff  }
0x2b7: {  	[tilespmem:s24+$0x220] =	vst v26;
	v26 =	vld.idx.msk [tilespmem:v53+s2+$0x0], $0xffff  }
0x2b8: {  	v32 =	vld.idx.msk [tilespmem:v55+s2+$0x0], $0xffff;
	[tilespmem:s24+$0x2F0] =	vst v27  }
0x2b9: {  	[tilespmem:s24+$0x200] =	vst v28;
	v27 =	vld.idx.msk [tilespmem:v30+s2+$0x0], $0xffff  }
0x2ba: {  	v28 =	vld.idx.msk [tilespmem:v54+s2+$0x0], $0xffff;
	[tilespmem:s24+$0x230] =	vst v29  }
0x2bb: {  	v10 =	vsub.s32 v7, v10;
	v29 =	vld.idx.msk [tilespmem:v57+s2+$0x0], $0xffff;
	[tilespmem:s24+$0x240] =	vst v31  }
0x2bc: {  	v30 =	vld.idx.msk [tilespmem:v58+s2+$0x0], $0xffff;
	[tilespmem:s24+$0x250] =	vst v25  }
0x2bd: {  	v25 =	vld.idx.msk [tilespmem:v59+s2+$0x0], $0xffff;
	[tilespmem:s24+$0x260] =	vst v26  }
0x2be: {  	[tilespmem:s24+$0x290] =	vst v32;
	v26 =	vld.idx.msk [tilespmem:v60+s2+$0x0], $0xffff  }
0x2bf: {  	v31 =	vld.idx.msk [tilespmem:v34+s2+$0x0], $0xffff;
	[tilespmem:s24+$0x370] =	vst v27  }
0x2c0: {  	[tilespmem:s24+$0x280] =	vst v28;
	v10 =	vld.idx.msk [tilespmem:v10+s2+$0x0], $0xffff  }
0x2c1: {  	v22 =	vld.idx.msk [tilespmem:v22+s2+$0x0], $0xffff;
	[tilespmem:s24+$0x2A0] =	vst v29  }
0x2c2: {  	v27 =	vld.idx.msk [tilespmem:v14+s2+$0x0], $0xffff;
	[tilespmem:s24+$0x2B0] =	vst v30  }
0x2c3: {  	v23 =	vld.idx.msk [tilespmem:v23+s2+$0x0], $0xffff;
	[tilespmem:s24+$0x2C0] =	vst v25  }
0x2c4: {  	v25 =	vld.idx.msk [tilespmem:v16+s2+$0x0], $0xffff;
	[tilespmem:s24+$0x2D0] =	vst v26  }
0x2c5: {  	v24 =	vld.idx.msk [tilespmem:v24+s2+$0x0], $0xffff;
	[tilespmem:s24+$0x2E0] =	vst v31  }
0x2c6: {  	v26 =	vld.idx.msk [tilespmem:v18+s2+$0x0], $0xffff;
	[tilespmem:s24+$0x3F0] =	vst v10  }
0x2c7: {  	[tilespmem:s24+$0x300] =	vst v22;
	v16 =	vld.idx.msk [tilespmem:v19+s2+$0x0], $0xffff  }
.Ltmp2:
0x2c8: {  	v14 =	vld.idx.msk [tilespmem:v20+s2+$0x0], $0xffff;
	[tilespmem:s24+$0x310] =	vst v27;
	(pc) =	sbr.rel @p0 .LBB2_6-.Ltmp2, $4  }
0x2c9: {  	v15 =	vld.idx.msk [tilespmem:v15+s2+$0x0], $0xffff;
	[tilespmem:s24+$0x320] =	vst v23  }
0x2ca: {  	v18 =	vld.idx.msk [tilespmem:v21+s2+$0x0], $0xffff;
	[tilespmem:s24+$0x330] =	vst v25  }
0x2cb: {  	v13 =	vld.idx.msk [tilespmem:v13+s2+$0x0], $0xffff;
	[tilespmem:s24+$0x340] =	vst v24  }
0x2cc: {  	s26 =	sadd.s32 $0x80, s26;
	v17 =	vld.idx.msk [tilespmem:v17+s2+$0x0], $0xffff;
	[tilespmem:s24+$0x350] =	vst v26  }
0x2cd: {  	_ = 	snop  }
0x2ce: {  	[tilespmem:s24+$0x360] =	vst v16  }
0x2cf: {  	[tilespmem:s24+$0x380] =	vst v14  }
0x2d0: {  	[tilespmem:s23+$0x3D0] =	vst v8  }
0x2d1: {  	v0 =	vld.idx.msk [tilespmem:v12+s2+$0x0], $0xffff;
	[tilespmem:s23+$0x3E0] =	vst v9  }
0x2d2: {  	[tilespmem:s24+$0x390] =	vst v15;
	v1 =	vld.idx.msk [tilespmem:v11+s2+$0x0], $0xffff  }
0x2d3: {  	[tilespmem:s24+$0x3A0] =	vst v18  }
0x2d4: {  	[tilespmem:s24+$0x3B0] =	vst v13  }
0x2d5: {  	[tilespmem:s24+$0x3C0] =	vst v17  }
0x2d6: {  	[tilespmem:s24+$0x3D0] =	vst v0  }
0x2d7: {  	[tilespmem:s24+$0x3E0] =	vst v1  }
0x2d8: {  	[hbm4b:s8+s2] =	stream.linear.scatter [tilespmem:s16], [sflag:$0x3], $0x2000, $0x38;
	[tilespmem:$0x19C80] =	vst v63  }
0x2d9: {  	v0 =	vld [tilespmem:$0xFE00]  }
0x2da: {  	v1 =	vld [tilespmem:$0xFE10]  }
0x2db: {  	v2 =	vld [tilespmem:$0xFE20]  }
0x2dc: {  	v3 =	vld [tilespmem:$0xFE30]  }
0x2dd: {  	v4 =	vld [tilespmem:$0xFE40]  }
0x2de: {  	s30 =	simm.s32 $0xF8C0;
	v5 =	vld [tilespmem:$0xFE50]  }
0x2df: {  	v15 =	vld [tilespmem:s30+$0x30]  }
0x2e0: {  	v13 =	vld [tilespmem:s30+$0xFFFFFFD0]  }
0x2e1: {  	v12 =	vld [tilespmem:s30+$0xFFFFFFE0]  }
0x2e2: {  	v11 =	vld [tilespmem:s30+$0xFFFFFFF0]  }
0x2e3: {  	v10 =	vld [tilespmem:s30+$0x0]  }
0x2e4: {  	v8 =	vld [tilespmem:s30+$0x10];
	v16 =	vsub.s32 v0, v15  }
0x2e5: {  	v9 =	vld [tilespmem:s30+$0x20];
	v17 =	vsub.s32 v0, v13  }
0x2e6: {  	v14 =	vld [tilespmem:s30+$0xFFFFFFC0];
	v18 =	vsub.s32 v0, v12  }
0x2e7: {  	v6 =	vld [tilespmem:$0xFE60];
	v19 =	vsub.s32 v0, v11  }
0x2e8: {  	v7 =	vld [tilespmem:$0xFE70];
	v20 =	vsub.s32 v0, v10  }
0x2e9: {  	v21 =	vsub.s32 v0, v8;
	v16 =	vld.idx.msk [tilespmem:v16+s2+$0x0], $0xffff  }
0x2ea: {  	v22 =	vsub.s32 v0, v9;
	v17 =	vld.idx.msk [tilespmem:v17+s2+$0x0], $0xffff  }
0x2eb: {  	v24 =	vsub.s32 v0, v14;
	v18 =	vld.idx.msk [tilespmem:v18+s2+$0x0], $0xffff  }
0x2ec: {  	v23 =	vsub.s32 v1, v15;
	v19 =	vld.idx.msk [tilespmem:v19+s2+$0x0], $0xffff  }
0x2ed: {  	v25 =	vsub.s32 v1, v13;
	v20 =	vld.idx.msk [tilespmem:v20+s2+$0x0], $0xffff  }
0x2ee: {  	s23 =	simm.s32 $0x17C80;
	v26 =	vsub.s32 v1, v12;
	v21 =	vld.idx.msk [tilespmem:v21+s2+$0x0], $0xffff  }
0x2ef: {  	v27 =	vsub.s32 v1, v11;
	v22 =	vld.idx.msk [tilespmem:v22+s2+$0x0], $0xffff;
	[tilespmem:s23+$0x70] =	vst v16  }
0x2f0: {  	v28 =	vsub.s32 v1, v8;
	[tilespmem:s23+$0x10] =	vst v17;
	v17 =	vld.idx.msk [tilespmem:v24+s2+$0x0], $0xffff  }
0x2f1: {  	v16 =	vsub.s32 v1, v10;
	[tilespmem:s23+$0x20] =	vst v18;
	v23 =	vld.idx.msk [tilespmem:v23+s2+$0x0], $0xffff  }
0x2f2: {  	v33 =	vsub.s32 v1, v14;
	[tilespmem:s23+$0x30] =	vst v19;
	v18 =	vld.idx.msk [tilespmem:v25+s2+$0x0], $0xffff  }
0x2f3: {  	v34 =	vsub.s32 v1, v9;
	[tilespmem:s23+$0x40] =	vst v20;
	v19 =	vld.idx.msk [tilespmem:v26+s2+$0x0], $0xffff  }
0x2f4: {  	v32 =	vsub.s32 v2, v15;
	[tilespmem:s23+$0x50] =	vst v21;
	v20 =	vld.idx.msk [tilespmem:v27+s2+$0x0], $0xffff  }
0x2f5: {  	v35 =	vsub.s32 v2, v13;
	[tilespmem:s23+$0x60] =	vst v22;
	v28 =	vld.idx.msk [tilespmem:v28+s2+$0x0], $0xffff  }
0x2f6: {  	v36 =	vsub.s32 v2, v12;
	v16 =	vld.idx.msk [tilespmem:v16+s2+$0x0], $0xffff;
	[tilespmem:s23+$0x0] =	vst v17  }
0x2f7: {  	v37 =	vsub.s32 v2, v11;
	[tilespmem:s23+$0xF0] =	vst v23;
	v39 =	vld.idx.msk [tilespmem:v33+s2+$0x0], $0xffff  }
0x2f8: {  	v38 =	vsub.s32 v2, v10;
	[tilespmem:s23+$0x90] =	vst v18;
	v18 =	vld.idx.msk [tilespmem:v34+s2+$0x0], $0xffff  }
0x2f9: {  	v42 =	vsub.s32 v2, v8;
	[tilespmem:s23+$0xA0] =	vst v19;
	v17 =	vld.idx.msk [tilespmem:v32+s2+$0x0], $0xffff  }
0x2fa: {  	v41 =	vsub.s32 v2, v14;
	[tilespmem:s23+$0xB0] =	vst v20;
	v19 =	vld.idx.msk [tilespmem:v35+s2+$0x0], $0xffff  }
0x2fb: {  	v43 =	vsub.s32 v2, v9;
	[tilespmem:s23+$0xD0] =	vst v28;
	v20 =	vld.idx.msk [tilespmem:v36+s2+$0x0], $0xffff  }
0x2fc: {  	v40 =	vsub.s32 v3, v15;
	[tilespmem:s23+$0xC0] =	vst v16;
	v16 =	vld.idx.msk [tilespmem:v37+s2+$0x0], $0xffff  }
0x2fd: {  	v44 =	vsub.s32 v3, v13;
	v24 =	vld.idx.msk [tilespmem:v38+s2+$0x0], $0xffff;
	[tilespmem:s23+$0x80] =	vst v39  }
0x2fe: {  	v46 =	vsub.s32 v3, v11;
	[tilespmem:s23+$0xE0] =	vst v18;
	v18 =	vld.idx.msk [tilespmem:v42+s2+$0x0], $0xffff  }
0x2ff: {  	[tilespmem:s23+$0x170] =	vst v17;
	v17 =	vsub.s32 v3, v12;
	v26 =	vld.idx.msk [tilespmem:v41+s2+$0x0], $0xffff  }
0x300: {  	v49 =	vsub.s32 v3, v10;
	[tilespmem:s23+$0x110] =	vst v19;
	v19 =	vld.idx.msk [tilespmem:v43+s2+$0x0], $0xffff  }
0x301: {  	v50 =	vsub.s32 v3, v8;
	[tilespmem:s23+$0x120] =	vst v20;
	v45 =	vld.idx.msk [tilespmem:v40+s2+$0x0], $0xffff  }
0x302: {  	v48 =	vsub.s32 v3, v14;
	v20 =	vld.idx.msk [tilespmem:v44+s2+$0x0], $0xffff;
	[tilespmem:s23+$0x130] =	vst v16  }
0x303: {  	v47 =	vsub.s32 v4, v15;
	v25 =	vld.idx.msk [tilespmem:v46+s2+$0x0], $0xffff;
	[tilespmem:s23+$0x140] =	vst v24  }
0x304: {  	[tilespmem:s23+$0x150] =	vst v18;
	v16 =	vld.idx.msk [tilespmem:v17+s2+$0x0], $0xffff;
	v17 =	vsub.s32 v3, v9  }
0x305: {  	v51 =	vsub.s32 v4, v13;
	[tilespmem:s23+$0x100] =	vst v26;
	v18 =	vld.idx.msk [tilespmem:v49+s2+$0x0], $0xffff  }
0x306: {  	v57 =	vsub.s32 v4, v11;
	[tilespmem:s23+$0x160] =	vst v19;
	v19 =	vld.idx.msk [tilespmem:v50+s2+$0x0], $0xffff  }
0x307: {  	v53 =	vsub.s32 v4, v12;
	[tilespmem:s23+$0x1F0] =	vst v45;
	v54 =	vld.idx.msk [tilespmem:v48+s2+$0x0], $0xffff  }
0x308: {  	[tilespmem:s23+$0x190] =	vst v20;
	v20 =	vsub.s32 v4, v10;
	v52 =	vld.idx.msk [tilespmem:v47+s2+$0x0], $0xffff  }
0x309: {  	v56 =	vsub.s32 v4, v14;
	[tilespmem:s23+$0x1B0] =	vst v25;
	v17 =	vld.idx.msk [tilespmem:v17+s2+$0x0], $0xffff  }
0x30a: {  	v55 =	vsub.s32 v5, v15;
	[tilespmem:s23+$0x1A0] =	vst v16;
	v16 =	vld.idx.msk [tilespmem:v51+s2+$0x0], $0xffff  }
0x30b: {  	v58 =	vsub.s32 v4, v8;
	[tilespmem:s23+$0x1C0] =	vst v18;
	v18 =	vld.idx.msk [tilespmem:v57+s2+$0x0], $0xffff  }
0x30c: {  	v59 =	vsub.s32 v4, v9;
	[tilespmem:s23+$0x1D0] =	vst v19;
	v27 =	vld.idx.msk [tilespmem:v53+s2+$0x0], $0xffff  }
0x30d: {  	v60 =	vsub.s32 v5, v13;
	[tilespmem:s23+$0x180] =	vst v54;
	v19 =	vld.idx.msk [tilespmem:v20+s2+$0x0], $0xffff  }
0x30e: {  	v30 =	vsub.s32 v5, v11;
	[tilespmem:s23+$0x270] =	vst v52;
	v61 =	vld.idx.msk [tilespmem:v56+s2+$0x0], $0xffff  }
0x30f: {  	v20 =	vsub.s32 v5, v12;
	v21 =	vld.idx.msk [tilespmem:v55+s2+$0x0], $0xffff;
	[tilespmem:s23+$0x1E0] =	vst v17  }
0x310: {  	v63 =	vsub.s32 v5, v14;
	v17 =	vld.idx.msk [tilespmem:v58+s2+$0x0], $0xffff;
	[tilespmem:s23+$0x210] =	vst v16  }
0x311: {  	v62 =	vsub.s32 v6, v15;
	[tilespmem:s23+$0x230] =	vst v18;
	v16 =	vld.idx.msk [tilespmem:v59+s2+$0x0], $0xffff  }
0x312: {  	v31 =	vsub.s32 v5, v10;
	v24 =	vld.idx.msk [tilespmem:v60+s2+$0x0], $0xffff;
	[tilespmem:s23+$0x220] =	vst v27  }
0x313: {  	v32 =	vsub.s32 v5, v8;
	[tilespmem:s23+$0x240] =	vst v19;
	v19 =	vld.idx.msk [tilespmem:v30+s2+$0x0], $0xffff  }
0x314: {  	v33 =	vsub.s32 v5, v9;
	[tilespmem:s23+$0x200] =	vst v61;
	v18 =	vld.idx.msk [tilespmem:v20+s2+$0x0], $0xffff  }
0x315: {  	v35 =	vsub.s32 v6, v13;
	[tilespmem:s23+$0x2F0] =	vst v21;
	v34 =	vld.idx.msk [tilespmem:v63+s2+$0x0], $0xffff  }
0x316: {  	v36 =	vsub.s32 v6, v12;
	v23 =	vld.idx.msk [tilespmem:v62+s2+$0x0], $0xffff;
	[tilespmem:s23+$0x250] =	vst v17  }
0x317: {  	v20 =	vsub.s32 v6, v14;
	v17 =	vld.idx.msk [tilespmem:v31+s2+$0x0], $0xffff;
	[tilespmem:s23+$0x260] =	vst v16  }
0x318: {  	v15 =	vsub.s32 v7, v15;
	v16 =	vld.idx.msk [tilespmem:v32+s2+$0x0], $0xffff;
	[tilespmem:s23+$0x290] =	vst v24  }
0x319: {  	v37 =	vsub.s32 v6, v11;
	[tilespmem:s23+$0x2B0] =	vst v19;
	v25 =	vld.idx.msk [tilespmem:v33+s2+$0x0], $0xffff  }
0x31a: {  	v38 =	vsub.s32 v6, v10;
	[tilespmem:s23+$0x2A0] =	vst v18;
	v18 =	vld.idx.msk [tilespmem:v35+s2+$0x0], $0xffff  }
0x31b: {  	v13 =	vsub.s32 v7, v13;
	[tilespmem:s23+$0x280] =	vst v34;
	v19 =	vld.idx.msk [tilespmem:v36+s2+$0x0], $0xffff  }
0x31c: {  	[tilespmem:s23+$0x370] =	vst v23;
	v20 =	vld.idx.msk [tilespmem:v20+s2+$0x0], $0xffff  }
0x31d: {  	v40 =	vsub.s32 v6, v9;
	v39 =	vld.idx.msk [tilespmem:v15+s2+$0x0], $0xffff;
	[tilespmem:s23+$0x2C0] =	vst v17  }
0x31e: {  	v12 =	vsub.s32 v7, v12;
	v17 =	vld.idx.msk [tilespmem:v37+s2+$0x0], $0xffff;
	[tilespmem:s23+$0x2D0] =	vst v16  }
0x31f: {  	v16 =	vld.idx.msk [tilespmem:v38+s2+$0x0], $0xffff;
	[tilespmem:s23+$0x310] =	vst v18  }
0x320: {  	s31 =	simm.s32 $0xF940;
	v15 =	vsub.s32 v6, v8;
	[tilespmem:s23+$0x2E0] =	vst v25;
	v18 =	vld.idx.msk [tilespmem:v13+s2+$0x0], $0xffff  }
0x321: {  	v14 =	vsub.s32 v7, v14;
	[tilespmem:s23+$0x320] =	vst v19;
	v13 =	vld [tilespmem:s31+$0xFFFFFFF0]  }
0x322: {  	[tilespmem:s23+$0x300] =	vst v20;
	v20 =	vld.idx.msk [tilespmem:v40+s2+$0x0], $0xffff  }
0x323: {  	v19 =	vld.idx.msk [tilespmem:v12+s2+$0x0], $0xffff  }
0x324: {  	v12 =	vld [tilespmem:s31+$0x0]  }
0x325: {  	v11 =	vsub.s32 v7, v11;
	v41 =	vld.idx.msk [tilespmem:v15+s2+$0x0], $0xffff  }
0x326: {  	v42 =	vld.idx.msk [tilespmem:v14+s2+$0x0], $0xffff  }
0x327: {  	[tilespmem:s23+$0x330] =	vst v17;
	v17 =	vld [tilespmem:s31+$0x30]  }
0x328: {  	v10 =	vsub.s32 v7, v10;
	v15 =	vld [tilespmem:s31+$0xFFFFFFD0]  }
0x329: {  	v14 =	vld [tilespmem:s31+$0xFFFFFFE0]  }
0x32a: {  	v9 =	vsub.s32 v7, v9;
	v43 =	vld.idx.msk [tilespmem:v11+s2+$0x0], $0xffff  }
0x32b: {  	v8 =	vsub.s32 v7, v8;
	[tilespmem:s23+$0x340] =	vst v16;
	v11 =	vld [tilespmem:s31+$0x20]  }
0x32c: {  	v16 =	vld [tilespmem:s31+$0xFFFFFFC0];
	[tilespmem:s23+$0x360] =	vst v20;
	v20 =	vsub.s32 v0, v13  }
0x32d: {  	v44 =	vld.idx.msk [tilespmem:v10+s2+$0x0], $0xffff;
	v48 =	vsub.s32 v0, v12  }
0x32e: {  	v10 =	vld [tilespmem:s31+$0x10];
	v45 =	vsub.s32 v0, v17  }
0x32f: {  	v46 =	vsub.s32 v0, v15;
	[tilespmem:s23+$0x350] =	vst v41;
	v9 =	vld.idx.msk [tilespmem:v9+s2+$0x0], $0xffff  }
0x330: {  	v47 =	vsub.s32 v0, v14;
	v8 =	vld.idx.msk [tilespmem:v8+s2+$0x0], $0xffff  }
0x331: {  	[tilespmem:s23+$0x3F0] =	vst v39;
	v51 =	vsub.s32 v0, v11;
	v20 =	vld.idx.msk [tilespmem:v20+s2+$0x0], $0xffff  }
0x332: {  	[tilespmem:s23+$0x3A0] =	vst v19;
	v19 =	vsub.s32 v0, v16;
	v28 =	vld.idx.msk [tilespmem:v48+s2+$0x0], $0xffff  }
0x333: {  	[tilespmem:s23+$0x390] =	vst v18;
	v49 =	vsub.s32 v0, v10;
	v25 =	vld.idx.msk [tilespmem:v45+s2+$0x0], $0xffff  }
0x334: {  	v29 =	vsub.s32 v1, v13;
	[tilespmem:s23+$0x380] =	vst v42;
	v50 =	vld.idx.msk [tilespmem:v46+s2+$0x0], $0xffff  }
0x335: {  	v55 =	vsub.s32 v1, v12;
	[tilespmem:s23+$0x3B0] =	vst v43;
	v18 =	vld.idx.msk [tilespmem:v47+s2+$0x0], $0xffff  }
0x336: {  	s24 =	simm.s32 $0x18080;
	v53 =	vsub.s32 v1, v15;
	[tilespmem:s23+$0x3C0] =	vst v44;
	v26 =	vld.idx.msk [tilespmem:v51+s2+$0x0], $0xffff  }
0x337: {  	v52 =	vsub.s32 v1, v17;
	v19 =	vld.idx.msk [tilespmem:v19+s2+$0x0], $0xffff;
	[tilespmem:s24+$0x30] =	vst v20  }
0x338: {  	v54 =	vsub.s32 v1, v14;
	v27 =	vld.idx.msk [tilespmem:v49+s2+$0x0], $0xffff;
	[tilespmem:s24+$0x40] =	vst v28  }
0x339: {  	v57 =	vsub.s32 v1, v16;
	[tilespmem:s24+$0x70] =	vst v25;
	v29 =	vld.idx.msk [tilespmem:v29+s2+$0x0], $0xffff  }
0x33a: {  	v56 =	vsub.s32 v1, v10;
	[tilespmem:s24+$0x10] =	vst v50;
	v25 =	vld.idx.msk [tilespmem:v55+s2+$0x0], $0xffff  }
0x33b: {  	v58 =	vsub.s32 v1, v11;
	[tilespmem:s24+$0x20] =	vst v18;
	v18 =	vld.idx.msk [tilespmem:v53+s2+$0x0], $0xffff  }
0x33c: {  	v61 =	vsub.s32 v2, v13;
	v21 =	vld.idx.msk [tilespmem:v52+s2+$0x0], $0xffff;
	[tilespmem:s24+$0x60] =	vst v26  }
0x33d: {  	v20 =	vsub.s32 v2, v17;
	v24 =	vld.idx.msk [tilespmem:v54+s2+$0x0], $0xffff;
	[tilespmem:s24+$0x0] =	vst v19  }
0x33e: {  	v59 =	vsub.s32 v2, v15;
	[tilespmem:s24+$0x50] =	vst v27;
	v23 =	vld.idx.msk [tilespmem:v57+s2+$0x0], $0xffff  }
0x33f: {  	v60 =	vsub.s32 v2, v14;
	v22 =	vld.idx.msk [tilespmem:v56+s2+$0x0], $0xffff;
	[tilespmem:s24+$0xB0] =	vst v29  }
0x340: {  	v63 =	vsub.s32 v2, v16;
	[tilespmem:s24+$0x90] =	vst v18;
	v18 =	vld.idx.msk [tilespmem:v58+s2+$0x0], $0xffff  }
0x341: {  	v32 =	vsub.s32 v2, v10;
	[tilespmem:s24+$0xF0] =	vst v21;
	v21 =	vld.idx.msk [tilespmem:v61+s2+$0x0], $0xffff  }
0x342: {  	[tilespmem:s24+$0xC0] =	vst v25;
	v19 =	vld.idx.msk [tilespmem:v20+s2+$0x0], $0xffff;
	v20 =	vsub.s32 v2, v12  }
0x343: {  	v33 =	vsub.s32 v2, v11;
	[tilespmem:s24+$0xA0] =	vst v24;
	v27 =	vld.idx.msk [tilespmem:v59+s2+$0x0], $0xffff  }
0x344: {  	v36 =	vsub.s32 v3, v13;
	v26 =	vld.idx.msk [tilespmem:v60+s2+$0x0], $0xffff;
	[tilespmem:s24+$0x80] =	vst v23  }
0x345: {  	v62 =	vsub.s32 v3, v17;
	[tilespmem:s24+$0xD0] =	vst v22;
	v28 =	vld.idx.msk [tilespmem:v63+s2+$0x0], $0xffff  }
0x346: {  	v34 =	vsub.s32 v3, v15;
	[tilespmem:s24+$0xE0] =	vst v18;
	v18 =	vld.idx.msk [tilespmem:v32+s2+$0x0], $0xffff  }
0x347: {  	v38 =	vsub.s32 v3, v16;
	[tilespmem:s24+$0x130] =	vst v21;
	v20 =	vld.idx.msk [tilespmem:v20+s2+$0x0], $0xffff  }
0x348: {  	[tilespmem:s24+$0x170] =	vst v19;
	v19 =	vsub.s32 v3, v14;
	v25 =	vld.idx.msk [tilespmem:v33+s2+$0x0], $0xffff  }
0x349: {  	v40 =	vsub.s32 v3, v10;
	[tilespmem:s24+$0x110] =	vst v27;
	v24 =	vld.idx.msk [tilespmem:v36+s2+$0x0], $0xffff  }
0x34a: {  	v39 =	vsub.s32 v3, v12;
	[tilespmem:s24+$0x120] =	vst v26;
	v35 =	vld.idx.msk [tilespmem:v62+s2+$0x0], $0xffff  }
0x34b: {  	v37 =	vsub.s32 v4, v17;
	v22 =	vld.idx.msk [tilespmem:v34+s2+$0x0], $0xffff;
	[tilespmem:s24+$0x100] =	vst v28  }
0x34c: {  	v41 =	vsub.s32 v4, v15;
	v29 =	vld.idx.msk [tilespmem:v38+s2+$0x0], $0xffff;
	[tilespmem:s24+$0x150] =	vst v18  }
0x34d: {  	v44 =	vsub.s32 v4, v16;
	v19 =	vld.idx.msk [tilespmem:v19+s2+$0x0], $0xffff;
	[tilespmem:s24+$0x140] =	vst v20  }
0x34e: {  	v20 =	vsub.s32 v3, v11;
	[tilespmem:s24+$0x160] =	vst v25;
	v21 =	vld.idx.msk [tilespmem:v40+s2+$0x0], $0xffff  }
0x34f: {  	v42 =	vsub.s32 v4, v14;
	[tilespmem:s24+$0x1F0] =	vst v35;
	v18 =	vld.idx.msk [tilespmem:v39+s2+$0x0], $0xffff  }
0x350: {  	v45 =	vsub.s32 v4, v13;
	[tilespmem:s24+$0x190] =	vst v22;
	v27 =	vld.idx.msk [tilespmem:v37+s2+$0x0], $0xffff  }
0x351: {  	v46 =	vsub.s32 v4, v10;
	v23 =	vld.idx.msk [tilespmem:v41+s2+$0x0], $0xffff;
	[tilespmem:s24+$0x180] =	vst v29  }
0x352: {  	v43 =	vsub.s32 v5, v17;
	[tilespmem:s24+$0x1B0] =	vst v24;
	v26 =	vld.idx.msk [tilespmem:v44+s2+$0x0], $0xffff  }
0x353: {  	v48 =	vsub.s32 v5, v15;
	[tilespmem:s24+$0x1A0] =	vst v19;
	v19 =	vld.idx.msk [tilespmem:v20+s2+$0x0], $0xffff  }
0x354: {  	v50 =	vsub.s32 v5, v16;
	[tilespmem:s24+$0x1D0] =	vst v21;
	v28 =	vld.idx.msk [tilespmem:v42+s2+$0x0], $0xffff  }
0x355: {  	v20 =	vsub.s32 v4, v12;
	[tilespmem:s24+$0x1C0] =	vst v18;
	v18 =	vld.idx.msk [tilespmem:v45+s2+$0x0], $0xffff  }
0x356: {  	v47 =	vsub.s32 v4, v11;
	v51 =	vld.idx.msk [tilespmem:v46+s2+$0x0], $0xffff;
	[tilespmem:s24+$0x270] =	vst v27  }
0x357: {  	v54 =	vsub.s32 v5, v10;
	[tilespmem:s24+$0x210] =	vst v23;
	v25 =	vld.idx.msk [tilespmem:v43+s2+$0x0], $0xffff  }
0x358: {  	v49 =	vsub.s32 v6, v17;
	v29 =	vld.idx.msk [tilespmem:v48+s2+$0x0], $0xffff;
	[tilespmem:s24+$0x200] =	vst v26  }
0x359: {  	v56 =	vsub.s32 v6, v15;
	v22 =	vld.idx.msk [tilespmem:v50+s2+$0x0], $0xffff;
	[tilespmem:s24+$0x1E0] =	vst v19  }
0x35a: {  	v20 =	vld.idx.msk [tilespmem:v20+s2+$0x0], $0xffff;
	v19 =	vsub.s32 v5, v14;
	[tilespmem:s24+$0x220] =	vst v28  }
0x35b: {  	v52 =	vsub.s32 v5, v13;
	v27 =	vld.idx.msk [tilespmem:v47+s2+$0x0], $0xffff;
	[tilespmem:s24+$0x250] =	vst v51  }
0x35c: {  	v53 =	vsub.s32 v5, v12;
	[tilespmem:s24+$0x2F0] =	vst v25;
	v25 =	vld.idx.msk [tilespmem:v54+s2+$0x0], $0xffff  }
0x35d: {  	v55 =	vsub.s32 v5, v11;
	[tilespmem:s24+$0x290] =	vst v29;
	v21 =	vld.idx.msk [tilespmem:v49+s2+$0x0], $0xffff  }
0x35e: {  	v61 =	vsub.s32 v6, v10;
	[tilespmem:s24+$0x230] =	vst v18;
	v23 =	vld.idx.msk [tilespmem:v56+s2+$0x0], $0xffff  }
0x35f: {  	v17 =	vsub.s32 v7, v17;
	[tilespmem:s24+$0x280] =	vst v22;
	v18 =	vld.idx.msk [tilespmem:v19+s2+$0x0], $0xffff  }
0x360: {  	[tilespmem:s24+$0x240] =	vst v20;
	v19 =	vsub.s32 v6, v16;
	v20 =	vld.idx.msk [tilespmem:v52+s2+$0x0], $0xffff  }
0x361: {  	v58 =	vsub.s32 v6, v14;
	v57 =	vld.idx.msk [tilespmem:v53+s2+$0x0], $0xffff;
	[tilespmem:s24+$0x260] =	vst v27  }
0x362: {  	v59 =	vsub.s32 v6, v13;
	v26 =	vld.idx.msk [tilespmem:v55+s2+$0x0], $0xffff;
	[tilespmem:s24+$0x2D0] =	vst v25  }
0x363: {  	v60 =	vsub.s32 v6, v12;
	[tilespmem:s24+$0x370] =	vst v21;
	v22 =	vld.idx.msk [tilespmem:v61+s2+$0x0], $0xffff  }
0x364: {  	v15 =	vsub.s32 v7, v15;
	[tilespmem:s24+$0x310] =	vst v23;
	v17 =	vld.idx.msk [tilespmem:v17+s2+$0x0], $0xffff  }
0x365: {  	v19 =	vld.idx.msk [tilespmem:v19+s2+$0x0], $0xffff;
	[tilespmem:s24+$0x2A0] =	vst v18;
	v18 =	vsub.s32 v6, v11  }
0x366: {  	[tilespmem:s24+$0x2B0] =	vst v20;
	v20 =	vsub.s32 v7, v16;
	v27 =	vld.idx.msk [tilespmem:v58+s2+$0x0], $0xffff  }
0x367: {  	v63 =	vsub.s32 v7, v14;
	[tilespmem:s24+$0x2C0] =	vst v57;
	v62 =	vld.idx.msk [tilespmem:v59+s2+$0x0], $0xffff  }
0x368: {  	v13 =	vsub.s32 v7, v13;
	v21 =	vld.idx.msk [tilespmem:v60+s2+$0x0], $0xffff;
	[tilespmem:s24+$0x2E0] =	vst v26  }
0x369: {  	v15 =	vld.idx.msk [tilespmem:v15+s2+$0x0], $0xffff;
	[tilespmem:s24+$0x3F0] =	vst v17;
	v17 =	vsub.s32 v7, v12  }
0x36a: {  	[tilespmem:s24+$0x300] =	vst v19;
	v16 =	vld.idx.msk [tilespmem:v18+s2+$0x0], $0xffff  }
0x36b: {  	v14 =	vld.idx.msk [tilespmem:v20+s2+$0x0], $0xffff;
	[tilespmem:s24+$0x320] =	vst v27  }
0x36c: {  	[tilespmem:s24+$0x330] =	vst v62;
	v18 =	vld.idx.msk [tilespmem:v63+s2+$0x0], $0xffff  }
0x36d: {  	v13 =	vld.idx.msk [tilespmem:v13+s2+$0x0], $0xffff;
	[tilespmem:s24+$0x340] =	vst v21  }
0x36e: {  	s25 =	simm.s32 $0x8;
	s26 =	simm.s32 $0xF9C0;
	v11 =	vsub.s32 v7, v11;
	[tilespmem:s24+$0x350] =	vst v22;
	v12 =	vsub.s32 v7, v10;
	v17 =	vld.idx.msk [tilespmem:v17+s2+$0x0], $0xffff  }
.LBB2_8:
0x36f: {  	v10 =	vld [tilespmem:s26+$0x30];
	s25 =	sadd.s32 $0x8, s25;
	[tilespmem:s24+$0x360] =	vst v16  }
0x370: {  	v21 =	vld [tilespmem:s26+$0xFFFFFFD0];
	p0 =	slt.u32 s25, $0x38;
	[tilespmem:s24+$0x380] =	vst v14  }
0x371: {  	v25 =	vld [tilespmem:s26+$0xFFFFFFE0];
	[tilespmem:s24+$0x390] =	vst v15  }
0x372: {  	v26 =	vld [tilespmem:s26+$0xFFFFFFF0];
	[tilespmem:s24+$0x3A0] =	vst v18  }
0x373: {  	v27 =	vld [tilespmem:s26+$0x0];
	[tilespmem:s24+$0x3B0] =	vst v13  }
0x374: {  	v28 =	vld [tilespmem:s26+$0x10];
	v13 =	vsub.s32 v0, v10;
	[tilespmem:s24+$0x3C0] =	vst v17  }
0x375: {  	v14 =	vsub.s32 v0, v21;
	v15 =	vsub.s32 v1, v21;
	v17 =	vsub.s32 v2, v21;
	v29 =	vld [tilespmem:s26+$0x20];
	[tilespmem:s23+$0x3D0] =	vst v8  }
0x376: {  	v20 =	vld [tilespmem:s26+$0xFFFFFFC0];
	v16 =	vsub.s32 v0, v25;
	v18 =	vsub.s32 v1, v25;
	v30 =	vsub.s32 v2, v25;
	[tilespmem:s23+$0x3E0] =	vst v9;
	s23 =	smov.u32 s24  }
0x377: {  	v19 =	vsub.s32 v0, v26;
	v22 =	vsub.s32 v1, v26;
	v31 =	vsub.s32 v2, v26;
	v8 =	vld.idx.msk [tilespmem:v12+s2+$0x0], $0xffff  }
0x378: {  	v12 =	vsub.s32 v0, v27;
	v23 =	vsub.s32 v1, v27;
	v32 =	vsub.s32 v2, v27;
	v9 =	vld.idx.msk [tilespmem:v11+s2+$0x0], $0xffff  }
0x379: {  	v11 =	vsub.s32 v0, v28;
	v24 =	vsub.s32 v1, v28;
	v33 =	vsub.s32 v2, v28;
	v13 =	vld.idx.msk [tilespmem:v13+s2+$0x0], $0xffff  }
0x37a: {  	v14 =	vld.idx.msk [tilespmem:v14+s2+$0x0], $0xffff;
	v34 =	vsub.s32 v0, v29;
	v35 =	vsub.s32 v1, v29;
	v36 =	vsub.s32 v2, v29  }
0x37b: {  	v39 =	vsub.s32 v1, v10;
	v37 =	vsub.s32 v0, v20;
	v38 =	vsub.s32 v1, v20;
	v16 =	vld.idx.msk [tilespmem:v16+s2+$0x0], $0xffff  }
0x37c: {  	v42 =	vsub.s32 v3, v21;
	v40 =	vsub.s32 v2, v20;
	v41 =	vsub.s32 v3, v20;
	v19 =	vld.idx.msk [tilespmem:v19+s2+$0x0], $0xffff  }
0x37d: {  	v43 =	vsub.s32 v3, v25;
	v44 =	vsub.s32 v3, v26;
	v45 =	vsub.s32 v3, v27;
	v12 =	vld.idx.msk [tilespmem:v12+s2+$0x0], $0xffff  }
0x37e: {  	s24 =	sadd.s32 $0x400, s24;
	v47 =	vsub.s32 v3, v28;
	v48 =	vsub.s32 v3, v29;
	v46 =	vsub.s32 v4, v20;
	v11 =	vld.idx.msk [tilespmem:v11+s2+$0x0], $0xffff  }
0x37f: {  	v49 =	vsub.s32 v4, v21;
	v50 =	vsub.s32 v4, v25;
	v34 =	vld.idx.msk [tilespmem:v34+s2+$0x0], $0xffff;
	[tilespmem:s24+$0x70] =	vst v13  }
0x380: {  	v51 =	vsub.s32 v4, v26;
	v52 =	vsub.s32 v4, v27;
	[tilespmem:s24+$0x10] =	vst v14;
	v13 =	vld.idx.msk [tilespmem:v39+s2+$0x0], $0xffff  }
0x381: {  	v53 =	vsub.s32 v4, v29;
	v39 =	vsub.s32 v4, v28;
	v37 =	vld.idx.msk [tilespmem:v37+s2+$0x0], $0xffff;
	[tilespmem:s24+$0x20] =	vst v16  }
0x382: {  	v54 =	vsub.s32 v5, v20;
	v15 =	vld.idx.msk [tilespmem:v15+s2+$0x0], $0xffff;
	[tilespmem:s24+$0x30] =	vst v19;
	v19 =	vsub.s32 v2, v10  }
0x383: {  	v55 =	vsub.s32 v5, v21;
	v57 =	vsub.s32 v5, v25;
	v56 =	vld.idx.msk [tilespmem:v18+s2+$0x0], $0xffff;
	[tilespmem:s24+$0x40] =	vst v12  }
0x384: {  	v58 =	vsub.s32 v5, v26;
	v59 =	vsub.s32 v5, v27;
	v12 =	vld.idx.msk [tilespmem:v22+s2+$0x0], $0xffff;
	[tilespmem:s24+$0x50] =	vst v11  }
0x385: {  	v60 =	vsub.s32 v5, v28;
	v11 =	vld.idx.msk [tilespmem:v23+s2+$0x0], $0xffff;
	[tilespmem:s24+$0x60] =	vst v34;
	v34 =	vsub.s32 v5, v29  }
0x386: {  	v14 =	vsub.s32 v6, v21;
	v22 =	vsub.s32 v6, v20;
	v61 =	vld.idx.msk [tilespmem:v24+s2+$0x0], $0xffff;
	[tilespmem:s24+$0xF0] =	vst v13  }
0x387: {  	v16 =	vsub.s32 v6, v26;
	v23 =	vsub.s32 v6, v25;
	[tilespmem:s24+$0x0] =	vst v37;
	v37 =	vld.idx.msk [tilespmem:v19+s2+$0x0], $0xffff  }
0x388: {  	v18 =	vsub.s32 v6, v28;
	v24 =	vsub.s32 v6, v27;
	v38 =	vld.idx.msk [tilespmem:v38+s2+$0x0], $0xffff;
	[tilespmem:s24+$0x90] =	vst v15  }
0x389: {  	v19 =	vsub.s32 v6, v29;
	[tilespmem:s24+$0xA0] =	vst v56;
	v35 =	vld.idx.msk [tilespmem:v35+s2+$0x0], $0xffff;
	v56 =	vsub.s32 v3, v10  }
0x38a: {  	v20 =	vsub.s32 v7, v20;
	v15 =	vsub.s32 v7, v21;
	v62 =	vld.idx.msk [tilespmem:v17+s2+$0x0], $0xffff;
	[tilespmem:s24+$0xB0] =	vst v12  }
0x38b: {  	v13 =	vsub.s32 v7, v26;
	v21 =	vsub.s32 v7, v25;
	v30 =	vld.idx.msk [tilespmem:v30+s2+$0x0], $0xffff;
	[tilespmem:s24+$0xC0] =	vst v11  }
0x38c: {  	v17 =	vsub.s32 v7, v27;
	v12 =	vsub.s32 v7, v28;
	v25 =	vld.idx.msk [tilespmem:v31+s2+$0x0], $0xffff;
	[tilespmem:s24+$0xD0] =	vst v61  }
0x38d: {  	v11 =	vsub.s32 v7, v29;
	v26 =	vld.idx.msk [tilespmem:v32+s2+$0x0], $0xffff;
	[tilespmem:s24+$0x170] =	vst v37  }
0x38e: {  	[tilespmem:s24+$0x80] =	vst v38;
	v27 =	vld.idx.msk [tilespmem:v56+s2+$0x0], $0xffff  }
0x38f: {  	v28 =	vld.idx.msk [tilespmem:v40+s2+$0x0], $0xffff;
	[tilespmem:s24+$0xE0] =	vst v35  }
0x390: {  	v31 =	vsub.s32 v4, v10;
	[tilespmem:s24+$0x110] =	vst v62;
	v29 =	vld.idx.msk [tilespmem:v33+s2+$0x0], $0xffff  }
0x391: {  	[tilespmem:s24+$0x120] =	vst v30;
	v30 =	vld.idx.msk [tilespmem:v36+s2+$0x0], $0xffff  }
0x392: {  	v32 =	vld.idx.msk [tilespmem:v42+s2+$0x0], $0xffff;
	[tilespmem:s24+$0x130] =	vst v25  }
0x393: {  	v25 =	vld.idx.msk [tilespmem:v43+s2+$0x0], $0xffff;
	[tilespmem:s24+$0x140] =	vst v26  }
0x394: {  	v26 =	vld.idx.msk [tilespmem:v44+s2+$0x0], $0xffff;
	[tilespmem:s24+$0x1F0] =	vst v27  }
0x395: {  	[tilespmem:s24+$0x100] =	vst v28;
	v27 =	vld.idx.msk [tilespmem:v31+s2+$0x0], $0xffff  }
0x396: {  	v28 =	vld.idx.msk [tilespmem:v41+s2+$0x0], $0xffff;
	[tilespmem:s24+$0x150] =	vst v29  }
0x397: {  	v29 =	vld.idx.msk [tilespmem:v45+s2+$0x0], $0xffff;
	[tilespmem:s24+$0x160] =	vst v30;
	v30 =	vsub.s32 v5, v10  }
0x398: {  	[tilespmem:s24+$0x190] =	vst v32;
	v31 =	vld.idx.msk [tilespmem:v47+s2+$0x0], $0xffff  }
0x399: {  	[tilespmem:s24+$0x1A0] =	vst v25;
	v25 =	vld.idx.msk [tilespmem:v48+s2+$0x0], $0xffff  }
0x39a: {  	v32 =	vld.idx.msk [tilespmem:v49+s2+$0x0], $0xffff;
	[tilespmem:s24+$0x1B0] =	vst v26  }
0x39b: {  	v26 =	vld.idx.msk [tilespmem:v50+s2+$0x0], $0xffff;
	[tilespmem:s24+$0x270] =	vst v27  }
0x39c: {  	[tilespmem:s24+$0x180] =	vst v28;
	v27 =	vld.idx.msk [tilespmem:v30+s2+$0x0], $0xffff  }
0x39d: {  	v28 =	vld.idx.msk [tilespmem:v46+s2+$0x0], $0xffff;
	[tilespmem:s24+$0x1C0] =	vst v29  }
0x39e: {  	v30 =	vsub.s32 v6, v10;
	v29 =	vld.idx.msk [tilespmem:v51+s2+$0x0], $0xffff;
	[tilespmem:s24+$0x1D0] =	vst v31  }
0x39f: {  	v31 =	vld.idx.msk [tilespmem:v52+s2+$0x0], $0xffff;
	[tilespmem:s24+$0x1E0] =	vst v25  }
0x3a0: {  	[tilespmem:s24+$0x210] =	vst v32;
	v25 =	vld.idx.msk [tilespmem:v39+s2+$0x0], $0xffff  }
0x3a1: {  	[tilespmem:s24+$0x220] =	vst v26;
	v26 =	vld.idx.msk [tilespmem:v53+s2+$0x0], $0xffff  }
0x3a2: {  	v32 =	vld.idx.msk [tilespmem:v55+s2+$0x0], $0xffff;
	[tilespmem:s24+$0x2F0] =	vst v27  }
0x3a3: {  	[tilespmem:s24+$0x200] =	vst v28;
	v27 =	vld.idx.msk [tilespmem:v30+s2+$0x0], $0xffff  }
0x3a4: {  	v28 =	vld.idx.msk [tilespmem:v54+s2+$0x0], $0xffff;
	[tilespmem:s24+$0x230] =	vst v29  }
0x3a5: {  	v10 =	vsub.s32 v7, v10;
	v29 =	vld.idx.msk [tilespmem:v57+s2+$0x0], $0xffff;
	[tilespmem:s24+$0x240] =	vst v31  }
0x3a6: {  	v30 =	vld.idx.msk [tilespmem:v58+s2+$0x0], $0xffff;
	[tilespmem:s24+$0x250] =	vst v25  }
0x3a7: {  	v25 =	vld.idx.msk [tilespmem:v59+s2+$0x0], $0xffff;
	[tilespmem:s24+$0x260] =	vst v26  }
0x3a8: {  	[tilespmem:s24+$0x290] =	vst v32;
	v26 =	vld.idx.msk [tilespmem:v60+s2+$0x0], $0xffff  }
0x3a9: {  	v31 =	vld.idx.msk [tilespmem:v34+s2+$0x0], $0xffff;
	[tilespmem:s24+$0x370] =	vst v27  }
0x3aa: {  	[tilespmem:s24+$0x280] =	vst v28;
	v10 =	vld.idx.msk [tilespmem:v10+s2+$0x0], $0xffff  }
0x3ab: {  	v22 =	vld.idx.msk [tilespmem:v22+s2+$0x0], $0xffff;
	[tilespmem:s24+$0x2A0] =	vst v29  }
0x3ac: {  	v27 =	vld.idx.msk [tilespmem:v14+s2+$0x0], $0xffff;
	[tilespmem:s24+$0x2B0] =	vst v30  }
0x3ad: {  	v23 =	vld.idx.msk [tilespmem:v23+s2+$0x0], $0xffff;
	[tilespmem:s24+$0x2C0] =	vst v25  }
0x3ae: {  	v25 =	vld.idx.msk [tilespmem:v16+s2+$0x0], $0xffff;
	[tilespmem:s24+$0x2D0] =	vst v26  }
0x3af: {  	v24 =	vld.idx.msk [tilespmem:v24+s2+$0x0], $0xffff;
	[tilespmem:s24+$0x2E0] =	vst v31  }
0x3b0: {  	v26 =	vld.idx.msk [tilespmem:v18+s2+$0x0], $0xffff;
	[tilespmem:s24+$0x3F0] =	vst v10  }
0x3b1: {  	[tilespmem:s24+$0x300] =	vst v22;
	v16 =	vld.idx.msk [tilespmem:v19+s2+$0x0], $0xffff  }
.Ltmp3:
0x3b2: {  	v14 =	vld.idx.msk [tilespmem:v20+s2+$0x0], $0xffff;
	[tilespmem:s24+$0x310] =	vst v27;
	(pc) =	sbr.rel @p0 .LBB2_8-.Ltmp3, $4  }
0x3b3: {  	v15 =	vld.idx.msk [tilespmem:v15+s2+$0x0], $0xffff;
	[tilespmem:s24+$0x320] =	vst v23  }
0x3b4: {  	v18 =	vld.idx.msk [tilespmem:v21+s2+$0x0], $0xffff;
	[tilespmem:s24+$0x330] =	vst v25  }
0x3b5: {  	v13 =	vld.idx.msk [tilespmem:v13+s2+$0x0], $0xffff;
	[tilespmem:s24+$0x340] =	vst v24  }
0x3b6: {  	s26 =	sadd.s32 $0x80, s26;
	v17 =	vld.idx.msk [tilespmem:v17+s2+$0x0], $0xffff;
	[tilespmem:s24+$0x350] =	vst v26  }
0x3b7: {  	_ = 	snop  }
0x3b8: {  	[tilespmem:s24+$0x360] =	vst v16  }
0x3b9: {  	[tilespmem:s24+$0x380] =	vst v14  }
0x3ba: {  	[tilespmem:s23+$0x3D0] =	vst v8  }
0x3bb: {  	v0 =	vld.idx.msk [tilespmem:v12+s2+$0x0], $0xffff;
	[tilespmem:s23+$0x3E0] =	vst v9  }
0x3bc: {  	[tilespmem:s24+$0x390] =	vst v15;
	v1 =	vld.idx.msk [tilespmem:v11+s2+$0x0], $0xffff  }
0x3bd: {  	[tilespmem:s24+$0x3A0] =	vst v18  }
0x3be: {  	[tilespmem:s24+$0x3B0] =	vst v13  }
0x3bf: {  	[tilespmem:s24+$0x3C0] =	vst v17  }
0x3c0: {  	[tilespmem:s24+$0x3D0] =	vst v0  }
0x3c1: {  	s23 =	simm.s32 $0x0;
	[tilespmem:s24+$0x3E0] =	vst v1  }
0x3c2: {  	[hbm4b:s9+s23] =	stream.linear.scatter [tilespmem:s17], [sflag:$0x4], $0x2000, $0x38;
	[tilespmem:$0x19C80] =	vst v63  }
.LBB2_10:
0x3c3: {  	_ =	swait.ge [sflag:s18], $0x2000  }
0x3c4: {  	[sflag:s18] =	ssyncset.done $0x0  }
0x3c5: {  	s28 =	simm.s32 $0xF8C0;
	[sflag:s18] =	ssyncadd.s32 $0xFFFFE000  }
0x3c6: {  	v15 =	vld [tilespmem:s28+$0x30]  }
0x3c7: {  	v13 =	vld [tilespmem:s28+$0xFFFFFFD0]  }
0x3c8: {  	s24 =	sshll.u32 s23, $0x2;
	v12 =	vld [tilespmem:s28+$0xFFFFFFE0]  }
0x3c9: {  	s25 =	sadd.s32 $0x4, s24;
	v11 =	vld [tilespmem:s28+$0xFFFFFFF0]  }
0x3ca: {  	s26 =	sshll.u32 s25, $0x7;
	v10 =	vld [tilespmem:s28+$0x0]  }
0x3cb: {  	s26 =	sand.u32 $0x3FFFFE00, s26;
	v8 =	vld [tilespmem:s28+$0x10]  }
0x3cc: {  	v0 =	vld [tilespmem:s26+$0xFC80]  }
0x3cd: {  	v9 =	vld [tilespmem:s28+$0x20]  }
0x3ce: {  	v14 =	vld [tilespmem:s28+$0xFFFFFFC0]  }
0x3cf: {  	v1 =	vld [tilespmem:s26+$0xFC90]  }
0x3d0: {  	v2 =	vld [tilespmem:s26+$0xFCA0]  }
0x3d1: {  	v3 =	vld [tilespmem:s26+$0xFCB0];
	v16 =	vsub.s32 v0, v15  }
0x3d2: {  	v4 =	vld [tilespmem:s26+$0xFCC0];
	v17 =	vsub.s32 v0, v13  }
0x3d3: {  	v5 =	vld [tilespmem:s26+$0xFCD0];
	v18 =	vsub.s32 v0, v12  }
0x3d4: {  	v6 =	vld [tilespmem:s26+$0xFCE0];
	v19 =	vsub.s32 v0, v11  }
0x3d5: {  	v7 =	vld [tilespmem:s26+$0xFCF0];
	v20 =	vsub.s32 v0, v10  }
0x3d6: {  	v21 =	vsub.s32 v0, v8;
	v16 =	vld.idx.msk [tilespmem:v16+s2+$0x0], $0xffff  }
0x3d7: {  	v22 =	vsub.s32 v0, v9;
	v17 =	vld.idx.msk [tilespmem:v17+s2+$0x0], $0xffff  }
0x3d8: {  	v24 =	vsub.s32 v0, v14;
	v18 =	vld.idx.msk [tilespmem:v18+s2+$0x0], $0xffff  }
0x3d9: {  	v23 =	vsub.s32 v1, v15;
	v19 =	vld.idx.msk [tilespmem:v19+s2+$0x0], $0xffff  }
0x3da: {  	v25 =	vsub.s32 v1, v13;
	v20 =	vld.idx.msk [tilespmem:v20+s2+$0x0], $0xffff  }
0x3db: {  	s26 =	simm.s32 $0x11E80;
	v26 =	vsub.s32 v1, v12;
	v21 =	vld.idx.msk [tilespmem:v21+s2+$0x0], $0xffff  }
0x3dc: {  	v27 =	vsub.s32 v1, v11;
	v22 =	vld.idx.msk [tilespmem:v22+s2+$0x0], $0xffff;
	[tilespmem:s26+$0xFFFFFE70] =	vst v16  }
0x3dd: {  	v28 =	vsub.s32 v1, v8;
	[tilespmem:s26+$0xFFFFFE10] =	vst v17;
	v17 =	vld.idx.msk [tilespmem:v24+s2+$0x0], $0xffff  }
0x3de: {  	v16 =	vsub.s32 v1, v10;
	[tilespmem:s26+$0xFFFFFE20] =	vst v18;
	v23 =	vld.idx.msk [tilespmem:v23+s2+$0x0], $0xffff  }
0x3df: {  	v33 =	vsub.s32 v1, v14;
	[tilespmem:s26+$0xFFFFFE30] =	vst v19;
	v18 =	vld.idx.msk [tilespmem:v25+s2+$0x0], $0xffff  }
0x3e0: {  	v34 =	vsub.s32 v1, v9;
	[tilespmem:s26+$0xFFFFFE40] =	vst v20;
	v19 =	vld.idx.msk [tilespmem:v26+s2+$0x0], $0xffff  }
0x3e1: {  	v32 =	vsub.s32 v2, v15;
	[tilespmem:s26+$0xFFFFFE50] =	vst v21;
	v20 =	vld.idx.msk [tilespmem:v27+s2+$0x0], $0xffff  }
0x3e2: {  	v35 =	vsub.s32 v2, v13;
	[tilespmem:s26+$0xFFFFFE60] =	vst v22;
	v28 =	vld.idx.msk [tilespmem:v28+s2+$0x0], $0xffff  }
0x3e3: {  	v36 =	vsub.s32 v2, v12;
	v16 =	vld.idx.msk [tilespmem:v16+s2+$0x0], $0xffff;
	[tilespmem:s26+$0xFFFFFE00] =	vst v17  }
0x3e4: {  	v37 =	vsub.s32 v2, v11;
	[tilespmem:s26+$0xFFFFFEF0] =	vst v23;
	v39 =	vld.idx.msk [tilespmem:v33+s2+$0x0], $0xffff  }
0x3e5: {  	v38 =	vsub.s32 v2, v10;
	[tilespmem:s26+$0xFFFFFE90] =	vst v18;
	v18 =	vld.idx.msk [tilespmem:v34+s2+$0x0], $0xffff  }
0x3e6: {  	v42 =	vsub.s32 v2, v8;
	[tilespmem:s26+$0xFFFFFEA0] =	vst v19;
	v17 =	vld.idx.msk [tilespmem:v32+s2+$0x0], $0xffff  }
0x3e7: {  	v41 =	vsub.s32 v2, v14;
	[tilespmem:s26+$0xFFFFFEB0] =	vst v20;
	v19 =	vld.idx.msk [tilespmem:v35+s2+$0x0], $0xffff  }
0x3e8: {  	v43 =	vsub.s32 v2, v9;
	[tilespmem:s26+$0xFFFFFED0] =	vst v28;
	v20 =	vld.idx.msk [tilespmem:v36+s2+$0x0], $0xffff  }
0x3e9: {  	v40 =	vsub.s32 v3, v15;
	[tilespmem:s26+$0xFFFFFEC0] =	vst v16;
	v16 =	vld.idx.msk [tilespmem:v37+s2+$0x0], $0xffff  }
0x3ea: {  	v44 =	vsub.s32 v3, v13;
	v24 =	vld.idx.msk [tilespmem:v38+s2+$0x0], $0xffff;
	[tilespmem:s26+$0xFFFFFE80] =	vst v39  }
0x3eb: {  	v46 =	vsub.s32 v3, v11;
	[tilespmem:s26+$0xFFFFFEE0] =	vst v18;
	v18 =	vld.idx.msk [tilespmem:v42+s2+$0x0], $0xffff  }
0x3ec: {  	[tilespmem:s26+$0xFFFFFF70] =	vst v17;
	v17 =	vsub.s32 v3, v12;
	v26 =	vld.idx.msk [tilespmem:v41+s2+$0x0], $0xffff  }
0x3ed: {  	v49 =	vsub.s32 v3, v10;
	[tilespmem:s26+$0xFFFFFF10] =	vst v19;
	v19 =	vld.idx.msk [tilespmem:v43+s2+$0x0], $0xffff  }
0x3ee: {  	v50 =	vsub.s32 v3, v8;
	[tilespmem:s26+$0xFFFFFF20] =	vst v20;
	v45 =	vld.idx.msk [tilespmem:v40+s2+$0x0], $0xffff  }
0x3ef: {  	v48 =	vsub.s32 v3, v14;
	v20 =	vld.idx.msk [tilespmem:v44+s2+$0x0], $0xffff;
	[tilespmem:s26+$0xFFFFFF30] =	vst v16  }
0x3f0: {  	v47 =	vsub.s32 v4, v15;
	v25 =	vld.idx.msk [tilespmem:v46+s2+$0x0], $0xffff;
	[tilespmem:s26+$0xFFFFFF40] =	vst v24  }
0x3f1: {  	[tilespmem:s26+$0xFFFFFF50] =	vst v18;
	v16 =	vld.idx.msk [tilespmem:v17+s2+$0x0], $0xffff;
	v17 =	vsub.s32 v3, v9  }
0x3f2: {  	v51 =	vsub.s32 v4, v13;
	[tilespmem:s26+$0xFFFFFF00] =	vst v26;
	v18 =	vld.idx.msk [tilespmem:v49+s2+$0x0], $0xffff  }
0x3f3: {  	v57 =	vsub.s32 v4, v11;
	[tilespmem:s26+$0xFFFFFF60] =	vst v19;
	v19 =	vld.idx.msk [tilespmem:v50+s2+$0x0], $0xffff  }
0x3f4: {  	v53 =	vsub.s32 v4, v12;
	[tilespmem:s26+$0xFFFFFFF0] =	vst v45;
	v54 =	vld.idx.msk [tilespmem:v48+s2+$0x0], $0xffff  }
0x3f5: {  	[tilespmem:s26+$0xFFFFFF90] =	vst v20;
	v20 =	vsub.s32 v4, v10;
	v52 =	vld.idx.msk [tilespmem:v47+s2+$0x0], $0xffff  }
0x3f6: {  	v56 =	vsub.s32 v4, v14;
	[tilespmem:s26+$0xFFFFFFB0] =	vst v25;
	v17 =	vld.idx.msk [tilespmem:v17+s2+$0x0], $0xffff  }
0x3f7: {  	v55 =	vsub.s32 v5, v15;
	[tilespmem:s26+$0xFFFFFFA0] =	vst v16;
	v16 =	vld.idx.msk [tilespmem:v51+s2+$0x0], $0xffff  }
0x3f8: {  	v58 =	vsub.s32 v4, v8;
	[tilespmem:s26+$0xFFFFFFC0] =	vst v18;
	v18 =	vld.idx.msk [tilespmem:v57+s2+$0x0], $0xffff  }
0x3f9: {  	v59 =	vsub.s32 v4, v9;
	[tilespmem:s26+$0xFFFFFFD0] =	vst v19;
	v27 =	vld.idx.msk [tilespmem:v53+s2+$0x0], $0xffff  }
0x3fa: {  	v60 =	vsub.s32 v5, v13;
	[tilespmem:s26+$0xFFFFFF80] =	vst v54;
	v19 =	vld.idx.msk [tilespmem:v20+s2+$0x0], $0xffff  }
0x3fb: {  	v30 =	vsub.s32 v5, v11;
	[tilespmem:s26+$0x70] =	vst v52;
	v61 =	vld.idx.msk [tilespmem:v56+s2+$0x0], $0xffff  }
0x3fc: {  	v20 =	vsub.s32 v5, v12;
	v21 =	vld.idx.msk [tilespmem:v55+s2+$0x0], $0xffff;
	[tilespmem:s26+$0xFFFFFFE0] =	vst v17  }
0x3fd: {  	v63 =	vsub.s32 v5, v14;
	v17 =	vld.idx.msk [tilespmem:v58+s2+$0x0], $0xffff;
	[tilespmem:s26+$0x10] =	vst v16  }
0x3fe: {  	v62 =	vsub.s32 v6, v15;
	[tilespmem:s26+$0x30] =	vst v18;
	v16 =	vld.idx.msk [tilespmem:v59+s2+$0x0], $0xffff  }
0x3ff: {  	v31 =	vsub.s32 v5, v10;
	v24 =	vld.idx.msk [tilespmem:v60+s2+$0x0], $0xffff;
	[tilespmem:s26+$0x20] =	vst v27  }
0x400: {  	v32 =	vsub.s32 v5, v8;
	[tilespmem:s26+$0x40] =	vst v19;
	v19 =	vld.idx.msk [tilespmem:v30+s2+$0x0], $0xffff  }
0x401: {  	v33 =	vsub.s32 v5, v9;
	[tilespmem:s26+$0x0] =	vst v61;
	v18 =	vld.idx.msk [tilespmem:v20+s2+$0x0], $0xffff  }
0x402: {  	v35 =	vsub.s32 v6, v13;
	[tilespmem:s26+$0xF0] =	vst v21;
	v34 =	vld.idx.msk [tilespmem:v63+s2+$0x0], $0xffff  }
0x403: {  	v36 =	vsub.s32 v6, v12;
	v23 =	vld.idx.msk [tilespmem:v62+s2+$0x0], $0xffff;
	[tilespmem:s26+$0x50] =	vst v17  }
0x404: {  	v20 =	vsub.s32 v6, v14;
	v17 =	vld.idx.msk [tilespmem:v31+s2+$0x0], $0xffff;
	[tilespmem:s26+$0x60] =	vst v16  }
0x405: {  	v15 =	vsub.s32 v7, v15;
	v16 =	vld.idx.msk [tilespmem:v32+s2+$0x0], $0xffff;
	[tilespmem:s26+$0x90] =	vst v24  }
0x406: {  	v37 =	vsub.s32 v6, v11;
	[tilespmem:s26+$0xB0] =	vst v19;
	v25 =	vld.idx.msk [tilespmem:v33+s2+$0x0], $0xffff  }
0x407: {  	v38 =	vsub.s32 v6, v10;
	[tilespmem:s26+$0xA0] =	vst v18;
	v18 =	vld.idx.msk [tilespmem:v35+s2+$0x0], $0xffff  }
0x408: {  	v13 =	vsub.s32 v7, v13;
	[tilespmem:s26+$0x80] =	vst v34;
	v19 =	vld.idx.msk [tilespmem:v36+s2+$0x0], $0xffff  }
0x409: {  	[tilespmem:s26+$0x170] =	vst v23;
	v20 =	vld.idx.msk [tilespmem:v20+s2+$0x0], $0xffff  }
0x40a: {  	v40 =	vsub.s32 v6, v9;
	v39 =	vld.idx.msk [tilespmem:v15+s2+$0x0], $0xffff;
	[tilespmem:s26+$0xC0] =	vst v17  }
0x40b: {  	v12 =	vsub.s32 v7, v12;
	v17 =	vld.idx.msk [tilespmem:v37+s2+$0x0], $0xffff;
	[tilespmem:s26+$0xD0] =	vst v16  }
0x40c: {  	v16 =	vld.idx.msk [tilespmem:v38+s2+$0x0], $0xffff;
	[tilespmem:s26+$0x110] =	vst v18  }
0x40d: {  	s28 =	simm.s32 $0xF940;
	v15 =	vsub.s32 v6, v8;
	[tilespmem:s26+$0xE0] =	vst v25;
	v18 =	vld.idx.msk [tilespmem:v13+s2+$0x0], $0xffff  }
0x40e: {  	v14 =	vsub.s32 v7, v14;
	[tilespmem:s26+$0x120] =	vst v19;
	v13 =	vld [tilespmem:s28+$0xFFFFFFF0]  }
0x40f: {  	[tilespmem:s26+$0x100] =	vst v20;
	v20 =	vld.idx.msk [tilespmem:v40+s2+$0x0], $0xffff  }
0x410: {  	v19 =	vld.idx.msk [tilespmem:v12+s2+$0x0], $0xffff  }
0x411: {  	v12 =	vld [tilespmem:s28+$0x0]  }
0x412: {  	v11 =	vsub.s32 v7, v11;
	v41 =	vld.idx.msk [tilespmem:v15+s2+$0x0], $0xffff  }
0x413: {  	v42 =	vld.idx.msk [tilespmem:v14+s2+$0x0], $0xffff  }
0x414: {  	[tilespmem:s26+$0x130] =	vst v17;
	v17 =	vld [tilespmem:s28+$0x30]  }
0x415: {  	v10 =	vsub.s32 v7, v10;
	v15 =	vld [tilespmem:s28+$0xFFFFFFD0]  }
0x416: {  	v14 =	vld [tilespmem:s28+$0xFFFFFFE0]  }
0x417: {  	v9 =	vsub.s32 v7, v9;
	v43 =	vld.idx.msk [tilespmem:v11+s2+$0x0], $0xffff  }
0x418: {  	v8 =	vsub.s32 v7, v8;
	[tilespmem:s26+$0x140] =	vst v16;
	v11 =	vld [tilespmem:s28+$0x20]  }
0x419: {  	v16 =	vld [tilespmem:s28+$0xFFFFFFC0];
	[tilespmem:s26+$0x160] =	vst v20;
	v20 =	vsub.s32 v0, v13  }
0x41a: {  	v44 =	vld.idx.msk [tilespmem:v10+s2+$0x0], $0xffff;
	v48 =	vsub.s32 v0, v12  }
0x41b: {  	v10 =	vld [tilespmem:s28+$0x10];
	v45 =	vsub.s32 v0, v17  }
0x41c: {  	v46 =	vsub.s32 v0, v15;
	[tilespmem:s26+$0x150] =	vst v41;
	v9 =	vld.idx.msk [tilespmem:v9+s2+$0x0], $0xffff  }
0x41d: {  	v47 =	vsub.s32 v0, v14;
	v8 =	vld.idx.msk [tilespmem:v8+s2+$0x0], $0xffff  }
0x41e: {  	[tilespmem:s26+$0x1F0] =	vst v39;
	v51 =	vsub.s32 v0, v11;
	v20 =	vld.idx.msk [tilespmem:v20+s2+$0x0], $0xffff  }
0x41f: {  	[tilespmem:s26+$0x1A0] =	vst v19;
	v19 =	vsub.s32 v0, v16;
	v28 =	vld.idx.msk [tilespmem:v48+s2+$0x0], $0xffff  }
0x420: {  	[tilespmem:s26+$0x190] =	vst v18;
	v49 =	vsub.s32 v0, v10;
	v25 =	vld.idx.msk [tilespmem:v45+s2+$0x0], $0xffff  }
0x421: {  	v29 =	vsub.s32 v1, v13;
	[tilespmem:s26+$0x180] =	vst v42;
	v50 =	vld.idx.msk [tilespmem:v46+s2+$0x0], $0xffff  }
0x422: {  	v55 =	vsub.s32 v1, v12;
	[tilespmem:s26+$0x1B0] =	vst v43;
	v18 =	vld.idx.msk [tilespmem:v47+s2+$0x0], $0xffff  }
0x423: {  	s28 =	simm.s32 $0x12280;
	v53 =	vsub.s32 v1, v15;
	[tilespmem:s26+$0x1C0] =	vst v44;
	v26 =	vld.idx.msk [tilespmem:v51+s2+$0x0], $0xffff  }
0x424: {  	v52 =	vsub.s32 v1, v17;
	v19 =	vld.idx.msk [tilespmem:v19+s2+$0x0], $0xffff;
	[tilespmem:s28+$0xFFFFFE30] =	vst v20  }
0x425: {  	v54 =	vsub.s32 v1, v14;
	v27 =	vld.idx.msk [tilespmem:v49+s2+$0x0], $0xffff;
	[tilespmem:s28+$0xFFFFFE40] =	vst v28  }
0x426: {  	v57 =	vsub.s32 v1, v16;
	[tilespmem:s28+$0xFFFFFE70] =	vst v25;
	v29 =	vld.idx.msk [tilespmem:v29+s2+$0x0], $0xffff  }
0x427: {  	v56 =	vsub.s32 v1, v10;
	[tilespmem:s28+$0xFFFFFE10] =	vst v50;
	v25 =	vld.idx.msk [tilespmem:v55+s2+$0x0], $0xffff  }
0x428: {  	v58 =	vsub.s32 v1, v11;
	[tilespmem:s28+$0xFFFFFE20] =	vst v18;
	v18 =	vld.idx.msk [tilespmem:v53+s2+$0x0], $0xffff  }
0x429: {  	v61 =	vsub.s32 v2, v13;
	v21 =	vld.idx.msk [tilespmem:v52+s2+$0x0], $0xffff;
	[tilespmem:s28+$0xFFFFFE60] =	vst v26  }
0x42a: {  	v20 =	vsub.s32 v2, v17;
	v24 =	vld.idx.msk [tilespmem:v54+s2+$0x0], $0xffff;
	[tilespmem:s28+$0xFFFFFE00] =	vst v19  }
0x42b: {  	v59 =	vsub.s32 v2, v15;
	[tilespmem:s28+$0xFFFFFE50] =	vst v27;
	v23 =	vld.idx.msk [tilespmem:v57+s2+$0x0], $0xffff  }
0x42c: {  	v60 =	vsub.s32 v2, v14;
	v22 =	vld.idx.msk [tilespmem:v56+s2+$0x0], $0xffff;
	[tilespmem:s28+$0xFFFFFEB0] =	vst v29  }
0x42d: {  	v63 =	vsub.s32 v2, v16;
	[tilespmem:s28+$0xFFFFFE90] =	vst v18;
	v18 =	vld.idx.msk [tilespmem:v58+s2+$0x0], $0xffff  }
0x42e: {  	v32 =	vsub.s32 v2, v10;
	[tilespmem:s28+$0xFFFFFEF0] =	vst v21;
	v21 =	vld.idx.msk [tilespmem:v61+s2+$0x0], $0xffff  }
0x42f: {  	[tilespmem:s28+$0xFFFFFEC0] =	vst v25;
	v19 =	vld.idx.msk [tilespmem:v20+s2+$0x0], $0xffff;
	v20 =	vsub.s32 v2, v12  }
0x430: {  	v33 =	vsub.s32 v2, v11;
	[tilespmem:s28+$0xFFFFFEA0] =	vst v24;
	v27 =	vld.idx.msk [tilespmem:v59+s2+$0x0], $0xffff  }
0x431: {  	v36 =	vsub.s32 v3, v13;
	v26 =	vld.idx.msk [tilespmem:v60+s2+$0x0], $0xffff;
	[tilespmem:s28+$0xFFFFFE80] =	vst v23  }
0x432: {  	v62 =	vsub.s32 v3, v17;
	[tilespmem:s28+$0xFFFFFED0] =	vst v22;
	v28 =	vld.idx.msk [tilespmem:v63+s2+$0x0], $0xffff  }
0x433: {  	v34 =	vsub.s32 v3, v15;
	[tilespmem:s28+$0xFFFFFEE0] =	vst v18;
	v18 =	vld.idx.msk [tilespmem:v32+s2+$0x0], $0xffff  }
0x434: {  	v38 =	vsub.s32 v3, v16;
	[tilespmem:s28+$0xFFFFFF30] =	vst v21;
	v20 =	vld.idx.msk [tilespmem:v20+s2+$0x0], $0xffff  }
0x435: {  	[tilespmem:s28+$0xFFFFFF70] =	vst v19;
	v19 =	vsub.s32 v3, v14;
	v25 =	vld.idx.msk [tilespmem:v33+s2+$0x0], $0xffff  }
0x436: {  	v40 =	vsub.s32 v3, v10;
	[tilespmem:s28+$0xFFFFFF10] =	vst v27;
	v24 =	vld.idx.msk [tilespmem:v36+s2+$0x0], $0xffff  }
0x437: {  	v39 =	vsub.s32 v3, v12;
	[tilespmem:s28+$0xFFFFFF20] =	vst v26;
	v35 =	vld.idx.msk [tilespmem:v62+s2+$0x0], $0xffff  }
0x438: {  	v37 =	vsub.s32 v4, v17;
	v22 =	vld.idx.msk [tilespmem:v34+s2+$0x0], $0xffff;
	[tilespmem:s28+$0xFFFFFF00] =	vst v28  }
0x439: {  	v41 =	vsub.s32 v4, v15;
	v29 =	vld.idx.msk [tilespmem:v38+s2+$0x0], $0xffff;
	[tilespmem:s28+$0xFFFFFF50] =	vst v18  }
0x43a: {  	v44 =	vsub.s32 v4, v16;
	v19 =	vld.idx.msk [tilespmem:v19+s2+$0x0], $0xffff;
	[tilespmem:s28+$0xFFFFFF40] =	vst v20  }
0x43b: {  	v20 =	vsub.s32 v3, v11;
	[tilespmem:s28+$0xFFFFFF60] =	vst v25;
	v21 =	vld.idx.msk [tilespmem:v40+s2+$0x0], $0xffff  }
0x43c: {  	v42 =	vsub.s32 v4, v14;
	[tilespmem:s28+$0xFFFFFFF0] =	vst v35;
	v18 =	vld.idx.msk [tilespmem:v39+s2+$0x0], $0xffff  }
0x43d: {  	v45 =	vsub.s32 v4, v13;
	[tilespmem:s28+$0xFFFFFF90] =	vst v22;
	v27 =	vld.idx.msk [tilespmem:v37+s2+$0x0], $0xffff  }
0x43e: {  	v46 =	vsub.s32 v4, v10;
	v23 =	vld.idx.msk [tilespmem:v41+s2+$0x0], $0xffff;
	[tilespmem:s28+$0xFFFFFF80] =	vst v29  }
0x43f: {  	v43 =	vsub.s32 v5, v17;
	[tilespmem:s28+$0xFFFFFFB0] =	vst v24;
	v26 =	vld.idx.msk [tilespmem:v44+s2+$0x0], $0xffff  }
0x440: {  	v48 =	vsub.s32 v5, v15;
	[tilespmem:s28+$0xFFFFFFA0] =	vst v19;
	v19 =	vld.idx.msk [tilespmem:v20+s2+$0x0], $0xffff  }
0x441: {  	v50 =	vsub.s32 v5, v16;
	[tilespmem:s28+$0xFFFFFFD0] =	vst v21;
	v28 =	vld.idx.msk [tilespmem:v42+s2+$0x0], $0xffff  }
0x442: {  	v20 =	vsub.s32 v4, v12;
	[tilespmem:s28+$0xFFFFFFC0] =	vst v18;
	v18 =	vld.idx.msk [tilespmem:v45+s2+$0x0], $0xffff  }
0x443: {  	v47 =	vsub.s32 v4, v11;
	v51 =	vld.idx.msk [tilespmem:v46+s2+$0x0], $0xffff;
	[tilespmem:s28+$0x70] =	vst v27  }
0x444: {  	v54 =	vsub.s32 v5, v10;
	[tilespmem:s28+$0x10] =	vst v23;
	v25 =	vld.idx.msk [tilespmem:v43+s2+$0x0], $0xffff  }
0x445: {  	v49 =	vsub.s32 v6, v17;
	v29 =	vld.idx.msk [tilespmem:v48+s2+$0x0], $0xffff;
	[tilespmem:s28+$0x0] =	vst v26  }
0x446: {  	v56 =	vsub.s32 v6, v15;
	v22 =	vld.idx.msk [tilespmem:v50+s2+$0x0], $0xffff;
	[tilespmem:s28+$0xFFFFFFE0] =	vst v19  }
0x447: {  	v20 =	vld.idx.msk [tilespmem:v20+s2+$0x0], $0xffff;
	v19 =	vsub.s32 v5, v14;
	[tilespmem:s28+$0x20] =	vst v28  }
0x448: {  	v52 =	vsub.s32 v5, v13;
	v27 =	vld.idx.msk [tilespmem:v47+s2+$0x0], $0xffff;
	[tilespmem:s28+$0x50] =	vst v51  }
0x449: {  	v53 =	vsub.s32 v5, v12;
	[tilespmem:s28+$0xF0] =	vst v25;
	v25 =	vld.idx.msk [tilespmem:v54+s2+$0x0], $0xffff  }
0x44a: {  	v55 =	vsub.s32 v5, v11;
	[tilespmem:s28+$0x90] =	vst v29;
	v21 =	vld.idx.msk [tilespmem:v49+s2+$0x0], $0xffff  }
0x44b: {  	v61 =	vsub.s32 v6, v10;
	[tilespmem:s28+$0x30] =	vst v18;
	v23 =	vld.idx.msk [tilespmem:v56+s2+$0x0], $0xffff  }
0x44c: {  	v17 =	vsub.s32 v7, v17;
	[tilespmem:s28+$0x80] =	vst v22;
	v18 =	vld.idx.msk [tilespmem:v19+s2+$0x0], $0xffff  }
0x44d: {  	[tilespmem:s28+$0x40] =	vst v20;
	v19 =	vsub.s32 v6, v16;
	v20 =	vld.idx.msk [tilespmem:v52+s2+$0x0], $0xffff  }
0x44e: {  	v58 =	vsub.s32 v6, v14;
	v57 =	vld.idx.msk [tilespmem:v53+s2+$0x0], $0xffff;
	[tilespmem:s28+$0x60] =	vst v27  }
0x44f: {  	v59 =	vsub.s32 v6, v13;
	v26 =	vld.idx.msk [tilespmem:v55+s2+$0x0], $0xffff;
	[tilespmem:s28+$0xD0] =	vst v25  }
0x450: {  	v60 =	vsub.s32 v6, v12;
	[tilespmem:s28+$0x170] =	vst v21;
	v22 =	vld.idx.msk [tilespmem:v61+s2+$0x0], $0xffff  }
0x451: {  	v15 =	vsub.s32 v7, v15;
	[tilespmem:s28+$0x110] =	vst v23;
	v17 =	vld.idx.msk [tilespmem:v17+s2+$0x0], $0xffff  }
0x452: {  	v19 =	vld.idx.msk [tilespmem:v19+s2+$0x0], $0xffff;
	[tilespmem:s28+$0xA0] =	vst v18;
	v18 =	vsub.s32 v6, v11  }
0x453: {  	[tilespmem:s28+$0xB0] =	vst v20;
	v20 =	vsub.s32 v7, v16;
	v27 =	vld.idx.msk [tilespmem:v58+s2+$0x0], $0xffff  }
0x454: {  	v63 =	vsub.s32 v7, v14;
	[tilespmem:s28+$0xC0] =	vst v57;
	v62 =	vld.idx.msk [tilespmem:v59+s2+$0x0], $0xffff  }
0x455: {  	v13 =	vsub.s32 v7, v13;
	v21 =	vld.idx.msk [tilespmem:v60+s2+$0x0], $0xffff;
	[tilespmem:s28+$0xE0] =	vst v26  }
0x456: {  	v15 =	vld.idx.msk [tilespmem:v15+s2+$0x0], $0xffff;
	[tilespmem:s28+$0x1F0] =	vst v17;
	v17 =	vsub.s32 v7, v12  }
0x457: {  	[tilespmem:s28+$0x100] =	vst v19;
	v16 =	vld.idx.msk [tilespmem:v18+s2+$0x0], $0xffff  }
0x458: {  	v14 =	vld.idx.msk [tilespmem:v20+s2+$0x0], $0xffff;
	[tilespmem:s28+$0x120] =	vst v27  }
0x459: {  	[tilespmem:s28+$0x130] =	vst v62;
	v18 =	vld.idx.msk [tilespmem:v63+s2+$0x0], $0xffff  }
0x45a: {  	v13 =	vld.idx.msk [tilespmem:v13+s2+$0x0], $0xffff;
	[tilespmem:s28+$0x140] =	vst v21  }
0x45b: {  	s29 =	simm.s32 $0x8;
	s30 =	simm.s32 $0xF9C0;
	v11 =	vsub.s32 v7, v11;
	[tilespmem:s28+$0x150] =	vst v22;
	v12 =	vsub.s32 v7, v10;
	v17 =	vld.idx.msk [tilespmem:v17+s2+$0x0], $0xffff  }
.LBB2_11:
0x45c: {  	v10 =	vld [tilespmem:s30+$0x30];
	s29 =	sadd.s32 $0x8, s29;
	[tilespmem:s28+$0x160] =	vst v16  }
0x45d: {  	v21 =	vld [tilespmem:s30+$0xFFFFFFD0];
	p0 =	slt.u32 s29, $0x38;
	[tilespmem:s28+$0x180] =	vst v14  }
0x45e: {  	v25 =	vld [tilespmem:s30+$0xFFFFFFE0];
	[tilespmem:s28+$0x190] =	vst v15  }
0x45f: {  	v26 =	vld [tilespmem:s30+$0xFFFFFFF0];
	[tilespmem:s28+$0x1A0] =	vst v18  }
0x460: {  	v27 =	vld [tilespmem:s30+$0x0];
	[tilespmem:s28+$0x1B0] =	vst v13  }
0x461: {  	v28 =	vld [tilespmem:s30+$0x10];
	v13 =	vsub.s32 v0, v10;
	[tilespmem:s28+$0x1C0] =	vst v17  }
0x462: {  	v14 =	vsub.s32 v0, v21;
	v15 =	vsub.s32 v1, v21;
	v17 =	vsub.s32 v2, v21;
	v29 =	vld [tilespmem:s30+$0x20];
	[tilespmem:s26+$0x1D0] =	vst v8  }
0x463: {  	v20 =	vld [tilespmem:s30+$0xFFFFFFC0];
	v16 =	vsub.s32 v0, v25;
	v18 =	vsub.s32 v1, v25;
	v30 =	vsub.s32 v2, v25;
	[tilespmem:s26+$0x1E0] =	vst v9;
	s26 =	smov.u32 s28  }
0x464: {  	v19 =	vsub.s32 v0, v26;
	v22 =	vsub.s32 v1, v26;
	v31 =	vsub.s32 v2, v26;
	v8 =	vld.idx.msk [tilespmem:v12+s2+$0x0], $0xffff  }
0x465: {  	v12 =	vsub.s32 v0, v27;
	v23 =	vsub.s32 v1, v27;
	v32 =	vsub.s32 v2, v27;
	v9 =	vld.idx.msk [tilespmem:v11+s2+$0x0], $0xffff  }
0x466: {  	v11 =	vsub.s32 v0, v28;
	v24 =	vsub.s32 v1, v28;
	v33 =	vsub.s32 v2, v28;
	v13 =	vld.idx.msk [tilespmem:v13+s2+$0x0], $0xffff  }
0x467: {  	v14 =	vld.idx.msk [tilespmem:v14+s2+$0x0], $0xffff;
	v34 =	vsub.s32 v0, v29;
	v35 =	vsub.s32 v1, v29;
	v36 =	vsub.s32 v2, v29  }
0x468: {  	v39 =	vsub.s32 v1, v10;
	v37 =	vsub.s32 v0, v20;
	v38 =	vsub.s32 v1, v20;
	v16 =	vld.idx.msk [tilespmem:v16+s2+$0x0], $0xffff  }
0x469: {  	v42 =	vsub.s32 v3, v21;
	v40 =	vsub.s32 v2, v20;
	v41 =	vsub.s32 v3, v20;
	v19 =	vld.idx.msk [tilespmem:v19+s2+$0x0], $0xffff  }
0x46a: {  	v43 =	vsub.s32 v3, v25;
	v44 =	vsub.s32 v3, v26;
	v45 =	vsub.s32 v3, v27;
	v12 =	vld.idx.msk [tilespmem:v12+s2+$0x0], $0xffff  }
0x46b: {  	s28 =	sadd.s32 $0x400, s28;
	v47 =	vsub.s32 v3, v28;
	v48 =	vsub.s32 v3, v29;
	v46 =	vsub.s32 v4, v20;
	v11 =	vld.idx.msk [tilespmem:v11+s2+$0x0], $0xffff  }
0x46c: {  	v49 =	vsub.s32 v4, v21;
	v50 =	vsub.s32 v4, v25;
	v34 =	vld.idx.msk [tilespmem:v34+s2+$0x0], $0xffff;
	[tilespmem:s28+$0xFFFFFE70] =	vst v13  }
0x46d: {  	v51 =	vsub.s32 v4, v26;
	v52 =	vsub.s32 v4, v27;
	[tilespmem:s28+$0xFFFFFE10] =	vst v14;
	v13 =	vld.idx.msk [tilespmem:v39+s2+$0x0], $0xffff  }
0x46e: {  	v53 =	vsub.s32 v4, v29;
	v39 =	vsub.s32 v4, v28;
	v37 =	vld.idx.msk [tilespmem:v37+s2+$0x0], $0xffff;
	[tilespmem:s28+$0xFFFFFE20] =	vst v16  }
0x46f: {  	v54 =	vsub.s32 v5, v20;
	v15 =	vld.idx.msk [tilespmem:v15+s2+$0x0], $0xffff;
	[tilespmem:s28+$0xFFFFFE30] =	vst v19;
	v19 =	vsub.s32 v2, v10  }
0x470: {  	v55 =	vsub.s32 v5, v21;
	v57 =	vsub.s32 v5, v25;
	v56 =	vld.idx.msk [tilespmem:v18+s2+$0x0], $0xffff;
	[tilespmem:s28+$0xFFFFFE40] =	vst v12  }
0x471: {  	v58 =	vsub.s32 v5, v26;
	v59 =	vsub.s32 v5, v27;
	v12 =	vld.idx.msk [tilespmem:v22+s2+$0x0], $0xffff;
	[tilespmem:s28+$0xFFFFFE50] =	vst v11  }
0x472: {  	v60 =	vsub.s32 v5, v28;
	v11 =	vld.idx.msk [tilespmem:v23+s2+$0x0], $0xffff;
	[tilespmem:s28+$0xFFFFFE60] =	vst v34;
	v34 =	vsub.s32 v5, v29  }
0x473: {  	v14 =	vsub.s32 v6, v21;
	v22 =	vsub.s32 v6, v20;
	v61 =	vld.idx.msk [tilespmem:v24+s2+$0x0], $0xffff;
	[tilespmem:s28+$0xFFFFFEF0] =	vst v13  }
0x474: {  	v16 =	vsub.s32 v6, v26;
	v23 =	vsub.s32 v6, v25;
	[tilespmem:s28+$0xFFFFFE00] =	vst v37;
	v37 =	vld.idx.msk [tilespmem:v19+s2+$0x0], $0xffff  }
0x475: {  	v18 =	vsub.s32 v6, v28;
	v24 =	vsub.s32 v6, v27;
	v38 =	vld.idx.msk [tilespmem:v38+s2+$0x0], $0xffff;
	[tilespmem:s28+$0xFFFFFE90] =	vst v15  }
0x476: {  	v19 =	vsub.s32 v6, v29;
	[tilespmem:s28+$0xFFFFFEA0] =	vst v56;
	v35 =	vld.idx.msk [tilespmem:v35+s2+$0x0], $0xffff;
	v56 =	vsub.s32 v3, v10  }
0x477: {  	v20 =	vsub.s32 v7, v20;
	v15 =	vsub.s32 v7, v21;
	v62 =	vld.idx.msk [tilespmem:v17+s2+$0x0], $0xffff;
	[tilespmem:s28+$0xFFFFFEB0] =	vst v12  }
0x478: {  	v13 =	vsub.s32 v7, v26;
	v21 =	vsub.s32 v7, v25;
	v30 =	vld.idx.msk [tilespmem:v30+s2+$0x0], $0xffff;
	[tilespmem:s28+$0xFFFFFEC0] =	vst v11  }
0x479: {  	v17 =	vsub.s32 v7, v27;
	v12 =	vsub.s32 v7, v28;
	v25 =	vld.idx.msk [tilespmem:v31+s2+$0x0], $0xffff;
	[tilespmem:s28+$0xFFFFFED0] =	vst v61  }
0x47a: {  	v11 =	vsub.s32 v7, v29;
	v26 =	vld.idx.msk [tilespmem:v32+s2+$0x0], $0xffff;
	[tilespmem:s28+$0xFFFFFF70] =	vst v37  }
0x47b: {  	[tilespmem:s28+$0xFFFFFE80] =	vst v38;
	v27 =	vld.idx.msk [tilespmem:v56+s2+$0x0], $0xffff  }
0x47c: {  	v28 =	vld.idx.msk [tilespmem:v40+s2+$0x0], $0xffff;
	[tilespmem:s28+$0xFFFFFEE0] =	vst v35  }
0x47d: {  	v31 =	vsub.s32 v4, v10;
	[tilespmem:s28+$0xFFFFFF10] =	vst v62;
	v29 =	vld.idx.msk [tilespmem:v33+s2+$0x0], $0xffff  }
0x47e: {  	[tilespmem:s28+$0xFFFFFF20] =	vst v30;
	v30 =	vld.idx.msk [tilespmem:v36+s2+$0x0], $0xffff  }
0x47f: {  	v32 =	vld.idx.msk [tilespmem:v42+s2+$0x0], $0xffff;
	[tilespmem:s28+$0xFFFFFF30] =	vst v25  }
0x480: {  	v25 =	vld.idx.msk [tilespmem:v43+s2+$0x0], $0xffff;
	[tilespmem:s28+$0xFFFFFF40] =	vst v26  }
0x481: {  	v26 =	vld.idx.msk [tilespmem:v44+s2+$0x0], $0xffff;
	[tilespmem:s28+$0xFFFFFFF0] =	vst v27  }
0x482: {  	[tilespmem:s28+$0xFFFFFF00] =	vst v28;
	v27 =	vld.idx.msk [tilespmem:v31+s2+$0x0], $0xffff  }
0x483: {  	v28 =	vld.idx.msk [tilespmem:v41+s2+$0x0], $0xffff;
	[tilespmem:s28+$0xFFFFFF50] =	vst v29  }
0x484: {  	v29 =	vld.idx.msk [tilespmem:v45+s2+$0x0], $0xffff;
	[tilespmem:s28+$0xFFFFFF60] =	vst v30;
	v30 =	vsub.s32 v5, v10  }
0x485: {  	[tilespmem:s28+$0xFFFFFF90] =	vst v32;
	v31 =	vld.idx.msk [tilespmem:v47+s2+$0x0], $0xffff  }
0x486: {  	[tilespmem:s28+$0xFFFFFFA0] =	vst v25;
	v25 =	vld.idx.msk [tilespmem:v48+s2+$0x0], $0xffff  }
0x487: {  	v32 =	vld.idx.msk [tilespmem:v49+s2+$0x0], $0xffff;
	[tilespmem:s28+$0xFFFFFFB0] =	vst v26  }
0x488: {  	v26 =	vld.idx.msk [tilespmem:v50+s2+$0x0], $0xffff;
	[tilespmem:s28+$0x70] =	vst v27  }
0x489: {  	[tilespmem:s28+$0xFFFFFF80] =	vst v28;
	v27 =	vld.idx.msk [tilespmem:v30+s2+$0x0], $0xffff  }
0x48a: {  	v28 =	vld.idx.msk [tilespmem:v46+s2+$0x0], $0xffff;
	[tilespmem:s28+$0xFFFFFFC0] =	vst v29  }
0x48b: {  	v30 =	vsub.s32 v6, v10;
	v29 =	vld.idx.msk [tilespmem:v51+s2+$0x0], $0xffff;
	[tilespmem:s28+$0xFFFFFFD0] =	vst v31  }
0x48c: {  	v31 =	vld.idx.msk [tilespmem:v52+s2+$0x0], $0xffff;
	[tilespmem:s28+$0xFFFFFFE0] =	vst v25  }
0x48d: {  	[tilespmem:s28+$0x10] =	vst v32;
	v25 =	vld.idx.msk [tilespmem:v39+s2+$0x0], $0xffff  }
0x48e: {  	[tilespmem:s28+$0x20] =	vst v26;
	v26 =	vld.idx.msk [tilespmem:v53+s2+$0x0], $0xffff  }
0x48f: {  	v32 =	vld.idx.msk [tilespmem:v55+s2+$0x0], $0xffff;
	[tilespmem:s28+$0xF0] =	vst v27  }
0x490: {  	[tilespmem:s28+$0x0] =	vst v28;
	v27 =	vld.idx.msk [tilespmem:v30+s2+$0x0], $0xffff  }
0x491: {  	v28 =	vld.idx.msk [tilespmem:v54+s2+$0x0], $0xffff;
	[tilespmem:s28+$0x30] =	vst v29  }
0x492: {  	v10 =	vsub.s32 v7, v10;
	v29 =	vld.idx.msk [tilespmem:v57+s2+$0x0], $0xffff;
	[tilespmem:s28+$0x40] =	vst v31  }
0x493: {  	v30 =	vld.idx.msk [tilespmem:v58+s2+$0x0], $0xffff;
	[tilespmem:s28+$0x50] =	vst v25  }
0x494: {  	v25 =	vld.idx.msk [tilespmem:v59+s2+$0x0], $0xffff;
	[tilespmem:s28+$0x60] =	vst v26  }
0x495: {  	[tilespmem:s28+$0x90] =	vst v32;
	v26 =	vld.idx.msk [tilespmem:v60+s2+$0x0], $0xffff  }
0x496: {  	v31 =	vld.idx.msk [tilespmem:v34+s2+$0x0], $0xffff;
	[tilespmem:s28+$0x170] =	vst v27  }
0x497: {  	[tilespmem:s28+$0x80] =	vst v28;
	v10 =	vld.idx.msk [tilespmem:v10+s2+$0x0], $0xffff  }
0x498: {  	v22 =	vld.idx.msk [tilespmem:v22+s2+$0x0], $0xffff;
	[tilespmem:s28+$0xA0] =	vst v29  }
0x499: {  	v27 =	vld.idx.msk [tilespmem:v14+s2+$0x0], $0xffff;
	[tilespmem:s28+$0xB0] =	vst v30  }
0x49a: {  	v23 =	vld.idx.msk [tilespmem:v23+s2+$0x0], $0xffff;
	[tilespmem:s28+$0xC0] =	vst v25  }
0x49b: {  	v25 =	vld.idx.msk [tilespmem:v16+s2+$0x0], $0xffff;
	[tilespmem:s28+$0xD0] =	vst v26  }
0x49c: {  	v24 =	vld.idx.msk [tilespmem:v24+s2+$0x0], $0xffff;
	[tilespmem:s28+$0xE0] =	vst v31  }
0x49d: {  	v26 =	vld.idx.msk [tilespmem:v18+s2+$0x0], $0xffff;
	[tilespmem:s28+$0x1F0] =	vst v10  }
0x49e: {  	[tilespmem:s28+$0x100] =	vst v22;
	v16 =	vld.idx.msk [tilespmem:v19+s2+$0x0], $0xffff  }
.Ltmp4:
0x49f: {  	v14 =	vld.idx.msk [tilespmem:v20+s2+$0x0], $0xffff;
	[tilespmem:s28+$0x110] =	vst v27;
	(pc) =	sbr.rel @p0 .LBB2_11-.Ltmp4, $4  }
0x4a0: {  	v15 =	vld.idx.msk [tilespmem:v15+s2+$0x0], $0xffff;
	[tilespmem:s28+$0x120] =	vst v23  }
0x4a1: {  	v18 =	vld.idx.msk [tilespmem:v21+s2+$0x0], $0xffff;
	[tilespmem:s28+$0x130] =	vst v25  }
0x4a2: {  	v13 =	vld.idx.msk [tilespmem:v13+s2+$0x0], $0xffff;
	[tilespmem:s28+$0x140] =	vst v24  }
0x4a3: {  	s30 =	sadd.s32 $0x80, s30;
	v17 =	vld.idx.msk [tilespmem:v17+s2+$0x0], $0xffff;
	[tilespmem:s28+$0x150] =	vst v26  }
0x4a4: {  	_ = 	snop  }
0x4a5: {  	[tilespmem:s28+$0x160] =	vst v16  }
0x4a6: {  	[tilespmem:s28+$0x180] =	vst v14  }
0x4a7: {  	[tilespmem:s26+$0x1D0] =	vst v8  }
0x4a8: {  	v0 =	vld.idx.msk [tilespmem:v12+s2+$0x0], $0xffff;
	[tilespmem:s26+$0x1E0] =	vst v9  }
0x4a9: {  	[tilespmem:s28+$0x190] =	vst v15;
	v1 =	vld.idx.msk [tilespmem:v11+s2+$0x0], $0xffff  }
0x4aa: {  	[tilespmem:s28+$0x1A0] =	vst v18  }
0x4ab: {  	[tilespmem:s28+$0x1B0] =	vst v13  }
0x4ac: {  	[tilespmem:s28+$0x1C0] =	vst v17  }
0x4ad: {  	s25 =	sshll.u32 s25, $0xA;
	[tilespmem:s28+$0x1D0] =	vst v0  }
0x4ae: {  	s25 =	sadd.s32 s25, s5;
	[tilespmem:s28+$0x1E0] =	vst v1  }
0x4af: {  	[hbm4b:s25+s2] =	stream.linear.scatter [tilespmem:s14], [sflag:$0x1], $0x2000, $0x38;
	[tilespmem:$0x19C80] =	vst v63  }
0x4b0: {  	s25 =	sadd.s32 $0x5, s24;
	_ =	swait.ge [sflag:s19], $0x2000  }
0x4b1: {  	s31 =	sshll.u32 s25, $0x7;
	[sflag:s19] =	ssyncset.done $0x0  }
0x4b2: {  	s26 =	sand.u32 $0x3FFFFF80, s31;
	[sflag:s19] =	ssyncadd.s32 $0xFFFFE000  }
0x4b3: {  	v0 =	vld [tilespmem:s26+$0xFC80]  }
0x4b4: {  	v1 =	vld [tilespmem:s26+$0xFC90]  }
0x4b5: {  	v2 =	vld [tilespmem:s26+$0xFCA0]  }
0x4b6: {  	v3 =	vld [tilespmem:s26+$0xFCB0]  }
0x4b7: {  	v4 =	vld [tilespmem:s26+$0xFCC0]  }
0x4b8: {  	s28 =	simm.s32 $0xF8C0;
	v5 =	vld [tilespmem:s26+$0xFCD0]  }
0x4b9: {  	v15 =	vld [tilespmem:s28+$0x30]  }
0x4ba: {  	v13 =	vld [tilespmem:s28+$0xFFFFFFD0]  }
0x4bb: {  	v12 =	vld [tilespmem:s28+$0xFFFFFFE0]  }
0x4bc: {  	v11 =	vld [tilespmem:s28+$0xFFFFFFF0]  }
0x4bd: {  	v10 =	vld [tilespmem:s28+$0x0]  }
0x4be: {  	v8 =	vld [tilespmem:s28+$0x10];
	v16 =	vsub.s32 v0, v15  }
0x4bf: {  	v9 =	vld [tilespmem:s28+$0x20];
	v17 =	vsub.s32 v0, v13  }
0x4c0: {  	v14 =	vld [tilespmem:s28+$0xFFFFFFC0];
	v18 =	vsub.s32 v0, v12  }
0x4c1: {  	v6 =	vld [tilespmem:s26+$0xFCE0];
	v19 =	vsub.s32 v0, v11  }
0x4c2: {  	v7 =	vld [tilespmem:s26+$0xFCF0];
	v20 =	vsub.s32 v0, v10  }
0x4c3: {  	v21 =	vsub.s32 v0, v8;
	v16 =	vld.idx.msk [tilespmem:v16+s2+$0x0], $0xffff  }
0x4c4: {  	v22 =	vsub.s32 v0, v9;
	v17 =	vld.idx.msk [tilespmem:v17+s2+$0x0], $0xffff  }
0x4c5: {  	v24 =	vsub.s32 v0, v14;
	v18 =	vld.idx.msk [tilespmem:v18+s2+$0x0], $0xffff  }
0x4c6: {  	v23 =	vsub.s32 v1, v15;
	v19 =	vld.idx.msk [tilespmem:v19+s2+$0x0], $0xffff  }
0x4c7: {  	v25 =	vsub.s32 v1, v13;
	v20 =	vld.idx.msk [tilespmem:v20+s2+$0x0], $0xffff  }
0x4c8: {  	s26 =	simm.s32 $0x14070;
	v26 =	vsub.s32 v1, v12;
	v21 =	vld.idx.msk [tilespmem:v21+s2+$0x0], $0xffff  }
0x4c9: {  	v27 =	vsub.s32 v1, v11;
	v22 =	vld.idx.msk [tilespmem:v22+s2+$0x0], $0xffff;
	[tilespmem:s26+$0xFFFFFC80] =	vst v16  }
0x4ca: {  	v28 =	vsub.s32 v1, v8;
	[tilespmem:s26+$0xFFFFFC20] =	vst v17;
	v17 =	vld.idx.msk [tilespmem:v24+s2+$0x0], $0xffff  }
0x4cb: {  	v16 =	vsub.s32 v1, v10;
	[tilespmem:s26+$0xFFFFFC30] =	vst v18;
	v23 =	vld.idx.msk [tilespmem:v23+s2+$0x0], $0xffff  }
0x4cc: {  	v33 =	vsub.s32 v1, v14;
	[tilespmem:s26+$0xFFFFFC40] =	vst v19;
	v18 =	vld.idx.msk [tilespmem:v25+s2+$0x0], $0xffff  }
0x4cd: {  	v34 =	vsub.s32 v1, v9;
	[tilespmem:s26+$0xFFFFFC50] =	vst v20;
	v19 =	vld.idx.msk [tilespmem:v26+s2+$0x0], $0xffff  }
0x4ce: {  	v32 =	vsub.s32 v2, v15;
	[tilespmem:s26+$0xFFFFFC60] =	vst v21;
	v20 =	vld.idx.msk [tilespmem:v27+s2+$0x0], $0xffff  }
0x4cf: {  	v35 =	vsub.s32 v2, v13;
	[tilespmem:s26+$0xFFFFFC70] =	vst v22;
	v28 =	vld.idx.msk [tilespmem:v28+s2+$0x0], $0xffff  }
0x4d0: {  	v36 =	vsub.s32 v2, v12;
	v16 =	vld.idx.msk [tilespmem:v16+s2+$0x0], $0xffff;
	[tilespmem:s26+$0xFFFFFC10] =	vst v17  }
0x4d1: {  	v37 =	vsub.s32 v2, v11;
	[tilespmem:s26+$0xFFFFFD00] =	vst v23;
	v39 =	vld.idx.msk [tilespmem:v33+s2+$0x0], $0xffff  }
0x4d2: {  	v38 =	vsub.s32 v2, v10;
	[tilespmem:s26+$0xFFFFFCA0] =	vst v18;
	v18 =	vld.idx.msk [tilespmem:v34+s2+$0x0], $0xffff  }
0x4d3: {  	v42 =	vsub.s32 v2, v8;
	[tilespmem:s26+$0xFFFFFCB0] =	vst v19;
	v17 =	vld.idx.msk [tilespmem:v32+s2+$0x0], $0xffff  }
0x4d4: {  	v41 =	vsub.s32 v2, v14;
	[tilespmem:s26+$0xFFFFFCC0] =	vst v20;
	v19 =	vld.idx.msk [tilespmem:v35+s2+$0x0], $0xffff  }
0x4d5: {  	v43 =	vsub.s32 v2, v9;
	[tilespmem:s26+$0xFFFFFCE0] =	vst v28;
	v20 =	vld.idx.msk [tilespmem:v36+s2+$0x0], $0xffff  }
0x4d6: {  	v40 =	vsub.s32 v3, v15;
	[tilespmem:s26+$0xFFFFFCD0] =	vst v16;
	v16 =	vld.idx.msk [tilespmem:v37+s2+$0x0], $0xffff  }
0x4d7: {  	v44 =	vsub.s32 v3, v13;
	v24 =	vld.idx.msk [tilespmem:v38+s2+$0x0], $0xffff;
	[tilespmem:s26+$0xFFFFFC90] =	vst v39  }
0x4d8: {  	v46 =	vsub.s32 v3, v11;
	[tilespmem:s26+$0xFFFFFCF0] =	vst v18;
	v18 =	vld.idx.msk [tilespmem:v42+s2+$0x0], $0xffff  }
0x4d9: {  	[tilespmem:s26+$0xFFFFFD80] =	vst v17;
	v17 =	vsub.s32 v3, v12;
	v26 =	vld.idx.msk [tilespmem:v41+s2+$0x0], $0xffff  }
0x4da: {  	v49 =	vsub.s32 v3, v10;
	[tilespmem:s26+$0xFFFFFD20] =	vst v19;
	v19 =	vld.idx.msk [tilespmem:v43+s2+$0x0], $0xffff  }
0x4db: {  	v50 =	vsub.s32 v3, v8;
	[tilespmem:s26+$0xFFFFFD30] =	vst v20;
	v45 =	vld.idx.msk [tilespmem:v40+s2+$0x0], $0xffff  }
0x4dc: {  	v48 =	vsub.s32 v3, v14;
	v20 =	vld.idx.msk [tilespmem:v44+s2+$0x0], $0xffff;
	[tilespmem:s26+$0xFFFFFD40] =	vst v16  }
0x4dd: {  	v47 =	vsub.s32 v4, v15;
	v25 =	vld.idx.msk [tilespmem:v46+s2+$0x0], $0xffff;
	[tilespmem:s26+$0xFFFFFD50] =	vst v24  }
0x4de: {  	[tilespmem:s26+$0xFFFFFD60] =	vst v18;
	v16 =	vld.idx.msk [tilespmem:v17+s2+$0x0], $0xffff;
	v17 =	vsub.s32 v3, v9  }
0x4df: {  	v51 =	vsub.s32 v4, v13;
	[tilespmem:s26+$0xFFFFFD10] =	vst v26;
	v18 =	vld.idx.msk [tilespmem:v49+s2+$0x0], $0xffff  }
0x4e0: {  	v57 =	vsub.s32 v4, v11;
	[tilespmem:s26+$0xFFFFFD70] =	vst v19;
	v19 =	vld.idx.msk [tilespmem:v50+s2+$0x0], $0xffff  }
0x4e1: {  	v53 =	vsub.s32 v4, v12;
	[tilespmem:s26+$0xFFFFFE00] =	vst v45;
	v54 =	vld.idx.msk [tilespmem:v48+s2+$0x0], $0xffff  }
0x4e2: {  	[tilespmem:s26+$0xFFFFFDA0] =	vst v20;
	v20 =	vsub.s32 v4, v10;
	v52 =	vld.idx.msk [tilespmem:v47+s2+$0x0], $0xffff  }
0x4e3: {  	v56 =	vsub.s32 v4, v14;
	[tilespmem:s26+$0xFFFFFDC0] =	vst v25;
	v17 =	vld.idx.msk [tilespmem:v17+s2+$0x0], $0xffff  }
0x4e4: {  	v55 =	vsub.s32 v5, v15;
	[tilespmem:s26+$0xFFFFFDB0] =	vst v16;
	v16 =	vld.idx.msk [tilespmem:v51+s2+$0x0], $0xffff  }
0x4e5: {  	v58 =	vsub.s32 v4, v8;
	[tilespmem:s26+$0xFFFFFDD0] =	vst v18;
	v18 =	vld.idx.msk [tilespmem:v57+s2+$0x0], $0xffff  }
0x4e6: {  	v59 =	vsub.s32 v4, v9;
	[tilespmem:s26+$0xFFFFFDE0] =	vst v19;
	v27 =	vld.idx.msk [tilespmem:v53+s2+$0x0], $0xffff  }
0x4e7: {  	v60 =	vsub.s32 v5, v13;
	[tilespmem:s26+$0xFFFFFD90] =	vst v54;
	v19 =	vld.idx.msk [tilespmem:v20+s2+$0x0], $0xffff  }
0x4e8: {  	v30 =	vsub.s32 v5, v11;
	[tilespmem:s26+$0xFFFFFE80] =	vst v52;
	v61 =	vld.idx.msk [tilespmem:v56+s2+$0x0], $0xffff  }
0x4e9: {  	v20 =	vsub.s32 v5, v12;
	v21 =	vld.idx.msk [tilespmem:v55+s2+$0x0], $0xffff;
	[tilespmem:s26+$0xFFFFFDF0] =	vst v17  }
0x4ea: {  	v63 =	vsub.s32 v5, v14;
	v17 =	vld.idx.msk [tilespmem:v58+s2+$0x0], $0xffff;
	[tilespmem:s26+$0xFFFFFE20] =	vst v16  }
0x4eb: {  	v62 =	vsub.s32 v6, v15;
	[tilespmem:s26+$0xFFFFFE40] =	vst v18;
	v16 =	vld.idx.msk [tilespmem:v59+s2+$0x0], $0xffff  }
0x4ec: {  	v31 =	vsub.s32 v5, v10;
	v24 =	vld.idx.msk [tilespmem:v60+s2+$0x0], $0xffff;
	[tilespmem:s26+$0xFFFFFE30] =	vst v27  }
0x4ed: {  	v32 =	vsub.s32 v5, v8;
	[tilespmem:s26+$0xFFFFFE50] =	vst v19;
	v19 =	vld.idx.msk [tilespmem:v30+s2+$0x0], $0xffff  }
0x4ee: {  	v33 =	vsub.s32 v5, v9;
	[tilespmem:s26+$0xFFFFFE10] =	vst v61;
	v18 =	vld.idx.msk [tilespmem:v20+s2+$0x0], $0xffff  }
0x4ef: {  	v35 =	vsub.s32 v6, v13;
	[tilespmem:s26+$0xFFFFFF00] =	vst v21;
	v34 =	vld.idx.msk [tilespmem:v63+s2+$0x0], $0xffff  }
0x4f0: {  	v36 =	vsub.s32 v6, v12;
	v23 =	vld.idx.msk [tilespmem:v62+s2+$0x0], $0xffff;
	[tilespmem:s26+$0xFFFFFE60] =	vst v17  }
0x4f1: {  	v20 =	vsub.s32 v6, v14;
	v17 =	vld.idx.msk [tilespmem:v31+s2+$0x0], $0xffff;
	[tilespmem:s26+$0xFFFFFE70] =	vst v16  }
0x4f2: {  	v15 =	vsub.s32 v7, v15;
	v16 =	vld.idx.msk [tilespmem:v32+s2+$0x0], $0xffff;
	[tilespmem:s26+$0xFFFFFEA0] =	vst v24  }
0x4f3: {  	v37 =	vsub.s32 v6, v11;
	[tilespmem:s26+$0xFFFFFEC0] =	vst v19;
	v25 =	vld.idx.msk [tilespmem:v33+s2+$0x0], $0xffff  }
0x4f4: {  	v38 =	vsub.s32 v6, v10;
	[tilespmem:s26+$0xFFFFFEB0] =	vst v18;
	v18 =	vld.idx.msk [tilespmem:v35+s2+$0x0], $0xffff  }
0x4f5: {  	v13 =	vsub.s32 v7, v13;
	[tilespmem:s26+$0xFFFFFE90] =	vst v34;
	v19 =	vld.idx.msk [tilespmem:v36+s2+$0x0], $0xffff  }
0x4f6: {  	[tilespmem:s26+$0xFFFFFF80] =	vst v23;
	v20 =	vld.idx.msk [tilespmem:v20+s2+$0x0], $0xffff  }
0x4f7: {  	v40 =	vsub.s32 v6, v9;
	v39 =	vld.idx.msk [tilespmem:v15+s2+$0x0], $0xffff;
	[tilespmem:s26+$0xFFFFFED0] =	vst v17  }
0x4f8: {  	v12 =	vsub.s32 v7, v12;
	v17 =	vld.idx.msk [tilespmem:v37+s2+$0x0], $0xffff;
	[tilespmem:s26+$0xFFFFFEE0] =	vst v16  }
0x4f9: {  	v16 =	vld.idx.msk [tilespmem:v38+s2+$0x0], $0xffff;
	[tilespmem:s26+$0xFFFFFF20] =	vst v18  }
0x4fa: {  	s28 =	simm.s32 $0xF940;
	v15 =	vsub.s32 v6, v8;
	[tilespmem:s26+$0xFFFFFEF0] =	vst v25;
	v18 =	vld.idx.msk [tilespmem:v13+s2+$0x0], $0xffff  }
0x4fb: {  	v14 =	vsub.s32 v7, v14;
	[tilespmem:s26+$0xFFFFFF30] =	vst v19;
	v13 =	vld [tilespmem:s28+$0xFFFFFFF0]  }
0x4fc: {  	[tilespmem:s26+$0xFFFFFF10] =	vst v20;
	v20 =	vld.idx.msk [tilespmem:v40+s2+$0x0], $0xffff  }
0x4fd: {  	v19 =	vld.idx.msk [tilespmem:v12+s2+$0x0], $0xffff  }
0x4fe: {  	v12 =	vld [tilespmem:s28+$0x0]  }
0x4ff: {  	v11 =	vsub.s32 v7, v11;
	v41 =	vld.idx.msk [tilespmem:v15+s2+$0x0], $0xffff  }
0x500: {  	v42 =	vld.idx.msk [tilespmem:v14+s2+$0x0], $0xffff  }
0x501: {  	[tilespmem:s26+$0xFFFFFF40] =	vst v17;
	v17 =	vld [tilespmem:s28+$0x30]  }
0x502: {  	v10 =	vsub.s32 v7, v10;
	v15 =	vld [tilespmem:s28+$0xFFFFFFD0]  }
0x503: {  	v14 =	vld [tilespmem:s28+$0xFFFFFFE0]  }
0x504: {  	v9 =	vsub.s32 v7, v9;
	v43 =	vld.idx.msk [tilespmem:v11+s2+$0x0], $0xffff  }
0x505: {  	v8 =	vsub.s32 v7, v8;
	[tilespmem:s26+$0xFFFFFF50] =	vst v16;
	v11 =	vld [tilespmem:s28+$0x20]  }
0x506: {  	v16 =	vld [tilespmem:s28+$0xFFFFFFC0];
	[tilespmem:s26+$0xFFFFFF70] =	vst v20;
	v20 =	vsub.s32 v0, v13  }
0x507: {  	v44 =	vld.idx.msk [tilespmem:v10+s2+$0x0], $0xffff;
	v48 =	vsub.s32 v0, v12  }
0x508: {  	v10 =	vld [tilespmem:s28+$0x10];
	v45 =	vsub.s32 v0, v17  }
0x509: {  	v46 =	vsub.s32 v0, v15;
	[tilespmem:s26+$0xFFFFFF60] =	vst v41;
	v9 =	vld.idx.msk [tilespmem:v9+s2+$0x0], $0xffff  }
0x50a: {  	v47 =	vsub.s32 v0, v14;
	v8 =	vld.idx.msk [tilespmem:v8+s2+$0x0], $0xffff  }
0x50b: {  	[tilespmem:s26+$0x0] =	vst v39;
	v51 =	vsub.s32 v0, v11;
	v20 =	vld.idx.msk [tilespmem:v20+s2+$0x0], $0xffff  }
0x50c: {  	[tilespmem:s26+$0xFFFFFFB0] =	vst v19;
	v19 =	vsub.s32 v0, v16;
	v28 =	vld.idx.msk [tilespmem:v48+s2+$0x0], $0xffff  }
0x50d: {  	[tilespmem:s26+$0xFFFFFFA0] =	vst v18;
	v49 =	vsub.s32 v0, v10;
	v25 =	vld.idx.msk [tilespmem:v45+s2+$0x0], $0xffff  }
0x50e: {  	v29 =	vsub.s32 v1, v13;
	[tilespmem:s26+$0xFFFFFF90] =	vst v42;
	v50 =	vld.idx.msk [tilespmem:v46+s2+$0x0], $0xffff  }
0x50f: {  	v55 =	vsub.s32 v1, v12;
	[tilespmem:s26+$0xFFFFFFC0] =	vst v43;
	v18 =	vld.idx.msk [tilespmem:v47+s2+$0x0], $0xffff  }
0x510: {  	s28 =	simm.s32 $0x14470;
	v53 =	vsub.s32 v1, v15;
	[tilespmem:s26+$0xFFFFFFD0] =	vst v44;
	v26 =	vld.idx.msk [tilespmem:v51+s2+$0x0], $0xffff  }
0x511: {  	v52 =	vsub.s32 v1, v17;
	v19 =	vld.idx.msk [tilespmem:v19+s2+$0x0], $0xffff;
	[tilespmem:s28+$0xFFFFFC40] =	vst v20  }
0x512: {  	v54 =	vsub.s32 v1, v14;
	v27 =	vld.idx.msk [tilespmem:v49+s2+$0x0], $0xffff;
	[tilespmem:s28+$0xFFFFFC50] =	vst v28  }
0x513: {  	v57 =	vsub.s32 v1, v16;
	[tilespmem:s28+$0xFFFFFC80] =	vst v25;
	v29 =	vld.idx.msk [tilespmem:v29+s2+$0x0], $0xffff  }
0x514: {  	v56 =	vsub.s32 v1, v10;
	[tilespmem:s28+$0xFFFFFC20] =	vst v50;
	v25 =	vld.idx.msk [tilespmem:v55+s2+$0x0], $0xffff  }
0x515: {  	v58 =	vsub.s32 v1, v11;
	[tilespmem:s28+$0xFFFFFC30] =	vst v18;
	v18 =	vld.idx.msk [tilespmem:v53+s2+$0x0], $0xffff  }
0x516: {  	v61 =	vsub.s32 v2, v13;
	v21 =	vld.idx.msk [tilespmem:v52+s2+$0x0], $0xffff;
	[tilespmem:s28+$0xFFFFFC70] =	vst v26  }
0x517: {  	v20 =	vsub.s32 v2, v17;
	v24 =	vld.idx.msk [tilespmem:v54+s2+$0x0], $0xffff;
	[tilespmem:s28+$0xFFFFFC10] =	vst v19  }
0x518: {  	v59 =	vsub.s32 v2, v15;
	[tilespmem:s28+$0xFFFFFC60] =	vst v27;
	v23 =	vld.idx.msk [tilespmem:v57+s2+$0x0], $0xffff  }
0x519: {  	v60 =	vsub.s32 v2, v14;
	v22 =	vld.idx.msk [tilespmem:v56+s2+$0x0], $0xffff;
	[tilespmem:s28+$0xFFFFFCC0] =	vst v29  }
0x51a: {  	v63 =	vsub.s32 v2, v16;
	[tilespmem:s28+$0xFFFFFCA0] =	vst v18;
	v18 =	vld.idx.msk [tilespmem:v58+s2+$0x0], $0xffff  }
0x51b: {  	v32 =	vsub.s32 v2, v10;
	[tilespmem:s28+$0xFFFFFD00] =	vst v21;
	v21 =	vld.idx.msk [tilespmem:v61+s2+$0x0], $0xffff  }
0x51c: {  	[tilespmem:s28+$0xFFFFFCD0] =	vst v25;
	v19 =	vld.idx.msk [tilespmem:v20+s2+$0x0], $0xffff;
	v20 =	vsub.s32 v2, v12  }
0x51d: {  	v33 =	vsub.s32 v2, v11;
	[tilespmem:s28+$0xFFFFFCB0] =	vst v24;
	v27 =	vld.idx.msk [tilespmem:v59+s2+$0x0], $0xffff  }
0x51e: {  	v36 =	vsub.s32 v3, v13;
	v26 =	vld.idx.msk [tilespmem:v60+s2+$0x0], $0xffff;
	[tilespmem:s28+$0xFFFFFC90] =	vst v23  }
0x51f: {  	v62 =	vsub.s32 v3, v17;
	[tilespmem:s28+$0xFFFFFCE0] =	vst v22;
	v28 =	vld.idx.msk [tilespmem:v63+s2+$0x0], $0xffff  }
0x520: {  	v34 =	vsub.s32 v3, v15;
	[tilespmem:s28+$0xFFFFFCF0] =	vst v18;
	v18 =	vld.idx.msk [tilespmem:v32+s2+$0x0], $0xffff  }
0x521: {  	v38 =	vsub.s32 v3, v16;
	[tilespmem:s28+$0xFFFFFD40] =	vst v21;
	v20 =	vld.idx.msk [tilespmem:v20+s2+$0x0], $0xffff  }
0x522: {  	[tilespmem:s28+$0xFFFFFD80] =	vst v19;
	v19 =	vsub.s32 v3, v14;
	v25 =	vld.idx.msk [tilespmem:v33+s2+$0x0], $0xffff  }
0x523: {  	v40 =	vsub.s32 v3, v10;
	[tilespmem:s28+$0xFFFFFD20] =	vst v27;
	v24 =	vld.idx.msk [tilespmem:v36+s2+$0x0], $0xffff  }
0x524: {  	v39 =	vsub.s32 v3, v12;
	[tilespmem:s28+$0xFFFFFD30] =	vst v26;
	v35 =	vld.idx.msk [tilespmem:v62+s2+$0x0], $0xffff  }
0x525: {  	v37 =	vsub.s32 v4, v17;
	v22 =	vld.idx.msk [tilespmem:v34+s2+$0x0], $0xffff;
	[tilespmem:s28+$0xFFFFFD10] =	vst v28  }
0x526: {  	v41 =	vsub.s32 v4, v15;
	v29 =	vld.idx.msk [tilespmem:v38+s2+$0x0], $0xffff;
	[tilespmem:s28+$0xFFFFFD60] =	vst v18  }
0x527: {  	v44 =	vsub.s32 v4, v16;
	v19 =	vld.idx.msk [tilespmem:v19+s2+$0x0], $0xffff;
	[tilespmem:s28+$0xFFFFFD50] =	vst v20  }
0x528: {  	v20 =	vsub.s32 v3, v11;
	[tilespmem:s28+$0xFFFFFD70] =	vst v25;
	v21 =	vld.idx.msk [tilespmem:v40+s2+$0x0], $0xffff  }
0x529: {  	v42 =	vsub.s32 v4, v14;
	[tilespmem:s28+$0xFFFFFE00] =	vst v35;
	v18 =	vld.idx.msk [tilespmem:v39+s2+$0x0], $0xffff  }
0x52a: {  	v45 =	vsub.s32 v4, v13;
	[tilespmem:s28+$0xFFFFFDA0] =	vst v22;
	v27 =	vld.idx.msk [tilespmem:v37+s2+$0x0], $0xffff  }
0x52b: {  	v46 =	vsub.s32 v4, v10;
	v23 =	vld.idx.msk [tilespmem:v41+s2+$0x0], $0xffff;
	[tilespmem:s28+$0xFFFFFD90] =	vst v29  }
0x52c: {  	v43 =	vsub.s32 v5, v17;
	[tilespmem:s28+$0xFFFFFDC0] =	vst v24;
	v26 =	vld.idx.msk [tilespmem:v44+s2+$0x0], $0xffff  }
0x52d: {  	v48 =	vsub.s32 v5, v15;
	[tilespmem:s28+$0xFFFFFDB0] =	vst v19;
	v19 =	vld.idx.msk [tilespmem:v20+s2+$0x0], $0xffff  }
0x52e: {  	v50 =	vsub.s32 v5, v16;
	[tilespmem:s28+$0xFFFFFDE0] =	vst v21;
	v28 =	vld.idx.msk [tilespmem:v42+s2+$0x0], $0xffff  }
0x52f: {  	v20 =	vsub.s32 v4, v12;
	[tilespmem:s28+$0xFFFFFDD0] =	vst v18;
	v18 =	vld.idx.msk [tilespmem:v45+s2+$0x0], $0xffff  }
0x530: {  	v47 =	vsub.s32 v4, v11;
	v51 =	vld.idx.msk [tilespmem:v46+s2+$0x0], $0xffff;
	[tilespmem:s28+$0xFFFFFE80] =	vst v27  }
0x531: {  	v54 =	vsub.s32 v5, v10;
	[tilespmem:s28+$0xFFFFFE20] =	vst v23;
	v25 =	vld.idx.msk [tilespmem:v43+s2+$0x0], $0xffff  }
0x532: {  	v49 =	vsub.s32 v6, v17;
	v29 =	vld.idx.msk [tilespmem:v48+s2+$0x0], $0xffff;
	[tilespmem:s28+$0xFFFFFE10] =	vst v26  }
0x533: {  	v56 =	vsub.s32 v6, v15;
	v22 =	vld.idx.msk [tilespmem:v50+s2+$0x0], $0xffff;
	[tilespmem:s28+$0xFFFFFDF0] =	vst v19  }
0x534: {  	v20 =	vld.idx.msk [tilespmem:v20+s2+$0x0], $0xffff;
	v19 =	vsub.s32 v5, v14;
	[tilespmem:s28+$0xFFFFFE30] =	vst v28  }
0x535: {  	v52 =	vsub.s32 v5, v13;
	v27 =	vld.idx.msk [tilespmem:v47+s2+$0x0], $0xffff;
	[tilespmem:s28+$0xFFFFFE60] =	vst v51  }
0x536: {  	v53 =	vsub.s32 v5, v12;
	[tilespmem:s28+$0xFFFFFF00] =	vst v25;
	v25 =	vld.idx.msk [tilespmem:v54+s2+$0x0], $0xffff  }
0x537: {  	v55 =	vsub.s32 v5, v11;
	[tilespmem:s28+$0xFFFFFEA0] =	vst v29;
	v21 =	vld.idx.msk [tilespmem:v49+s2+$0x0], $0xffff  }
0x538: {  	v61 =	vsub.s32 v6, v10;
	[tilespmem:s28+$0xFFFFFE40] =	vst v18;
	v23 =	vld.idx.msk [tilespmem:v56+s2+$0x0], $0xffff  }
0x539: {  	v17 =	vsub.s32 v7, v17;
	[tilespmem:s28+$0xFFFFFE90] =	vst v22;
	v18 =	vld.idx.msk [tilespmem:v19+s2+$0x0], $0xffff  }
0x53a: {  	[tilespmem:s28+$0xFFFFFE50] =	vst v20;
	v19 =	vsub.s32 v6, v16;
	v20 =	vld.idx.msk [tilespmem:v52+s2+$0x0], $0xffff  }
0x53b: {  	v58 =	vsub.s32 v6, v14;
	v57 =	vld.idx.msk [tilespmem:v53+s2+$0x0], $0xffff;
	[tilespmem:s28+$0xFFFFFE70] =	vst v27  }
0x53c: {  	v59 =	vsub.s32 v6, v13;
	v26 =	vld.idx.msk [tilespmem:v55+s2+$0x0], $0xffff;
	[tilespmem:s28+$0xFFFFFEE0] =	vst v25  }
0x53d: {  	v60 =	vsub.s32 v6, v12;
	[tilespmem:s28+$0xFFFFFF80] =	vst v21;
	v22 =	vld.idx.msk [tilespmem:v61+s2+$0x0], $0xffff  }
0x53e: {  	v15 =	vsub.s32 v7, v15;
	[tilespmem:s28+$0xFFFFFF20] =	vst v23;
	v17 =	vld.idx.msk [tilespmem:v17+s2+$0x0], $0xffff  }
0x53f: {  	v19 =	vld.idx.msk [tilespmem:v19+s2+$0x0], $0xffff;
	[tilespmem:s28+$0xFFFFFEB0] =	vst v18;
	v18 =	vsub.s32 v6, v11  }
0x540: {  	[tilespmem:s28+$0xFFFFFEC0] =	vst v20;
	v20 =	vsub.s32 v7, v16;
	v27 =	vld.idx.msk [tilespmem:v58+s2+$0x0], $0xffff  }
0x541: {  	v63 =	vsub.s32 v7, v14;
	[tilespmem:s28+$0xFFFFFED0] =	vst v57;
	v62 =	vld.idx.msk [tilespmem:v59+s2+$0x0], $0xffff  }
0x542: {  	v13 =	vsub.s32 v7, v13;
	v21 =	vld.idx.msk [tilespmem:v60+s2+$0x0], $0xffff;
	[tilespmem:s28+$0xFFFFFEF0] =	vst v26  }
0x543: {  	v15 =	vld.idx.msk [tilespmem:v15+s2+$0x0], $0xffff;
	[tilespmem:s28+$0x0] =	vst v17;
	v17 =	vsub.s32 v7, v12  }
0x544: {  	[tilespmem:s28+$0xFFFFFF10] =	vst v19;
	v16 =	vld.idx.msk [tilespmem:v18+s2+$0x0], $0xffff  }
0x545: {  	v14 =	vld.idx.msk [tilespmem:v20+s2+$0x0], $0xffff;
	[tilespmem:s28+$0xFFFFFF30] =	vst v27  }
0x546: {  	[tilespmem:s28+$0xFFFFFF40] =	vst v62;
	v18 =	vld.idx.msk [tilespmem:v63+s2+$0x0], $0xffff  }
0x547: {  	v13 =	vld.idx.msk [tilespmem:v13+s2+$0x0], $0xffff;
	[tilespmem:s28+$0xFFFFFF50] =	vst v21  }
0x548: {  	s29 =	simm.s32 $0x8;
	s30 =	simm.s32 $0xF9C0;
	v11 =	vsub.s32 v7, v11;
	[tilespmem:s28+$0xFFFFFF60] =	vst v22;
	v12 =	vsub.s32 v7, v10;
	v17 =	vld.idx.msk [tilespmem:v17+s2+$0x0], $0xffff  }
.LBB2_13:
0x549: {  	v10 =	vld [tilespmem:s30+$0x30];
	s29 =	sadd.s32 $0x8, s29;
	[tilespmem:s28+$0xFFFFFF70] =	vst v16  }
0x54a: {  	v21 =	vld [tilespmem:s30+$0xFFFFFFD0];
	p0 =	slt.u32 s29, $0x38;
	[tilespmem:s28+$0xFFFFFF90] =	vst v14  }
0x54b: {  	v25 =	vld [tilespmem:s30+$0xFFFFFFE0];
	[tilespmem:s28+$0xFFFFFFA0] =	vst v15  }
0x54c: {  	v26 =	vld [tilespmem:s30+$0xFFFFFFF0];
	[tilespmem:s28+$0xFFFFFFB0] =	vst v18  }
0x54d: {  	v27 =	vld [tilespmem:s30+$0x0];
	[tilespmem:s28+$0xFFFFFFC0] =	vst v13  }
0x54e: {  	v28 =	vld [tilespmem:s30+$0x10];
	v13 =	vsub.s32 v0, v10;
	[tilespmem:s28+$0xFFFFFFD0] =	vst v17  }
0x54f: {  	v14 =	vsub.s32 v0, v21;
	v15 =	vsub.s32 v1, v21;
	v17 =	vsub.s32 v2, v21;
	v29 =	vld [tilespmem:s30+$0x20];
	[tilespmem:s26+$0xFFFFFFE0] =	vst v8  }
0x550: {  	v20 =	vld [tilespmem:s30+$0xFFFFFFC0];
	v16 =	vsub.s32 v0, v25;
	v18 =	vsub.s32 v1, v25;
	v30 =	vsub.s32 v2, v25;
	[tilespmem:s26+$0xFFFFFFF0] =	vst v9;
	s26 =	smov.u32 s28  }
0x551: {  	v19 =	vsub.s32 v0, v26;
	v22 =	vsub.s32 v1, v26;
	v31 =	vsub.s32 v2, v26;
	v8 =	vld.idx.msk [tilespmem:v12+s2+$0x0], $0xffff  }
0x552: {  	v12 =	vsub.s32 v0, v27;
	v23 =	vsub.s32 v1, v27;
	v32 =	vsub.s32 v2, v27;
	v9 =	vld.idx.msk [tilespmem:v11+s2+$0x0], $0xffff  }
0x553: {  	v11 =	vsub.s32 v0, v28;
	v24 =	vsub.s32 v1, v28;
	v33 =	vsub.s32 v2, v28;
	v13 =	vld.idx.msk [tilespmem:v13+s2+$0x0], $0xffff  }
0x554: {  	v14 =	vld.idx.msk [tilespmem:v14+s2+$0x0], $0xffff;
	v34 =	vsub.s32 v0, v29;
	v35 =	vsub.s32 v1, v29;
	v36 =	vsub.s32 v2, v29  }
0x555: {  	v39 =	vsub.s32 v1, v10;
	v37 =	vsub.s32 v0, v20;
	v38 =	vsub.s32 v1, v20;
	v16 =	vld.idx.msk [tilespmem:v16+s2+$0x0], $0xffff  }
0x556: {  	v42 =	vsub.s32 v3, v21;
	v40 =	vsub.s32 v2, v20;
	v41 =	vsub.s32 v3, v20;
	v19 =	vld.idx.msk [tilespmem:v19+s2+$0x0], $0xffff  }
0x557: {  	v43 =	vsub.s32 v3, v25;
	v44 =	vsub.s32 v3, v26;
	v45 =	vsub.s32 v3, v27;
	v12 =	vld.idx.msk [tilespmem:v12+s2+$0x0], $0xffff  }
0x558: {  	s28 =	sadd.s32 $0x400, s28;
	v47 =	vsub.s32 v3, v28;
	v48 =	vsub.s32 v3, v29;
	v46 =	vsub.s32 v4, v20;
	v11 =	vld.idx.msk [tilespmem:v11+s2+$0x0], $0xffff  }
0x559: {  	v49 =	vsub.s32 v4, v21;
	v50 =	vsub.s32 v4, v25;
	v34 =	vld.idx.msk [tilespmem:v34+s2+$0x0], $0xffff;
	[tilespmem:s28+$0xFFFFFC80] =	vst v13  }
0x55a: {  	v51 =	vsub.s32 v4, v26;
	v52 =	vsub.s32 v4, v27;
	[tilespmem:s28+$0xFFFFFC20] =	vst v14;
	v13 =	vld.idx.msk [tilespmem:v39+s2+$0x0], $0xffff  }
0x55b: {  	v53 =	vsub.s32 v4, v29;
	v39 =	vsub.s32 v4, v28;
	v37 =	vld.idx.msk [tilespmem:v37+s2+$0x0], $0xffff;
	[tilespmem:s28+$0xFFFFFC30] =	vst v16  }
0x55c: {  	v54 =	vsub.s32 v5, v20;
	v15 =	vld.idx.msk [tilespmem:v15+s2+$0x0], $0xffff;
	[tilespmem:s28+$0xFFFFFC40] =	vst v19;
	v19 =	vsub.s32 v2, v10  }
0x55d: {  	v55 =	vsub.s32 v5, v21;
	v57 =	vsub.s32 v5, v25;
	v56 =	vld.idx.msk [tilespmem:v18+s2+$0x0], $0xffff;
	[tilespmem:s28+$0xFFFFFC50] =	vst v12  }
0x55e: {  	v58 =	vsub.s32 v5, v26;
	v59 =	vsub.s32 v5, v27;
	v12 =	vld.idx.msk [tilespmem:v22+s2+$0x0], $0xffff;
	[tilespmem:s28+$0xFFFFFC60] =	vst v11  }
0x55f: {  	v60 =	vsub.s32 v5, v28;
	v11 =	vld.idx.msk [tilespmem:v23+s2+$0x0], $0xffff;
	[tilespmem:s28+$0xFFFFFC70] =	vst v34;
	v34 =	vsub.s32 v5, v29  }
0x560: {  	v14 =	vsub.s32 v6, v21;
	v22 =	vsub.s32 v6, v20;
	v61 =	vld.idx.msk [tilespmem:v24+s2+$0x0], $0xffff;
	[tilespmem:s28+$0xFFFFFD00] =	vst v13  }
0x561: {  	v16 =	vsub.s32 v6, v26;
	v23 =	vsub.s32 v6, v25;
	[tilespmem:s28+$0xFFFFFC10] =	vst v37;
	v37 =	vld.idx.msk [tilespmem:v19+s2+$0x0], $0xffff  }
0x562: {  	v18 =	vsub.s32 v6, v28;
	v24 =	vsub.s32 v6, v27;
	v38 =	vld.idx.msk [tilespmem:v38+s2+$0x0], $0xffff;
	[tilespmem:s28+$0xFFFFFCA0] =	vst v15  }
0x563: {  	v19 =	vsub.s32 v6, v29;
	[tilespmem:s28+$0xFFFFFCB0] =	vst v56;
	v35 =	vld.idx.msk [tilespmem:v35+s2+$0x0], $0xffff;
	v56 =	vsub.s32 v3, v10  }
0x564: {  	v20 =	vsub.s32 v7, v20;
	v15 =	vsub.s32 v7, v21;
	v62 =	vld.idx.msk [tilespmem:v17+s2+$0x0], $0xffff;
	[tilespmem:s28+$0xFFFFFCC0] =	vst v12  }
0x565: {  	v13 =	vsub.s32 v7, v26;
	v21 =	vsub.s32 v7, v25;
	v30 =	vld.idx.msk [tilespmem:v30+s2+$0x0], $0xffff;
	[tilespmem:s28+$0xFFFFFCD0] =	vst v11  }
0x566: {  	v17 =	vsub.s32 v7, v27;
	v12 =	vsub.s32 v7, v28;
	v25 =	vld.idx.msk [tilespmem:v31+s2+$0x0], $0xffff;
	[tilespmem:s28+$0xFFFFFCE0] =	vst v61  }
0x567: {  	v11 =	vsub.s32 v7, v29;
	v26 =	vld.idx.msk [tilespmem:v32+s2+$0x0], $0xffff;
	[tilespmem:s28+$0xFFFFFD80] =	vst v37  }
0x568: {  	[tilespmem:s28+$0xFFFFFC90] =	vst v38;
	v27 =	vld.idx.msk [tilespmem:v56+s2+$0x0], $0xffff  }
0x569: {  	v28 =	vld.idx.msk [tilespmem:v40+s2+$0x0], $0xffff;
	[tilespmem:s28+$0xFFFFFCF0] =	vst v35  }
0x56a: {  	v31 =	vsub.s32 v4, v10;
	[tilespmem:s28+$0xFFFFFD20] =	vst v62;
	v29 =	vld.idx.msk [tilespmem:v33+s2+$0x0], $0xffff  }
0x56b: {  	[tilespmem:s28+$0xFFFFFD30] =	vst v30;
	v30 =	vld.idx.msk [tilespmem:v36+s2+$0x0], $0xffff  }
0x56c: {  	v32 =	vld.idx.msk [tilespmem:v42+s2+$0x0], $0xffff;
	[tilespmem:s28+$0xFFFFFD40] =	vst v25  }
0x56d: {  	v25 =	vld.idx.msk [tilespmem:v43+s2+$0x0], $0xffff;
	[tilespmem:s28+$0xFFFFFD50] =	vst v26  }
0x56e: {  	v26 =	vld.idx.msk [tilespmem:v44+s2+$0x0], $0xffff;
	[tilespmem:s28+$0xFFFFFE00] =	vst v27  }
0x56f: {  	[tilespmem:s28+$0xFFFFFD10] =	vst v28;
	v27 =	vld.idx.msk [tilespmem:v31+s2+$0x0], $0xffff  }
0x570: {  	v28 =	vld.idx.msk [tilespmem:v41+s2+$0x0], $0xffff;
	[tilespmem:s28+$0xFFFFFD60] =	vst v29  }
0x571: {  	v29 =	vld.idx.msk [tilespmem:v45+s2+$0x0], $0xffff;
	[tilespmem:s28+$0xFFFFFD70] =	vst v30;
	v30 =	vsub.s32 v5, v10  }
0x572: {  	[tilespmem:s28+$0xFFFFFDA0] =	vst v32;
	v31 =	vld.idx.msk [tilespmem:v47+s2+$0x0], $0xffff  }
0x573: {  	[tilespmem:s28+$0xFFFFFDB0] =	vst v25;
	v25 =	vld.idx.msk [tilespmem:v48+s2+$0x0], $0xffff  }
0x574: {  	v32 =	vld.idx.msk [tilespmem:v49+s2+$0x0], $0xffff;
	[tilespmem:s28+$0xFFFFFDC0] =	vst v26  }
0x575: {  	v26 =	vld.idx.msk [tilespmem:v50+s2+$0x0], $0xffff;
	[tilespmem:s28+$0xFFFFFE80] =	vst v27  }
0x576: {  	[tilespmem:s28+$0xFFFFFD90] =	vst v28;
	v27 =	vld.idx.msk [tilespmem:v30+s2+$0x0], $0xffff  }
0x577: {  	v28 =	vld.idx.msk [tilespmem:v46+s2+$0x0], $0xffff;
	[tilespmem:s28+$0xFFFFFDD0] =	vst v29  }
0x578: {  	v30 =	vsub.s32 v6, v10;
	v29 =	vld.idx.msk [tilespmem:v51+s2+$0x0], $0xffff;
	[tilespmem:s28+$0xFFFFFDE0] =	vst v31  }
0x579: {  	v31 =	vld.idx.msk [tilespmem:v52+s2+$0x0], $0xffff;
	[tilespmem:s28+$0xFFFFFDF0] =	vst v25  }
0x57a: {  	[tilespmem:s28+$0xFFFFFE20] =	vst v32;
	v25 =	vld.idx.msk [tilespmem:v39+s2+$0x0], $0xffff  }
0x57b: {  	[tilespmem:s28+$0xFFFFFE30] =	vst v26;
	v26 =	vld.idx.msk [tilespmem:v53+s2+$0x0], $0xffff  }
0x57c: {  	v32 =	vld.idx.msk [tilespmem:v55+s2+$0x0], $0xffff;
	[tilespmem:s28+$0xFFFFFF00] =	vst v27  }
0x57d: {  	[tilespmem:s28+$0xFFFFFE10] =	vst v28;
	v27 =	vld.idx.msk [tilespmem:v30+s2+$0x0], $0xffff  }
0x57e: {  	v28 =	vld.idx.msk [tilespmem:v54+s2+$0x0], $0xffff;
	[tilespmem:s28+$0xFFFFFE40] =	vst v29  }
0x57f: {  	v10 =	vsub.s32 v7, v10;
	v29 =	vld.idx.msk [tilespmem:v57+s2+$0x0], $0xffff;
	[tilespmem:s28+$0xFFFFFE50] =	vst v31  }
0x580: {  	v30 =	vld.idx.msk [tilespmem:v58+s2+$0x0], $0xffff;
	[tilespmem:s28+$0xFFFFFE60] =	vst v25  }
0x581: {  	v25 =	vld.idx.msk [tilespmem:v59+s2+$0x0], $0xffff;
	[tilespmem:s28+$0xFFFFFE70] =	vst v26  }
0x582: {  	[tilespmem:s28+$0xFFFFFEA0] =	vst v32;
	v26 =	vld.idx.msk [tilespmem:v60+s2+$0x0], $0xffff  }
0x583: {  	v31 =	vld.idx.msk [tilespmem:v34+s2+$0x0], $0xffff;
	[tilespmem:s28+$0xFFFFFF80] =	vst v27  }
0x584: {  	[tilespmem:s28+$0xFFFFFE90] =	vst v28;
	v10 =	vld.idx.msk [tilespmem:v10+s2+$0x0], $0xffff  }
0x585: {  	v22 =	vld.idx.msk [tilespmem:v22+s2+$0x0], $0xffff;
	[tilespmem:s28+$0xFFFFFEB0] =	vst v29  }
0x586: {  	v27 =	vld.idx.msk [tilespmem:v14+s2+$0x0], $0xffff;
	[tilespmem:s28+$0xFFFFFEC0] =	vst v30  }
0x587: {  	v23 =	vld.idx.msk [tilespmem:v23+s2+$0x0], $0xffff;
	[tilespmem:s28+$0xFFFFFED0] =	vst v25  }
0x588: {  	v25 =	vld.idx.msk [tilespmem:v16+s2+$0x0], $0xffff;
	[tilespmem:s28+$0xFFFFFEE0] =	vst v26  }
0x589: {  	v24 =	vld.idx.msk [tilespmem:v24+s2+$0x0], $0xffff;
	[tilespmem:s28+$0xFFFFFEF0] =	vst v31  }
0x58a: {  	v26 =	vld.idx.msk [tilespmem:v18+s2+$0x0], $0xffff;
	[tilespmem:s28+$0x0] =	vst v10  }
0x58b: {  	[tilespmem:s28+$0xFFFFFF10] =	vst v22;
	v16 =	vld.idx.msk [tilespmem:v19+s2+$0x0], $0xffff  }
.Ltmp5:
0x58c: {  	v14 =	vld.idx.msk [tilespmem:v20+s2+$0x0], $0xffff;
	[tilespmem:s28+$0xFFFFFF20] =	vst v27;
	(pc) =	sbr.rel @p0 .LBB2_13-.Ltmp5, $4  }
0x58d: {  	v15 =	vld.idx.msk [tilespmem:v15+s2+$0x0], $0xffff;
	[tilespmem:s28+$0xFFFFFF30] =	vst v23  }
0x58e: {  	v18 =	vld.idx.msk [tilespmem:v21+s2+$0x0], $0xffff;
	[tilespmem:s28+$0xFFFFFF40] =	vst v25  }
0x58f: {  	v13 =	vld.idx.msk [tilespmem:v13+s2+$0x0], $0xffff;
	[tilespmem:s28+$0xFFFFFF50] =	vst v24  }
0x590: {  	s30 =	sadd.s32 $0x80, s30;
	v17 =	vld.idx.msk [tilespmem:v17+s2+$0x0], $0xffff;
	[tilespmem:s28+$0xFFFFFF60] =	vst v26  }
0x591: {  	_ = 	snop  }
0x592: {  	[tilespmem:s28+$0xFFFFFF70] =	vst v16  }
0x593: {  	[tilespmem:s28+$0xFFFFFF90] =	vst v14  }
0x594: {  	[tilespmem:s26+$0xFFFFFFE0] =	vst v8  }
0x595: {  	v0 =	vld.idx.msk [tilespmem:v12+s2+$0x0], $0xffff;
	[tilespmem:s26+$0xFFFFFFF0] =	vst v9  }
0x596: {  	[tilespmem:s28+$0xFFFFFFA0] =	vst v15;
	v1 =	vld.idx.msk [tilespmem:v11+s2+$0x0], $0xffff  }
0x597: {  	[tilespmem:s28+$0xFFFFFFB0] =	vst v18  }
0x598: {  	[tilespmem:s28+$0xFFFFFFC0] =	vst v13  }
0x599: {  	[tilespmem:s28+$0xFFFFFFD0] =	vst v17  }
0x59a: {  	s25 =	sshll.u32 s25, $0xA;
	[tilespmem:s28+$0xFFFFFFE0] =	vst v0  }
0x59b: {  	s25 =	sadd.s32 s25, s5;
	[tilespmem:s28+$0xFFFFFFF0] =	vst v1  }
0x59c: {  	[hbm4b:s25+s2] =	stream.linear.scatter [tilespmem:s15], [sflag:$0x2], $0x2000, $0x38;
	[tilespmem:$0x19C80] =	vst v63  }
0x59d: {  	s25 =	sadd.s32 $0x6, s24;
	_ =	swait.ge [sflag:s20], $0x2000  }
0x59e: {  	s31 =	sshll.u32 s25, $0x7;
	[sflag:s20] =	ssyncset.done $0x0  }
0x59f: {  	s26 =	sand.u32 $0x3FFFFF80, s31;
	[sflag:s20] =	ssyncadd.s32 $0xFFFFE000  }
0x5a0: {  	v0 =	vld [tilespmem:s26+$0xFC80]  }
0x5a1: {  	v1 =	vld [tilespmem:s26+$0xFC90]  }
0x5a2: {  	v2 =	vld [tilespmem:s26+$0xFCA0]  }
0x5a3: {  	v3 =	vld [tilespmem:s26+$0xFCB0]  }
0x5a4: {  	v4 =	vld [tilespmem:s26+$0xFCC0]  }
0x5a5: {  	s28 =	simm.s32 $0xF8C0;
	v5 =	vld [tilespmem:s26+$0xFCD0]  }
0x5a6: {  	v15 =	vld [tilespmem:s28+$0x30]  }
0x5a7: {  	v13 =	vld [tilespmem:s28+$0xFFFFFFD0]  }
0x5a8: {  	v12 =	vld [tilespmem:s28+$0xFFFFFFE0]  }
0x5a9: {  	v11 =	vld [tilespmem:s28+$0xFFFFFFF0]  }
0x5aa: {  	v10 =	vld [tilespmem:s28+$0x0]  }
0x5ab: {  	v8 =	vld [tilespmem:s28+$0x10];
	v16 =	vsub.s32 v0, v15  }
0x5ac: {  	v9 =	vld [tilespmem:s28+$0x20];
	v17 =	vsub.s32 v0, v13  }
0x5ad: {  	v14 =	vld [tilespmem:s28+$0xFFFFFFC0];
	v18 =	vsub.s32 v0, v12  }
0x5ae: {  	v6 =	vld [tilespmem:s26+$0xFCE0];
	v19 =	vsub.s32 v0, v11  }
0x5af: {  	v7 =	vld [tilespmem:s26+$0xFCF0];
	v20 =	vsub.s32 v0, v10  }
0x5b0: {  	v21 =	vsub.s32 v0, v8;
	v16 =	vld.idx.msk [tilespmem:v16+s2+$0x0], $0xffff  }
0x5b1: {  	v22 =	vsub.s32 v0, v9;
	v17 =	vld.idx.msk [tilespmem:v17+s2+$0x0], $0xffff  }
0x5b2: {  	v24 =	vsub.s32 v0, v14;
	v18 =	vld.idx.msk [tilespmem:v18+s2+$0x0], $0xffff  }
0x5b3: {  	v23 =	vsub.s32 v1, v15;
	v19 =	vld.idx.msk [tilespmem:v19+s2+$0x0], $0xffff  }
0x5b4: {  	v25 =	vsub.s32 v1, v13;
	v20 =	vld.idx.msk [tilespmem:v20+s2+$0x0], $0xffff  }
0x5b5: {  	s26 =	simm.s32 $0x15C80;
	v26 =	vsub.s32 v1, v12;
	v21 =	vld.idx.msk [tilespmem:v21+s2+$0x0], $0xffff  }
0x5b6: {  	v27 =	vsub.s32 v1, v11;
	v22 =	vld.idx.msk [tilespmem:v22+s2+$0x0], $0xffff;
	[tilespmem:s26+$0x70] =	vst v16  }
0x5b7: {  	v28 =	vsub.s32 v1, v8;
	[tilespmem:s26+$0x10] =	vst v17;
	v17 =	vld.idx.msk [tilespmem:v24+s2+$0x0], $0xffff  }
0x5b8: {  	v16 =	vsub.s32 v1, v10;
	[tilespmem:s26+$0x20] =	vst v18;
	v23 =	vld.idx.msk [tilespmem:v23+s2+$0x0], $0xffff  }
0x5b9: {  	v33 =	vsub.s32 v1, v14;
	[tilespmem:s26+$0x30] =	vst v19;
	v18 =	vld.idx.msk [tilespmem:v25+s2+$0x0], $0xffff  }
0x5ba: {  	v34 =	vsub.s32 v1, v9;
	[tilespmem:s26+$0x40] =	vst v20;
	v19 =	vld.idx.msk [tilespmem:v26+s2+$0x0], $0xffff  }
0x5bb: {  	v32 =	vsub.s32 v2, v15;
	[tilespmem:s26+$0x50] =	vst v21;
	v20 =	vld.idx.msk [tilespmem:v27+s2+$0x0], $0xffff  }
0x5bc: {  	v35 =	vsub.s32 v2, v13;
	[tilespmem:s26+$0x60] =	vst v22;
	v28 =	vld.idx.msk [tilespmem:v28+s2+$0x0], $0xffff  }
0x5bd: {  	v36 =	vsub.s32 v2, v12;
	v16 =	vld.idx.msk [tilespmem:v16+s2+$0x0], $0xffff;
	[tilespmem:s26+$0x0] =	vst v17  }
0x5be: {  	v37 =	vsub.s32 v2, v11;
	[tilespmem:s26+$0xF0] =	vst v23;
	v39 =	vld.idx.msk [tilespmem:v33+s2+$0x0], $0xffff  }
0x5bf: {  	v38 =	vsub.s32 v2, v10;
	[tilespmem:s26+$0x90] =	vst v18;
	v18 =	vld.idx.msk [tilespmem:v34+s2+$0x0], $0xffff  }
0x5c0: {  	v42 =	vsub.s32 v2, v8;
	[tilespmem:s26+$0xA0] =	vst v19;
	v17 =	vld.idx.msk [tilespmem:v32+s2+$0x0], $0xffff  }
0x5c1: {  	v41 =	vsub.s32 v2, v14;
	[tilespmem:s26+$0xB0] =	vst v20;
	v19 =	vld.idx.msk [tilespmem:v35+s2+$0x0], $0xffff  }
0x5c2: {  	v43 =	vsub.s32 v2, v9;
	[tilespmem:s26+$0xD0] =	vst v28;
	v20 =	vld.idx.msk [tilespmem:v36+s2+$0x0], $0xffff  }
0x5c3: {  	v40 =	vsub.s32 v3, v15;
	[tilespmem:s26+$0xC0] =	vst v16;
	v16 =	vld.idx.msk [tilespmem:v37+s2+$0x0], $0xffff  }
0x5c4: {  	v44 =	vsub.s32 v3, v13;
	v24 =	vld.idx.msk [tilespmem:v38+s2+$0x0], $0xffff;
	[tilespmem:s26+$0x80] =	vst v39  }
0x5c5: {  	v46 =	vsub.s32 v3, v11;
	[tilespmem:s26+$0xE0] =	vst v18;
	v18 =	vld.idx.msk [tilespmem:v42+s2+$0x0], $0xffff  }
0x5c6: {  	[tilespmem:s26+$0x170] =	vst v17;
	v17 =	vsub.s32 v3, v12;
	v26 =	vld.idx.msk [tilespmem:v41+s2+$0x0], $0xffff  }
0x5c7: {  	v49 =	vsub.s32 v3, v10;
	[tilespmem:s26+$0x110] =	vst v19;
	v19 =	vld.idx.msk [tilespmem:v43+s2+$0x0], $0xffff  }
0x5c8: {  	v50 =	vsub.s32 v3, v8;
	[tilespmem:s26+$0x120] =	vst v20;
	v45 =	vld.idx.msk [tilespmem:v40+s2+$0x0], $0xffff  }
0x5c9: {  	v48 =	vsub.s32 v3, v14;
	v20 =	vld.idx.msk [tilespmem:v44+s2+$0x0], $0xffff;
	[tilespmem:s26+$0x130] =	vst v16  }
0x5ca: {  	v47 =	vsub.s32 v4, v15;
	v25 =	vld.idx.msk [tilespmem:v46+s2+$0x0], $0xffff;
	[tilespmem:s26+$0x140] =	vst v24  }
0x5cb: {  	[tilespmem:s26+$0x150] =	vst v18;
	v16 =	vld.idx.msk [tilespmem:v17+s2+$0x0], $0xffff;
	v17 =	vsub.s32 v3, v9  }
0x5cc: {  	v51 =	vsub.s32 v4, v13;
	[tilespmem:s26+$0x100] =	vst v26;
	v18 =	vld.idx.msk [tilespmem:v49+s2+$0x0], $0xffff  }
0x5cd: {  	v57 =	vsub.s32 v4, v11;
	[tilespmem:s26+$0x160] =	vst v19;
	v19 =	vld.idx.msk [tilespmem:v50+s2+$0x0], $0xffff  }
0x5ce: {  	v53 =	vsub.s32 v4, v12;
	[tilespmem:s26+$0x1F0] =	vst v45;
	v54 =	vld.idx.msk [tilespmem:v48+s2+$0x0], $0xffff  }
0x5cf: {  	[tilespmem:s26+$0x190] =	vst v20;
	v20 =	vsub.s32 v4, v10;
	v52 =	vld.idx.msk [tilespmem:v47+s2+$0x0], $0xffff  }
0x5d0: {  	v56 =	vsub.s32 v4, v14;
	[tilespmem:s26+$0x1B0] =	vst v25;
	v17 =	vld.idx.msk [tilespmem:v17+s2+$0x0], $0xffff  }
0x5d1: {  	v55 =	vsub.s32 v5, v15;
	[tilespmem:s26+$0x1A0] =	vst v16;
	v16 =	vld.idx.msk [tilespmem:v51+s2+$0x0], $0xffff  }
0x5d2: {  	v58 =	vsub.s32 v4, v8;
	[tilespmem:s26+$0x1C0] =	vst v18;
	v18 =	vld.idx.msk [tilespmem:v57+s2+$0x0], $0xffff  }
0x5d3: {  	v59 =	vsub.s32 v4, v9;
	[tilespmem:s26+$0x1D0] =	vst v19;
	v27 =	vld.idx.msk [tilespmem:v53+s2+$0x0], $0xffff  }
0x5d4: {  	v60 =	vsub.s32 v5, v13;
	[tilespmem:s26+$0x180] =	vst v54;
	v19 =	vld.idx.msk [tilespmem:v20+s2+$0x0], $0xffff  }
0x5d5: {  	v30 =	vsub.s32 v5, v11;
	[tilespmem:s26+$0x270] =	vst v52;
	v61 =	vld.idx.msk [tilespmem:v56+s2+$0x0], $0xffff  }
0x5d6: {  	v20 =	vsub.s32 v5, v12;
	v21 =	vld.idx.msk [tilespmem:v55+s2+$0x0], $0xffff;
	[tilespmem:s26+$0x1E0] =	vst v17  }
0x5d7: {  	v63 =	vsub.s32 v5, v14;
	v17 =	vld.idx.msk [tilespmem:v58+s2+$0x0], $0xffff;
	[tilespmem:s26+$0x210] =	vst v16  }
0x5d8: {  	v62 =	vsub.s32 v6, v15;
	[tilespmem:s26+$0x230] =	vst v18;
	v16 =	vld.idx.msk [tilespmem:v59+s2+$0x0], $0xffff  }
0x5d9: {  	v31 =	vsub.s32 v5, v10;
	v24 =	vld.idx.msk [tilespmem:v60+s2+$0x0], $0xffff;
	[tilespmem:s26+$0x220] =	vst v27  }
0x5da: {  	v32 =	vsub.s32 v5, v8;
	[tilespmem:s26+$0x240] =	vst v19;
	v19 =	vld.idx.msk [tilespmem:v30+s2+$0x0], $0xffff  }
0x5db: {  	v33 =	vsub.s32 v5, v9;
	[tilespmem:s26+$0x200] =	vst v61;
	v18 =	vld.idx.msk [tilespmem:v20+s2+$0x0], $0xffff  }
0x5dc: {  	v35 =	vsub.s32 v6, v13;
	[tilespmem:s26+$0x2F0] =	vst v21;
	v34 =	vld.idx.msk [tilespmem:v63+s2+$0x0], $0xffff  }
0x5dd: {  	v36 =	vsub.s32 v6, v12;
	v23 =	vld.idx.msk [tilespmem:v62+s2+$0x0], $0xffff;
	[tilespmem:s26+$0x250] =	vst v17  }
0x5de: {  	v20 =	vsub.s32 v6, v14;
	v17 =	vld.idx.msk [tilespmem:v31+s2+$0x0], $0xffff;
	[tilespmem:s26+$0x260] =	vst v16  }
0x5df: {  	v15 =	vsub.s32 v7, v15;
	v16 =	vld.idx.msk [tilespmem:v32+s2+$0x0], $0xffff;
	[tilespmem:s26+$0x290] =	vst v24  }
0x5e0: {  	v37 =	vsub.s32 v6, v11;
	[tilespmem:s26+$0x2B0] =	vst v19;
	v25 =	vld.idx.msk [tilespmem:v33+s2+$0x0], $0xffff  }
0x5e1: {  	v38 =	vsub.s32 v6, v10;
	[tilespmem:s26+$0x2A0] =	vst v18;
	v18 =	vld.idx.msk [tilespmem:v35+s2+$0x0], $0xffff  }
0x5e2: {  	v13 =	vsub.s32 v7, v13;
	[tilespmem:s26+$0x280] =	vst v34;
	v19 =	vld.idx.msk [tilespmem:v36+s2+$0x0], $0xffff  }
0x5e3: {  	[tilespmem:s26+$0x370] =	vst v23;
	v20 =	vld.idx.msk [tilespmem:v20+s2+$0x0], $0xffff  }
0x5e4: {  	v40 =	vsub.s32 v6, v9;
	v39 =	vld.idx.msk [tilespmem:v15+s2+$0x0], $0xffff;
	[tilespmem:s26+$0x2C0] =	vst v17  }
0x5e5: {  	v12 =	vsub.s32 v7, v12;
	v17 =	vld.idx.msk [tilespmem:v37+s2+$0x0], $0xffff;
	[tilespmem:s26+$0x2D0] =	vst v16  }
0x5e6: {  	v16 =	vld.idx.msk [tilespmem:v38+s2+$0x0], $0xffff;
	[tilespmem:s26+$0x310] =	vst v18  }
0x5e7: {  	s28 =	simm.s32 $0xF940;
	v15 =	vsub.s32 v6, v8;
	[tilespmem:s26+$0x2E0] =	vst v25;
	v18 =	vld.idx.msk [tilespmem:v13+s2+$0x0], $0xffff  }
0x5e8: {  	v14 =	vsub.s32 v7, v14;
	[tilespmem:s26+$0x320] =	vst v19;
	v13 =	vld [tilespmem:s28+$0xFFFFFFF0]  }
0x5e9: {  	[tilespmem:s26+$0x300] =	vst v20;
	v20 =	vld.idx.msk [tilespmem:v40+s2+$0x0], $0xffff  }
0x5ea: {  	v19 =	vld.idx.msk [tilespmem:v12+s2+$0x0], $0xffff  }
0x5eb: {  	v12 =	vld [tilespmem:s28+$0x0]  }
0x5ec: {  	v11 =	vsub.s32 v7, v11;
	v41 =	vld.idx.msk [tilespmem:v15+s2+$0x0], $0xffff  }
0x5ed: {  	v42 =	vld.idx.msk [tilespmem:v14+s2+$0x0], $0xffff  }
0x5ee: {  	[tilespmem:s26+$0x330] =	vst v17;
	v17 =	vld [tilespmem:s28+$0x30]  }
0x5ef: {  	v10 =	vsub.s32 v7, v10;
	v15 =	vld [tilespmem:s28+$0xFFFFFFD0]  }
0x5f0: {  	v14 =	vld [tilespmem:s28+$0xFFFFFFE0]  }
0x5f1: {  	v9 =	vsub.s32 v7, v9;
	v43 =	vld.idx.msk [tilespmem:v11+s2+$0x0], $0xffff  }
0x5f2: {  	v8 =	vsub.s32 v7, v8;
	[tilespmem:s26+$0x340] =	vst v16;
	v11 =	vld [tilespmem:s28+$0x20]  }
0x5f3: {  	v16 =	vld [tilespmem:s28+$0xFFFFFFC0];
	[tilespmem:s26+$0x360] =	vst v20;
	v20 =	vsub.s32 v0, v13  }
0x5f4: {  	v44 =	vld.idx.msk [tilespmem:v10+s2+$0x0], $0xffff;
	v48 =	vsub.s32 v0, v12  }
0x5f5: {  	v10 =	vld [tilespmem:s28+$0x10];
	v45 =	vsub.s32 v0, v17  }
0x5f6: {  	v46 =	vsub.s32 v0, v15;
	[tilespmem:s26+$0x350] =	vst v41;
	v9 =	vld.idx.msk [tilespmem:v9+s2+$0x0], $0xffff  }
0x5f7: {  	v47 =	vsub.s32 v0, v14;
	v8 =	vld.idx.msk [tilespmem:v8+s2+$0x0], $0xffff  }
0x5f8: {  	[tilespmem:s26+$0x3F0] =	vst v39;
	v51 =	vsub.s32 v0, v11;
	v20 =	vld.idx.msk [tilespmem:v20+s2+$0x0], $0xffff  }
0x5f9: {  	[tilespmem:s26+$0x3A0] =	vst v19;
	v19 =	vsub.s32 v0, v16;
	v28 =	vld.idx.msk [tilespmem:v48+s2+$0x0], $0xffff  }
0x5fa: {  	[tilespmem:s26+$0x390] =	vst v18;
	v49 =	vsub.s32 v0, v10;
	v25 =	vld.idx.msk [tilespmem:v45+s2+$0x0], $0xffff  }
0x5fb: {  	v29 =	vsub.s32 v1, v13;
	[tilespmem:s26+$0x380] =	vst v42;
	v50 =	vld.idx.msk [tilespmem:v46+s2+$0x0], $0xffff  }
0x5fc: {  	v55 =	vsub.s32 v1, v12;
	[tilespmem:s26+$0x3B0] =	vst v43;
	v18 =	vld.idx.msk [tilespmem:v47+s2+$0x0], $0xffff  }
0x5fd: {  	s28 =	simm.s32 $0x16080;
	v53 =	vsub.s32 v1, v15;
	[tilespmem:s26+$0x3C0] =	vst v44;
	v26 =	vld.idx.msk [tilespmem:v51+s2+$0x0], $0xffff  }
0x5fe: {  	v52 =	vsub.s32 v1, v17;
	v19 =	vld.idx.msk [tilespmem:v19+s2+$0x0], $0xffff;
	[tilespmem:s28+$0x30] =	vst v20  }
0x5ff: {  	v54 =	vsub.s32 v1, v14;
	v27 =	vld.idx.msk [tilespmem:v49+s2+$0x0], $0xffff;
	[tilespmem:s28+$0x40] =	vst v28  }
0x600: {  	v57 =	vsub.s32 v1, v16;
	[tilespmem:s28+$0x70] =	vst v25;
	v29 =	vld.idx.msk [tilespmem:v29+s2+$0x0], $0xffff  }
0x601: {  	v56 =	vsub.s32 v1, v10;
	[tilespmem:s28+$0x10] =	vst v50;
	v25 =	vld.idx.msk [tilespmem:v55+s2+$0x0], $0xffff  }
0x602: {  	v58 =	vsub.s32 v1, v11;
	[tilespmem:s28+$0x20] =	vst v18;
	v18 =	vld.idx.msk [tilespmem:v53+s2+$0x0], $0xffff  }
0x603: {  	v61 =	vsub.s32 v2, v13;
	v21 =	vld.idx.msk [tilespmem:v52+s2+$0x0], $0xffff;
	[tilespmem:s28+$0x60] =	vst v26  }
0x604: {  	v20 =	vsub.s32 v2, v17;
	v24 =	vld.idx.msk [tilespmem:v54+s2+$0x0], $0xffff;
	[tilespmem:s28+$0x0] =	vst v19  }
0x605: {  	v59 =	vsub.s32 v2, v15;
	[tilespmem:s28+$0x50] =	vst v27;
	v23 =	vld.idx.msk [tilespmem:v57+s2+$0x0], $0xffff  }
0x606: {  	v60 =	vsub.s32 v2, v14;
	v22 =	vld.idx.msk [tilespmem:v56+s2+$0x0], $0xffff;
	[tilespmem:s28+$0xB0] =	vst v29  }
0x607: {  	v63 =	vsub.s32 v2, v16;
	[tilespmem:s28+$0x90] =	vst v18;
	v18 =	vld.idx.msk [tilespmem:v58+s2+$0x0], $0xffff  }
0x608: {  	v32 =	vsub.s32 v2, v10;
	[tilespmem:s28+$0xF0] =	vst v21;
	v21 =	vld.idx.msk [tilespmem:v61+s2+$0x0], $0xffff  }
0x609: {  	[tilespmem:s28+$0xC0] =	vst v25;
	v19 =	vld.idx.msk [tilespmem:v20+s2+$0x0], $0xffff;
	v20 =	vsub.s32 v2, v12  }
0x60a: {  	v33 =	vsub.s32 v2, v11;
	[tilespmem:s28+$0xA0] =	vst v24;
	v27 =	vld.idx.msk [tilespmem:v59+s2+$0x0], $0xffff  }
0x60b: {  	v36 =	vsub.s32 v3, v13;
	v26 =	vld.idx.msk [tilespmem:v60+s2+$0x0], $0xffff;
	[tilespmem:s28+$0x80] =	vst v23  }
0x60c: {  	v62 =	vsub.s32 v3, v17;
	[tilespmem:s28+$0xD0] =	vst v22;
	v28 =	vld.idx.msk [tilespmem:v63+s2+$0x0], $0xffff  }
0x60d: {  	v34 =	vsub.s32 v3, v15;
	[tilespmem:s28+$0xE0] =	vst v18;
	v18 =	vld.idx.msk [tilespmem:v32+s2+$0x0], $0xffff  }
0x60e: {  	v38 =	vsub.s32 v3, v16;
	[tilespmem:s28+$0x130] =	vst v21;
	v20 =	vld.idx.msk [tilespmem:v20+s2+$0x0], $0xffff  }
0x60f: {  	[tilespmem:s28+$0x170] =	vst v19;
	v19 =	vsub.s32 v3, v14;
	v25 =	vld.idx.msk [tilespmem:v33+s2+$0x0], $0xffff  }
0x610: {  	v40 =	vsub.s32 v3, v10;
	[tilespmem:s28+$0x110] =	vst v27;
	v24 =	vld.idx.msk [tilespmem:v36+s2+$0x0], $0xffff  }
0x611: {  	v39 =	vsub.s32 v3, v12;
	[tilespmem:s28+$0x120] =	vst v26;
	v35 =	vld.idx.msk [tilespmem:v62+s2+$0x0], $0xffff  }
0x612: {  	v37 =	vsub.s32 v4, v17;
	v22 =	vld.idx.msk [tilespmem:v34+s2+$0x0], $0xffff;
	[tilespmem:s28+$0x100] =	vst v28  }
0x613: {  	v41 =	vsub.s32 v4, v15;
	v29 =	vld.idx.msk [tilespmem:v38+s2+$0x0], $0xffff;
	[tilespmem:s28+$0x150] =	vst v18  }
0x614: {  	v44 =	vsub.s32 v4, v16;
	v19 =	vld.idx.msk [tilespmem:v19+s2+$0x0], $0xffff;
	[tilespmem:s28+$0x140] =	vst v20  }
0x615: {  	v20 =	vsub.s32 v3, v11;
	[tilespmem:s28+$0x160] =	vst v25;
	v21 =	vld.idx.msk [tilespmem:v40+s2+$0x0], $0xffff  }
0x616: {  	v42 =	vsub.s32 v4, v14;
	[tilespmem:s28+$0x1F0] =	vst v35;
	v18 =	vld.idx.msk [tilespmem:v39+s2+$0x0], $0xffff  }
0x617: {  	v45 =	vsub.s32 v4, v13;
	[tilespmem:s28+$0x190] =	vst v22;
	v27 =	vld.idx.msk [tilespmem:v37+s2+$0x0], $0xffff  }
0x618: {  	v46 =	vsub.s32 v4, v10;
	v23 =	vld.idx.msk [tilespmem:v41+s2+$0x0], $0xffff;
	[tilespmem:s28+$0x180] =	vst v29  }
0x619: {  	v43 =	vsub.s32 v5, v17;
	[tilespmem:s28+$0x1B0] =	vst v24;
	v26 =	vld.idx.msk [tilespmem:v44+s2+$0x0], $0xffff  }
0x61a: {  	v48 =	vsub.s32 v5, v15;
	[tilespmem:s28+$0x1A0] =	vst v19;
	v19 =	vld.idx.msk [tilespmem:v20+s2+$0x0], $0xffff  }
0x61b: {  	v50 =	vsub.s32 v5, v16;
	[tilespmem:s28+$0x1D0] =	vst v21;
	v28 =	vld.idx.msk [tilespmem:v42+s2+$0x0], $0xffff  }
0x61c: {  	v20 =	vsub.s32 v4, v12;
	[tilespmem:s28+$0x1C0] =	vst v18;
	v18 =	vld.idx.msk [tilespmem:v45+s2+$0x0], $0xffff  }
0x61d: {  	v47 =	vsub.s32 v4, v11;
	v51 =	vld.idx.msk [tilespmem:v46+s2+$0x0], $0xffff;
	[tilespmem:s28+$0x270] =	vst v27  }
0x61e: {  	v54 =	vsub.s32 v5, v10;
	[tilespmem:s28+$0x210] =	vst v23;
	v25 =	vld.idx.msk [tilespmem:v43+s2+$0x0], $0xffff  }
0x61f: {  	v49 =	vsub.s32 v6, v17;
	v29 =	vld.idx.msk [tilespmem:v48+s2+$0x0], $0xffff;
	[tilespmem:s28+$0x200] =	vst v26  }
0x620: {  	v56 =	vsub.s32 v6, v15;
	v22 =	vld.idx.msk [tilespmem:v50+s2+$0x0], $0xffff;
	[tilespmem:s28+$0x1E0] =	vst v19  }
0x621: {  	v20 =	vld.idx.msk [tilespmem:v20+s2+$0x0], $0xffff;
	v19 =	vsub.s32 v5, v14;
	[tilespmem:s28+$0x220] =	vst v28  }
0x622: {  	v52 =	vsub.s32 v5, v13;
	v27 =	vld.idx.msk [tilespmem:v47+s2+$0x0], $0xffff;
	[tilespmem:s28+$0x250] =	vst v51  }
0x623: {  	v53 =	vsub.s32 v5, v12;
	[tilespmem:s28+$0x2F0] =	vst v25;
	v25 =	vld.idx.msk [tilespmem:v54+s2+$0x0], $0xffff  }
0x624: {  	v55 =	vsub.s32 v5, v11;
	[tilespmem:s28+$0x290] =	vst v29;
	v21 =	vld.idx.msk [tilespmem:v49+s2+$0x0], $0xffff  }
0x625: {  	v61 =	vsub.s32 v6, v10;
	[tilespmem:s28+$0x230] =	vst v18;
	v23 =	vld.idx.msk [tilespmem:v56+s2+$0x0], $0xffff  }
0x626: {  	v17 =	vsub.s32 v7, v17;
	[tilespmem:s28+$0x280] =	vst v22;
	v18 =	vld.idx.msk [tilespmem:v19+s2+$0x0], $0xffff  }
0x627: {  	[tilespmem:s28+$0x240] =	vst v20;
	v19 =	vsub.s32 v6, v16;
	v20 =	vld.idx.msk [tilespmem:v52+s2+$0x0], $0xffff  }
0x628: {  	v58 =	vsub.s32 v6, v14;
	v57 =	vld.idx.msk [tilespmem:v53+s2+$0x0], $0xffff;
	[tilespmem:s28+$0x260] =	vst v27  }
0x629: {  	v59 =	vsub.s32 v6, v13;
	v26 =	vld.idx.msk [tilespmem:v55+s2+$0x0], $0xffff;
	[tilespmem:s28+$0x2D0] =	vst v25  }
0x62a: {  	v60 =	vsub.s32 v6, v12;
	[tilespmem:s28+$0x370] =	vst v21;
	v22 =	vld.idx.msk [tilespmem:v61+s2+$0x0], $0xffff  }
0x62b: {  	v15 =	vsub.s32 v7, v15;
	[tilespmem:s28+$0x310] =	vst v23;
	v17 =	vld.idx.msk [tilespmem:v17+s2+$0x0], $0xffff  }
0x62c: {  	v19 =	vld.idx.msk [tilespmem:v19+s2+$0x0], $0xffff;
	[tilespmem:s28+$0x2A0] =	vst v18;
	v18 =	vsub.s32 v6, v11  }
0x62d: {  	[tilespmem:s28+$0x2B0] =	vst v20;
	v20 =	vsub.s32 v7, v16;
	v27 =	vld.idx.msk [tilespmem:v58+s2+$0x0], $0xffff  }
0x62e: {  	v63 =	vsub.s32 v7, v14;
	[tilespmem:s28+$0x2C0] =	vst v57;
	v62 =	vld.idx.msk [tilespmem:v59+s2+$0x0], $0xffff  }
0x62f: {  	v13 =	vsub.s32 v7, v13;
	v21 =	vld.idx.msk [tilespmem:v60+s2+$0x0], $0xffff;
	[tilespmem:s28+$0x2E0] =	vst v26  }
0x630: {  	v15 =	vld.idx.msk [tilespmem:v15+s2+$0x0], $0xffff;
	[tilespmem:s28+$0x3F0] =	vst v17;
	v17 =	vsub.s32 v7, v12  }
0x631: {  	[tilespmem:s28+$0x300] =	vst v19;
	v16 =	vld.idx.msk [tilespmem:v18+s2+$0x0], $0xffff  }
0x632: {  	v14 =	vld.idx.msk [tilespmem:v20+s2+$0x0], $0xffff;
	[tilespmem:s28+$0x320] =	vst v27  }
0x633: {  	[tilespmem:s28+$0x330] =	vst v62;
	v18 =	vld.idx.msk [tilespmem:v63+s2+$0x0], $0xffff  }
0x634: {  	v13 =	vld.idx.msk [tilespmem:v13+s2+$0x0], $0xffff;
	[tilespmem:s28+$0x340] =	vst v21  }
0x635: {  	s29 =	simm.s32 $0x8;
	s30 =	simm.s32 $0xF9C0;
	v11 =	vsub.s32 v7, v11;
	[tilespmem:s28+$0x350] =	vst v22;
	v12 =	vsub.s32 v7, v10;
	v17 =	vld.idx.msk [tilespmem:v17+s2+$0x0], $0xffff  }
.LBB2_15:
0x636: {  	v10 =	vld [tilespmem:s30+$0x30];
	s29 =	sadd.s32 $0x8, s29;
	[tilespmem:s28+$0x360] =	vst v16  }
0x637: {  	v21 =	vld [tilespmem:s30+$0xFFFFFFD0];
	p0 =	slt.u32 s29, $0x38;
	[tilespmem:s28+$0x380] =	vst v14  }
0x638: {  	v25 =	vld [tilespmem:s30+$0xFFFFFFE0];
	[tilespmem:s28+$0x390] =	vst v15  }
0x639: {  	v26 =	vld [tilespmem:s30+$0xFFFFFFF0];
	[tilespmem:s28+$0x3A0] =	vst v18  }
0x63a: {  	v27 =	vld [tilespmem:s30+$0x0];
	[tilespmem:s28+$0x3B0] =	vst v13  }
0x63b: {  	v28 =	vld [tilespmem:s30+$0x10];
	v13 =	vsub.s32 v0, v10;
	[tilespmem:s28+$0x3C0] =	vst v17  }
0x63c: {  	v14 =	vsub.s32 v0, v21;
	v15 =	vsub.s32 v1, v21;
	v17 =	vsub.s32 v2, v21;
	v29 =	vld [tilespmem:s30+$0x20];
	[tilespmem:s26+$0x3D0] =	vst v8  }
0x63d: {  	v20 =	vld [tilespmem:s30+$0xFFFFFFC0];
	v16 =	vsub.s32 v0, v25;
	v18 =	vsub.s32 v1, v25;
	v30 =	vsub.s32 v2, v25;
	[tilespmem:s26+$0x3E0] =	vst v9;
	s26 =	smov.u32 s28  }
0x63e: {  	v19 =	vsub.s32 v0, v26;
	v22 =	vsub.s32 v1, v26;
	v31 =	vsub.s32 v2, v26;
	v8 =	vld.idx.msk [tilespmem:v12+s2+$0x0], $0xffff  }
0x63f: {  	v12 =	vsub.s32 v0, v27;
	v23 =	vsub.s32 v1, v27;
	v32 =	vsub.s32 v2, v27;
	v9 =	vld.idx.msk [tilespmem:v11+s2+$0x0], $0xffff  }
0x640: {  	v11 =	vsub.s32 v0, v28;
	v24 =	vsub.s32 v1, v28;
	v33 =	vsub.s32 v2, v28;
	v13 =	vld.idx.msk [tilespmem:v13+s2+$0x0], $0xffff  }
0x641: {  	v14 =	vld.idx.msk [tilespmem:v14+s2+$0x0], $0xffff;
	v34 =	vsub.s32 v0, v29;
	v35 =	vsub.s32 v1, v29;
	v36 =	vsub.s32 v2, v29  }
0x642: {  	v39 =	vsub.s32 v1, v10;
	v37 =	vsub.s32 v0, v20;
	v38 =	vsub.s32 v1, v20;
	v16 =	vld.idx.msk [tilespmem:v16+s2+$0x0], $0xffff  }
0x643: {  	v42 =	vsub.s32 v3, v21;
	v40 =	vsub.s32 v2, v20;
	v41 =	vsub.s32 v3, v20;
	v19 =	vld.idx.msk [tilespmem:v19+s2+$0x0], $0xffff  }
0x644: {  	v43 =	vsub.s32 v3, v25;
	v44 =	vsub.s32 v3, v26;
	v45 =	vsub.s32 v3, v27;
	v12 =	vld.idx.msk [tilespmem:v12+s2+$0x0], $0xffff  }
0x645: {  	s28 =	sadd.s32 $0x400, s28;
	v47 =	vsub.s32 v3, v28;
	v48 =	vsub.s32 v3, v29;
	v46 =	vsub.s32 v4, v20;
	v11 =	vld.idx.msk [tilespmem:v11+s2+$0x0], $0xffff  }
0x646: {  	v49 =	vsub.s32 v4, v21;
	v50 =	vsub.s32 v4, v25;
	v34 =	vld.idx.msk [tilespmem:v34+s2+$0x0], $0xffff;
	[tilespmem:s28+$0x70] =	vst v13  }
0x647: {  	v51 =	vsub.s32 v4, v26;
	v52 =	vsub.s32 v4, v27;
	[tilespmem:s28+$0x10] =	vst v14;
	v13 =	vld.idx.msk [tilespmem:v39+s2+$0x0], $0xffff  }
0x648: {  	v53 =	vsub.s32 v4, v29;
	v39 =	vsub.s32 v4, v28;
	v37 =	vld.idx.msk [tilespmem:v37+s2+$0x0], $0xffff;
	[tilespmem:s28+$0x20] =	vst v16  }
0x649: {  	v54 =	vsub.s32 v5, v20;
	v15 =	vld.idx.msk [tilespmem:v15+s2+$0x0], $0xffff;
	[tilespmem:s28+$0x30] =	vst v19;
	v19 =	vsub.s32 v2, v10  }
0x64a: {  	v55 =	vsub.s32 v5, v21;
	v57 =	vsub.s32 v5, v25;
	v56 =	vld.idx.msk [tilespmem:v18+s2+$0x0], $0xffff;
	[tilespmem:s28+$0x40] =	vst v12  }
0x64b: {  	v58 =	vsub.s32 v5, v26;
	v59 =	vsub.s32 v5, v27;
	v12 =	vld.idx.msk [tilespmem:v22+s2+$0x0], $0xffff;
	[tilespmem:s28+$0x50] =	vst v11  }
0x64c: {  	v60 =	vsub.s32 v5, v28;
	v11 =	vld.idx.msk [tilespmem:v23+s2+$0x0], $0xffff;
	[tilespmem:s28+$0x60] =	vst v34;
	v34 =	vsub.s32 v5, v29  }
0x64d: {  	v14 =	vsub.s32 v6, v21;
	v22 =	vsub.s32 v6, v20;
	v61 =	vld.idx.msk [tilespmem:v24+s2+$0x0], $0xffff;
	[tilespmem:s28+$0xF0] =	vst v13  }
0x64e: {  	v16 =	vsub.s32 v6, v26;
	v23 =	vsub.s32 v6, v25;
	[tilespmem:s28+$0x0] =	vst v37;
	v37 =	vld.idx.msk [tilespmem:v19+s2+$0x0], $0xffff  }
0x64f: {  	v18 =	vsub.s32 v6, v28;
	v24 =	vsub.s32 v6, v27;
	v38 =	vld.idx.msk [tilespmem:v38+s2+$0x0], $0xffff;
	[tilespmem:s28+$0x90] =	vst v15  }
0x650: {  	v19 =	vsub.s32 v6, v29;
	[tilespmem:s28+$0xA0] =	vst v56;
	v35 =	vld.idx.msk [tilespmem:v35+s2+$0x0], $0xffff;
	v56 =	vsub.s32 v3, v10  }
0x651: {  	v20 =	vsub.s32 v7, v20;
	v15 =	vsub.s32 v7, v21;
	v62 =	vld.idx.msk [tilespmem:v17+s2+$0x0], $0xffff;
	[tilespmem:s28+$0xB0] =	vst v12  }
0x652: {  	v13 =	vsub.s32 v7, v26;
	v21 =	vsub.s32 v7, v25;
	v30 =	vld.idx.msk [tilespmem:v30+s2+$0x0], $0xffff;
	[tilespmem:s28+$0xC0] =	vst v11  }
0x653: {  	v17 =	vsub.s32 v7, v27;
	v12 =	vsub.s32 v7, v28;
	v25 =	vld.idx.msk [tilespmem:v31+s2+$0x0], $0xffff;
	[tilespmem:s28+$0xD0] =	vst v61  }
0x654: {  	v11 =	vsub.s32 v7, v29;
	v26 =	vld.idx.msk [tilespmem:v32+s2+$0x0], $0xffff;
	[tilespmem:s28+$0x170] =	vst v37  }
0x655: {  	[tilespmem:s28+$0x80] =	vst v38;
	v27 =	vld.idx.msk [tilespmem:v56+s2+$0x0], $0xffff  }
0x656: {  	v28 =	vld.idx.msk [tilespmem:v40+s2+$0x0], $0xffff;
	[tilespmem:s28+$0xE0] =	vst v35  }
0x657: {  	v31 =	vsub.s32 v4, v10;
	[tilespmem:s28+$0x110] =	vst v62;
	v29 =	vld.idx.msk [tilespmem:v33+s2+$0x0], $0xffff  }
0x658: {  	[tilespmem:s28+$0x120] =	vst v30;
	v30 =	vld.idx.msk [tilespmem:v36+s2+$0x0], $0xffff  }
0x659: {  	v32 =	vld.idx.msk [tilespmem:v42+s2+$0x0], $0xffff;
	[tilespmem:s28+$0x130] =	vst v25  }
0x65a: {  	v25 =	vld.idx.msk [tilespmem:v43+s2+$0x0], $0xffff;
	[tilespmem:s28+$0x140] =	vst v26  }
0x65b: {  	v26 =	vld.idx.msk [tilespmem:v44+s2+$0x0], $0xffff;
	[tilespmem:s28+$0x1F0] =	vst v27  }
0x65c: {  	[tilespmem:s28+$0x100] =	vst v28;
	v27 =	vld.idx.msk [tilespmem:v31+s2+$0x0], $0xffff  }
0x65d: {  	v28 =	vld.idx.msk [tilespmem:v41+s2+$0x0], $0xffff;
	[tilespmem:s28+$0x150] =	vst v29  }
0x65e: {  	v29 =	vld.idx.msk [tilespmem:v45+s2+$0x0], $0xffff;
	[tilespmem:s28+$0x160] =	vst v30;
	v30 =	vsub.s32 v5, v10  }
0x65f: {  	[tilespmem:s28+$0x190] =	vst v32;
	v31 =	vld.idx.msk [tilespmem:v47+s2+$0x0], $0xffff  }
0x660: {  	[tilespmem:s28+$0x1A0] =	vst v25;
	v25 =	vld.idx.msk [tilespmem:v48+s2+$0x0], $0xffff  }
0x661: {  	v32 =	vld.idx.msk [tilespmem:v49+s2+$0x0], $0xffff;
	[tilespmem:s28+$0x1B0] =	vst v26  }
0x662: {  	v26 =	vld.idx.msk [tilespmem:v50+s2+$0x0], $0xffff;
	[tilespmem:s28+$0x270] =	vst v27  }
0x663: {  	[tilespmem:s28+$0x180] =	vst v28;
	v27 =	vld.idx.msk [tilespmem:v30+s2+$0x0], $0xffff  }
0x664: {  	v28 =	vld.idx.msk [tilespmem:v46+s2+$0x0], $0xffff;
	[tilespmem:s28+$0x1C0] =	vst v29  }
0x665: {  	v30 =	vsub.s32 v6, v10;
	v29 =	vld.idx.msk [tilespmem:v51+s2+$0x0], $0xffff;
	[tilespmem:s28+$0x1D0] =	vst v31  }
0x666: {  	v31 =	vld.idx.msk [tilespmem:v52+s2+$0x0], $0xffff;
	[tilespmem:s28+$0x1E0] =	vst v25  }
0x667: {  	[tilespmem:s28+$0x210] =	vst v32;
	v25 =	vld.idx.msk [tilespmem:v39+s2+$0x0], $0xffff  }
0x668: {  	[tilespmem:s28+$0x220] =	vst v26;
	v26 =	vld.idx.msk [tilespmem:v53+s2+$0x0], $0xffff  }
0x669: {  	v32 =	vld.idx.msk [tilespmem:v55+s2+$0x0], $0xffff;
	[tilespmem:s28+$0x2F0] =	vst v27  }
0x66a: {  	[tilespmem:s28+$0x200] =	vst v28;
	v27 =	vld.idx.msk [tilespmem:v30+s2+$0x0], $0xffff  }
0x66b: {  	v28 =	vld.idx.msk [tilespmem:v54+s2+$0x0], $0xffff;
	[tilespmem:s28+$0x230] =	vst v29  }
0x66c: {  	v10 =	vsub.s32 v7, v10;
	v29 =	vld.idx.msk [tilespmem:v57+s2+$0x0], $0xffff;
	[tilespmem:s28+$0x240] =	vst v31  }
0x66d: {  	v30 =	vld.idx.msk [tilespmem:v58+s2+$0x0], $0xffff;
	[tilespmem:s28+$0x250] =	vst v25  }
0x66e: {  	v25 =	vld.idx.msk [tilespmem:v59+s2+$0x0], $0xffff;
	[tilespmem:s28+$0x260] =	vst v26  }
0x66f: {  	[tilespmem:s28+$0x290] =	vst v32;
	v26 =	vld.idx.msk [tilespmem:v60+s2+$0x0], $0xffff  }
0x670: {  	v31 =	vld.idx.msk [tilespmem:v34+s2+$0x0], $0xffff;
	[tilespmem:s28+$0x370] =	vst v27  }
0x671: {  	[tilespmem:s28+$0x280] =	vst v28;
	v10 =	vld.idx.msk [tilespmem:v10+s2+$0x0], $0xffff  }
0x672: {  	v22 =	vld.idx.msk [tilespmem:v22+s2+$0x0], $0xffff;
	[tilespmem:s28+$0x2A0] =	vst v29  }
0x673: {  	v27 =	vld.idx.msk [tilespmem:v14+s2+$0x0], $0xffff;
	[tilespmem:s28+$0x2B0] =	vst v30  }
0x674: {  	v23 =	vld.idx.msk [tilespmem:v23+s2+$0x0], $0xffff;
	[tilespmem:s28+$0x2C0] =	vst v25  }
0x675: {  	v25 =	vld.idx.msk [tilespmem:v16+s2+$0x0], $0xffff;
	[tilespmem:s28+$0x2D0] =	vst v26  }
0x676: {  	v24 =	vld.idx.msk [tilespmem:v24+s2+$0x0], $0xffff;
	[tilespmem:s28+$0x2E0] =	vst v31  }
0x677: {  	v26 =	vld.idx.msk [tilespmem:v18+s2+$0x0], $0xffff;
	[tilespmem:s28+$0x3F0] =	vst v10  }
0x678: {  	[tilespmem:s28+$0x300] =	vst v22;
	v16 =	vld.idx.msk [tilespmem:v19+s2+$0x0], $0xffff  }
.Ltmp6:
0x679: {  	v14 =	vld.idx.msk [tilespmem:v20+s2+$0x0], $0xffff;
	[tilespmem:s28+$0x310] =	vst v27;
	(pc) =	sbr.rel @p0 .LBB2_15-.Ltmp6, $4  }
0x67a: {  	v15 =	vld.idx.msk [tilespmem:v15+s2+$0x0], $0xffff;
	[tilespmem:s28+$0x320] =	vst v23  }
0x67b: {  	v18 =	vld.idx.msk [tilespmem:v21+s2+$0x0], $0xffff;
	[tilespmem:s28+$0x330] =	vst v25  }
0x67c: {  	v13 =	vld.idx.msk [tilespmem:v13+s2+$0x0], $0xffff;
	[tilespmem:s28+$0x340] =	vst v24  }
0x67d: {  	s30 =	sadd.s32 $0x80, s30;
	v17 =	vld.idx.msk [tilespmem:v17+s2+$0x0], $0xffff;
	[tilespmem:s28+$0x350] =	vst v26  }
0x67e: {  	_ = 	snop  }
0x67f: {  	[tilespmem:s28+$0x360] =	vst v16  }
0x680: {  	[tilespmem:s28+$0x380] =	vst v14  }
0x681: {  	[tilespmem:s26+$0x3D0] =	vst v8  }
0x682: {  	v0 =	vld.idx.msk [tilespmem:v12+s2+$0x0], $0xffff;
	[tilespmem:s26+$0x3E0] =	vst v9  }
0x683: {  	[tilespmem:s28+$0x390] =	vst v15;
	v1 =	vld.idx.msk [tilespmem:v11+s2+$0x0], $0xffff  }
0x684: {  	[tilespmem:s28+$0x3A0] =	vst v18  }
0x685: {  	[tilespmem:s28+$0x3B0] =	vst v13  }
0x686: {  	[tilespmem:s28+$0x3C0] =	vst v17  }
0x687: {  	s25 =	sshll.u32 s25, $0xA;
	[tilespmem:s28+$0x3D0] =	vst v0  }
0x688: {  	s25 =	sadd.s32 s25, s5;
	[tilespmem:s28+$0x3E0] =	vst v1  }
0x689: {  	[hbm4b:s25+s2] =	stream.linear.scatter [tilespmem:s16], [sflag:$0x3], $0x2000, $0x38;
	[tilespmem:$0x19C80] =	vst v63  }
0x68a: {  	s24 =	sadd.s32 $0x7, s24;
	_ =	swait.ge [sflag:s21], $0x2000  }
0x68b: {  	s26 =	sshll.u32 s24, $0x7;
	[sflag:s21] =	ssyncset.done $0x0  }
0x68c: {  	s25 =	sand.u32 $0x3FFFFF80, s26;
	[sflag:s21] =	ssyncadd.s32 $0xFFFFE000  }
0x68d: {  	v0 =	vld [tilespmem:s25+$0xFC80]  }
0x68e: {  	v1 =	vld [tilespmem:s25+$0xFC90]  }
0x68f: {  	v2 =	vld [tilespmem:s25+$0xFCA0]  }
0x690: {  	v3 =	vld [tilespmem:s25+$0xFCB0]  }
0x691: {  	v4 =	vld [tilespmem:s25+$0xFCC0]  }
0x692: {  	s30 =	simm.s32 $0xF8C0;
	v5 =	vld [tilespmem:s25+$0xFCD0]  }
0x693: {  	v15 =	vld [tilespmem:s30+$0x30]  }
0x694: {  	v13 =	vld [tilespmem:s30+$0xFFFFFFD0]  }
0x695: {  	v12 =	vld [tilespmem:s30+$0xFFFFFFE0]  }
0x696: {  	v11 =	vld [tilespmem:s30+$0xFFFFFFF0]  }
0x697: {  	v10 =	vld [tilespmem:s30+$0x0]  }
0x698: {  	v8 =	vld [tilespmem:s30+$0x10];
	v16 =	vsub.s32 v0, v15  }
0x699: {  	v9 =	vld [tilespmem:s30+$0x20];
	v17 =	vsub.s32 v0, v13  }
0x69a: {  	v14 =	vld [tilespmem:s30+$0xFFFFFFC0];
	v18 =	vsub.s32 v0, v12  }
0x69b: {  	v6 =	vld [tilespmem:s25+$0xFCE0];
	v19 =	vsub.s32 v0, v11  }
0x69c: {  	v7 =	vld [tilespmem:s25+$0xFCF0];
	v20 =	vsub.s32 v0, v10  }
0x69d: {  	v21 =	vsub.s32 v0, v8;
	v16 =	vld.idx.msk [tilespmem:v16+s2+$0x0], $0xffff  }
0x69e: {  	v22 =	vsub.s32 v0, v9;
	v17 =	vld.idx.msk [tilespmem:v17+s2+$0x0], $0xffff  }
0x69f: {  	v24 =	vsub.s32 v0, v14;
	v18 =	vld.idx.msk [tilespmem:v18+s2+$0x0], $0xffff  }
0x6a0: {  	v23 =	vsub.s32 v1, v15;
	v19 =	vld.idx.msk [tilespmem:v19+s2+$0x0], $0xffff  }
0x6a1: {  	v25 =	vsub.s32 v1, v13;
	v20 =	vld.idx.msk [tilespmem:v20+s2+$0x0], $0xffff  }
0x6a2: {  	s25 =	simm.s32 $0x17C80;
	v26 =	vsub.s32 v1, v12;
	v21 =	vld.idx.msk [tilespmem:v21+s2+$0x0], $0xffff  }
0x6a3: {  	v27 =	vsub.s32 v1, v11;
	v22 =	vld.idx.msk [tilespmem:v22+s2+$0x0], $0xffff;
	[tilespmem:s25+$0x70] =	vst v16  }
0x6a4: {  	v28 =	vsub.s32 v1, v8;
	[tilespmem:s25+$0x10] =	vst v17;
	v17 =	vld.idx.msk [tilespmem:v24+s2+$0x0], $0xffff  }
0x6a5: {  	v16 =	vsub.s32 v1, v10;
	[tilespmem:s25+$0x20] =	vst v18;
	v23 =	vld.idx.msk [tilespmem:v23+s2+$0x0], $0xffff  }
0x6a6: {  	v33 =	vsub.s32 v1, v14;
	[tilespmem:s25+$0x30] =	vst v19;
	v18 =	vld.idx.msk [tilespmem:v25+s2+$0x0], $0xffff  }
0x6a7: {  	v34 =	vsub.s32 v1, v9;
	[tilespmem:s25+$0x40] =	vst v20;
	v19 =	vld.idx.msk [tilespmem:v26+s2+$0x0], $0xffff  }
0x6a8: {  	v32 =	vsub.s32 v2, v15;
	[tilespmem:s25+$0x50] =	vst v21;
	v20 =	vld.idx.msk [tilespmem:v27+s2+$0x0], $0xffff  }
0x6a9: {  	v35 =	vsub.s32 v2, v13;
	[tilespmem:s25+$0x60] =	vst v22;
	v28 =	vld.idx.msk [tilespmem:v28+s2+$0x0], $0xffff  }
0x6aa: {  	v36 =	vsub.s32 v2, v12;
	v16 =	vld.idx.msk [tilespmem:v16+s2+$0x0], $0xffff;
	[tilespmem:s25+$0x0] =	vst v17  }
0x6ab: {  	v37 =	vsub.s32 v2, v11;
	[tilespmem:s25+$0xF0] =	vst v23;
	v39 =	vld.idx.msk [tilespmem:v33+s2+$0x0], $0xffff  }
0x6ac: {  	v38 =	vsub.s32 v2, v10;
	[tilespmem:s25+$0x90] =	vst v18;
	v18 =	vld.idx.msk [tilespmem:v34+s2+$0x0], $0xffff  }
0x6ad: {  	v42 =	vsub.s32 v2, v8;
	[tilespmem:s25+$0xA0] =	vst v19;
	v17 =	vld.idx.msk [tilespmem:v32+s2+$0x0], $0xffff  }
0x6ae: {  	v41 =	vsub.s32 v2, v14;
	[tilespmem:s25+$0xB0] =	vst v20;
	v19 =	vld.idx.msk [tilespmem:v35+s2+$0x0], $0xffff  }
0x6af: {  	v43 =	vsub.s32 v2, v9;
	[tilespmem:s25+$0xD0] =	vst v28;
	v20 =	vld.idx.msk [tilespmem:v36+s2+$0x0], $0xffff  }
0x6b0: {  	v40 =	vsub.s32 v3, v15;
	[tilespmem:s25+$0xC0] =	vst v16;
	v16 =	vld.idx.msk [tilespmem:v37+s2+$0x0], $0xffff  }
0x6b1: {  	v44 =	vsub.s32 v3, v13;
	v24 =	vld.idx.msk [tilespmem:v38+s2+$0x0], $0xffff;
	[tilespmem:s25+$0x80] =	vst v39  }
0x6b2: {  	v46 =	vsub.s32 v3, v11;
	[tilespmem:s25+$0xE0] =	vst v18;
	v18 =	vld.idx.msk [tilespmem:v42+s2+$0x0], $0xffff  }
0x6b3: {  	[tilespmem:s25+$0x170] =	vst v17;
	v17 =	vsub.s32 v3, v12;
	v26 =	vld.idx.msk [tilespmem:v41+s2+$0x0], $0xffff  }
0x6b4: {  	v49 =	vsub.s32 v3, v10;
	[tilespmem:s25+$0x110] =	vst v19;
	v19 =	vld.idx.msk [tilespmem:v43+s2+$0x0], $0xffff  }
0x6b5: {  	v50 =	vsub.s32 v3, v8;
	[tilespmem:s25+$0x120] =	vst v20;
	v45 =	vld.idx.msk [tilespmem:v40+s2+$0x0], $0xffff  }
0x6b6: {  	v48 =	vsub.s32 v3, v14;
	v20 =	vld.idx.msk [tilespmem:v44+s2+$0x0], $0xffff;
	[tilespmem:s25+$0x130] =	vst v16  }
0x6b7: {  	v47 =	vsub.s32 v4, v15;
	v25 =	vld.idx.msk [tilespmem:v46+s2+$0x0], $0xffff;
	[tilespmem:s25+$0x140] =	vst v24  }
0x6b8: {  	[tilespmem:s25+$0x150] =	vst v18;
	v16 =	vld.idx.msk [tilespmem:v17+s2+$0x0], $0xffff;
	v17 =	vsub.s32 v3, v9  }
0x6b9: {  	v51 =	vsub.s32 v4, v13;
	[tilespmem:s25+$0x100] =	vst v26;
	v18 =	vld.idx.msk [tilespmem:v49+s2+$0x0], $0xffff  }
0x6ba: {  	v57 =	vsub.s32 v4, v11;
	[tilespmem:s25+$0x160] =	vst v19;
	v19 =	vld.idx.msk [tilespmem:v50+s2+$0x0], $0xffff  }
0x6bb: {  	v53 =	vsub.s32 v4, v12;
	[tilespmem:s25+$0x1F0] =	vst v45;
	v54 =	vld.idx.msk [tilespmem:v48+s2+$0x0], $0xffff  }
0x6bc: {  	[tilespmem:s25+$0x190] =	vst v20;
	v20 =	vsub.s32 v4, v10;
	v52 =	vld.idx.msk [tilespmem:v47+s2+$0x0], $0xffff  }
0x6bd: {  	v56 =	vsub.s32 v4, v14;
	[tilespmem:s25+$0x1B0] =	vst v25;
	v17 =	vld.idx.msk [tilespmem:v17+s2+$0x0], $0xffff  }
0x6be: {  	v55 =	vsub.s32 v5, v15;
	[tilespmem:s25+$0x1A0] =	vst v16;
	v16 =	vld.idx.msk [tilespmem:v51+s2+$0x0], $0xffff  }
0x6bf: {  	v58 =	vsub.s32 v4, v8;
	[tilespmem:s25+$0x1C0] =	vst v18;
	v18 =	vld.idx.msk [tilespmem:v57+s2+$0x0], $0xffff  }
0x6c0: {  	v59 =	vsub.s32 v4, v9;
	[tilespmem:s25+$0x1D0] =	vst v19;
	v27 =	vld.idx.msk [tilespmem:v53+s2+$0x0], $0xffff  }
0x6c1: {  	v60 =	vsub.s32 v5, v13;
	[tilespmem:s25+$0x180] =	vst v54;
	v19 =	vld.idx.msk [tilespmem:v20+s2+$0x0], $0xffff  }
0x6c2: {  	v30 =	vsub.s32 v5, v11;
	[tilespmem:s25+$0x270] =	vst v52;
	v61 =	vld.idx.msk [tilespmem:v56+s2+$0x0], $0xffff  }
0x6c3: {  	v20 =	vsub.s32 v5, v12;
	v21 =	vld.idx.msk [tilespmem:v55+s2+$0x0], $0xffff;
	[tilespmem:s25+$0x1E0] =	vst v17  }
0x6c4: {  	v63 =	vsub.s32 v5, v14;
	v17 =	vld.idx.msk [tilespmem:v58+s2+$0x0], $0xffff;
	[tilespmem:s25+$0x210] =	vst v16  }
0x6c5: {  	v62 =	vsub.s32 v6, v15;
	[tilespmem:s25+$0x230] =	vst v18;
	v16 =	vld.idx.msk [tilespmem:v59+s2+$0x0], $0xffff  }
0x6c6: {  	v31 =	vsub.s32 v5, v10;
	v24 =	vld.idx.msk [tilespmem:v60+s2+$0x0], $0xffff;
	[tilespmem:s25+$0x220] =	vst v27  }
0x6c7: {  	v32 =	vsub.s32 v5, v8;
	[tilespmem:s25+$0x240] =	vst v19;
	v19 =	vld.idx.msk [tilespmem:v30+s2+$0x0], $0xffff  }
0x6c8: {  	v33 =	vsub.s32 v5, v9;
	[tilespmem:s25+$0x200] =	vst v61;
	v18 =	vld.idx.msk [tilespmem:v20+s2+$0x0], $0xffff  }
0x6c9: {  	v35 =	vsub.s32 v6, v13;
	[tilespmem:s25+$0x2F0] =	vst v21;
	v34 =	vld.idx.msk [tilespmem:v63+s2+$0x0], $0xffff  }
0x6ca: {  	v36 =	vsub.s32 v6, v12;
	v23 =	vld.idx.msk [tilespmem:v62+s2+$0x0], $0xffff;
	[tilespmem:s25+$0x250] =	vst v17  }
0x6cb: {  	v20 =	vsub.s32 v6, v14;
	v17 =	vld.idx.msk [tilespmem:v31+s2+$0x0], $0xffff;
	[tilespmem:s25+$0x260] =	vst v16  }
0x6cc: {  	v15 =	vsub.s32 v7, v15;
	v16 =	vld.idx.msk [tilespmem:v32+s2+$0x0], $0xffff;
	[tilespmem:s25+$0x290] =	vst v24  }
0x6cd: {  	v37 =	vsub.s32 v6, v11;
	[tilespmem:s25+$0x2B0] =	vst v19;
	v25 =	vld.idx.msk [tilespmem:v33+s2+$0x0], $0xffff  }
0x6ce: {  	v38 =	vsub.s32 v6, v10;
	[tilespmem:s25+$0x2A0] =	vst v18;
	v18 =	vld.idx.msk [tilespmem:v35+s2+$0x0], $0xffff  }
0x6cf: {  	v13 =	vsub.s32 v7, v13;
	[tilespmem:s25+$0x280] =	vst v34;
	v19 =	vld.idx.msk [tilespmem:v36+s2+$0x0], $0xffff  }
0x6d0: {  	[tilespmem:s25+$0x370] =	vst v23;
	v20 =	vld.idx.msk [tilespmem:v20+s2+$0x0], $0xffff  }
0x6d1: {  	v40 =	vsub.s32 v6, v9;
	v39 =	vld.idx.msk [tilespmem:v15+s2+$0x0], $0xffff;
	[tilespmem:s25+$0x2C0] =	vst v17  }
0x6d2: {  	v12 =	vsub.s32 v7, v12;
	v17 =	vld.idx.msk [tilespmem:v37+s2+$0x0], $0xffff;
	[tilespmem:s25+$0x2D0] =	vst v16  }
0x6d3: {  	v16 =	vld.idx.msk [tilespmem:v38+s2+$0x0], $0xffff;
	[tilespmem:s25+$0x310] =	vst v18  }
0x6d4: {  	s31 =	simm.s32 $0xF940;
	v15 =	vsub.s32 v6, v8;
	[tilespmem:s25+$0x2E0] =	vst v25;
	v18 =	vld.idx.msk [tilespmem:v13+s2+$0x0], $0xffff  }
0x6d5: {  	v14 =	vsub.s32 v7, v14;
	[tilespmem:s25+$0x320] =	vst v19;
	v13 =	vld [tilespmem:s31+$0xFFFFFFF0]  }
0x6d6: {  	[tilespmem:s25+$0x300] =	vst v20;
	v20 =	vld.idx.msk [tilespmem:v40+s2+$0x0], $0xffff  }
0x6d7: {  	v19 =	vld.idx.msk [tilespmem:v12+s2+$0x0], $0xffff  }
0x6d8: {  	v12 =	vld [tilespmem:s31+$0x0]  }
0x6d9: {  	v11 =	vsub.s32 v7, v11;
	v41 =	vld.idx.msk [tilespmem:v15+s2+$0x0], $0xffff  }
0x6da: {  	v42 =	vld.idx.msk [tilespmem:v14+s2+$0x0], $0xffff  }
0x6db: {  	[tilespmem:s25+$0x330] =	vst v17;
	v17 =	vld [tilespmem:s31+$0x30]  }
0x6dc: {  	v10 =	vsub.s32 v7, v10;
	v15 =	vld [tilespmem:s31+$0xFFFFFFD0]  }
0x6dd: {  	v14 =	vld [tilespmem:s31+$0xFFFFFFE0]  }
0x6de: {  	v9 =	vsub.s32 v7, v9;
	v43 =	vld.idx.msk [tilespmem:v11+s2+$0x0], $0xffff  }
0x6df: {  	v8 =	vsub.s32 v7, v8;
	[tilespmem:s25+$0x340] =	vst v16;
	v11 =	vld [tilespmem:s31+$0x20]  }
0x6e0: {  	v16 =	vld [tilespmem:s31+$0xFFFFFFC0];
	[tilespmem:s25+$0x360] =	vst v20;
	v20 =	vsub.s32 v0, v13  }
0x6e1: {  	v44 =	vld.idx.msk [tilespmem:v10+s2+$0x0], $0xffff;
	v48 =	vsub.s32 v0, v12  }
0x6e2: {  	v10 =	vld [tilespmem:s31+$0x10];
	v45 =	vsub.s32 v0, v17  }
0x6e3: {  	v46 =	vsub.s32 v0, v15;
	[tilespmem:s25+$0x350] =	vst v41;
	v9 =	vld.idx.msk [tilespmem:v9+s2+$0x0], $0xffff  }
0x6e4: {  	v47 =	vsub.s32 v0, v14;
	v8 =	vld.idx.msk [tilespmem:v8+s2+$0x0], $0xffff  }
0x6e5: {  	[tilespmem:s25+$0x3F0] =	vst v39;
	v51 =	vsub.s32 v0, v11;
	v20 =	vld.idx.msk [tilespmem:v20+s2+$0x0], $0xffff  }
0x6e6: {  	[tilespmem:s25+$0x3A0] =	vst v19;
	v19 =	vsub.s32 v0, v16;
	v28 =	vld.idx.msk [tilespmem:v48+s2+$0x0], $0xffff  }
0x6e7: {  	[tilespmem:s25+$0x390] =	vst v18;
	v49 =	vsub.s32 v0, v10;
	v25 =	vld.idx.msk [tilespmem:v45+s2+$0x0], $0xffff  }
0x6e8: {  	v29 =	vsub.s32 v1, v13;
	[tilespmem:s25+$0x380] =	vst v42;
	v50 =	vld.idx.msk [tilespmem:v46+s2+$0x0], $0xffff  }
0x6e9: {  	v55 =	vsub.s32 v1, v12;
	[tilespmem:s25+$0x3B0] =	vst v43;
	v18 =	vld.idx.msk [tilespmem:v47+s2+$0x0], $0xffff  }
0x6ea: {  	s26 =	simm.s32 $0x18080;
	v53 =	vsub.s32 v1, v15;
	[tilespmem:s25+$0x3C0] =	vst v44;
	v26 =	vld.idx.msk [tilespmem:v51+s2+$0x0], $0xffff  }
0x6eb: {  	v52 =	vsub.s32 v1, v17;
	v19 =	vld.idx.msk [tilespmem:v19+s2+$0x0], $0xffff;
	[tilespmem:s26+$0x30] =	vst v20  }
0x6ec: {  	v54 =	vsub.s32 v1, v14;
	v27 =	vld.idx.msk [tilespmem:v49+s2+$0x0], $0xffff;
	[tilespmem:s26+$0x40] =	vst v28  }
0x6ed: {  	v57 =	vsub.s32 v1, v16;
	[tilespmem:s26+$0x70] =	vst v25;
	v29 =	vld.idx.msk [tilespmem:v29+s2+$0x0], $0xffff  }
0x6ee: {  	v56 =	vsub.s32 v1, v10;
	[tilespmem:s26+$0x10] =	vst v50;
	v25 =	vld.idx.msk [tilespmem:v55+s2+$0x0], $0xffff  }
0x6ef: {  	v58 =	vsub.s32 v1, v11;
	[tilespmem:s26+$0x20] =	vst v18;
	v18 =	vld.idx.msk [tilespmem:v53+s2+$0x0], $0xffff  }
0x6f0: {  	v61 =	vsub.s32 v2, v13;
	v21 =	vld.idx.msk [tilespmem:v52+s2+$0x0], $0xffff;
	[tilespmem:s26+$0x60] =	vst v26  }
0x6f1: {  	v20 =	vsub.s32 v2, v17;
	v24 =	vld.idx.msk [tilespmem:v54+s2+$0x0], $0xffff;
	[tilespmem:s26+$0x0] =	vst v19  }
0x6f2: {  	v59 =	vsub.s32 v2, v15;
	[tilespmem:s26+$0x50] =	vst v27;
	v23 =	vld.idx.msk [tilespmem:v57+s2+$0x0], $0xffff  }
0x6f3: {  	v60 =	vsub.s32 v2, v14;
	v22 =	vld.idx.msk [tilespmem:v56+s2+$0x0], $0xffff;
	[tilespmem:s26+$0xB0] =	vst v29  }
0x6f4: {  	v63 =	vsub.s32 v2, v16;
	[tilespmem:s26+$0x90] =	vst v18;
	v18 =	vld.idx.msk [tilespmem:v58+s2+$0x0], $0xffff  }
0x6f5: {  	v32 =	vsub.s32 v2, v10;
	[tilespmem:s26+$0xF0] =	vst v21;
	v21 =	vld.idx.msk [tilespmem:v61+s2+$0x0], $0xffff  }
0x6f6: {  	[tilespmem:s26+$0xC0] =	vst v25;
	v19 =	vld.idx.msk [tilespmem:v20+s2+$0x0], $0xffff;
	v20 =	vsub.s32 v2, v12  }
0x6f7: {  	v33 =	vsub.s32 v2, v11;
	[tilespmem:s26+$0xA0] =	vst v24;
	v27 =	vld.idx.msk [tilespmem:v59+s2+$0x0], $0xffff  }
0x6f8: {  	v36 =	vsub.s32 v3, v13;
	v26 =	vld.idx.msk [tilespmem:v60+s2+$0x0], $0xffff;
	[tilespmem:s26+$0x80] =	vst v23  }
0x6f9: {  	v62 =	vsub.s32 v3, v17;
	[tilespmem:s26+$0xD0] =	vst v22;
	v28 =	vld.idx.msk [tilespmem:v63+s2+$0x0], $0xffff  }
0x6fa: {  	v34 =	vsub.s32 v3, v15;
	[tilespmem:s26+$0xE0] =	vst v18;
	v18 =	vld.idx.msk [tilespmem:v32+s2+$0x0], $0xffff  }
0x6fb: {  	v38 =	vsub.s32 v3, v16;
	[tilespmem:s26+$0x130] =	vst v21;
	v20 =	vld.idx.msk [tilespmem:v20+s2+$0x0], $0xffff  }
0x6fc: {  	[tilespmem:s26+$0x170] =	vst v19;
	v19 =	vsub.s32 v3, v14;
	v25 =	vld.idx.msk [tilespmem:v33+s2+$0x0], $0xffff  }
0x6fd: {  	v40 =	vsub.s32 v3, v10;
	[tilespmem:s26+$0x110] =	vst v27;
	v24 =	vld.idx.msk [tilespmem:v36+s2+$0x0], $0xffff  }
0x6fe: {  	v39 =	vsub.s32 v3, v12;
	[tilespmem:s26+$0x120] =	vst v26;
	v35 =	vld.idx.msk [tilespmem:v62+s2+$0x0], $0xffff  }
0x6ff: {  	v37 =	vsub.s32 v4, v17;
	v22 =	vld.idx.msk [tilespmem:v34+s2+$0x0], $0xffff;
	[tilespmem:s26+$0x100] =	vst v28  }
0x700: {  	v41 =	vsub.s32 v4, v15;
	v29 =	vld.idx.msk [tilespmem:v38+s2+$0x0], $0xffff;
	[tilespmem:s26+$0x150] =	vst v18  }
0x701: {  	v44 =	vsub.s32 v4, v16;
	v19 =	vld.idx.msk [tilespmem:v19+s2+$0x0], $0xffff;
	[tilespmem:s26+$0x140] =	vst v20  }
0x702: {  	v20 =	vsub.s32 v3, v11;
	[tilespmem:s26+$0x160] =	vst v25;
	v21 =	vld.idx.msk [tilespmem:v40+s2+$0x0], $0xffff  }
0x703: {  	v42 =	vsub.s32 v4, v14;
	[tilespmem:s26+$0x1F0] =	vst v35;
	v18 =	vld.idx.msk [tilespmem:v39+s2+$0x0], $0xffff  }
0x704: {  	v45 =	vsub.s32 v4, v13;
	[tilespmem:s26+$0x190] =	vst v22;
	v27 =	vld.idx.msk [tilespmem:v37+s2+$0x0], $0xffff  }
0x705: {  	v46 =	vsub.s32 v4, v10;
	v23 =	vld.idx.msk [tilespmem:v41+s2+$0x0], $0xffff;
	[tilespmem:s26+$0x180] =	vst v29  }
0x706: {  	v43 =	vsub.s32 v5, v17;
	[tilespmem:s26+$0x1B0] =	vst v24;
	v26 =	vld.idx.msk [tilespmem:v44+s2+$0x0], $0xffff  }
0x707: {  	v48 =	vsub.s32 v5, v15;
	[tilespmem:s26+$0x1A0] =	vst v19;
	v19 =	vld.idx.msk [tilespmem:v20+s2+$0x0], $0xffff  }
0x708: {  	v50 =	vsub.s32 v5, v16;
	[tilespmem:s26+$0x1D0] =	vst v21;
	v28 =	vld.idx.msk [tilespmem:v42+s2+$0x0], $0xffff  }
0x709: {  	v20 =	vsub.s32 v4, v12;
	[tilespmem:s26+$0x1C0] =	vst v18;
	v18 =	vld.idx.msk [tilespmem:v45+s2+$0x0], $0xffff  }
0x70a: {  	v47 =	vsub.s32 v4, v11;
	v51 =	vld.idx.msk [tilespmem:v46+s2+$0x0], $0xffff;
	[tilespmem:s26+$0x270] =	vst v27  }
0x70b: {  	v54 =	vsub.s32 v5, v10;
	[tilespmem:s26+$0x210] =	vst v23;
	v25 =	vld.idx.msk [tilespmem:v43+s2+$0x0], $0xffff  }
0x70c: {  	v49 =	vsub.s32 v6, v17;
	v29 =	vld.idx.msk [tilespmem:v48+s2+$0x0], $0xffff;
	[tilespmem:s26+$0x200] =	vst v26  }
0x70d: {  	v56 =	vsub.s32 v6, v15;
	v22 =	vld.idx.msk [tilespmem:v50+s2+$0x0], $0xffff;
	[tilespmem:s26+$0x1E0] =	vst v19  }
0x70e: {  	v20 =	vld.idx.msk [tilespmem:v20+s2+$0x0], $0xffff;
	v19 =	vsub.s32 v5, v14;
	[tilespmem:s26+$0x220] =	vst v28  }
0x70f: {  	v52 =	vsub.s32 v5, v13;
	v27 =	vld.idx.msk [tilespmem:v47+s2+$0x0], $0xffff;
	[tilespmem:s26+$0x250] =	vst v51  }
0x710: {  	v53 =	vsub.s32 v5, v12;
	[tilespmem:s26+$0x2F0] =	vst v25;
	v25 =	vld.idx.msk [tilespmem:v54+s2+$0x0], $0xffff  }
0x711: {  	v55 =	vsub.s32 v5, v11;
	[tilespmem:s26+$0x290] =	vst v29;
	v21 =	vld.idx.msk [tilespmem:v49+s2+$0x0], $0xffff  }
0x712: {  	v61 =	vsub.s32 v6, v10;
	[tilespmem:s26+$0x230] =	vst v18;
	v23 =	vld.idx.msk [tilespmem:v56+s2+$0x0], $0xffff  }
0x713: {  	v17 =	vsub.s32 v7, v17;
	[tilespmem:s26+$0x280] =	vst v22;
	v18 =	vld.idx.msk [tilespmem:v19+s2+$0x0], $0xffff  }
0x714: {  	[tilespmem:s26+$0x240] =	vst v20;
	v19 =	vsub.s32 v6, v16;
	v20 =	vld.idx.msk [tilespmem:v52+s2+$0x0], $0xffff  }
0x715: {  	v58 =	vsub.s32 v6, v14;
	v57 =	vld.idx.msk [tilespmem:v53+s2+$0x0], $0xffff;
	[tilespmem:s26+$0x260] =	vst v27  }
0x716: {  	v59 =	vsub.s32 v6, v13;
	v26 =	vld.idx.msk [tilespmem:v55+s2+$0x0], $0xffff;
	[tilespmem:s26+$0x2D0] =	vst v25  }
0x717: {  	v60 =	vsub.s32 v6, v12;
	[tilespmem:s26+$0x370] =	vst v21;
	v22 =	vld.idx.msk [tilespmem:v61+s2+$0x0], $0xffff  }
0x718: {  	v15 =	vsub.s32 v7, v15;
	[tilespmem:s26+$0x310] =	vst v23;
	v17 =	vld.idx.msk [tilespmem:v17+s2+$0x0], $0xffff  }
0x719: {  	v19 =	vld.idx.msk [tilespmem:v19+s2+$0x0], $0xffff;
	[tilespmem:s26+$0x2A0] =	vst v18;
	v18 =	vsub.s32 v6, v11  }
0x71a: {  	[tilespmem:s26+$0x2B0] =	vst v20;
	v20 =	vsub.s32 v7, v16;
	v27 =	vld.idx.msk [tilespmem:v58+s2+$0x0], $0xffff  }
0x71b: {  	v63 =	vsub.s32 v7, v14;
	[tilespmem:s26+$0x2C0] =	vst v57;
	v62 =	vld.idx.msk [tilespmem:v59+s2+$0x0], $0xffff  }
0x71c: {  	v13 =	vsub.s32 v7, v13;
	v21 =	vld.idx.msk [tilespmem:v60+s2+$0x0], $0xffff;
	[tilespmem:s26+$0x2E0] =	vst v26  }
0x71d: {  	v15 =	vld.idx.msk [tilespmem:v15+s2+$0x0], $0xffff;
	[tilespmem:s26+$0x3F0] =	vst v17;
	v17 =	vsub.s32 v7, v12  }
0x71e: {  	[tilespmem:s26+$0x300] =	vst v19;
	v16 =	vld.idx.msk [tilespmem:v18+s2+$0x0], $0xffff  }
0x71f: {  	v14 =	vld.idx.msk [tilespmem:v20+s2+$0x0], $0xffff;
	[tilespmem:s26+$0x320] =	vst v27  }
0x720: {  	[tilespmem:s26+$0x330] =	vst v62;
	v18 =	vld.idx.msk [tilespmem:v63+s2+$0x0], $0xffff  }
0x721: {  	v13 =	vld.idx.msk [tilespmem:v13+s2+$0x0], $0xffff;
	[tilespmem:s26+$0x340] =	vst v21  }
0x722: {  	s29 =	simm.s32 $0xF9C0;
	s28 =	simm.s32 $0x8;
	v11 =	vsub.s32 v7, v11;
	[tilespmem:s26+$0x350] =	vst v22;
	v12 =	vsub.s32 v7, v10;
	v17 =	vld.idx.msk [tilespmem:v17+s2+$0x0], $0xffff  }
.LBB2_17:
0x723: {  	v10 =	vld [tilespmem:s29+$0x30];
	s28 =	sadd.s32 $0x8, s28;
	[tilespmem:s26+$0x360] =	vst v16  }
0x724: {  	v21 =	vld [tilespmem:s29+$0xFFFFFFD0];
	p0 =	slt.u32 s28, $0x38;
	[tilespmem:s26+$0x380] =	vst v14  }
0x725: {  	v25 =	vld [tilespmem:s29+$0xFFFFFFE0];
	[tilespmem:s26+$0x390] =	vst v15  }
0x726: {  	v26 =	vld [tilespmem:s29+$0xFFFFFFF0];
	[tilespmem:s26+$0x3A0] =	vst v18  }
0x727: {  	v27 =	vld [tilespmem:s29+$0x0];
	[tilespmem:s26+$0x3B0] =	vst v13  }
0x728: {  	v28 =	vld [tilespmem:s29+$0x10];
	v13 =	vsub.s32 v0, v10;
	[tilespmem:s26+$0x3C0] =	vst v17  }
0x729: {  	v14 =	vsub.s32 v0, v21;
	v15 =	vsub.s32 v1, v21;
	v17 =	vsub.s32 v2, v21;
	v29 =	vld [tilespmem:s29+$0x20];
	[tilespmem:s25+$0x3D0] =	vst v8  }
0x72a: {  	v20 =	vld [tilespmem:s29+$0xFFFFFFC0];
	v16 =	vsub.s32 v0, v25;
	v18 =	vsub.s32 v1, v25;
	v30 =	vsub.s32 v2, v25;
	[tilespmem:s25+$0x3E0] =	vst v9;
	s25 =	smov.u32 s26  }
0x72b: {  	v19 =	vsub.s32 v0, v26;
	v22 =	vsub.s32 v1, v26;
	v31 =	vsub.s32 v2, v26;
	v8 =	vld.idx.msk [tilespmem:v12+s2+$0x0], $0xffff  }
0x72c: {  	v12 =	vsub.s32 v0, v27;
	v23 =	vsub.s32 v1, v27;
	v32 =	vsub.s32 v2, v27;
	v9 =	vld.idx.msk [tilespmem:v11+s2+$0x0], $0xffff  }
0x72d: {  	v11 =	vsub.s32 v0, v28;
	v24 =	vsub.s32 v1, v28;
	v33 =	vsub.s32 v2, v28;
	v13 =	vld.idx.msk [tilespmem:v13+s2+$0x0], $0xffff  }
0x72e: {  	v14 =	vld.idx.msk [tilespmem:v14+s2+$0x0], $0xffff;
	v34 =	vsub.s32 v0, v29;
	v35 =	vsub.s32 v1, v29;
	v36 =	vsub.s32 v2, v29  }
0x72f: {  	v39 =	vsub.s32 v1, v10;
	v37 =	vsub.s32 v0, v20;
	v38 =	vsub.s32 v1, v20;
	v16 =	vld.idx.msk [tilespmem:v16+s2+$0x0], $0xffff  }
0x730: {  	v42 =	vsub.s32 v3, v21;
	v40 =	vsub.s32 v2, v20;
	v41 =	vsub.s32 v3, v20;
	v19 =	vld.idx.msk [tilespmem:v19+s2+$0x0], $0xffff  }
0x731: {  	v43 =	vsub.s32 v3, v25;
	v44 =	vsub.s32 v3, v26;
	v45 =	vsub.s32 v3, v27;
	v12 =	vld.idx.msk [tilespmem:v12+s2+$0x0], $0xffff  }
0x732: {  	s26 =	sadd.s32 $0x400, s26;
	v47 =	vsub.s32 v3, v28;
	v48 =	vsub.s32 v3, v29;
	v46 =	vsub.s32 v4, v20;
	v11 =	vld.idx.msk [tilespmem:v11+s2+$0x0], $0xffff  }
0x733: {  	v49 =	vsub.s32 v4, v21;
	v50 =	vsub.s32 v4, v25;
	v34 =	vld.idx.msk [tilespmem:v34+s2+$0x0], $0xffff;
	[tilespmem:s26+$0x70] =	vst v13  }
0x734: {  	v51 =	vsub.s32 v4, v26;
	v52 =	vsub.s32 v4, v27;
	[tilespmem:s26+$0x10] =	vst v14;
	v13 =	vld.idx.msk [tilespmem:v39+s2+$0x0], $0xffff  }
0x735: {  	v53 =	vsub.s32 v4, v29;
	v39 =	vsub.s32 v4, v28;
	v37 =	vld.idx.msk [tilespmem:v37+s2+$0x0], $0xffff;
	[tilespmem:s26+$0x20] =	vst v16  }
0x736: {  	v54 =	vsub.s32 v5, v20;
	v15 =	vld.idx.msk [tilespmem:v15+s2+$0x0], $0xffff;
	[tilespmem:s26+$0x30] =	vst v19;
	v19 =	vsub.s32 v2, v10  }
0x737: {  	v55 =	vsub.s32 v5, v21;
	v57 =	vsub.s32 v5, v25;
	v56 =	vld.idx.msk [tilespmem:v18+s2+$0x0], $0xffff;
	[tilespmem:s26+$0x40] =	vst v12  }
0x738: {  	v58 =	vsub.s32 v5, v26;
	v59 =	vsub.s32 v5, v27;
	v12 =	vld.idx.msk [tilespmem:v22+s2+$0x0], $0xffff;
	[tilespmem:s26+$0x50] =	vst v11  }
0x739: {  	v60 =	vsub.s32 v5, v28;
	v11 =	vld.idx.msk [tilespmem:v23+s2+$0x0], $0xffff;
	[tilespmem:s26+$0x60] =	vst v34;
	v34 =	vsub.s32 v5, v29  }
0x73a: {  	v14 =	vsub.s32 v6, v21;
	v22 =	vsub.s32 v6, v20;
	v61 =	vld.idx.msk [tilespmem:v24+s2+$0x0], $0xffff;
	[tilespmem:s26+$0xF0] =	vst v13  }
0x73b: {  	v16 =	vsub.s32 v6, v26;
	v23 =	vsub.s32 v6, v25;
	[tilespmem:s26+$0x0] =	vst v37;
	v37 =	vld.idx.msk [tilespmem:v19+s2+$0x0], $0xffff  }
0x73c: {  	v18 =	vsub.s32 v6, v28;
	v24 =	vsub.s32 v6, v27;
	v38 =	vld.idx.msk [tilespmem:v38+s2+$0x0], $0xffff;
	[tilespmem:s26+$0x90] =	vst v15  }
0x73d: {  	v19 =	vsub.s32 v6, v29;
	[tilespmem:s26+$0xA0] =	vst v56;
	v35 =	vld.idx.msk [tilespmem:v35+s2+$0x0], $0xffff;
	v56 =	vsub.s32 v3, v10  }
0x73e: {  	v20 =	vsub.s32 v7, v20;
	v15 =	vsub.s32 v7, v21;
	v62 =	vld.idx.msk [tilespmem:v17+s2+$0x0], $0xffff;
	[tilespmem:s26+$0xB0] =	vst v12  }
0x73f: {  	v13 =	vsub.s32 v7, v26;
	v21 =	vsub.s32 v7, v25;
	v30 =	vld.idx.msk [tilespmem:v30+s2+$0x0], $0xffff;
	[tilespmem:s26+$0xC0] =	vst v11  }
0x740: {  	v17 =	vsub.s32 v7, v27;
	v12 =	vsub.s32 v7, v28;
	v25 =	vld.idx.msk [tilespmem:v31+s2+$0x0], $0xffff;
	[tilespmem:s26+$0xD0] =	vst v61  }
0x741: {  	v11 =	vsub.s32 v7, v29;
	v26 =	vld.idx.msk [tilespmem:v32+s2+$0x0], $0xffff;
	[tilespmem:s26+$0x170] =	vst v37  }
0x742: {  	[tilespmem:s26+$0x80] =	vst v38;
	v27 =	vld.idx.msk [tilespmem:v56+s2+$0x0], $0xffff  }
0x743: {  	v28 =	vld.idx.msk [tilespmem:v40+s2+$0x0], $0xffff;
	[tilespmem:s26+$0xE0] =	vst v35  }
0x744: {  	v31 =	vsub.s32 v4, v10;
	[tilespmem:s26+$0x110] =	vst v62;
	v29 =	vld.idx.msk [tilespmem:v33+s2+$0x0], $0xffff  }
0x745: {  	[tilespmem:s26+$0x120] =	vst v30;
	v30 =	vld.idx.msk [tilespmem:v36+s2+$0x0], $0xffff  }
0x746: {  	v32 =	vld.idx.msk [tilespmem:v42+s2+$0x0], $0xffff;
	[tilespmem:s26+$0x130] =	vst v25  }
0x747: {  	v25 =	vld.idx.msk [tilespmem:v43+s2+$0x0], $0xffff;
	[tilespmem:s26+$0x140] =	vst v26  }
0x748: {  	v26 =	vld.idx.msk [tilespmem:v44+s2+$0x0], $0xffff;
	[tilespmem:s26+$0x1F0] =	vst v27  }
0x749: {  	[tilespmem:s26+$0x100] =	vst v28;
	v27 =	vld.idx.msk [tilespmem:v31+s2+$0x0], $0xffff  }
0x74a: {  	v28 =	vld.idx.msk [tilespmem:v41+s2+$0x0], $0xffff;
	[tilespmem:s26+$0x150] =	vst v29  }
0x74b: {  	v29 =	vld.idx.msk [tilespmem:v45+s2+$0x0], $0xffff;
	[tilespmem:s26+$0x160] =	vst v30;
	v30 =	vsub.s32 v5, v10  }
0x74c: {  	[tilespmem:s26+$0x190] =	vst v32;
	v31 =	vld.idx.msk [tilespmem:v47+s2+$0x0], $0xffff  }
0x74d: {  	[tilespmem:s26+$0x1A0] =	vst v25;
	v25 =	vld.idx.msk [tilespmem:v48+s2+$0x0], $0xffff  }
0x74e: {  	v32 =	vld.idx.msk [tilespmem:v49+s2+$0x0], $0xffff;
	[tilespmem:s26+$0x1B0] =	vst v26  }
0x74f: {  	v26 =	vld.idx.msk [tilespmem:v50+s2+$0x0], $0xffff;
	[tilespmem:s26+$0x270] =	vst v27  }
0x750: {  	[tilespmem:s26+$0x180] =	vst v28;
	v27 =	vld.idx.msk [tilespmem:v30+s2+$0x0], $0xffff  }
0x751: {  	v28 =	vld.idx.msk [tilespmem:v46+s2+$0x0], $0xffff;
	[tilespmem:s26+$0x1C0] =	vst v29  }
0x752: {  	v30 =	vsub.s32 v6, v10;
	v29 =	vld.idx.msk [tilespmem:v51+s2+$0x0], $0xffff;
	[tilespmem:s26+$0x1D0] =	vst v31  }
0x753: {  	v31 =	vld.idx.msk [tilespmem:v52+s2+$0x0], $0xffff;
	[tilespmem:s26+$0x1E0] =	vst v25  }
0x754: {  	[tilespmem:s26+$0x210] =	vst v32;
	v25 =	vld.idx.msk [tilespmem:v39+s2+$0x0], $0xffff  }
0x755: {  	[tilespmem:s26+$0x220] =	vst v26;
	v26 =	vld.idx.msk [tilespmem:v53+s2+$0x0], $0xffff  }
0x756: {  	v32 =	vld.idx.msk [tilespmem:v55+s2+$0x0], $0xffff;
	[tilespmem:s26+$0x2F0] =	vst v27  }
0x757: {  	[tilespmem:s26+$0x200] =	vst v28;
	v27 =	vld.idx.msk [tilespmem:v30+s2+$0x0], $0xffff  }
0x758: {  	v28 =	vld.idx.msk [tilespmem:v54+s2+$0x0], $0xffff;
	[tilespmem:s26+$0x230] =	vst v29  }
0x759: {  	v10 =	vsub.s32 v7, v10;
	v29 =	vld.idx.msk [tilespmem:v57+s2+$0x0], $0xffff;
	[tilespmem:s26+$0x240] =	vst v31  }
0x75a: {  	v30 =	vld.idx.msk [tilespmem:v58+s2+$0x0], $0xffff;
	[tilespmem:s26+$0x250] =	vst v25  }
0x75b: {  	v25 =	vld.idx.msk [tilespmem:v59+s2+$0x0], $0xffff;
	[tilespmem:s26+$0x260] =	vst v26  }
0x75c: {  	[tilespmem:s26+$0x290] =	vst v32;
	v26 =	vld.idx.msk [tilespmem:v60+s2+$0x0], $0xffff  }
0x75d: {  	v31 =	vld.idx.msk [tilespmem:v34+s2+$0x0], $0xffff;
	[tilespmem:s26+$0x370] =	vst v27  }
0x75e: {  	[tilespmem:s26+$0x280] =	vst v28;
	v10 =	vld.idx.msk [tilespmem:v10+s2+$0x0], $0xffff  }
0x75f: {  	v22 =	vld.idx.msk [tilespmem:v22+s2+$0x0], $0xffff;
	[tilespmem:s26+$0x2A0] =	vst v29  }
0x760: {  	v27 =	vld.idx.msk [tilespmem:v14+s2+$0x0], $0xffff;
	[tilespmem:s26+$0x2B0] =	vst v30  }
0x761: {  	v23 =	vld.idx.msk [tilespmem:v23+s2+$0x0], $0xffff;
	[tilespmem:s26+$0x2C0] =	vst v25  }
0x762: {  	v25 =	vld.idx.msk [tilespmem:v16+s2+$0x0], $0xffff;
	[tilespmem:s26+$0x2D0] =	vst v26  }
0x763: {  	v24 =	vld.idx.msk [tilespmem:v24+s2+$0x0], $0xffff;
	[tilespmem:s26+$0x2E0] =	vst v31  }
0x764: {  	v26 =	vld.idx.msk [tilespmem:v18+s2+$0x0], $0xffff;
	[tilespmem:s26+$0x3F0] =	vst v10  }
0x765: {  	[tilespmem:s26+$0x300] =	vst v22;
	v16 =	vld.idx.msk [tilespmem:v19+s2+$0x0], $0xffff  }
.Ltmp7:
0x766: {  	v14 =	vld.idx.msk [tilespmem:v20+s2+$0x0], $0xffff;
	[tilespmem:s26+$0x310] =	vst v27;
	(pc) =	sbr.rel @p0 .LBB2_17-.Ltmp7, $4  }
0x767: {  	v15 =	vld.idx.msk [tilespmem:v15+s2+$0x0], $0xffff;
	[tilespmem:s26+$0x320] =	vst v23  }
0x768: {  	v18 =	vld.idx.msk [tilespmem:v21+s2+$0x0], $0xffff;
	[tilespmem:s26+$0x330] =	vst v25  }
0x769: {  	v13 =	vld.idx.msk [tilespmem:v13+s2+$0x0], $0xffff;
	[tilespmem:s26+$0x340] =	vst v24  }
0x76a: {  	s29 =	sadd.s32 $0x80, s29;
	v17 =	vld.idx.msk [tilespmem:v17+s2+$0x0], $0xffff;
	[tilespmem:s26+$0x350] =	vst v26  }
0x76b: {  	_ = 	snop  }
0x76c: {  	[tilespmem:s26+$0x360] =	vst v16  }
0x76d: {  	[tilespmem:s26+$0x380] =	vst v14  }
0x76e: {  	[tilespmem:s25+$0x3D0] =	vst v8  }
0x76f: {  	v0 =	vld.idx.msk [tilespmem:v12+s2+$0x0], $0xffff;
	[tilespmem:s25+$0x3E0] =	vst v9  }
0x770: {  	s23 =	sadd.s32 $0x1, s23;
	[tilespmem:s26+$0x390] =	vst v15;
	v1 =	vld.idx.msk [tilespmem:v11+s2+$0x0], $0xffff  }
0x771: {  	p0 =	sne.s32 s23, $0xF;
	[tilespmem:s26+$0x3A0] =	vst v18  }
.Ltmp8:
0x772: {  	[tilespmem:s26+$0x3B0] =	vst v13;
	(pc) =	sbr.rel @p0 .LBB2_10-.Ltmp8, $4  }
0x773: {  	[tilespmem:s26+$0x3C0] =	vst v17  }
0x774: {  	s24 =	sshll.u32 s24, $0xA;
	[tilespmem:s26+$0x3D0] =	vst v0  }
0x775: {  	s24 =	sadd.s32 s24, s5;
	[tilespmem:s26+$0x3E0] =	vst v1  }
0x776: {  	[hbm4b:s24+s2] =	stream.linear.scatter [tilespmem:s17], [sflag:$0x4], $0x2000, $0x38;
	[tilespmem:$0x19C80] =	vst v63  }
0x777: {  	_ =	swait.ge [sflag:s18], $0x2000  }
0x778: {  	[sflag:s18] =	ssyncset.done $0x0  }
0x779: {  	[sflag:s18] =	ssyncadd.s32 $0xFFFFE000  }
0x77a: {  	_ =	swait.ge [sflag:s19], $0x2000  }
0x77b: {  	[sflag:s19] =	ssyncset.done $0x0  }
0x77c: {  	s22 =	sadd.s32 $0x1, s22;
	[sflag:s19] =	ssyncadd.s32 $0xFFFFE000  }
0x77d: {  	p0 =	sne.s32 s22, s10;
	_ =	swait.ge [sflag:s20], $0x2000  }
.Ltmp9:
0x77e: {  	[sflag:s20] =	ssyncset.done $0x0;
	(pc) =	sbr.rel @p0 .LBB2_1-.Ltmp9, $4  }
0x77f: {  	[sflag:s20] =	ssyncadd.s32 $0xFFFFE000  }
0x780: {  	_ =	swait.ge [sflag:s21], $0x2000  }
0x781: {  	[sflag:s21] =	ssyncset.done $0x0  }
0x782: {  	[sflag:s21] =	ssyncadd.s32 $0xFFFFE000  }
0x783: {  	_ =	sfence.sel $0x180000  }
0x784: {  	[bflag:$0x0] =	sbarrier.arrive $0xFFFF  }
0x785: {  	p0 =	sne.s32 s1, $0x0;
	_ =	strace $0x90000047  }
0x786: {  	s0 =	sadd.s32 @!p0 $0x100000, s0;
	[bflag:$0x2] =	sbarrier.arrive $0xFFFF  }
0x787: {  	[sflag:s0] =	ssyncadd.tile.s32 @!p0 $0x1;
	_ =	shalt  }
.Lfunc_end2:
_tile_overlayer_lowered:
.L_overlay_start_2:
0x788: {  	(tag) =	ssettag $0x2  }
0x789: {  	s0 =	rddreg [dreg:$0x0];
	s2 =	stileid.u32  }
0x78a: {  	s1 =	rddreg [dreg:$0x1];
	p0 =	sne.s32 s2, $0x0  }
0x78b: {  	s3 =	rddreg [dreg:$0x2];
	[bflag:$0x3] =	sbarrier.arrive $0xFFFF;
	s2 =	simm.s32 @!p0 $0x1C05  }
0x78c: {  	[timem:s3], [sflag:s2] =	dma.local @!p0 [hbm:s0], s1  }
0x78d: {  	s0 =	simm.s32 @!p0 $0x5  }
0x78e: {  	_ =	swait.ge @!p0 [sflag:s0], s1  }
0x78f: {  	s1 =	ssub.s32 @!p0 $0x0, s1;
	[sflag:s0] =	ssyncset.done @!p0 $0x0  }
0x790: {  	[sflag:s0] =	ssyncadd.s32 @!p0 s1  }
0x791: {  	[bflag:$0x3] =	sbarrier.arrive $0xFFFF  }
0x792: {  	_ =	shalt  }

</sc_bundles>
